<compile_context>
chip_gen: v7x
topology: tpu7x:2x2x1
jax: 0.10.2.dev20260603
libtpu: 0.0.44.dev20260713+nightly
codegen_flags: <defaults>
</compile_context>

<pallas_src>
import functools

import jax
import jax.numpy as jnp
from jax import lax
from jax.experimental import pallas as pl
from jax.experimental.pallas import tpu as pltpu
from jax.experimental.pallas import tpu_sc as plsc

NC = 2
NS = 16
DD = 16


def _sc_aggregate(x, edge_index, zd, *, n, e, d):
    nw = NC * NS
    ept = e // nw
    ch = 40
    nch = ept // ch
    nbuf = 5
    rpt = n // NS
    rb = zd.shape[0]
    nrb = rpt // rb

    mesh = plsc.VectorSubcoreMesh(
        core_axis_name="c", subcore_axis_name="s", num_cores=NC, num_subcores=NS
    )

    @functools.partial(
        pl.kernel,
        out_type=(
            jax.ShapeDtypeStruct((NC, n, d), jnp.float32),
            jax.ShapeDtypeStruct((NC, n, DD), jnp.float32),
        ),
        mesh=mesh,
        compiler_params=pltpu.CompilerParams(use_tc_tiling_on_sc=False),
        scratch_types=[
            pltpu.VMEM_SHARED((n, d), jnp.float32),
            pltpu.VMEM_SHARED((n, DD), jnp.float32),
            pltpu.VMEM((ept,), jnp.int32),
            pltpu.VMEM((ch, DD), jnp.float32),
            pltpu.VMEM((32, 128), jnp.float32),
            [pltpu.VMEM((ch, d), jnp.float32) for _ in range(nbuf)],
            [pltpu.VMEM((ch,), jnp.int32) for _ in range(nbuf)],
            [pltpu.SemaphoreType.DMA for _ in range(nbuf)],
            [pltpu.SemaphoreType.DMA for _ in range(nbuf)],
            [pltpu.SemaphoreType.DMA for _ in range(nbuf)],
            [pltpu.SemaphoreType.DMA for _ in range(nbuf)],
        ],
    )
    def k(x_hbm, ei_hbm, zd_hbm, outf_hbm, outd_hbm,
          accf, accd, colbuf, ones, zbuf, rows, ridx, gsem, isem, ssem, osem):
        c = lax.axis_index("c")
        s = lax.axis_index("s")
        wid = c * NS + s
        ebase = wid * ept
        pltpu.sync_copy(ei_hbm.at[1, pl.ds(ebase, ept)], colbuf)

        def fetch(kk, b):
            pltpu.async_copy(ei_hbm.at[0, pl.ds(ebase + kk * ch, ch)], ridx[b], isem[b])
            pltpu.async_copy(x_hbm.at[colbuf.at[pl.ds(kk * ch, ch)]], rows[b], gsem[b])

        def drain_fetch(b):
            pltpu.make_async_copy(ei_hbm.at[0, pl.ds(0, ch)], ridx[b], isem[b]).wait()
            pltpu.make_async_copy(x_hbm.at[pl.ds(0, ch)], rows[b], gsem[b]).wait()

        for b in range(nbuf):
            fetch(b, b)
        one_row = jnp.where(
            lax.broadcasted_iota(jnp.int32, (16,), 0) == 0, 1.0, 0.0
        ).astype(jnp.float32)
        zero_row = jnp.zeros((16,), jnp.float32)
        for i in range(ch):
            ones[i, pl.ds(0, 16)] = one_row
        for i in range(32):
            for j in range(8):
                zbuf[i, pl.ds(j * 16, 16)] = zero_row
        zb = 32
        nzb = rpt // zb
        for r in range(nzb):
            pltpu.sync_copy(zbuf, accf.at[pl.ds(s * rpt + r * zb, zb)])
        if rpt % zb:
            pltpu.sync_copy(
                zbuf.at[pl.ds(0, rpt % zb)],
                accf.at[pl.ds(s * rpt + nzb * zb, rpt % zb)],
            )
        for r in range(nrb):
            pltpu.sync_copy(zd_hbm, accd.at[pl.ds(s * rpt + r * rb, rb)])
        plsc.subcore_barrier()

        def body(i, carry):
            descs = []
            for b in range(nbuf):
                drain_fetch(b)
                descs.append((
                    pltpu.async_copy(rows[b], accf.at[ridx[b]], ssem[b], add=True),
                    pltpu.async_copy(ones, accd.at[ridx[b]], osem[b], add=True),
                ))
            for b in range(nbuf):
                kk = (i + 1) * nbuf + b
                descs[b][0].wait()
                descs[b][1].wait()

                @pl.when(kk < nch)
                def _():
                    fetch(kk, b)

            return carry

        lax.fori_loop(0, nch // nbuf, body, 0)
        for kk in range(nch - nch % nbuf, nch):
            b = kk % nbuf
            drain_fetch(b)
            pltpu.sync_copy(rows[b], accf.at[ridx[b]], add=True)
            pltpu.sync_copy(ones, accd.at[ridx[b]], add=True)
        plsc.subcore_barrier()
        for r in range(nrb):
            base = s * rpt + r * rb
            pltpu.sync_copy(accf.at[pl.ds(base, rb)], outf_hbm.at[c, pl.ds(base, rb)])
            pltpu.sync_copy(accd.at[pl.ds(base, rb)], outd_hbm.at[c, pl.ds(base, rb)])

    return k(x, edge_index, zd)


def _tc_finish(pf, degb, w, bias2, *, n, d_out):
    blk = 2000

    def body(p0_ref, p1_ref, d_ref, w_ref, b_ref, o_ref):
        feat = (p0_ref[...] + p1_ref[...]).reshape(blk, 128)
        deg = d_ref[...]
        dinv = jnp.where(deg > 0, lax.rsqrt(deg), 0.0)
        o_ref[...] = (
            jnp.dot(feat * dinv, w_ref[...], preferred_element_type=jnp.float32)
            + b_ref[...]
        )

    return pl.pallas_call(
        body,
        grid=(n // blk,),
        in_specs=[
            pl.BlockSpec((blk * 128,), lambda i: (i,)),
            pl.BlockSpec((blk * 128,), lambda i: (i + n // blk,)),
            pl.BlockSpec((blk, 128), lambda i: (i, 0)),
            pl.BlockSpec(w.shape, lambda i: (0, 0)),
            pl.BlockSpec((1, d_out), lambda i: (0, 0)),
        ],
        out_specs=pl.BlockSpec((blk, d_out), lambda i: (i, 0)),
        out_shape=jax.ShapeDtypeStruct((n, d_out), jnp.float32),
    )(pf.reshape(-1), pf.reshape(-1), degb, w, bias2)


def kernel(x, edge_index, size, w, bias):
    n, d = x.shape
    e = edge_index.shape[1]
    d_out = w.shape[1]
    zd = jnp.zeros((125, DD), jnp.float32)
    pf, pd = _sc_aggregate(x, edge_index, zd, n=n, e=e, d=d)
    degb = jnp.broadcast_to((pd[0, :, 0] + pd[1, :, 0])[:, None], (n, 128))
    shift = (jnp.asarray(size) - n).astype(x.dtype)
    bias2 = (bias + shift).reshape(1, d_out)
    return _tc_finish(pf, degb, w, bias2, n=n, d_out=d_out)

# --- scband reference (transcript-rebuilt; emitter-appended) ---
"""Pipeline reference for scband-my-gcnconv-37538014167299 (READ-ONLY COPY).

The authoritative reference and input builder live on the scoring server;
editing this copy changes nothing except your own understanding.
"""

import jax, jax.numpy as jnp
import numpy as np

N = 10000
E = 320000
D_IN = 128
D_OUT = 128


def setup_inputs(seed: int = 0) -> dict:
    key = jax.random.key(seed)
    k1, k2, k3 = jax.random.split(key, 3)
    x = jax.random.normal(k1, (N, D_IN), dtype=jnp.float32)
    edge_index = jax.random.randint(k2, (2, E), 0, N, dtype=jnp.int32)
    # xavier_uniform for w: limit = sqrt(6 / (fan_in + fan_out))
    limit = float(np.sqrt(6.0 / (D_IN + D_OUT)))
    w = jax.random.uniform(k3, (D_IN, D_OUT), dtype=jnp.float32, minval=-limit, maxval=limit)
    bias = jnp.zeros((D_OUT,), dtype=jnp.float32)
    return {"x": x, "edge_index": edge_index, "size": N, "w": w, "bias": bias}


def reference(x, edge_index, size, w, bias):
    # Faithful translation of MyGCNConv.forward
    # A = sparse_coo(edge_index, ones, (size, size)); duplicates coalesce by addition
    row = edge_index[0]
    col = edge_index[1]
    n = x.shape[0]
    # deg = row-sums of A (scatter-add of ones over row indices)
    deg = jnp.zeros((n,), dtype=x.dtype).at[row].add(jnp.ones((row.shape[0],), dtype=x.dtype))
    deg_inv_sqrt = jnp.power(deg, -0.5)
    deg_inv_sqrt = jnp.where(jnp.isinf(deg_inv_sqrt), 0.0, deg_inv_sqrt)
    # A_norm = diag(deg_inv_sqrt) @ A -> value deg_inv_sqrt[row] at (row, col)
    # x = spmm(A_norm, x): out[i] = sum_{edges with row=i} deg_inv_sqrt[i] * x[col]
    msg = deg_inv_sqrt[row][:, None] * jnp.take(x, col, axis=0)
    agg = jnp.zeros((n, x.shape[1]), dtype=x.dtype).at[row].add(msg)
    out = jnp.matmul(agg, w) + bias
    out = out + (jnp.asarray(size) - n).astype(x.dtype)
    return out

if __name__ == "__main__":
    import jax
    _d = setup_inputs()
    print(jax.jit(kernel)(*tuple(_d.values())))

</pallas_src>

<mosaic_0001>
#map = affine_map<(d0, d1) -> (0, 0)>
#map1 = affine_map<(d0, d1) -> (0, 0, 0)>
module attributes {stable_mosaic.version = 14 : i64} {
  func.func @k(%arg0: i32, %arg1: i32, %arg2: memref<10000x128xf32, #tpu.memory_space<hbm>>, %arg3: memref<2x320000xi32, #tpu.memory_space<hbm>>, %arg4: memref<125x16xf32, #tpu.memory_space<hbm>>, %arg5: memref<2x10000x128xf32, #tpu.memory_space<hbm>>, %arg6: memref<2x10000x16xf32, #tpu.memory_space<hbm>>, %arg7: memref<10000x128xf32, #tpu.memory_space<vmem_shared>>, %arg8: memref<10000x16xf32, #tpu.memory_space<vmem_shared>>, %arg9: memref<10000xi32, #tpu.memory_space<vmem>>, %arg10: memref<40x16xf32, #tpu.memory_space<vmem>>, %arg11: memref<32x128xf32, #tpu.memory_space<vmem>>, %arg12: memref<40x128xf32, #tpu.memory_space<vmem>>, %arg13: memref<40x128xf32, #tpu.memory_space<vmem>>, %arg14: memref<40x128xf32, #tpu.memory_space<vmem>>, %arg15: memref<40x128xf32, #tpu.memory_space<vmem>>, %arg16: memref<40x128xf32, #tpu.memory_space<vmem>>, %arg17: memref<40xi32, #tpu.memory_space<vmem>>, %arg18: memref<40xi32, #tpu.memory_space<vmem>>, %arg19: memref<40xi32, #tpu.memory_space<vmem>>, %arg20: memref<40xi32, #tpu.memory_space<vmem>>, %arg21: memref<40xi32, #tpu.memory_space<vmem>>, %arg22: memref<!tpu.dma_semaphore, #tpu.memory_space<semaphore_mem>>, %arg23: memref<!tpu.dma_semaphore, #tpu.memory_space<semaphore_mem>>, %arg24: memref<!tpu.dma_semaphore, #tpu.memory_space<semaphore_mem>>, %arg25: memref<!tpu.dma_semaphore, #tpu.memory_space<semaphore_mem>>, %arg26: memref<!tpu.dma_semaphore, #tpu.memory_space<semaphore_mem>>, %arg27: memref<!tpu.dma_semaphore, #tpu.memory_space<semaphore_mem>>, %arg28: memref<!tpu.dma_semaphore, #tpu.memory_space<semaphore_mem>>, %arg29: memref<!tpu.dma_semaphore, #tpu.memory_space<semaphore_mem>>, %arg30: memref<!tpu.dma_semaphore, #tpu.memory_space<semaphore_mem>>, %arg31: memref<!tpu.dma_semaphore, #tpu.memory_space<semaphore_mem>>, %arg32: memref<!tpu.dma_semaphore, #tpu.memory_space<semaphore_mem>>, %arg33: memref<!tpu.dma_semaphore, #tpu.memory_space<semaphore_mem>>, %arg34: memref<!tpu.dma_semaphore, #tpu.memory_space<semaphore_mem>>, %arg35: memref<!tpu.dma_semaphore, #tpu.memory_space<semaphore_mem>>, %arg36: memref<!tpu.dma_semaphore, #tpu.memory_space<semaphore_mem>>, %arg37: memref<!tpu.dma_semaphore, #tpu.memory_space<semaphore_mem>>, %arg38: memref<!tpu.dma_semaphore, #tpu.memory_space<semaphore_mem>>, %arg39: memref<!tpu.dma_semaphore, #tpu.memory_space<semaphore_mem>>, %arg40: memref<!tpu.dma_semaphore, #tpu.memory_space<semaphore_mem>>, %arg41: memref<!tpu.dma_semaphore, #tpu.memory_space<semaphore_mem>>) attributes {dimension_semantics = [#tpu.dimension_semantics<core_parallel>, #tpu.dimension_semantics<subcore_parallel>], iteration_bounds = array<i64: 2, 16>, scalar_prefetch = 0 : i64, scratch_operands = 35 : i64, tpu.core_type = #tpu.core_type<sc_vector_subcore>, window_params = [{transform_indices = #map}, {transform_indices = #map}, {transform_indices = #map}, {transform_indices = #map1}, {transform_indices = #map1}]} {
    %mul3A = arith.constant 16 : i32
    %mul3A_0 = arith.muli %arg0, %mul3A : i32
    %add3A = arith.addi %mul3A_0, %arg1 : i32
    %mul3A_1 = arith.constant 10000 : i32
    %mul3A_2 = arith.muli %add3A, %mul3A_1 : i32
    %run_scoped3A = arith.constant 1 : i32
    "tpu.region"() ({
      %run_scoped3A_1969 = tpu.sem_alloc : memref<!tpu.dma_semaphore, #tpu.memory_space<semaphore_mem>>
      %dma_start3A_1970 = tpu.memref_slice %arg3[%run_scoped3A, %mul3A_2] : memref<2x320000xi32, #tpu.memory_space<hbm>> -> memref<1x10000xi32, #tpu.memory_space<hbm>>
      %dma_start3A_1971 = tpu.memref_squeeze %dma_start3A_1970 : memref<1x10000xi32, #tpu.memory_space<hbm>> -> memref<10000xi32, #tpu.memory_space<hbm>>
      %dma_start3A_1972 = tpu.memref_slice %arg3[%run_scoped3A, %mul3A_2] : memref<2x320000xi32, #tpu.memory_space<hbm>> -> memref<1x10000xi32, #tpu.memory_space<hbm>>
      %dma_start3A_1973 = tpu.memref_squeeze %dma_start3A_1972 : memref<1x10000xi32, #tpu.memory_space<hbm>> -> memref<10000xi32, #tpu.memory_space<hbm>>
      tpu.enqueue_dma source(%dma_start3A_1973 : memref<10000xi32, #tpu.memory_space<hbm>>) target(%arg9 : memref<10000xi32, #tpu.memory_space<vmem>>) target_semaphore(%run_scoped3A_1969 : memref<!tpu.dma_semaphore, #tpu.memory_space<semaphore_mem>>)
      %dma_wait3A = tpu.memref_slice %arg3[%run_scoped3A, %mul3A_2] : memref<2x320000xi32, #tpu.memory_space<hbm>> -> memref<1x10000xi32, #tpu.memory_space<hbm>>
      %dma_wait3A_1974 = tpu.memref_squeeze %dma_wait3A : memref<1x10000xi32, #tpu.memory_space<hbm>> -> memref<10000xi32, #tpu.memory_space<hbm>>
      %dma_wait3A_1975 = tpu.memref_slice %arg3[%run_scoped3A, %mul3A_2] : memref<2x320000xi32, #tpu.memory_space<hbm>> -> memref<1x10000xi32, #tpu.memory_space<hbm>>
      %dma_wait3A_1976 = tpu.memref_squeeze %dma_wait3A_1975 : memref<1x10000xi32, #tpu.memory_space<hbm>> -> memref<10000xi32, #tpu.memory_space<hbm>>
      tpu.wait_dma2 semaphore(%run_scoped3A_1969 : memref<!tpu.dma_semaphore, #tpu.memory_space<semaphore_mem>>) src(%dma_wait3A_1976 : memref<10000xi32, #tpu.memory_space<hbm>>) dst(%arg9 : memref<10000xi32, #tpu.memory_space<vmem>>)
      tpu.yield
    }) : () -> ()
    %add3A_3 = arith.constant 0 : i32
    %add3A_4 = arith.addi %mul3A_2, %add3A_3 : i32
    %dma_start3A = arith.constant 0 : i32
    %dma_start3A_5 = tpu.memref_slice %arg3[%dma_start3A, %add3A_4] : memref<2x320000xi32, #tpu.memory_space<hbm>> -> memref<1x40xi32, #tpu.memory_space<hbm>>
    %dma_start3A_6 = tpu.memref_squeeze %dma_start3A_5 : memref<1x40xi32, #tpu.memory_space<hbm>> -> memref<40xi32, #tpu.memory_space<hbm>>
    %dma_start3A_7 = tpu.memref_slice %arg3[%dma_start3A, %add3A_4] : memref<2x320000xi32, #tpu.memory_space<hbm>> -> memref<1x40xi32, #tpu.memory_space<hbm>>
    %dma_start3A_8 = tpu.memref_squeeze %dma_start3A_7 : memref<1x40xi32, #tpu.memory_space<hbm>> -> memref<40xi32, #tpu.memory_space<hbm>>
    tpu.enqueue_dma source(%dma_start3A_8 : memref<40xi32, #tpu.memory_space<hbm>>) target(%arg17 : memref<40xi32, #tpu.memory_space<vmem>>) target_semaphore(%arg27 : memref<!tpu.dma_semaphore, #tpu.memory_space<semaphore_mem>>)
    %dma_start3A_9 = arith.constant 0 : i32
    %dma_start3A_10 = tpu.memref_slice %arg9[%dma_start3A_9] : memref<10000xi32, #tpu.memory_space<vmem>> -> memref<40xi32, #tpu.memory_space<vmem>>
    %dma_start3A_11 = arith.constant 0 : i32
    %dma_start3A_12 = arith.constant 0 : i32
    %dma_start3A_13 = tpu.memref_slice %arg2[%dma_start3A_11, %dma_start3A_12] : memref<10000x128xf32, #tpu.memory_space<hbm>> -> memref<10000x128xf32, #tpu.memory_space<hbm>>
    tpu.enqueue_indirect_dma source(%dma_start3A_13 : memref<10000x128xf32, #tpu.memory_space<hbm>>) target(%arg12 : memref<40x128xf32, #tpu.memory_space<vmem>>) offsets(%dma_start3A_10 : memref<40xi32, #tpu.memory_space<vmem>>) semaphore(%arg22 : memref<!tpu.dma_semaphore, #tpu.memory_space<semaphore_mem>>)
    %add3A_14 = arith.constant 40 : i32
    %add3A_15 = arith.addi %mul3A_2, %add3A_14 : i32
    %dma_start3A_16 = arith.constant 0 : i32
    %dma_start3A_17 = tpu.memref_slice %arg3[%dma_start3A_16, %add3A_15] : memref<2x320000xi32, #tpu.memory_space<hbm>> -> memref<1x40xi32, #tpu.memory_space<hbm>>
    %dma_start3A_18 = tpu.memref_squeeze %dma_start3A_17 : memref<1x40xi32, #tpu.memory_space<hbm>> -> memref<40xi32, #tpu.memory_space<hbm>>
    %dma_start3A_19 = tpu.memref_slice %arg3[%dma_start3A_16, %add3A_15] : memref<2x320000xi32, #tpu.memory_space<hbm>> -> memref<1x40xi32, #tpu.memory_space<hbm>>
    %dma_start3A_20 = tpu.memref_squeeze %dma_start3A_19 : memref<1x40xi32, #tpu.memory_space<hbm>> -> memref<40xi32, #tpu.memory_space<hbm>>
    tpu.enqueue_dma source(%dma_start3A_20 : memref<40xi32, #tpu.memory_space<hbm>>) target(%arg18 : memref<40xi32, #tpu.memory_space<vmem>>) target_semaphore(%arg28 : memref<!tpu.dma_semaphore, #tpu.memory_space<semaphore_mem>>)
    %dma_start3A_21 = arith.constant 40 : i32
    %dma_start3A_22 = tpu.memref_slice %arg9[%dma_start3A_21] : memref<10000xi32, #tpu.memory_space<vmem>> -> memref<40xi32, #tpu.memory_space<vmem>>
    %dma_start3A_23 = arith.constant 0 : i32
    %dma_start3A_24 = arith.constant 0 : i32
    %dma_start3A_25 = tpu.memref_slice %arg2[%dma_start3A_23, %dma_start3A_24] : memref<10000x128xf32, #tpu.memory_space<hbm>> -> memref<10000x128xf32, #tpu.memory_space<hbm>>
    tpu.enqueue_indirect_dma source(%dma_start3A_25 : memref<10000x128xf32, #tpu.memory_space<hbm>>) target(%arg13 : memref<40x128xf32, #tpu.memory_space<vmem>>) offsets(%dma_start3A_22 : memref<40xi32, #tpu.memory_space<vmem>>) semaphore(%arg23 : memref<!tpu.dma_semaphore, #tpu.memory_space<semaphore_mem>>)
    %add3A_26 = arith.constant 80 : i32
    %add3A_27 = arith.addi %mul3A_2, %add3A_26 : i32
    %dma_start3A_28 = arith.constant 0 : i32
    %dma_start3A_29 = tpu.memref_slice %arg3[%dma_start3A_28, %add3A_27] : memref<2x320000xi32, #tpu.memory_space<hbm>> -> memref<1x40xi32, #tpu.memory_space<hbm>>
    %dma_start3A_30 = tpu.memref_squeeze %dma_start3A_29 : memref<1x40xi32, #tpu.memory_space<hbm>> -> memref<40xi32, #tpu.memory_space<hbm>>
    %dma_start3A_31 = tpu.memref_slice %arg3[%dma_start3A_28, %add3A_27] : memref<2x320000xi32, #tpu.memory_space<hbm>> -> memref<1x40xi32, #tpu.memory_space<hbm>>
    %dma_start3A_32 = tpu.memref_squeeze %dma_start3A_31 : memref<1x40xi32, #tpu.memory_space<hbm>> -> memref<40xi32, #tpu.memory_space<hbm>>
    tpu.enqueue_dma source(%dma_start3A_32 : memref<40xi32, #tpu.memory_space<hbm>>) target(%arg19 : memref<40xi32, #tpu.memory_space<vmem>>) target_semaphore(%arg29 : memref<!tpu.dma_semaphore, #tpu.memory_space<semaphore_mem>>)
    %dma_start3A_33 = arith.constant 80 : i32
    %dma_start3A_34 = tpu.memref_slice %arg9[%dma_start3A_33] : memref<10000xi32, #tpu.memory_space<vmem>> -> memref<40xi32, #tpu.memory_space<vmem>>
    %dma_start3A_35 = arith.constant 0 : i32
    %dma_start3A_36 = arith.constant 0 : i32
    %dma_start3A_37 = tpu.memref_slice %arg2[%dma_start3A_35, %dma_start3A_36] : memref<10000x128xf32, #tpu.memory_space<hbm>> -> memref<10000x128xf32, #tpu.memory_space<hbm>>
    tpu.enqueue_indirect_dma source(%dma_start3A_37 : memref<10000x128xf32, #tpu.memory_space<hbm>>) target(%arg14 : memref<40x128xf32, #tpu.memory_space<vmem>>) offsets(%dma_start3A_34 : memref<40xi32, #tpu.memory_space<vmem>>) semaphore(%arg24 : memref<!tpu.dma_semaphore, #tpu.memory_space<semaphore_mem>>)
    %add3A_38 = arith.constant 120 : i32
    %add3A_39 = arith.addi %mul3A_2, %add3A_38 : i32
    %dma_start3A_40 = arith.constant 0 : i32
    %dma_start3A_41 = tpu.memref_slice %arg3[%dma_start3A_40, %add3A_39] : memref<2x320000xi32, #tpu.memory_space<hbm>> -> memref<1x40xi32, #tpu.memory_space<hbm>>
    %dma_start3A_42 = tpu.memref_squeeze %dma_start3A_41 : memref<1x40xi32, #tpu.memory_space<hbm>> -> memref<40xi32, #tpu.memory_space<hbm>>
    %dma_start3A_43 = tpu.memref_slice %arg3[%dma_start3A_40, %add3A_39] : memref<2x320000xi32, #tpu.memory_space<hbm>> -> memref<1x40xi32, #tpu.memory_space<hbm>>
    %dma_start3A_44 = tpu.memref_squeeze %dma_start3A_43 : memref<1x40xi32, #tpu.memory_space<hbm>> -> memref<40xi32, #tpu.memory_space<hbm>>
    tpu.enqueue_dma source(%dma_start3A_44 : memref<40xi32, #tpu.memory_space<hbm>>) target(%arg20 : memref<40xi32, #tpu.memory_space<vmem>>) target_semaphore(%arg30 : memref<!tpu.dma_semaphore, #tpu.memory_space<semaphore_mem>>)
    %dma_start3A_45 = arith.constant 120 : i32
    %dma_start3A_46 = tpu.memref_slice %arg9[%dma_start3A_45] : memref<10000xi32, #tpu.memory_space<vmem>> -> memref<40xi32, #tpu.memory_space<vmem>>
    %dma_start3A_47 = arith.constant 0 : i32
    %dma_start3A_48 = arith.constant 0 : i32
    %dma_start3A_49 = tpu.memref_slice %arg2[%dma_start3A_47, %dma_start3A_48] : memref<10000x128xf32, #tpu.memory_space<hbm>> -> memref<10000x128xf32, #tpu.memory_space<hbm>>
    tpu.enqueue_indirect_dma source(%dma_start3A_49 : memref<10000x128xf32, #tpu.memory_space<hbm>>) target(%arg15 : memref<40x128xf32, #tpu.memory_space<vmem>>) offsets(%dma_start3A_46 : memref<40xi32, #tpu.memory_space<vmem>>) semaphore(%arg25 : memref<!tpu.dma_semaphore, #tpu.memory_space<semaphore_mem>>)
    %add3A_50 = arith.constant 160 : i32
    %add3A_51 = arith.addi %mul3A_2, %add3A_50 : i32
    %dma_start3A_52 = arith.constant 0 : i32
    %dma_start3A_53 = tpu.memref_slice %arg3[%dma_start3A_52, %add3A_51] : memref<2x320000xi32, #tpu.memory_space<hbm>> -> memref<1x40xi32, #tpu.memory_space<hbm>>
    %dma_start3A_54 = tpu.memref_squeeze %dma_start3A_53 : memref<1x40xi32, #tpu.memory_space<hbm>> -> memref<40xi32, #tpu.memory_space<hbm>>
    %dma_start3A_55 = tpu.memref_slice %arg3[%dma_start3A_52, %add3A_51] : memref<2x320000xi32, #tpu.memory_space<hbm>> -> memref<1x40xi32, #tpu.memory_space<hbm>>
    %dma_start3A_56 = tpu.memref_squeeze %dma_start3A_55 : memref<1x40xi32, #tpu.memory_space<hbm>> -> memref<40xi32, #tpu.memory_space<hbm>>
    tpu.enqueue_dma source(%dma_start3A_56 : memref<40xi32, #tpu.memory_space<hbm>>) target(%arg21 : memref<40xi32, #tpu.memory_space<vmem>>) target_semaphore(%arg31 : memref<!tpu.dma_semaphore, #tpu.memory_space<semaphore_mem>>)
    %dma_start3A_57 = arith.constant 160 : i32
    %dma_start3A_58 = tpu.memref_slice %arg9[%dma_start3A_57] : memref<10000xi32, #tpu.memory_space<vmem>> -> memref<40xi32, #tpu.memory_space<vmem>>
    %dma_start3A_59 = arith.constant 0 : i32
    %dma_start3A_60 = arith.constant 0 : i32
    %dma_start3A_61 = tpu.memref_slice %arg2[%dma_start3A_59, %dma_start3A_60] : memref<10000x128xf32, #tpu.memory_space<hbm>> -> memref<10000x128xf32, #tpu.memory_space<hbm>>
    tpu.enqueue_indirect_dma source(%dma_start3A_61 : memref<10000x128xf32, #tpu.memory_space<hbm>>) target(%arg16 : memref<40x128xf32, #tpu.memory_space<vmem>>) offsets(%dma_start3A_58 : memref<40xi32, #tpu.memory_space<vmem>>) semaphore(%arg26 : memref<!tpu.dma_semaphore, #tpu.memory_space<semaphore_mem>>)
    %iota3A = tpu.iota {dimensions = array<i32: 0>} : vector<16xi32>
    %eq3A = arith.constant 0 : i32
    %eq3A_62 = vector.broadcast %eq3A : i32 to vector<16xi32>
    %eq3A_63 = arith.cmpi eq, %iota3A, %eq3A_62 : vector<16xi32>
    %jit3A = arith.constant 1.000000e+00 : f32
    %jit3A_64 = arith.constant 0.000000e+00 : f32
    %broadcast_in_dim3A = vector.broadcast %jit3A : f32 to vector<16xf32>
    %broadcast_in_dim3A_65 = vector.broadcast %jit3A_64 : f32 to vector<16xf32>
    %select_n3A = arith.select %eq3A_63, %broadcast_in_dim3A, %broadcast_in_dim3A_65 : vector<16xi1>, vector<16xf32>
    %broadcast_in_dim3A_66 = arith.constant 0.000000e+00 : f32
    %broadcast_in_dim3A_67 = vector.broadcast %broadcast_in_dim3A_66 : f32 to vector<16xf32>
    %swap3A = arith.constant 0 : i32
    %swap3A_68 = arith.index_cast %swap3A : i32 to index
    %swap3A_69 = arith.constant 0 : index
    %swap3A_70 = tpu.vector_load %arg10[%swap3A_68, %swap3A_69] {strides = array<i32>} : memref<40x16xf32, #tpu.memory_space<vmem>>, vector<1x16xf32>,
    %swap3A_71 = vector.shape_cast %swap3A_70 : vector<1x16xf32> to vector<16xf32>
    %swap3A_72 = vector.shape_cast %select_n3A : vector<16xf32> to vector<1x16xf32>
    tpu.vector_store %arg10[%swap3A_68, %swap3A_69], %swap3A_72 {strides = array<i32>} : memref<40x16xf32, #tpu.memory_space<vmem>>, vector<1x16xf32>,
    %swap3A_73 = arith.constant 1 : i32
    %swap3A_74 = arith.index_cast %swap3A_73 : i32 to index
    %swap3A_75 = arith.constant 0 : index
    %swap3A_76 = tpu.vector_load %arg10[%swap3A_74, %swap3A_75] {strides = array<i32>} : memref<40x16xf32, #tpu.memory_space<vmem>>, vector<1x16xf32>,
    %swap3A_77 = vector.shape_cast %swap3A_76 : vector<1x16xf32> to vector<16xf32>
    %swap3A_78 = vector.shape_cast %select_n3A : vector<16xf32> to vector<1x16xf32>
    tpu.vector_store %arg10[%swap3A_74, %swap3A_75], %swap3A_78 {strides = array<i32>} : memref<40x16xf32, #tpu.memory_space<vmem>>, vector<1x16xf32>,
    %swap3A_79 = arith.constant 2 : i32
    %swap3A_80 = arith.index_cast %swap3A_79 : i32 to index
    %swap3A_81 = arith.constant 0 : index
    %swap3A_82 = tpu.vector_load %arg10[%swap3A_80, %swap3A_81] {strides = array<i32>} : memref<40x16xf32, #tpu.memory_space<vmem>>, vector<1x16xf32>,
    %swap3A_83 = vector.shape_cast %swap3A_82 : vector<1x16xf32> to vector<16xf32>
    %swap3A_84 = vector.shape_cast %select_n3A : vector<16xf32> to vector<1x16xf32>
    tpu.vector_store %arg10[%swap3A_80, %swap3A_81], %swap3A_84 {strides = array<i32>} : memref<40x16xf32, #tpu.memory_space<vmem>>, vector<1x16xf32>,
    %swap3A_85 = arith.constant 3 : i32
    %swap3A_86 = arith.index_cast %swap3A_85 : i32 to index
    %swap3A_87 = arith.constant 0 : index
    %swap3A_88 = tpu.vector_load %arg10[%swap3A_86, %swap3A_87] {strides = array<i32>} : memref<40x16xf32, #tpu.memory_space<vmem>>, vector<1x16xf32>,
    %swap3A_89 = vector.shape_cast %swap3A_88 : vector<1x16xf32> to vector<16xf32>
    %swap3A_90 = vector.shape_cast %select_n3A : vector<16xf32> to vector<1x16xf32>
    tpu.vector_store %arg10[%swap3A_86, %swap3A_87], %swap3A_90 {strides = array<i32>} : memref<40x16xf32, #tpu.memory_space<vmem>>, vector<1x16xf32>,
    %swap3A_91 = arith.constant 4 : i32
    %swap3A_92 = arith.index_cast %swap3A_91 : i32 to index
    %swap3A_93 = arith.constant 0 : index
    %swap3A_94 = tpu.vector_load %arg10[%swap3A_92, %swap3A_93] {strides = array<i32>} : memref<40x16xf32, #tpu.memory_space<vmem>>, vector<1x16xf32>,
    %swap3A_95 = vector.shape_cast %swap3A_94 : vector<1x16xf32> to vector<16xf32>
    %swap3A_96 = vector.shape_cast %select_n3A : vector<16xf32> to vector<1x16xf32>
    tpu.vector_store %arg10[%swap3A_92, %swap3A_93], %swap3A_96 {strides = array<i32>} : memref<40x16xf32, #tpu.memory_space<vmem>>, vector<1x16xf32>,
    %swap3A_97 = arith.constant 5 : i32
    %swap3A_98 = arith.index_cast %swap3A_97 : i32 to index
    %swap3A_99 = arith.constant 0 : index
    %swap3A_100 = tpu.vector_load %arg10[%swap3A_98, %swap3A_99] {strides = array<i32>} : memref<40x16xf32, #tpu.memory_space<vmem>>, vector<1x16xf32>,
    %swap3A_101 = vector.shape_cast %swap3A_100 : vector<1x16xf32> to vector<16xf32>
    %swap3A_102 = vector.shape_cast %select_n3A : vector<16xf32> to vector<1x16xf32>
    tpu.vector_store %arg10[%swap3A_98, %swap3A_99], %swap3A_102 {strides = array<i32>} : memref<40x16xf32, #tpu.memory_space<vmem>>, vector<1x16xf32>,
    %swap3A_103 = arith.constant 6 : i32
    %swap3A_104 = arith.index_cast %swap3A_103 : i32 to index
    %swap3A_105 = arith.constant 0 : index
    %swap3A_106 = tpu.vector_load %arg10[%swap3A_104, %swap3A_105] {strides = array<i32>} : memref<40x16xf32, #tpu.memory_space<vmem>>, vector<1x16xf32>,
    %swap3A_107 = vector.shape_cast %swap3A_106 : vector<1x16xf32> to vector<16xf32>
    %swap3A_108 = vector.shape_cast %select_n3A : vector<16xf32> to vector<1x16xf32>
    tpu.vector_store %arg10[%swap3A_104, %swap3A_105], %swap3A_108 {strides = array<i32>} : memref<40x16xf32, #tpu.memory_space<vmem>>, vector<1x16xf32>,
    %swap3A_109 = arith.constant 7 : i32
    %swap3A_110 = arith.index_cast %swap3A_109 : i32 to index
    %swap3A_111 = arith.constant 0 : index
    %swap3A_112 = tpu.vector_load %arg10[%swap3A_110, %swap3A_111] {strides = array<i32>} : memref<40x16xf32, #tpu.memory_space<vmem>>, vector<1x16xf32>,
    %swap3A_113 = vector.shape_cast %swap3A_112 : vector<1x16xf32> to vector<16xf32>
    %swap3A_114 = vector.shape_cast %select_n3A : vector<16xf32> to vector<1x16xf32>
    tpu.vector_store %arg10[%swap3A_110, %swap3A_111], %swap3A_114 {strides = array<i32>} : memref<40x16xf32, #tpu.memory_space<vmem>>, vector<1x16xf32>,
    %swap3A_115 = arith.constant 8 : i32
    %swap3A_116 = arith.index_cast %swap3A_115 : i32 to index
    %swap3A_117 = arith.constant 0 : index
    %swap3A_118 = tpu.vector_load %arg10[%swap3A_116, %swap3A_117] {strides = array<i32>} : memref<40x16xf32, #tpu.memory_space<vmem>>, vector<1x16xf32>,
    %swap3A_119 = vector.shape_cast %swap3A_118 : vector<1x16xf32> to vector<16xf32>
    %swap3A_120 = vector.shape_cast %select_n3A : vector<16xf32> to vector<1x16xf32>
    tpu.vector_store %arg10[%swap3A_116, %swap3A_117], %swap3A_120 {strides = array<i32>} : memref<40x16xf32, #tpu.memory_space<vmem>>, vector<1x16xf32>,
    %swap3A_121 = arith.constant 9 : i32
    %swap3A_122 = arith.index_cast %swap3A_121 : i32 to index
    %swap3A_123 = arith.constant 0 : index
    %swap3A_124 = tpu.vector_load %arg10[%swap3A_122, %swap3A_123] {strides = array<i32>} : memref<40x16xf32, #tpu.memory_space<vmem>>, vector<1x16xf32>,
    %swap3A_125 = vector.shape_cast %swap3A_124 : vector<1x16xf32> to vector<16xf32>
    %swap3A_126 = vector.shape_cast %select_n3A : vector<16xf32> to vector<1x16xf32>
    tpu.vector_store %arg10[%swap3A_122, %swap3A_123], %swap3A_126 {strides = array<i32>} : memref<40x16xf32, #tpu.memory_space<vmem>>, vector<1x16xf32>,
    %swap3A_127 = arith.constant 10 : i32
    %swap3A_128 = arith.index_cast %swap3A_127 : i32 to index
    %swap3A_129 = arith.constant 0 : index
    %swap3A_130 = tpu.vector_load %arg10[%swap3A_128, %swap3A_129] {strides = array<i32>} : memref<40x16xf32, #tpu.memory_space<vmem>>, vector<1x16xf32>,
    %swap3A_131 = vector.shape_cast %swap3A_130 : vector<1x16xf32> to vector<16xf32>
    %swap3A_132 = vector.shape_cast %select_n3A : vector<16xf32> to vector<1x16xf32>
    tpu.vector_store %arg10[%swap3A_128, %swap3A_129], %swap3A_132 {strides = array<i32>} : memref<40x16xf32, #tpu.memory_space<vmem>>, vector<1x16xf32>,
    %swap3A_133 = arith.constant 11 : i32
    %swap3A_134 = arith.index_cast %swap3A_133 : i32 to index
    %swap3A_135 = arith.constant 0 : index
    %swap3A_136 = tpu.vector_load %arg10[%swap3A_134, %swap3A_135] {strides = array<i32>} : memref<40x16xf32, #tpu.memory_space<vmem>>, vector<1x16xf32>,
    %swap3A_137 = vector.shape_cast %swap3A_136 : vector<1x16xf32> to vector<16xf32>
    %swap3A_138 = vector.shape_cast %select_n3A : vector<16xf32> to vector<1x16xf32>
    tpu.vector_store %arg10[%swap3A_134, %swap3A_135], %swap3A_138 {strides = array<i32>} : memref<40x16xf32, #tpu.memory_space<vmem>>, vector<1x16xf32>,
    %swap3A_139 = arith.constant 12 : i32
    %swap3A_140 = arith.index_cast %swap3A_139 : i32 to index
    %swap3A_141 = arith.constant 0 : index
    %swap3A_142 = tpu.vector_load %arg10[%swap3A_140, %swap3A_141] {strides = array<i32>} : memref<40x16xf32, #tpu.memory_space<vmem>>, vector<1x16xf32>,
    %swap3A_143 = vector.shape_cast %swap3A_142 : vector<1x16xf32> to vector<16xf32>
    %swap3A_144 = vector.shape_cast %select_n3A : vector<16xf32> to vector<1x16xf32>
    tpu.vector_store %arg10[%swap3A_140, %swap3A_141], %swap3A_144 {strides = array<i32>} : memref<40x16xf32, #tpu.memory_space<vmem>>, vector<1x16xf32>,
    %swap3A_145 = arith.constant 13 : i32
    %swap3A_146 = arith.index_cast %swap3A_145 : i32 to index
    %swap3A_147 = arith.constant 0 : index
    %swap3A_148 = tpu.vector_load %arg10[%swap3A_146, %swap3A_147] {strides = array<i32>} : memref<40x16xf32, #tpu.memory_space<vmem>>, vector<1x16xf32>,
    %swap3A_149 = vector.shape_cast %swap3A_148 : vector<1x16xf32> to vector<16xf32>
    %swap3A_150 = vector.shape_cast %select_n3A : vector<16xf32> to vector<1x16xf32>
    tpu.vector_store %arg10[%swap3A_146, %swap3A_147], %swap3A_150 {strides = array<i32>} : memref<40x16xf32, #tpu.memory_space<vmem>>, vector<1x16xf32>,
    %swap3A_151 = arith.constant 14 : i32
    %swap3A_152 = arith.index_cast %swap3A_151 : i32 to index
    %swap3A_153 = arith.constant 0 : index
    %swap3A_154 = tpu.vector_load %arg10[%swap3A_152, %swap3A_153] {strides = array<i32>} : memref<40x16xf32, #tpu.memory_space<vmem>>, vector<1x16xf32>,
    %swap3A_155 = vector.shape_cast %swap3A_154 : vector<1x16xf32> to vector<16xf32>
    %swap3A_156 = vector.shape_cast %select_n3A : vector<16xf32> to vector<1x16xf32>
    tpu.vector_store %arg10[%swap3A_152, %swap3A_153], %swap3A_156 {strides = array<i32>} : memref<40x16xf32, #tpu.memory_space<vmem>>, vector<1x16xf32>,
    %swap3A_157 = arith.constant 15 : i32
    %swap3A_158 = arith.index_cast %swap3A_157 : i32 to index
    %swap3A_159 = arith.constant 0 : index
    %swap3A_160 = tpu.vector_load %arg10[%swap3A_158, %swap3A_159] {strides = array<i32>} : memref<40x16xf32, #tpu.memory_space<vmem>>, vector<1x16xf32>,
    %swap3A_161 = vector.shape_cast %swap3A_160 : vector<1x16xf32> to vector<16xf32>
    %swap3A_162 = vector.shape_cast %select_n3A : vector<16xf32> to vector<1x16xf32>
    tpu.vector_store %arg10[%swap3A_158, %swap3A_159], %swap3A_162 {strides = array<i32>} : memref<40x16xf32, #tpu.memory_space<vmem>>, vector<1x16xf32>,
    %swap3A_163 = arith.constant 16 : i32
    %swap3A_164 = arith.index_cast %swap3A_163 : i32 to index
    %swap3A_165 = arith.constant 0 : index
    %swap3A_166 = tpu.vector_load %arg10[%swap3A_164, %swap3A_165] {strides = array<i32>} : memref<40x16xf32, #tpu.memory_space<vmem>>, vector<1x16xf32>,
    %swap3A_167 = vector.shape_cast %swap3A_166 : vector<1x16xf32> to vector<16xf32>
    %swap3A_168 = vector.shape_cast %select_n3A : vector<16xf32> to vector<1x16xf32>
    tpu.vector_store %arg10[%swap3A_164, %swap3A_165], %swap3A_168 {strides = array<i32>} : memref<40x16xf32, #tpu.memory_space<vmem>>, vector<1x16xf32>,
    %swap3A_169 = arith.constant 17 : i32
    %swap3A_170 = arith.index_cast %swap3A_169 : i32 to index
    %swap3A_171 = arith.constant 0 : index
    %swap3A_172 = tpu.vector_load %arg10[%swap3A_170, %swap3A_171] {strides = array<i32>} : memref<40x16xf32, #tpu.memory_space<vmem>>, vector<1x16xf32>,
    %swap3A_173 = vector.shape_cast %swap3A_172 : vector<1x16xf32> to vector<16xf32>
    %swap3A_174 = vector.shape_cast %select_n3A : vector<16xf32> to vector<1x16xf32>
    tpu.vector_store %arg10[%swap3A_170, %swap3A_171], %swap3A_174 {strides = array<i32>} : memref<40x16xf32, #tpu.memory_space<vmem>>, vector<1x16xf32>,
    %swap3A_175 = arith.constant 18 : i32
    %swap3A_176 = arith.index_cast %swap3A_175 : i32 to index
    %swap3A_177 = arith.constant 0 : index
    %swap3A_178 = tpu.vector_load %arg10[%swap3A_176, %swap3A_177] {strides = array<i32>} : memref<40x16xf32, #tpu.memory_space<vmem>>, vector<1x16xf32>,
    %swap3A_179 = vector.shape_cast %swap3A_178 : vector<1x16xf32> to vector<16xf32>
    %swap3A_180 = vector.shape_cast %select_n3A : vector<16xf32> to vector<1x16xf32>
    tpu.vector_store %arg10[%swap3A_176, %swap3A_177], %swap3A_180 {strides = array<i32>} : memref<40x16xf32, #tpu.memory_space<vmem>>, vector<1x16xf32>,
    %swap3A_181 = arith.constant 19 : i32
    %swap3A_182 = arith.index_cast %swap3A_181 : i32 to index
    %swap3A_183 = arith.constant 0 : index
    %swap3A_184 = tpu.vector_load %arg10[%swap3A_182, %swap3A_183] {strides = array<i32>} : memref<40x16xf32, #tpu.memory_space<vmem>>, vector<1x16xf32>,
    %swap3A_185 = vector.shape_cast %swap3A_184 : vector<1x16xf32> to vector<16xf32>
    %swap3A_186 = vector.shape_cast %select_n3A : vector<16xf32> to vector<1x16xf32>
    tpu.vector_store %arg10[%swap3A_182, %swap3A_183], %swap3A_186 {strides = array<i32>} : memref<40x16xf32, #tpu.memory_space<vmem>>, vector<1x16xf32>,
    %swap3A_187 = arith.constant 20 : i32
    %swap3A_188 = arith.index_cast %swap3A_187 : i32 to index
    %swap3A_189 = arith.constant 0 : index
    %swap3A_190 = tpu.vector_load %arg10[%swap3A_188, %swap3A_189] {strides = array<i32>} : memref<40x16xf32, #tpu.memory_space<vmem>>, vector<1x16xf32>,
    %swap3A_191 = vector.shape_cast %swap3A_190 : vector<1x16xf32> to vector<16xf32>
    %swap3A_192 = vector.shape_cast %select_n3A : vector<16xf32> to vector<1x16xf32>
    tpu.vector_store %arg10[%swap3A_188, %swap3A_189], %swap3A_192 {strides = array<i32>} : memref<40x16xf32, #tpu.memory_space<vmem>>, vector<1x16xf32>,
    %swap3A_193 = arith.constant 21 : i32
    %swap3A_194 = arith.index_cast %swap3A_193 : i32 to index
    %swap3A_195 = arith.constant 0 : index
    %swap3A_196 = tpu.vector_load %arg10[%swap3A_194, %swap3A_195] {strides = array<i32>} : memref<40x16xf32, #tpu.memory_space<vmem>>, vector<1x16xf32>,
    %swap3A_197 = vector.shape_cast %swap3A_196 : vector<1x16xf32> to vector<16xf32>
    %swap3A_198 = vector.shape_cast %select_n3A : vector<16xf32> to vector<1x16xf32>
    tpu.vector_store %arg10[%swap3A_194, %swap3A_195], %swap3A_198 {strides = array<i32>} : memref<40x16xf32, #tpu.memory_space<vmem>>, vector<1x16xf32>,
    %swap3A_199 = arith.constant 22 : i32
    %swap3A_200 = arith.index_cast %swap3A_199 : i32 to index
    %swap3A_201 = arith.constant 0 : index
    %swap3A_202 = tpu.vector_load %arg10[%swap3A_200, %swap3A_201] {strides = array<i32>} : memref<40x16xf32, #tpu.memory_space<vmem>>, vector<1x16xf32>,
    %swap3A_203 = vector.shape_cast %swap3A_202 : vector<1x16xf32> to vector<16xf32>
    %swap3A_204 = vector.shape_cast %select_n3A : vector<16xf32> to vector<1x16xf32>
    tpu.vector_store %arg10[%swap3A_200, %swap3A_201], %swap3A_204 {strides = array<i32>} : memref<40x16xf32, #tpu.memory_space<vmem>>, vector<1x16xf32>,
    %swap3A_205 = arith.constant 23 : i32
    %swap3A_206 = arith.index_cast %swap3A_205 : i32 to index
    %swap3A_207 = arith.constant 0 : index
    %swap3A_208 = tpu.vector_load %arg10[%swap3A_206, %swap3A_207] {strides = array<i32>} : memref<40x16xf32, #tpu.memory_space<vmem>>, vector<1x16xf32>,
    %swap3A_209 = vector.shape_cast %swap3A_208 : vector<1x16xf32> to vector<16xf32>
    %swap3A_210 = vector.shape_cast %select_n3A : vector<16xf32> to vector<1x16xf32>
    tpu.vector_store %arg10[%swap3A_206, %swap3A_207], %swap3A_210 {strides = array<i32>} : memref<40x16xf32, #tpu.memory_space<vmem>>, vector<1x16xf32>,
    %swap3A_211 = arith.constant 24 : i32
    %swap3A_212 = arith.index_cast %swap3A_211 : i32 to index
    %swap3A_213 = arith.constant 0 : index
    %swap3A_214 = tpu.vector_load %arg10[%swap3A_212, %swap3A_213] {strides = array<i32>} : memref<40x16xf32, #tpu.memory_space<vmem>>, vector<1x16xf32>,
    %swap3A_215 = vector.shape_cast %swap3A_214 : vector<1x16xf32> to vector<16xf32>
    %swap3A_216 = vector.shape_cast %select_n3A : vector<16xf32> to vector<1x16xf32>
    tpu.vector_store %arg10[%swap3A_212, %swap3A_213], %swap3A_216 {strides = array<i32>} : memref<40x16xf32, #tpu.memory_space<vmem>>, vector<1x16xf32>,
    %swap3A_217 = arith.constant 25 : i32
    %swap3A_218 = arith.index_cast %swap3A_217 : i32 to index
    %swap3A_219 = arith.constant 0 : index
    %swap3A_220 = tpu.vector_load %arg10[%swap3A_218, %swap3A_219] {strides = array<i32>} : memref<40x16xf32, #tpu.memory_space<vmem>>, vector<1x16xf32>,
    %swap3A_221 = vector.shape_cast %swap3A_220 : vector<1x16xf32> to vector<16xf32>
    %swap3A_222 = vector.shape_cast %select_n3A : vector<16xf32> to vector<1x16xf32>
    tpu.vector_store %arg10[%swap3A_218, %swap3A_219], %swap3A_222 {strides = array<i32>} : memref<40x16xf32, #tpu.memory_space<vmem>>, vector<1x16xf32>,
    %swap3A_223 = arith.constant 26 : i32
    %swap3A_224 = arith.index_cast %swap3A_223 : i32 to index
    %swap3A_225 = arith.constant 0 : index
    %swap3A_226 = tpu.vector_load %arg10[%swap3A_224, %swap3A_225] {strides = array<i32>} : memref<40x16xf32, #tpu.memory_space<vmem>>, vector<1x16xf32>,
    %swap3A_227 = vector.shape_cast %swap3A_226 : vector<1x16xf32> to vector<16xf32>
    %swap3A_228 = vector.shape_cast %select_n3A : vector<16xf32> to vector<1x16xf32>
    tpu.vector_store %arg10[%swap3A_224, %swap3A_225], %swap3A_228 {strides = array<i32>} : memref<40x16xf32, #tpu.memory_space<vmem>>, vector<1x16xf32>,
    %swap3A_229 = arith.constant 27 : i32
    %swap3A_230 = arith.index_cast %swap3A_229 : i32 to index
    %swap3A_231 = arith.constant 0 : index
    %swap3A_232 = tpu.vector_load %arg10[%swap3A_230, %swap3A_231] {strides = array<i32>} : memref<40x16xf32, #tpu.memory_space<vmem>>, vector<1x16xf32>,
    %swap3A_233 = vector.shape_cast %swap3A_232 : vector<1x16xf32> to vector<16xf32>
    %swap3A_234 = vector.shape_cast %select_n3A : vector<16xf32> to vector<1x16xf32>
    tpu.vector_store %arg10[%swap3A_230, %swap3A_231], %swap3A_234 {strides = array<i32>} : memref<40x16xf32, #tpu.memory_space<vmem>>, vector<1x16xf32>,
    %swap3A_235 = arith.constant 28 : i32
    %swap3A_236 = arith.index_cast %swap3A_235 : i32 to index
    %swap3A_237 = arith.constant 0 : index
    %swap3A_238 = tpu.vector_load %arg10[%swap3A_236, %swap3A_237] {strides = array<i32>} : memref<40x16xf32, #tpu.memory_space<vmem>>, vector<1x16xf32>,
    %swap3A_239 = vector.shape_cast %swap3A_238 : vector<1x16xf32> to vector<16xf32>
    %swap3A_240 = vector.shape_cast %select_n3A : vector<16xf32> to vector<1x16xf32>
    tpu.vector_store %arg10[%swap3A_236, %swap3A_237], %swap3A_240 {strides = array<i32>} : memref<40x16xf32, #tpu.memory_space<vmem>>, vector<1x16xf32>,
    %swap3A_241 = arith.constant 29 : i32
    %swap3A_242 = arith.index_cast %swap3A_241 : i32 to index
    %swap3A_243 = arith.constant 0 : index
    %swap3A_244 = tpu.vector_load %arg10[%swap3A_242, %swap3A_243] {strides = array<i32>} : memref<40x16xf32, #tpu.memory_space<vmem>>, vector<1x16xf32>,
    %swap3A_245 = vector.shape_cast %swap3A_244 : vector<1x16xf32> to vector<16xf32>
    %swap3A_246 = vector.shape_cast %select_n3A : vector<16xf32> to vector<1x16xf32>
    tpu.vector_store %arg10[%swap3A_242, %swap3A_243], %swap3A_246 {strides = array<i32>} : memref<40x16xf32, #tpu.memory_space<vmem>>, vector<1x16xf32>,
    %swap3A_247 = arith.constant 30 : i32
    %swap3A_248 = arith.index_cast %swap3A_247 : i32 to index
    %swap3A_249 = arith.constant 0 : index
    %swap3A_250 = tpu.vector_load %arg10[%swap3A_248, %swap3A_249] {strides = array<i32>} : memref<40x16xf32, #tpu.memory_space<vmem>>, vector<1x16xf32>,
    %swap3A_251 = vector.shape_cast %swap3A_250 : vector<1x16xf32> to vector<16xf32>
    %swap3A_252 = vector.shape_cast %select_n3A : vector<16xf32> to vector<1x16xf32>
    tpu.vector_store %arg10[%swap3A_248, %swap3A_249], %swap3A_252 {strides = array<i32>} : memref<40x16xf32, #tpu.memory_space<vmem>>, vector<1x16xf32>,
    %swap3A_253 = arith.constant 31 : i32
    %swap3A_254 = arith.index_cast %swap3A_253 : i32 to index
    %swap3A_255 = arith.constant 0 : index
    %swap3A_256 = tpu.vector_load %arg10[%swap3A_254, %swap3A_255] {strides = array<i32>} : memref<40x16xf32, #tpu.memory_space<vmem>>, vector<1x16xf32>,
    %swap3A_257 = vector.shape_cast %swap3A_256 : vector<1x16xf32> to vector<16xf32>
    %swap3A_258 = vector.shape_cast %select_n3A : vector<16xf32> to vector<1x16xf32>
    tpu.vector_store %arg10[%swap3A_254, %swap3A_255], %swap3A_258 {strides = array<i32>} : memref<40x16xf32, #tpu.memory_space<vmem>>, vector<1x16xf32>,
    %swap3A_259 = arith.constant 32 : i32
    %swap3A_260 = arith.index_cast %swap3A_259 : i32 to index
    %swap3A_261 = arith.constant 0 : index
    %swap3A_262 = tpu.vector_load %arg10[%swap3A_260, %swap3A_261] {strides = array<i32>} : memref<40x16xf32, #tpu.memory_space<vmem>>, vector<1x16xf32>,
    %swap3A_263 = vector.shape_cast %swap3A_262 : vector<1x16xf32> to vector<16xf32>
    %swap3A_264 = vector.shape_cast %select_n3A : vector<16xf32> to vector<1x16xf32>
    tpu.vector_store %arg10[%swap3A_260, %swap3A_261], %swap3A_264 {strides = array<i32>} : memref<40x16xf32, #tpu.memory_space<vmem>>, vector<1x16xf32>,
    %swap3A_265 = arith.constant 33 : i32
    %swap3A_266 = arith.index_cast %swap3A_265 : i32 to index
    %swap3A_267 = arith.constant 0 : index
    %swap3A_268 = tpu.vector_load %arg10[%swap3A_266, %swap3A_267] {strides = array<i32>} : memref<40x16xf32, #tpu.memory_space<vmem>>, vector<1x16xf32>,
    %swap3A_269 = vector.shape_cast %swap3A_268 : vector<1x16xf32> to vector<16xf32>
    %swap3A_270 = vector.shape_cast %select_n3A : vector<16xf32> to vector<1x16xf32>
    tpu.vector_store %arg10[%swap3A_266, %swap3A_267], %swap3A_270 {strides = array<i32>} : memref<40x16xf32, #tpu.memory_space<vmem>>, vector<1x16xf32>,
    %swap3A_271 = arith.constant 34 : i32
    %swap3A_272 = arith.index_cast %swap3A_271 : i32 to index
    %swap3A_273 = arith.constant 0 : index
    %swap3A_274 = tpu.vector_load %arg10[%swap3A_272, %swap3A_273] {strides = array<i32>} : memref<40x16xf32, #tpu.memory_space<vmem>>, vector<1x16xf32>,
    %swap3A_275 = vector.shape_cast %swap3A_274 : vector<1x16xf32> to vector<16xf32>
    %swap3A_276 = vector.shape_cast %select_n3A : vector<16xf32> to vector<1x16xf32>
    tpu.vector_store %arg10[%swap3A_272, %swap3A_273], %swap3A_276 {strides = array<i32>} : memref<40x16xf32, #tpu.memory_space<vmem>>, vector<1x16xf32>,
    %swap3A_277 = arith.constant 35 : i32
    %swap3A_278 = arith.index_cast %swap3A_277 : i32 to index
    %swap3A_279 = arith.constant 0 : index
    %swap3A_280 = tpu.vector_load %arg10[%swap3A_278, %swap3A_279] {strides = array<i32>} : memref<40x16xf32, #tpu.memory_space<vmem>>, vector<1x16xf32>,
    %swap3A_281 = vector.shape_cast %swap3A_280 : vector<1x16xf32> to vector<16xf32>
    %swap3A_282 = vector.shape_cast %select_n3A : vector<16xf32> to vector<1x16xf32>
    tpu.vector_store %arg10[%swap3A_278, %swap3A_279], %swap3A_282 {strides = array<i32>} : memref<40x16xf32, #tpu.memory_space<vmem>>, vector<1x16xf32>,
    %swap3A_283 = arith.constant 36 : i32
    %swap3A_284 = arith.index_cast %swap3A_283 : i32 to index
    %swap3A_285 = arith.constant 0 : index
    %swap3A_286 = tpu.vector_load %arg10[%swap3A_284, %swap3A_285] {strides = array<i32>} : memref<40x16xf32, #tpu.memory_space<vmem>>, vector<1x16xf32>,
    %swap3A_287 = vector.shape_cast %swap3A_286 : vector<1x16xf32> to vector<16xf32>
    %swap3A_288 = vector.shape_cast %select_n3A : vector<16xf32> to vector<1x16xf32>
    tpu.vector_store %arg10[%swap3A_284, %swap3A_285], %swap3A_288 {strides = array<i32>} : memref<40x16xf32, #tpu.memory_space<vmem>>, vector<1x16xf32>,
    %swap3A_289 = arith.constant 37 : i32
    %swap3A_290 = arith.index_cast %swap3A_289 : i32 to index
    %swap3A_291 = arith.constant 0 : index
    %swap3A_292 = tpu.vector_load %arg10[%swap3A_290, %swap3A_291] {strides = array<i32>} : memref<40x16xf32, #tpu.memory_space<vmem>>, vector<1x16xf32>,
    %swap3A_293 = vector.shape_cast %swap3A_292 : vector<1x16xf32> to vector<16xf32>
    %swap3A_294 = vector.shape_cast %select_n3A : vector<16xf32> to vector<1x16xf32>
    tpu.vector_store %arg10[%swap3A_290, %swap3A_291], %swap3A_294 {strides = array<i32>} : memref<40x16xf32, #tpu.memory_space<vmem>>, vector<1x16xf32>,
    %swap3A_295 = arith.constant 38 : i32
    %swap3A_296 = arith.index_cast %swap3A_295 : i32 to index
    %swap3A_297 = arith.constant 0 : index
    %swap3A_298 = tpu.vector_load %arg10[%swap3A_296, %swap3A_297] {strides = array<i32>} : memref<40x16xf32, #tpu.memory_space<vmem>>, vector<1x16xf32>,
    %swap3A_299 = vector.shape_cast %swap3A_298 : vector<1x16xf32> to vector<16xf32>
    %swap3A_300 = vector.shape_cast %select_n3A : vector<16xf32> to vector<1x16xf32>
    tpu.vector_store %arg10[%swap3A_296, %swap3A_297], %swap3A_300 {strides = array<i32>} : memref<40x16xf32, #tpu.memory_space<vmem>>, vector<1x16xf32>,
    %swap3A_301 = arith.constant 39 : i32
    %swap3A_302 = arith.index_cast %swap3A_301 : i32 to index
    %swap3A_303 = arith.constant 0 : index
    %swap3A_304 = tpu.vector_load %arg10[%swap3A_302, %swap3A_303] {strides = array<i32>} : memref<40x16xf32, #tpu.memory_space<vmem>>, vector<1x16xf32>,
    %swap3A_305 = vector.shape_cast %swap3A_304 : vector<1x16xf32> to vector<16xf32>
    %swap3A_306 = vector.shape_cast %select_n3A : vector<16xf32> to vector<1x16xf32>
    tpu.vector_store %arg10[%swap3A_302, %swap3A_303], %swap3A_306 {strides = array<i32>} : memref<40x16xf32, #tpu.memory_space<vmem>>, vector<1x16xf32>,
    %swap3A_307 = arith.constant 0 : i32
    %swap3A_308 = arith.index_cast %swap3A_307 : i32 to index
    %swap3A_309 = arith.constant 0 : index
    %swap3A_310 = tpu.vector_load %arg11[%swap3A_308, %swap3A_309] {strides = array<i32>} : memref<32x128xf32, #tpu.memory_space<vmem>>, vector<1x16xf32>,
    %swap3A_311 = vector.shape_cast %swap3A_310 : vector<1x16xf32> to vector<16xf32>
    %swap3A_312 = vector.shape_cast %broadcast_in_dim3A_67 : vector<16xf32> to vector<1x16xf32>
    tpu.vector_store %arg11[%swap3A_308, %swap3A_309], %swap3A_312 {strides = array<i32>} : memref<32x128xf32, #tpu.memory_space<vmem>>, vector<1x16xf32>,
    %swap3A_313 = arith.constant 0 : i32
    %swap3A_314 = arith.index_cast %swap3A_313 : i32 to index
    %swap3A_315 = arith.constant 16 : index
    %swap3A_316 = tpu.vector_load %arg11[%swap3A_314, %swap3A_315] {strides = array<i32>} : memref<32x128xf32, #tpu.memory_space<vmem>>, vector<1x16xf32>,
    %swap3A_317 = vector.shape_cast %swap3A_316 : vector<1x16xf32> to vector<16xf32>
    %swap3A_318 = vector.shape_cast %broadcast_in_dim3A_67 : vector<16xf32> to vector<1x16xf32>
    tpu.vector_store %arg11[%swap3A_314, %swap3A_315], %swap3A_318 {strides = array<i32>} : memref<32x128xf32, #tpu.memory_space<vmem>>, vector<1x16xf32>,
    %swap3A_319 = arith.constant 0 : i32
    %swap3A_320 = arith.index_cast %swap3A_319 : i32 to index
    %swap3A_321 = arith.constant 32 : index
    %swap3A_322 = tpu.vector_load %arg11[%swap3A_320, %swap3A_321] {strides = array<i32>} : memref<32x128xf32, #tpu.memory_space<vmem>>, vector<1x16xf32>,
    %swap3A_323 = vector.shape_cast %swap3A_322 : vector<1x16xf32> to vector<16xf32>
    %swap3A_324 = vector.shape_cast %broadcast_in_dim3A_67 : vector<16xf32> to vector<1x16xf32>
    tpu.vector_store %arg11[%swap3A_320, %swap3A_321], %swap3A_324 {strides = array<i32>} : memref<32x128xf32, #tpu.memory_space<vmem>>, vector<1x16xf32>,
    %swap3A_325 = arith.constant 0 : i32
    %swap3A_326 = arith.index_cast %swap3A_325 : i32 to index
    %swap3A_327 = arith.constant 48 : index
    %swap3A_328 = tpu.vector_load %arg11[%swap3A_326, %swap3A_327] {strides = array<i32>} : memref<32x128xf32, #tpu.memory_space<vmem>>, vector<1x16xf32>,
    %swap3A_329 = vector.shape_cast %swap3A_328 : vector<1x16xf32> to vector<16xf32>
    %swap3A_330 = vector.shape_cast %broadcast_in_dim3A_67 : vector<16xf32> to vector<1x16xf32>
    tpu.vector_store %arg11[%swap3A_326, %swap3A_327], %swap3A_330 {strides = array<i32>} : memref<32x128xf32, #tpu.memory_space<vmem>>, vector<1x16xf32>,
    %swap3A_331 = arith.constant 0 : i32
    %swap3A_332 = arith.index_cast %swap3A_331 : i32 to index
    %swap3A_333 = arith.constant 64 : index
    %swap3A_334 = tpu.vector_load %arg11[%swap3A_332, %swap3A_333] {strides = array<i32>} : memref<32x128xf32, #tpu.memory_space<vmem>>, vector<1x16xf32>,
    %swap3A_335 = vector.shape_cast %swap3A_334 : vector<1x16xf32> to vector<16xf32>
    %swap3A_336 = vector.shape_cast %broadcast_in_dim3A_67 : vector<16xf32> to vector<1x16xf32>
    tpu.vector_store %arg11[%swap3A_332, %swap3A_333], %swap3A_336 {strides = array<i32>} : memref<32x128xf32, #tpu.memory_space<vmem>>, vector<1x16xf32>,
    %swap3A_337 = arith.constant 0 : i32
    %swap3A_338 = arith.index_cast %swap3A_337 : i32 to index
    %swap3A_339 = arith.constant 80 : index
    %swap3A_340 = tpu.vector_load %arg11[%swap3A_338, %swap3A_339] {strides = array<i32>} : memref<32x128xf32, #tpu.memory_space<vmem>>, vector<1x16xf32>,
    %swap3A_341 = vector.shape_cast %swap3A_340 : vector<1x16xf32> to vector<16xf32>
    %swap3A_342 = vector.shape_cast %broadcast_in_dim3A_67 : vector<16xf32> to vector<1x16xf32>
    tpu.vector_store %arg11[%swap3A_338, %swap3A_339], %swap3A_342 {strides = array<i32>} : memref<32x128xf32, #tpu.memory_space<vmem>>, vector<1x16xf32>,
    %swap3A_343 = arith.constant 0 : i32
    %swap3A_344 = arith.index_cast %swap3A_343 : i32 to index
    %swap3A_345 = arith.constant 96 : index
    %swap3A_346 = tpu.vector_load %arg11[%swap3A_344, %swap3A_345] {strides = array<i32>} : memref<32x128xf32, #tpu.memory_space<vmem>>, vector<1x16xf32>,
    %swap3A_347 = vector.shape_cast %swap3A_346 : vector<1x16xf32> to vector<16xf32>
    %swap3A_348 = vector.shape_cast %broadcast_in_dim3A_67 : vector<16xf32> to vector<1x16xf32>
    tpu.vector_store %arg11[%swap3A_344, %swap3A_345], %swap3A_348 {strides = array<i32>} : memref<32x128xf32, #tpu.memory_space<vmem>>, vector<1x16xf32>,
    %swap3A_349 = arith.constant 0 : i32
    %swap3A_350 = arith.index_cast %swap3A_349 : i32 to index
    %swap3A_351 = arith.constant 112 : index
    %swap3A_352 = tpu.vector_load %arg11[%swap3A_350, %swap3A_351] {strides = array<i32>} : memref<32x128xf32, #tpu.memory_space<vmem>>, vector<1x16xf32>,
    %swap3A_353 = vector.shape_cast %swap3A_352 : vector<1x16xf32> to vector<16xf32>
    %swap3A_354 = vector.shape_cast %broadcast_in_dim3A_67 : vector<16xf32> to vector<1x16xf32>
    tpu.vector_store %arg11[%swap3A_350, %swap3A_351], %swap3A_354 {strides = array<i32>} : memref<32x128xf32, #tpu.memory_space<vmem>>, vector<1x16xf32>,
    %swap3A_355 = arith.constant 1 : i32
    %swap3A_356 = arith.index_cast %swap3A_355 : i32 to index
    %swap3A_357 = arith.constant 0 : index
    %swap3A_358 = tpu.vector_load %arg11[%swap3A_356, %swap3A_357] {strides = array<i32>} : memref<32x128xf32, #tpu.memory_space<vmem>>, vector<1x16xf32>,
    %swap3A_359 = vector.shape_cast %swap3A_358 : vector<1x16xf32> to vector<16xf32>
    %swap3A_360 = vector.shape_cast %broadcast_in_dim3A_67 : vector<16xf32> to vector<1x16xf32>
    tpu.vector_store %arg11[%swap3A_356, %swap3A_357], %swap3A_360 {strides = array<i32>} : memref<32x128xf32, #tpu.memory_space<vmem>>, vector<1x16xf32>,
    %swap3A_361 = arith.constant 1 : i32
    %swap3A_362 = arith.index_cast %swap3A_361 : i32 to index
    %swap3A_363 = arith.constant 16 : index
    %swap3A_364 = tpu.vector_load %arg11[%swap3A_362, %swap3A_363] {strides = array<i32>} : memref<32x128xf32, #tpu.memory_space<vmem>>, vector<1x16xf32>,
    %swap3A_365 = vector.shape_cast %swap3A_364 : vector<1x16xf32> to vector<16xf32>
    %swap3A_366 = vector.shape_cast %broadcast_in_dim3A_67 : vector<16xf32> to vector<1x16xf32>
    tpu.vector_store %arg11[%swap3A_362, %swap3A_363], %swap3A_366 {strides = array<i32>} : memref<32x128xf32, #tpu.memory_space<vmem>>, vector<1x16xf32>,
    %swap3A_367 = arith.constant 1 : i32
    %swap3A_368 = arith.index_cast %swap3A_367 : i32 to index
    %swap3A_369 = arith.constant 32 : index
    %swap3A_370 = tpu.vector_load %arg11[%swap3A_368, %swap3A_369] {strides = array<i32>} : memref<32x128xf32, #tpu.memory_space<vmem>>, vector<1x16xf32>,
    %swap3A_371 = vector.shape_cast %swap3A_370 : vector<1x16xf32> to vector<16xf32>
    %swap3A_372 = vector.shape_cast %broadcast_in_dim3A_67 : vector<16xf32> to vector<1x16xf32>
    tpu.vector_store %arg11[%swap3A_368, %swap3A_369], %swap3A_372 {strides = array<i32>} : memref<32x128xf32, #tpu.memory_space<vmem>>, vector<1x16xf32>,
    %swap3A_373 = arith.constant 1 : i32
    %swap3A_374 = arith.index_cast %swap3A_373 : i32 to index
    %swap3A_375 = arith.constant 48 : index
    %swap3A_376 = tpu.vector_load %arg11[%swap3A_374, %swap3A_375] {strides = array<i32>} : memref<32x128xf32, #tpu.memory_space<vmem>>, vector<1x16xf32>,
    %swap3A_377 = vector.shape_cast %swap3A_376 : vector<1x16xf32> to vector<16xf32>
    %swap3A_378 = vector.shape_cast %broadcast_in_dim3A_67 : vector<16xf32> to vector<1x16xf32>
    tpu.vector_store %arg11[%swap3A_374, %swap3A_375], %swap3A_378 {strides = array<i32>} : memref<32x128xf32, #tpu.memory_space<vmem>>, vector<1x16xf32>,
    %swap3A_379 = arith.constant 1 : i32
    %swap3A_380 = arith.index_cast %swap3A_379 : i32 to index
    %swap3A_381 = arith.constant 64 : index
    %swap3A_382 = tpu.vector_load %arg11[%swap3A_380, %swap3A_381] {strides = array<i32>} : memref<32x128xf32, #tpu.memory_space<vmem>>, vector<1x16xf32>,
    %swap3A_383 = vector.shape_cast %swap3A_382 : vector<1x16xf32> to vector<16xf32>
    %swap3A_384 = vector.shape_cast %broadcast_in_dim3A_67 : vector<16xf32> to vector<1x16xf32>
    tpu.vector_store %arg11[%swap3A_380, %swap3A_381], %swap3A_384 {strides = array<i32>} : memref<32x128xf32, #tpu.memory_space<vmem>>, vector<1x16xf32>,
    %swap3A_385 = arith.constant 1 : i32
    %swap3A_386 = arith.index_cast %swap3A_385 : i32 to index
    %swap3A_387 = arith.constant 80 : index
    %swap3A_388 = tpu.vector_load %arg11[%swap3A_386, %swap3A_387] {strides = array<i32>} : memref<32x128xf32, #tpu.memory_space<vmem>>, vector<1x16xf32>,
    %swap3A_389 = vector.shape_cast %swap3A_388 : vector<1x16xf32> to vector<16xf32>
    %swap3A_390 = vector.shape_cast %broadcast_in_dim3A_67 : vector<16xf32> to vector<1x16xf32>
    tpu.vector_store %arg11[%swap3A_386, %swap3A_387], %swap3A_390 {strides = array<i32>} : memref<32x128xf32, #tpu.memory_space<vmem>>, vector<1x16xf32>,
    %swap3A_391 = arith.constant 1 : i32
    %swap3A_392 = arith.index_cast %swap3A_391 : i32 to index
    %swap3A_393 = arith.constant 96 : index
    %swap3A_394 = tpu.vector_load %arg11[%swap3A_392, %swap3A_393] {strides = array<i32>} : memref<32x128xf32, #tpu.memory_space<vmem>>, vector<1x16xf32>,
    %swap3A_395 = vector.shape_cast %swap3A_394 : vector<1x16xf32> to vector<16xf32>
    %swap3A_396 = vector.shape_cast %broadcast_in_dim3A_67 : vector<16xf32> to vector<1x16xf32>
    tpu.vector_store %arg11[%swap3A_392, %swap3A_393], %swap3A_396 {strides = array<i32>} : memref<32x128xf32, #tpu.memory_space<vmem>>, vector<1x16xf32>,
    %swap3A_397 = arith.constant 1 : i32
    %swap3A_398 = arith.index_cast %swap3A_397 : i32 to index
    %swap3A_399 = arith.constant 112 : index
    %swap3A_400 = tpu.vector_load %arg11[%swap3A_398, %swap3A_399] {strides = array<i32>} : memref<32x128xf32, #tpu.memory_space<vmem>>, vector<1x16xf32>,
    %swap3A_401 = vector.shape_cast %swap3A_400 : vector<1x16xf32> to vector<16xf32>
    %swap3A_402 = vector.shape_cast %broadcast_in_dim3A_67 : vector<16xf32> to vector<1x16xf32>
    tpu.vector_store %arg11[%swap3A_398, %swap3A_399], %swap3A_402 {strides = array<i32>} : memref<32x128xf32, #tpu.memory_space<vmem>>, vector<1x16xf32>,
    %swap3A_403 = arith.constant 2 : i32
    %swap3A_404 = arith.index_cast %swap3A_403 : i32 to index
    %swap3A_405 = arith.constant 0 : index
    %swap3A_406 = tpu.vector_load %arg11[%swap3A_404, %swap3A_405] {strides = array<i32>} : memref<32x128xf32, #tpu.memory_space<vmem>>, vector<1x16xf32>,
    %swap3A_407 = vector.shape_cast %swap3A_406 : vector<1x16xf32> to vector<16xf32>
    %swap3A_408 = vector.shape_cast %broadcast_in_dim3A_67 : vector<16xf32> to vector<1x16xf32>
    tpu.vector_store %arg11[%swap3A_404, %swap3A_405], %swap3A_408 {strides = array<i32>} : memref<32x128xf32, #tpu.memory_space<vmem>>, vector<1x16xf32>,
    %swap3A_409 = arith.constant 2 : i32
    %swap3A_410 = arith.index_cast %swap3A_409 : i32 to index
    %swap3A_411 = arith.constant 16 : index
    %swap3A_412 = tpu.vector_load %arg11[%swap3A_410, %swap3A_411] {strides = array<i32>} : memref<32x128xf32, #tpu.memory_space<vmem>>, vector<1x16xf32>,
    %swap3A_413 = vector.shape_cast %swap3A_412 : vector<1x16xf32> to vector<16xf32>
    %swap3A_414 = vector.shape_cast %broadcast_in_dim3A_67 : vector<16xf32> to vector<1x16xf32>
    tpu.vector_store %arg11[%swap3A_410, %swap3A_411], %swap3A_414 {strides = array<i32>} : memref<32x128xf32, #tpu.memory_space<vmem>>, vector<1x16xf32>,
    %swap3A_415 = arith.constant 2 : i32
    %swap3A_416 = arith.index_cast %swap3A_415 : i32 to index
    %swap3A_417 = arith.constant 32 : index
    %swap3A_418 = tpu.vector_load %arg11[%swap3A_416, %swap3A_417] {strides = array<i32>} : memref<32x128xf32, #tpu.memory_space<vmem>>, vector<1x16xf32>,
    %swap3A_419 = vector.shape_cast %swap3A_418 : vector<1x16xf32> to vector<16xf32>
    %swap3A_420 = vector.shape_cast %broadcast_in_dim3A_67 : vector<16xf32> to vector<1x16xf32>
    tpu.vector_store %arg11[%swap3A_416, %swap3A_417], %swap3A_420 {strides = array<i32>} : memref<32x128xf32, #tpu.memory_space<vmem>>, vector<1x16xf32>,
    %swap3A_421 = arith.constant 2 : i32
    %swap3A_422 = arith.index_cast %swap3A_421 : i32 to index
    %swap3A_423 = arith.constant 48 : index
    %swap3A_424 = tpu.vector_load %arg11[%swap3A_422, %swap3A_423] {strides = array<i32>} : memref<32x128xf32, #tpu.memory_space<vmem>>, vector<1x16xf32>,
    %swap3A_425 = vector.shape_cast %swap3A_424 : vector<1x16xf32> to vector<16xf32>
    %swap3A_426 = vector.shape_cast %broadcast_in_dim3A_67 : vector<16xf32> to vector<1x16xf32>
    tpu.vector_store %arg11[%swap3A_422, %swap3A_423], %swap3A_426 {strides = array<i32>} : memref<32x128xf32, #tpu.memory_space<vmem>>, vector<1x16xf32>,
    %swap3A_427 = arith.constant 2 : i32
    %swap3A_428 = arith.index_cast %swap3A_427 : i32 to index
    %swap3A_429 = arith.constant 64 : index
    %swap3A_430 = tpu.vector_load %arg11[%swap3A_428, %swap3A_429] {strides = array<i32>} : memref<32x128xf32, #tpu.memory_space<vmem>>, vector<1x16xf32>,
    %swap3A_431 = vector.shape_cast %swap3A_430 : vector<1x16xf32> to vector<16xf32>
    %swap3A_432 = vector.shape_cast %broadcast_in_dim3A_67 : vector<16xf32> to vector<1x16xf32>
    tpu.vector_store %arg11[%swap3A_428, %swap3A_429], %swap3A_432 {strides = array<i32>} : memref<32x128xf32, #tpu.memory_space<vmem>>, vector<1x16xf32>,
    %swap3A_433 = arith.constant 2 : i32
    %swap3A_434 = arith.index_cast %swap3A_433 : i32 to index
    %swap3A_435 = arith.constant 80 : index
    %swap3A_436 = tpu.vector_load %arg11[%swap3A_434, %swap3A_435] {strides = array<i32>} : memref<32x128xf32, #tpu.memory_space<vmem>>, vector<1x16xf32>,
    %swap3A_437 = vector.shape_cast %swap3A_436 : vector<1x16xf32> to vector<16xf32>
    %swap3A_438 = vector.shape_cast %broadcast_in_dim3A_67 : vector<16xf32> to vector<1x16xf32>
    tpu.vector_store %arg11[%swap3A_434, %swap3A_435], %swap3A_438 {strides = array<i32>} : memref<32x128xf32, #tpu.memory_space<vmem>>, vector<1x16xf32>,
    %swap3A_439 = arith.constant 2 : i32
    %swap3A_440 = arith.index_cast %swap3A_439 : i32 to index
    %swap3A_441 = arith.constant 96 : index
    %swap3A_442 = tpu.vector_load %arg11[%swap3A_440, %swap3A_441] {strides = array<i32>} : memref<32x128xf32, #tpu.memory_space<vmem>>, vector<1x16xf32>,
    %swap3A_443 = vector.shape_cast %swap3A_442 : vector<1x16xf32> to vector<16xf32>
    %swap3A_444 = vector.shape_cast %broadcast_in_dim3A_67 : vector<16xf32> to vector<1x16xf32>
    tpu.vector_store %arg11[%swap3A_440, %swap3A_441], %swap3A_444 {strides = array<i32>} : memref<32x128xf32, #tpu.memory_space<vmem>>, vector<1x16xf32>,
    %swap3A_445 = arith.constant 2 : i32
    %swap3A_446 = arith.index_cast %swap3A_445 : i32 to index
    %swap3A_447 = arith.constant 112 : index
    %swap3A_448 = tpu.vector_load %arg11[%swap3A_446, %swap3A_447] {strides = array<i32>} : memref<32x128xf32, #tpu.memory_space<vmem>>, vector<1x16xf32>,
    %swap3A_449 = vector.shape_cast %swap3A_448 : vector<1x16xf32> to vector<16xf32>
    %swap3A_450 = vector.shape_cast %broadcast_in_dim3A_67 : vector<16xf32> to vector<1x16xf32>
    tpu.vector_store %arg11[%swap3A_446, %swap3A_447], %swap3A_450 {strides = array<i32>} : memref<32x128xf32, #tpu.memory_space<vmem>>, vector<1x16xf32>,
    %swap3A_451 = arith.constant 3 : i32
    %swap3A_452 = arith.index_cast %swap3A_451 : i32 to index
    %swap3A_453 = arith.constant 0 : index
    %swap3A_454 = tpu.vector_load %arg11[%swap3A_452, %swap3A_453] {strides = array<i32>} : memref<32x128xf32, #tpu.memory_space<vmem>>, vector<1x16xf32>,
    %swap3A_455 = vector.shape_cast %swap3A_454 : vector<1x16xf32> to vector<16xf32>
    %swap3A_456 = vector.shape_cast %broadcast_in_dim3A_67 : vector<16xf32> to vector<1x16xf32>
    tpu.vector_store %arg11[%swap3A_452, %swap3A_453], %swap3A_456 {strides = array<i32>} : memref<32x128xf32, #tpu.memory_space<vmem>>, vector<1x16xf32>,
    %swap3A_457 = arith.constant 3 : i32
    %swap3A_458 = arith.index_cast %swap3A_457 : i32 to index
    %swap3A_459 = arith.constant 16 : index
    %swap3A_460 = tpu.vector_load %arg11[%swap3A_458, %swap3A_459] {strides = array<i32>} : memref<32x128xf32, #tpu.memory_space<vmem>>, vector<1x16xf32>,
    %swap3A_461 = vector.shape_cast %swap3A_460 : vector<1x16xf32> to vector<16xf32>
    %swap3A_462 = vector.shape_cast %broadcast_in_dim3A_67 : vector<16xf32> to vector<1x16xf32>
    tpu.vector_store %arg11[%swap3A_458, %swap3A_459], %swap3A_462 {strides = array<i32>} : memref<32x128xf32, #tpu.memory_space<vmem>>, vector<1x16xf32>,
    %swap3A_463 = arith.constant 3 : i32
    %swap3A_464 = arith.index_cast %swap3A_463 : i32 to index
    %swap3A_465 = arith.constant 32 : index
    %swap3A_466 = tpu.vector_load %arg11[%swap3A_464, %swap3A_465] {strides = array<i32>} : memref<32x128xf32, #tpu.memory_space<vmem>>, vector<1x16xf32>,
    %swap3A_467 = vector.shape_cast %swap3A_466 : vector<1x16xf32> to vector<16xf32>
    %swap3A_468 = vector.shape_cast %broadcast_in_dim3A_67 : vector<16xf32> to vector<1x16xf32>
    tpu.vector_store %arg11[%swap3A_464, %swap3A_465], %swap3A_468 {strides = array<i32>} : memref<32x128xf32, #tpu.memory_space<vmem>>, vector<1x16xf32>,
    %swap3A_469 = arith.constant 3 : i32
    %swap3A_470 = arith.index_cast %swap3A_469 : i32 to index
    %swap3A_471 = arith.constant 48 : index
    %swap3A_472 = tpu.vector_load %arg11[%swap3A_470, %swap3A_471] {strides = array<i32>} : memref<32x128xf32, #tpu.memory_space<vmem>>, vector<1x16xf32>,
    %swap3A_473 = vector.shape_cast %swap3A_472 : vector<1x16xf32> to vector<16xf32>
    %swap3A_474 = vector.shape_cast %broadcast_in_dim3A_67 : vector<16xf32> to vector<1x16xf32>
    tpu.vector_store %arg11[%swap3A_470, %swap3A_471], %swap3A_474 {strides = array<i32>} : memref<32x128xf32, #tpu.memory_space<vmem>>, vector<1x16xf32>,
    %swap3A_475 = arith.constant 3 : i32
    %swap3A_476 = arith.index_cast %swap3A_475 : i32 to index
    %swap3A_477 = arith.constant 64 : index
    %swap3A_478 = tpu.vector_load %arg11[%swap3A_476, %swap3A_477] {strides = array<i32>} : memref<32x128xf32, #tpu.memory_space<vmem>>, vector<1x16xf32>,
    %swap3A_479 = vector.shape_cast %swap3A_478 : vector<1x16xf32> to vector<16xf32>
    %swap3A_480 = vector.shape_cast %broadcast_in_dim3A_67 : vector<16xf32> to vector<1x16xf32>
    tpu.vector_store %arg11[%swap3A_476, %swap3A_477], %swap3A_480 {strides = array<i32>} : memref<32x128xf32, #tpu.memory_space<vmem>>, vector<1x16xf32>,
    %swap3A_481 = arith.constant 3 : i32
    %swap3A_482 = arith.index_cast %swap3A_481 : i32 to index
    %swap3A_483 = arith.constant 80 : index
    %swap3A_484 = tpu.vector_load %arg11[%swap3A_482, %swap3A_483] {strides = array<i32>} : memref<32x128xf32, #tpu.memory_space<vmem>>, vector<1x16xf32>,
    %swap3A_485 = vector.shape_cast %swap3A_484 : vector<1x16xf32> to vector<16xf32>
    %swap3A_486 = vector.shape_cast %broadcast_in_dim3A_67 : vector<16xf32> to vector<1x16xf32>
    tpu.vector_store %arg11[%swap3A_482, %swap3A_483], %swap3A_486 {strides = array<i32>} : memref<32x128xf32, #tpu.memory_space<vmem>>, vector<1x16xf32>,
    %swap3A_487 = arith.constant 3 : i32
    %swap3A_488 = arith.index_cast %swap3A_487 : i32 to index
    %swap3A_489 = arith.constant 96 : index
    %swap3A_490 = tpu.vector_load %arg11[%swap3A_488, %swap3A_489] {strides = array<i32>} : memref<32x128xf32, #tpu.memory_space<vmem>>, vector<1x16xf32>,
    %swap3A_491 = vector.shape_cast %swap3A_490 : vector<1x16xf32> to vector<16xf32>
    %swap3A_492 = vector.shape_cast %broadcast_in_dim3A_67 : vector<16xf32> to vector<1x16xf32>
    tpu.vector_store %arg11[%swap3A_488, %swap3A_489], %swap3A_492 {strides = array<i32>} : memref<32x128xf32, #tpu.memory_space<vmem>>, vector<1x16xf32>,
    %swap3A_493 = arith.constant 3 : i32
    %swap3A_494 = arith.index_cast %swap3A_493 : i32 to index
    %swap3A_495 = arith.constant 112 : index
    %swap3A_496 = tpu.vector_load %arg11[%swap3A_494, %swap3A_495] {strides = array<i32>} : memref<32x128xf32, #tpu.memory_space<vmem>>, vector<1x16xf32>,
    %swap3A_497 = vector.shape_cast %swap3A_496 : vector<1x16xf32> to vector<16xf32>
    %swap3A_498 = vector.shape_cast %broadcast_in_dim3A_67 : vector<16xf32> to vector<1x16xf32>
    tpu.vector_store %arg11[%swap3A_494, %swap3A_495], %swap3A_498 {strides = array<i32>} : memref<32x128xf32, #tpu.memory_space<vmem>>, vector<1x16xf32>,
    %swap3A_499 = arith.constant 4 : i32
    %swap3A_500 = arith.index_cast %swap3A_499 : i32 to index
    %swap3A_501 = arith.constant 0 : index
    %swap3A_502 = tpu.vector_load %arg11[%swap3A_500, %swap3A_501] {strides = array<i32>} : memref<32x128xf32, #tpu.memory_space<vmem>>, vector<1x16xf32>,
    %swap3A_503 = vector.shape_cast %swap3A_502 : vector<1x16xf32> to vector<16xf32>
    %swap3A_504 = vector.shape_cast %broadcast_in_dim3A_67 : vector<16xf32> to vector<1x16xf32>
    tpu.vector_store %arg11[%swap3A_500, %swap3A_501], %swap3A_504 {strides = array<i32>} : memref<32x128xf32, #tpu.memory_space<vmem>>, vector<1x16xf32>,
    %swap3A_505 = arith.constant 4 : i32
    %swap3A_506 = arith.index_cast %swap3A_505 : i32 to index
    %swap3A_507 = arith.constant 16 : index
    %swap3A_508 = tpu.vector_load %arg11[%swap3A_506, %swap3A_507] {strides = array<i32>} : memref<32x128xf32, #tpu.memory_space<vmem>>, vector<1x16xf32>,
    %swap3A_509 = vector.shape_cast %swap3A_508 : vector<1x16xf32> to vector<16xf32>
    %swap3A_510 = vector.shape_cast %broadcast_in_dim3A_67 : vector<16xf32> to vector<1x16xf32>
    tpu.vector_store %arg11[%swap3A_506, %swap3A_507], %swap3A_510 {strides = array<i32>} : memref<32x128xf32, #tpu.memory_space<vmem>>, vector<1x16xf32>,
    %swap3A_511 = arith.constant 4 : i32
    %swap3A_512 = arith.index_cast %swap3A_511 : i32 to index
    %swap3A_513 = arith.constant 32 : index
    %swap3A_514 = tpu.vector_load %arg11[%swap3A_512, %swap3A_513] {strides = array<i32>} : memref<32x128xf32, #tpu.memory_space<vmem>>, vector<1x16xf32>,
    %swap3A_515 = vector.shape_cast %swap3A_514 : vector<1x16xf32> to vector<16xf32>
    %swap3A_516 = vector.shape_cast %broadcast_in_dim3A_67 : vector<16xf32> to vector<1x16xf32>
    tpu.vector_store %arg11[%swap3A_512, %swap3A_513], %swap3A_516 {strides = array<i32>} : memref<32x128xf32, #tpu.memory_space<vmem>>, vector<1x16xf32>,
    %swap3A_517 = arith.constant 4 : i32
    %swap3A_518 = arith.index_cast %swap3A_517 : i32 to index
    %swap3A_519 = arith.constant 48 : index
    %swap3A_520 = tpu.vector_load %arg11[%swap3A_518, %swap3A_519] {strides = array<i32>} : memref<32x128xf32, #tpu.memory_space<vmem>>, vector<1x16xf32>,
    %swap3A_521 = vector.shape_cast %swap3A_520 : vector<1x16xf32> to vector<16xf32>
    %swap3A_522 = vector.shape_cast %broadcast_in_dim3A_67 : vector<16xf32> to vector<1x16xf32>
    tpu.vector_store %arg11[%swap3A_518, %swap3A_519], %swap3A_522 {strides = array<i32>} : memref<32x128xf32, #tpu.memory_space<vmem>>, vector<1x16xf32>,
    %swap3A_523 = arith.constant 4 : i32
    %swap3A_524 = arith.index_cast %swap3A_523 : i32 to index
    %swap3A_525 = arith.constant 64 : index
    %swap3A_526 = tpu.vector_load %arg11[%swap3A_524, %swap3A_525] {strides = array<i32>} : memref<32x128xf32, #tpu.memory_space<vmem>>, vector<1x16xf32>,
    %swap3A_527 = vector.shape_cast %swap3A_526 : vector<1x16xf32> to vector<16xf32>
    %swap3A_528 = vector.shape_cast %broadcast_in_dim3A_67 : vector<16xf32> to vector<1x16xf32>
    tpu.vector_store %arg11[%swap3A_524, %swap3A_525], %swap3A_528 {strides = array<i32>} : memref<32x128xf32, #tpu.memory_space<vmem>>, vector<1x16xf32>,
    %swap3A_529 = arith.constant 4 : i32
    %swap3A_530 = arith.index_cast %swap3A_529 : i32 to index
    %swap3A_531 = arith.constant 80 : index
    %swap3A_532 = tpu.vector_load %arg11[%swap3A_530, %swap3A_531] {strides = array<i32>} : memref<32x128xf32, #tpu.memory_space<vmem>>, vector<1x16xf32>,
    %swap3A_533 = vector.shape_cast %swap3A_532 : vector<1x16xf32> to vector<16xf32>
    %swap3A_534 = vector.shape_cast %broadcast_in_dim3A_67 : vector<16xf32> to vector<1x16xf32>
    tpu.vector_store %arg11[%swap3A_530, %swap3A_531], %swap3A_534 {strides = array<i32>} : memref<32x128xf32, #tpu.memory_space<vmem>>, vector<1x16xf32>,
    %swap3A_535 = arith.constant 4 : i32
    %swap3A_536 = arith.index_cast %swap3A_535 : i32 to index
    %swap3A_537 = arith.constant 96 : index
    %swap3A_538 = tpu.vector_load %arg11[%swap3A_536, %swap3A_537] {strides = array<i32>} : memref<32x128xf32, #tpu.memory_space<vmem>>, vector<1x16xf32>,
    %swap3A_539 = vector.shape_cast %swap3A_538 : vector<1x16xf32> to vector<16xf32>
    %swap3A_540 = vector.shape_cast %broadcast_in_dim3A_67 : vector<16xf32> to vector<1x16xf32>
    tpu.vector_store %arg11[%swap3A_536, %swap3A_537], %swap3A_540 {strides = array<i32>} : memref<32x128xf32, #tpu.memory_space<vmem>>, vector<1x16xf32>,
    %swap3A_541 = arith.constant 4 : i32
    %swap3A_542 = arith.index_cast %swap3A_541 : i32 to index
    %swap3A_543 = arith.constant 112 : index
    %swap3A_544 = tpu.vector_load %arg11[%swap3A_542, %swap3A_543] {strides = array<i32>} : memref<32x128xf32, #tpu.memory_space<vmem>>, vector<1x16xf32>,
    %swap3A_545 = vector.shape_cast %swap3A_544 : vector<1x16xf32> to vector<16xf32>
    %swap3A_546 = vector.shape_cast %broadcast_in_dim3A_67 : vector<16xf32> to vector<1x16xf32>
    tpu.vector_store %arg11[%swap3A_542, %swap3A_543], %swap3A_546 {strides = array<i32>} : memref<32x128xf32, #tpu.memory_space<vmem>>, vector<1x16xf32>,
    %swap3A_547 = arith.constant 5 : i32
    %swap3A_548 = arith.index_cast %swap3A_547 : i32 to index
    %swap3A_549 = arith.constant 0 : index
    %swap3A_550 = tpu.vector_load %arg11[%swap3A_548, %swap3A_549] {strides = array<i32>} : memref<32x128xf32, #tpu.memory_space<vmem>>, vector<1x16xf32>,
    %swap3A_551 = vector.shape_cast %swap3A_550 : vector<1x16xf32> to vector<16xf32>
    %swap3A_552 = vector.shape_cast %broadcast_in_dim3A_67 : vector<16xf32> to vector<1x16xf32>
    tpu.vector_store %arg11[%swap3A_548, %swap3A_549], %swap3A_552 {strides = array<i32>} : memref<32x128xf32, #tpu.memory_space<vmem>>, vector<1x16xf32>,
    %swap3A_553 = arith.constant 5 : i32
    %swap3A_554 = arith.index_cast %swap3A_553 : i32 to index
    %swap3A_555 = arith.constant 16 : index
    %swap3A_556 = tpu.vector_load %arg11[%swap3A_554, %swap3A_555] {strides = array<i32>} : memref<32x128xf32, #tpu.memory_space<vmem>>, vector<1x16xf32>,
    %swap3A_557 = vector.shape_cast %swap3A_556 : vector<1x16xf32> to vector<16xf32>
    %swap3A_558 = vector.shape_cast %broadcast_in_dim3A_67 : vector<16xf32> to vector<1x16xf32>
    tpu.vector_store %arg11[%swap3A_554, %swap3A_555], %swap3A_558 {strides = array<i32>} : memref<32x128xf32, #tpu.memory_space<vmem>>, vector<1x16xf32>,
    %swap3A_559 = arith.constant 5 : i32
    %swap3A_560 = arith.index_cast %swap3A_559 : i32 to index
    %swap3A_561 = arith.constant 32 : index
    %swap3A_562 = tpu.vector_load %arg11[%swap3A_560, %swap3A_561] {strides = array<i32>} : memref<32x128xf32, #tpu.memory_space<vmem>>, vector<1x16xf32>,
    %swap3A_563 = vector.shape_cast %swap3A_562 : vector<1x16xf32> to vector<16xf32>
    %swap3A_564 = vector.shape_cast %broadcast_in_dim3A_67 : vector<16xf32> to vector<1x16xf32>
    tpu.vector_store %arg11[%swap3A_560, %swap3A_561], %swap3A_564 {strides = array<i32>} : memref<32x128xf32, #tpu.memory_space<vmem>>, vector<1x16xf32>,
    %swap3A_565 = arith.constant 5 : i32
    %swap3A_566 = arith.index_cast %swap3A_565 : i32 to index
    %swap3A_567 = arith.constant 48 : index
    %swap3A_568 = tpu.vector_load %arg11[%swap3A_566, %swap3A_567] {strides = array<i32>} : memref<32x128xf32, #tpu.memory_space<vmem>>, vector<1x16xf32>,
    %swap3A_569 = vector.shape_cast %swap3A_568 : vector<1x16xf32> to vector<16xf32>
    %swap3A_570 = vector.shape_cast %broadcast_in_dim3A_67 : vector<16xf32> to vector<1x16xf32>
    tpu.vector_store %arg11[%swap3A_566, %swap3A_567], %swap3A_570 {strides = array<i32>} : memref<32x128xf32, #tpu.memory_space<vmem>>, vector<1x16xf32>,
    %swap3A_571 = arith.constant 5 : i32
    %swap3A_572 = arith.index_cast %swap3A_571 : i32 to index
    %swap3A_573 = arith.constant 64 : index
    %swap3A_574 = tpu.vector_load %arg11[%swap3A_572, %swap3A_573] {strides = array<i32>} : memref<32x128xf32, #tpu.memory_space<vmem>>, vector<1x16xf32>,
    %swap3A_575 = vector.shape_cast %swap3A_574 : vector<1x16xf32> to vector<16xf32>
    %swap3A_576 = vector.shape_cast %broadcast_in_dim3A_67 : vector<16xf32> to vector<1x16xf32>
    tpu.vector_store %arg11[%swap3A_572, %swap3A_573], %swap3A_576 {strides = array<i32>} : memref<32x128xf32, #tpu.memory_space<vmem>>, vector<1x16xf32>,
    %swap3A_577 = arith.constant 5 : i32
    %swap3A_578 = arith.index_cast %swap3A_577 : i32 to index
    %swap3A_579 = arith.constant 80 : index
    %swap3A_580 = tpu.vector_load %arg11[%swap3A_578, %swap3A_579] {strides = array<i32>} : memref<32x128xf32, #tpu.memory_space<vmem>>, vector<1x16xf32>,
    %swap3A_581 = vector.shape_cast %swap3A_580 : vector<1x16xf32> to vector<16xf32>
    %swap3A_582 = vector.shape_cast %broadcast_in_dim3A_67 : vector<16xf32> to vector<1x16xf32>
    tpu.vector_store %arg11[%swap3A_578, %swap3A_579], %swap3A_582 {strides = array<i32>} : memref<32x128xf32, #tpu.memory_space<vmem>>, vector<1x16xf32>,
    %swap3A_583 = arith.constant 5 : i32
    %swap3A_584 = arith.index_cast %swap3A_583 : i32 to index
    %swap3A_585 = arith.constant 96 : index
    %swap3A_586 = tpu.vector_load %arg11[%swap3A_584, %swap3A_585] {strides = array<i32>} : memref<32x128xf32, #tpu.memory_space<vmem>>, vector<1x16xf32>,
    %swap3A_587 = vector.shape_cast %swap3A_586 : vector<1x16xf32> to vector<16xf32>
    %swap3A_588 = vector.shape_cast %broadcast_in_dim3A_67 : vector<16xf32> to vector<1x16xf32>
    tpu.vector_store %arg11[%swap3A_584, %swap3A_585], %swap3A_588 {strides = array<i32>} : memref<32x128xf32, #tpu.memory_space<vmem>>, vector<1x16xf32>,
    %swap3A_589 = arith.constant 5 : i32
    %swap3A_590 = arith.index_cast %swap3A_589 : i32 to index
    %swap3A_591 = arith.constant 112 : index
    %swap3A_592 = tpu.vector_load %arg11[%swap3A_590, %swap3A_591] {strides = array<i32>} : memref<32x128xf32, #tpu.memory_space<vmem>>, vector<1x16xf32>,
    %swap3A_593 = vector.shape_cast %swap3A_592 : vector<1x16xf32> to vector<16xf32>
    %swap3A_594 = vector.shape_cast %broadcast_in_dim3A_67 : vector<16xf32> to vector<1x16xf32>
    tpu.vector_store %arg11[%swap3A_590, %swap3A_591], %swap3A_594 {strides = array<i32>} : memref<32x128xf32, #tpu.memory_space<vmem>>, vector<1x16xf32>,
    %swap3A_595 = arith.constant 6 : i32
    %swap3A_596 = arith.index_cast %swap3A_595 : i32 to index
    %swap3A_597 = arith.constant 0 : index
    %swap3A_598 = tpu.vector_load %arg11[%swap3A_596, %swap3A_597] {strides = array<i32>} : memref<32x128xf32, #tpu.memory_space<vmem>>, vector<1x16xf32>,
    %swap3A_599 = vector.shape_cast %swap3A_598 : vector<1x16xf32> to vector<16xf32>
    %swap3A_600 = vector.shape_cast %broadcast_in_dim3A_67 : vector<16xf32> to vector<1x16xf32>
    tpu.vector_store %arg11[%swap3A_596, %swap3A_597], %swap3A_600 {strides = array<i32>} : memref<32x128xf32, #tpu.memory_space<vmem>>, vector<1x16xf32>,
    %swap3A_601 = arith.constant 6 : i32
    %swap3A_602 = arith.index_cast %swap3A_601 : i32 to index
    %swap3A_603 = arith.constant 16 : index
    %swap3A_604 = tpu.vector_load %arg11[%swap3A_602, %swap3A_603] {strides = array<i32>} : memref<32x128xf32, #tpu.memory_space<vmem>>, vector<1x16xf32>,
    %swap3A_605 = vector.shape_cast %swap3A_604 : vector<1x16xf32> to vector<16xf32>
    %swap3A_606 = vector.shape_cast %broadcast_in_dim3A_67 : vector<16xf32> to vector<1x16xf32>
    tpu.vector_store %arg11[%swap3A_602, %swap3A_603], %swap3A_606 {strides = array<i32>} : memref<32x128xf32, #tpu.memory_space<vmem>>, vector<1x16xf32>,
    %swap3A_607 = arith.constant 6 : i32
    %swap3A_608 = arith.index_cast %swap3A_607 : i32 to index
    %swap3A_609 = arith.constant 32 : index
    %swap3A_610 = tpu.vector_load %arg11[%swap3A_608, %swap3A_609] {strides = array<i32>} : memref<32x128xf32, #tpu.memory_space<vmem>>, vector<1x16xf32>,
    %swap3A_611 = vector.shape_cast %swap3A_610 : vector<1x16xf32> to vector<16xf32>
    %swap3A_612 = vector.shape_cast %broadcast_in_dim3A_67 : vector<16xf32> to vector<1x16xf32>
    tpu.vector_store %arg11[%swap3A_608, %swap3A_609], %swap3A_612 {strides = array<i32>} : memref<32x128xf32, #tpu.memory_space<vmem>>, vector<1x16xf32>,
    %swap3A_613 = arith.constant 6 : i32
    %swap3A_614 = arith.index_cast %swap3A_613 : i32 to index
    %swap3A_615 = arith.constant 48 : index
    %swap3A_616 = tpu.vector_load %arg11[%swap3A_614, %swap3A_615] {strides = array<i32>} : memref<32x128xf32, #tpu.memory_space<vmem>>, vector<1x16xf32>,
    %swap3A_617 = vector.shape_cast %swap3A_616 : vector<1x16xf32> to vector<16xf32>
    %swap3A_618 = vector.shape_cast %broadcast_in_dim3A_67 : vector<16xf32> to vector<1x16xf32>
    tpu.vector_store %arg11[%swap3A_614, %swap3A_615], %swap3A_618 {strides = array<i32>} : memref<32x128xf32, #tpu.memory_space<vmem>>, vector<1x16xf32>,
    %swap3A_619 = arith.constant 6 : i32
    %swap3A_620 = arith.index_cast %swap3A_619 : i32 to index
    %swap3A_621 = arith.constant 64 : index
    %swap3A_622 = tpu.vector_load %arg11[%swap3A_620, %swap3A_621] {strides = array<i32>} : memref<32x128xf32, #tpu.memory_space<vmem>>, vector<1x16xf32>,
    %swap3A_623 = vector.shape_cast %swap3A_622 : vector<1x16xf32> to vector<16xf32>
    %swap3A_624 = vector.shape_cast %broadcast_in_dim3A_67 : vector<16xf32> to vector<1x16xf32>
    tpu.vector_store %arg11[%swap3A_620, %swap3A_621], %swap3A_624 {strides = array<i32>} : memref<32x128xf32, #tpu.memory_space<vmem>>, vector<1x16xf32>,
    %swap3A_625 = arith.constant 6 : i32
    %swap3A_626 = arith.index_cast %swap3A_625 : i32 to index
    %swap3A_627 = arith.constant 80 : index
    %swap3A_628 = tpu.vector_load %arg11[%swap3A_626, %swap3A_627] {strides = array<i32>} : memref<32x128xf32, #tpu.memory_space<vmem>>, vector<1x16xf32>,
    %swap3A_629 = vector.shape_cast %swap3A_628 : vector<1x16xf32> to vector<16xf32>
    %swap3A_630 = vector.shape_cast %broadcast_in_dim3A_67 : vector<16xf32> to vector<1x16xf32>
    tpu.vector_store %arg11[%swap3A_626, %swap3A_627], %swap3A_630 {strides = array<i32>} : memref<32x128xf32, #tpu.memory_space<vmem>>, vector<1x16xf32>,
    %swap3A_631 = arith.constant 6 : i32
    %swap3A_632 = arith.index_cast %swap3A_631 : i32 to index
    %swap3A_633 = arith.constant 96 : index
    %swap3A_634 = tpu.vector_load %arg11[%swap3A_632, %swap3A_633] {strides = array<i32>} : memref<32x128xf32, #tpu.memory_space<vmem>>, vector<1x16xf32>,
    %swap3A_635 = vector.shape_cast %swap3A_634 : vector<1x16xf32> to vector<16xf32>
    %swap3A_636 = vector.shape_cast %broadcast_in_dim3A_67 : vector<16xf32> to vector<1x16xf32>
    tpu.vector_store %arg11[%swap3A_632, %swap3A_633], %swap3A_636 {strides = array<i32>} : memref<32x128xf32, #tpu.memory_space<vmem>>, vector<1x16xf32>,
    %swap3A_637 = arith.constant 6 : i32
    %swap3A_638 = arith.index_cast %swap3A_637 : i32 to index
    %swap3A_639 = arith.constant 112 : index
    %swap3A_640 = tpu.vector_load %arg11[%swap3A_638, %swap3A_639] {strides = array<i32>} : memref<32x128xf32, #tpu.memory_space<vmem>>, vector<1x16xf32>,
    %swap3A_641 = vector.shape_cast %swap3A_640 : vector<1x16xf32> to vector<16xf32>
    %swap3A_642 = vector.shape_cast %broadcast_in_dim3A_67 : vector<16xf32> to vector<1x16xf32>
    tpu.vector_store %arg11[%swap3A_638, %swap3A_639], %swap3A_642 {strides = array<i32>} : memref<32x128xf32, #tpu.memory_space<vmem>>, vector<1x16xf32>,
    %swap3A_643 = arith.constant 7 : i32
    %swap3A_644 = arith.index_cast %swap3A_643 : i32 to index
    %swap3A_645 = arith.constant 0 : index
    %swap3A_646 = tpu.vector_load %arg11[%swap3A_644, %swap3A_645] {strides = array<i32>} : memref<32x128xf32, #tpu.memory_space<vmem>>, vector<1x16xf32>,
    %swap3A_647 = vector.shape_cast %swap3A_646 : vector<1x16xf32> to vector<16xf32>
    %swap3A_648 = vector.shape_cast %broadcast_in_dim3A_67 : vector<16xf32> to vector<1x16xf32>
    tpu.vector_store %arg11[%swap3A_644, %swap3A_645], %swap3A_648 {strides = array<i32>} : memref<32x128xf32, #tpu.memory_space<vmem>>, vector<1x16xf32>,
    %swap3A_649 = arith.constant 7 : i32
    %swap3A_650 = arith.index_cast %swap3A_649 : i32 to index
    %swap3A_651 = arith.constant 16 : index
    %swap3A_652 = tpu.vector_load %arg11[%swap3A_650, %swap3A_651] {strides = array<i32>} : memref<32x128xf32, #tpu.memory_space<vmem>>, vector<1x16xf32>,
    %swap3A_653 = vector.shape_cast %swap3A_652 : vector<1x16xf32> to vector<16xf32>
    %swap3A_654 = vector.shape_cast %broadcast_in_dim3A_67 : vector<16xf32> to vector<1x16xf32>
    tpu.vector_store %arg11[%swap3A_650, %swap3A_651], %swap3A_654 {strides = array<i32>} : memref<32x128xf32, #tpu.memory_space<vmem>>, vector<1x16xf32>,
    %swap3A_655 = arith.constant 7 : i32
    %swap3A_656 = arith.index_cast %swap3A_655 : i32 to index
    %swap3A_657 = arith.constant 32 : index
    %swap3A_658 = tpu.vector_load %arg11[%swap3A_656, %swap3A_657] {strides = array<i32>} : memref<32x128xf32, #tpu.memory_space<vmem>>, vector<1x16xf32>,
    %swap3A_659 = vector.shape_cast %swap3A_658 : vector<1x16xf32> to vector<16xf32>
    %swap3A_660 = vector.shape_cast %broadcast_in_dim3A_67 : vector<16xf32> to vector<1x16xf32>
    tpu.vector_store %arg11[%swap3A_656, %swap3A_657], %swap3A_660 {strides = array<i32>} : memref<32x128xf32, #tpu.memory_space<vmem>>, vector<1x16xf32>,
    %swap3A_661 = arith.constant 7 : i32
    %swap3A_662 = arith.index_cast %swap3A_661 : i32 to index
    %swap3A_663 = arith.constant 48 : index
    %swap3A_664 = tpu.vector_load %arg11[%swap3A_662, %swap3A_663] {strides = array<i32>} : memref<32x128xf32, #tpu.memory_space<vmem>>, vector<1x16xf32>,
    %swap3A_665 = vector.shape_cast %swap3A_664 : vector<1x16xf32> to vector<16xf32>
    %swap3A_666 = vector.shape_cast %broadcast_in_dim3A_67 : vector<16xf32> to vector<1x16xf32>
    tpu.vector_store %arg11[%swap3A_662, %swap3A_663], %swap3A_666 {strides = array<i32>} : memref<32x128xf32, #tpu.memory_space<vmem>>, vector<1x16xf32>,
    %swap3A_667 = arith.constant 7 : i32
    %swap3A_668 = arith.index_cast %swap3A_667 : i32 to index
    %swap3A_669 = arith.constant 64 : index
    %swap3A_670 = tpu.vector_load %arg11[%swap3A_668, %swap3A_669] {strides = array<i32>} : memref<32x128xf32, #tpu.memory_space<vmem>>, vector<1x16xf32>,
    %swap3A_671 = vector.shape_cast %swap3A_670 : vector<1x16xf32> to vector<16xf32>
    %swap3A_672 = vector.shape_cast %broadcast_in_dim3A_67 : vector<16xf32> to vector<1x16xf32>
    tpu.vector_store %arg11[%swap3A_668, %swap3A_669], %swap3A_672 {strides = array<i32>} : memref<32x128xf32, #tpu.memory_space<vmem>>, vector<1x16xf32>,
    %swap3A_673 = arith.constant 7 : i32
    %swap3A_674 = arith.index_cast %swap3A_673 : i32 to index
    %swap3A_675 = arith.constant 80 : index
    %swap3A_676 = tpu.vector_load %arg11[%swap3A_674, %swap3A_675] {strides = array<i32>} : memref<32x128xf32, #tpu.memory_space<vmem>>, vector<1x16xf32>,
    %swap3A_677 = vector.shape_cast %swap3A_676 : vector<1x16xf32> to vector<16xf32>
    %swap3A_678 = vector.shape_cast %broadcast_in_dim3A_67 : vector<16xf32> to vector<1x16xf32>
    tpu.vector_store %arg11[%swap3A_674, %swap3A_675], %swap3A_678 {strides = array<i32>} : memref<32x128xf32, #tpu.memory_space<vmem>>, vector<1x16xf32>,
    %swap3A_679 = arith.constant 7 : i32
    %swap3A_680 = arith.index_cast %swap3A_679 : i32 to index
    %swap3A_681 = arith.constant 96 : index
    %swap3A_682 = tpu.vector_load %arg11[%swap3A_680, %swap3A_681] {strides = array<i32>} : memref<32x128xf32, #tpu.memory_space<vmem>>, vector<1x16xf32>,
    %swap3A_683 = vector.shape_cast %swap3A_682 : vector<1x16xf32> to vector<16xf32>
    %swap3A_684 = vector.shape_cast %broadcast_in_dim3A_67 : vector<16xf32> to vector<1x16xf32>
    tpu.vector_store %arg11[%swap3A_680, %swap3A_681], %swap3A_684 {strides = array<i32>} : memref<32x128xf32, #tpu.memory_space<vmem>>, vector<1x16xf32>,
    %swap3A_685 = arith.constant 7 : i32
    %swap3A_686 = arith.index_cast %swap3A_685 : i32 to index
    %swap3A_687 = arith.constant 112 : index
    %swap3A_688 = tpu.vector_load %arg11[%swap3A_686, %swap3A_687] {strides = array<i32>} : memref<32x128xf32, #tpu.memory_space<vmem>>, vector<1x16xf32>,
    %swap3A_689 = vector.shape_cast %swap3A_688 : vector<1x16xf32> to vector<16xf32>
    %swap3A_690 = vector.shape_cast %broadcast_in_dim3A_67 : vector<16xf32> to vector<1x16xf32>
    tpu.vector_store %arg11[%swap3A_686, %swap3A_687], %swap3A_690 {strides = array<i32>} : memref<32x128xf32, #tpu.memory_space<vmem>>, vector<1x16xf32>,
    %swap3A_691 = arith.constant 8 : i32
    %swap3A_692 = arith.index_cast %swap3A_691 : i32 to index
    %swap3A_693 = arith.constant 0 : index
    %swap3A_694 = tpu.vector_load %arg11[%swap3A_692, %swap3A_693] {strides = array<i32>} : memref<32x128xf32, #tpu.memory_space<vmem>>, vector<1x16xf32>,
    %swap3A_695 = vector.shape_cast %swap3A_694 : vector<1x16xf32> to vector<16xf32>
    %swap3A_696 = vector.shape_cast %broadcast_in_dim3A_67 : vector<16xf32> to vector<1x16xf32>
    tpu.vector_store %arg11[%swap3A_692, %swap3A_693], %swap3A_696 {strides = array<i32>} : memref<32x128xf32, #tpu.memory_space<vmem>>, vector<1x16xf32>,
    %swap3A_697 = arith.constant 8 : i32
    %swap3A_698 = arith.index_cast %swap3A_697 : i32 to index
    %swap3A_699 = arith.constant 16 : index
    %swap3A_700 = tpu.vector_load %arg11[%swap3A_698, %swap3A_699] {strides = array<i32>} : memref<32x128xf32, #tpu.memory_space<vmem>>, vector<1x16xf32>,
    %swap3A_701 = vector.shape_cast %swap3A_700 : vector<1x16xf32> to vector<16xf32>
    %swap3A_702 = vector.shape_cast %broadcast_in_dim3A_67 : vector<16xf32> to vector<1x16xf32>
    tpu.vector_store %arg11[%swap3A_698, %swap3A_699], %swap3A_702 {strides = array<i32>} : memref<32x128xf32, #tpu.memory_space<vmem>>, vector<1x16xf32>,
    %swap3A_703 = arith.constant 8 : i32
    %swap3A_704 = arith.index_cast %swap3A_703 : i32 to index
    %swap3A_705 = arith.constant 32 : index
    %swap3A_706 = tpu.vector_load %arg11[%swap3A_704, %swap3A_705] {strides = array<i32>} : memref<32x128xf32, #tpu.memory_space<vmem>>, vector<1x16xf32>,
    %swap3A_707 = vector.shape_cast %swap3A_706 : vector<1x16xf32> to vector<16xf32>
    %swap3A_708 = vector.shape_cast %broadcast_in_dim3A_67 : vector<16xf32> to vector<1x16xf32>
    tpu.vector_store %arg11[%swap3A_704, %swap3A_705], %swap3A_708 {strides = array<i32>} : memref<32x128xf32, #tpu.memory_space<vmem>>, vector<1x16xf32>,
    %swap3A_709 = arith.constant 8 : i32
    %swap3A_710 = arith.index_cast %swap3A_709 : i32 to index
    %swap3A_711 = arith.constant 48 : index
    %swap3A_712 = tpu.vector_load %arg11[%swap3A_710, %swap3A_711] {strides = array<i32>} : memref<32x128xf32, #tpu.memory_space<vmem>>, vector<1x16xf32>,
    %swap3A_713 = vector.shape_cast %swap3A_712 : vector<1x16xf32> to vector<16xf32>
    %swap3A_714 = vector.shape_cast %broadcast_in_dim3A_67 : vector<16xf32> to vector<1x16xf32>
    tpu.vector_store %arg11[%swap3A_710, %swap3A_711], %swap3A_714 {strides = array<i32>} : memref<32x128xf32, #tpu.memory_space<vmem>>, vector<1x16xf32>,
    %swap3A_715 = arith.constant 8 : i32
    %swap3A_716 = arith.index_cast %swap3A_715 : i32 to index
    %swap3A_717 = arith.constant 64 : index
    %swap3A_718 = tpu.vector_load %arg11[%swap3A_716, %swap3A_717] {strides = array<i32>} : memref<32x128xf32, #tpu.memory_space<vmem>>, vector<1x16xf32>,
    %swap3A_719 = vector.shape_cast %swap3A_718 : vector<1x16xf32> to vector<16xf32>
    %swap3A_720 = vector.shape_cast %broadcast_in_dim3A_67 : vector<16xf32> to vector<1x16xf32>
    tpu.vector_store %arg11[%swap3A_716, %swap3A_717], %swap3A_720 {strides = array<i32>} : memref<32x128xf32, #tpu.memory_space<vmem>>, vector<1x16xf32>,
    %swap3A_721 = arith.constant 8 : i32
    %swap3A_722 = arith.index_cast %swap3A_721 : i32 to index
    %swap3A_723 = arith.constant 80 : index
    %swap3A_724 = tpu.vector_load %arg11[%swap3A_722, %swap3A_723] {strides = array<i32>} : memref<32x128xf32, #tpu.memory_space<vmem>>, vector<1x16xf32>,
    %swap3A_725 = vector.shape_cast %swap3A_724 : vector<1x16xf32> to vector<16xf32>
    %swap3A_726 = vector.shape_cast %broadcast_in_dim3A_67 : vector<16xf32> to vector<1x16xf32>
    tpu.vector_store %arg11[%swap3A_722, %swap3A_723], %swap3A_726 {strides = array<i32>} : memref<32x128xf32, #tpu.memory_space<vmem>>, vector<1x16xf32>,
    %swap3A_727 = arith.constant 8 : i32
    %swap3A_728 = arith.index_cast %swap3A_727 : i32 to index
    %swap3A_729 = arith.constant 96 : index
    %swap3A_730 = tpu.vector_load %arg11[%swap3A_728, %swap3A_729] {strides = array<i32>} : memref<32x128xf32, #tpu.memory_space<vmem>>, vector<1x16xf32>,
    %swap3A_731 = vector.shape_cast %swap3A_730 : vector<1x16xf32> to vector<16xf32>
    %swap3A_732 = vector.shape_cast %broadcast_in_dim3A_67 : vector<16xf32> to vector<1x16xf32>
    tpu.vector_store %arg11[%swap3A_728, %swap3A_729], %swap3A_732 {strides = array<i32>} : memref<32x128xf32, #tpu.memory_space<vmem>>, vector<1x16xf32>,
    %swap3A_733 = arith.constant 8 : i32
    %swap3A_734 = arith.index_cast %swap3A_733 : i32 to index
    %swap3A_735 = arith.constant 112 : index
    %swap3A_736 = tpu.vector_load %arg11[%swap3A_734, %swap3A_735] {strides = array<i32>} : memref<32x128xf32, #tpu.memory_space<vmem>>, vector<1x16xf32>,
    %swap3A_737 = vector.shape_cast %swap3A_736 : vector<1x16xf32> to vector<16xf32>
    %swap3A_738 = vector.shape_cast %broadcast_in_dim3A_67 : vector<16xf32> to vector<1x16xf32>
    tpu.vector_store %arg11[%swap3A_734, %swap3A_735], %swap3A_738 {strides = array<i32>} : memref<32x128xf32, #tpu.memory_space<vmem>>, vector<1x16xf32>,
    %swap3A_739 = arith.constant 9 : i32
    %swap3A_740 = arith.index_cast %swap3A_739 : i32 to index
    %swap3A_741 = arith.constant 0 : index
    %swap3A_742 = tpu.vector_load %arg11[%swap3A_740, %swap3A_741] {strides = array<i32>} : memref<32x128xf32, #tpu.memory_space<vmem>>, vector<1x16xf32>,
    %swap3A_743 = vector.shape_cast %swap3A_742 : vector<1x16xf32> to vector<16xf32>
    %swap3A_744 = vector.shape_cast %broadcast_in_dim3A_67 : vector<16xf32> to vector<1x16xf32>
    tpu.vector_store %arg11[%swap3A_740, %swap3A_741], %swap3A_744 {strides = array<i32>} : memref<32x128xf32, #tpu.memory_space<vmem>>, vector<1x16xf32>,
    %swap3A_745 = arith.constant 9 : i32
    %swap3A_746 = arith.index_cast %swap3A_745 : i32 to index
    %swap3A_747 = arith.constant 16 : index
    %swap3A_748 = tpu.vector_load %arg11[%swap3A_746, %swap3A_747] {strides = array<i32>} : memref<32x128xf32, #tpu.memory_space<vmem>>, vector<1x16xf32>,
    %swap3A_749 = vector.shape_cast %swap3A_748 : vector<1x16xf32> to vector<16xf32>
    %swap3A_750 = vector.shape_cast %broadcast_in_dim3A_67 : vector<16xf32> to vector<1x16xf32>
    tpu.vector_store %arg11[%swap3A_746, %swap3A_747], %swap3A_750 {strides = array<i32>} : memref<32x128xf32, #tpu.memory_space<vmem>>, vector<1x16xf32>,
    %swap3A_751 = arith.constant 9 : i32
    %swap3A_752 = arith.index_cast %swap3A_751 : i32 to index
    %swap3A_753 = arith.constant 32 : index
    %swap3A_754 = tpu.vector_load %arg11[%swap3A_752, %swap3A_753] {strides = array<i32>} : memref<32x128xf32, #tpu.memory_space<vmem>>, vector<1x16xf32>,
    %swap3A_755 = vector.shape_cast %swap3A_754 : vector<1x16xf32> to vector<16xf32>
    %swap3A_756 = vector.shape_cast %broadcast_in_dim3A_67 : vector<16xf32> to vector<1x16xf32>
    tpu.vector_store %arg11[%swap3A_752, %swap3A_753], %swap3A_756 {strides = array<i32>} : memref<32x128xf32, #tpu.memory_space<vmem>>, vector<1x16xf32>,
    %swap3A_757 = arith.constant 9 : i32
    %swap3A_758 = arith.index_cast %swap3A_757 : i32 to index
    %swap3A_759 = arith.constant 48 : index
    %swap3A_760 = tpu.vector_load %arg11[%swap3A_758, %swap3A_759] {strides = array<i32>} : memref<32x128xf32, #tpu.memory_space<vmem>>, vector<1x16xf32>,
    %swap3A_761 = vector.shape_cast %swap3A_760 : vector<1x16xf32> to vector<16xf32>
    %swap3A_762 = vector.shape_cast %broadcast_in_dim3A_67 : vector<16xf32> to vector<1x16xf32>
    tpu.vector_store %arg11[%swap3A_758, %swap3A_759], %swap3A_762 {strides = array<i32>} : memref<32x128xf32, #tpu.memory_space<vmem>>, vector<1x16xf32>,
    %swap3A_763 = arith.constant 9 : i32
    %swap3A_764 = arith.index_cast %swap3A_763 : i32 to index
    %swap3A_765 = arith.constant 64 : index
    %swap3A_766 = tpu.vector_load %arg11[%swap3A_764, %swap3A_765] {strides = array<i32>} : memref<32x128xf32, #tpu.memory_space<vmem>>, vector<1x16xf32>,
    %swap3A_767 = vector.shape_cast %swap3A_766 : vector<1x16xf32> to vector<16xf32>
    %swap3A_768 = vector.shape_cast %broadcast_in_dim3A_67 : vector<16xf32> to vector<1x16xf32>
    tpu.vector_store %arg11[%swap3A_764, %swap3A_765], %swap3A_768 {strides = array<i32>} : memref<32x128xf32, #tpu.memory_space<vmem>>, vector<1x16xf32>,
    %swap3A_769 = arith.constant 9 : i32
    %swap3A_770 = arith.index_cast %swap3A_769 : i32 to index
    %swap3A_771 = arith.constant 80 : index
    %swap3A_772 = tpu.vector_load %arg11[%swap3A_770, %swap3A_771] {strides = array<i32>} : memref<32x128xf32, #tpu.memory_space<vmem>>, vector<1x16xf32>,
    %swap3A_773 = vector.shape_cast %swap3A_772 : vector<1x16xf32> to vector<16xf32>
    %swap3A_774 = vector.shape_cast %broadcast_in_dim3A_67 : vector<16xf32> to vector<1x16xf32>
    tpu.vector_store %arg11[%swap3A_770, %swap3A_771], %swap3A_774 {strides = array<i32>} : memref<32x128xf32, #tpu.memory_space<vmem>>, vector<1x16xf32>,
    %swap3A_775 = arith.constant 9 : i32
    %swap3A_776 = arith.index_cast %swap3A_775 : i32 to index
    %swap3A_777 = arith.constant 96 : index
    %swap3A_778 = tpu.vector_load %arg11[%swap3A_776, %swap3A_777] {strides = array<i32>} : memref<32x128xf32, #tpu.memory_space<vmem>>, vector<1x16xf32>,
    %swap3A_779 = vector.shape_cast %swap3A_778 : vector<1x16xf32> to vector<16xf32>
    %swap3A_780 = vector.shape_cast %broadcast_in_dim3A_67 : vector<16xf32> to vector<1x16xf32>
    tpu.vector_store %arg11[%swap3A_776, %swap3A_777], %swap3A_780 {strides = array<i32>} : memref<32x128xf32, #tpu.memory_space<vmem>>, vector<1x16xf32>,
    %swap3A_781 = arith.constant 9 : i32
    %swap3A_782 = arith.index_cast %swap3A_781 : i32 to index
    %swap3A_783 = arith.constant 112 : index
    %swap3A_784 = tpu.vector_load %arg11[%swap3A_782, %swap3A_783] {strides = array<i32>} : memref<32x128xf32, #tpu.memory_space<vmem>>, vector<1x16xf32>,
    %swap3A_785 = vector.shape_cast %swap3A_784 : vector<1x16xf32> to vector<16xf32>
    %swap3A_786 = vector.shape_cast %broadcast_in_dim3A_67 : vector<16xf32> to vector<1x16xf32>
    tpu.vector_store %arg11[%swap3A_782, %swap3A_783], %swap3A_786 {strides = array<i32>} : memref<32x128xf32, #tpu.memory_space<vmem>>, vector<1x16xf32>,
    %swap3A_787 = arith.constant 10 : i32
    %swap3A_788 = arith.index_cast %swap3A_787 : i32 to index
    %swap3A_789 = arith.constant 0 : index
    %swap3A_790 = tpu.vector_load %arg11[%swap3A_788, %swap3A_789] {strides = array<i32>} : memref<32x128xf32, #tpu.memory_space<vmem>>, vector<1x16xf32>,
    %swap3A_791 = vector.shape_cast %swap3A_790 : vector<1x16xf32> to vector<16xf32>
    %swap3A_792 = vector.shape_cast %broadcast_in_dim3A_67 : vector<16xf32> to vector<1x16xf32>
    tpu.vector_store %arg11[%swap3A_788, %swap3A_789], %swap3A_792 {strides = array<i32>} : memref<32x128xf32, #tpu.memory_space<vmem>>, vector<1x16xf32>,
    %swap3A_793 = arith.constant 10 : i32
    %swap3A_794 = arith.index_cast %swap3A_793 : i32 to index
    %swap3A_795 = arith.constant 16 : index
    %swap3A_796 = tpu.vector_load %arg11[%swap3A_794, %swap3A_795] {strides = array<i32>} : memref<32x128xf32, #tpu.memory_space<vmem>>, vector<1x16xf32>,
    %swap3A_797 = vector.shape_cast %swap3A_796 : vector<1x16xf32> to vector<16xf32>
    %swap3A_798 = vector.shape_cast %broadcast_in_dim3A_67 : vector<16xf32> to vector<1x16xf32>
    tpu.vector_store %arg11[%swap3A_794, %swap3A_795], %swap3A_798 {strides = array<i32>} : memref<32x128xf32, #tpu.memory_space<vmem>>, vector<1x16xf32>,
    %swap3A_799 = arith.constant 10 : i32
    %swap3A_800 = arith.index_cast %swap3A_799 : i32 to index
    %swap3A_801 = arith.constant 32 : index
    %swap3A_802 = tpu.vector_load %arg11[%swap3A_800, %swap3A_801] {strides = array<i32>} : memref<32x128xf32, #tpu.memory_space<vmem>>, vector<1x16xf32>,
    %swap3A_803 = vector.shape_cast %swap3A_802 : vector<1x16xf32> to vector<16xf32>
    %swap3A_804 = vector.shape_cast %broadcast_in_dim3A_67 : vector<16xf32> to vector<1x16xf32>
    tpu.vector_store %arg11[%swap3A_800, %swap3A_801], %swap3A_804 {strides = array<i32>} : memref<32x128xf32, #tpu.memory_space<vmem>>, vector<1x16xf32>,
    %swap3A_805 = arith.constant 10 : i32
    %swap3A_806 = arith.index_cast %swap3A_805 : i32 to index
    %swap3A_807 = arith.constant 48 : index
    %swap3A_808 = tpu.vector_load %arg11[%swap3A_806, %swap3A_807] {strides = array<i32>} : memref<32x128xf32, #tpu.memory_space<vmem>>, vector<1x16xf32>,
    %swap3A_809 = vector.shape_cast %swap3A_808 : vector<1x16xf32> to vector<16xf32>
    %swap3A_810 = vector.shape_cast %broadcast_in_dim3A_67 : vector<16xf32> to vector<1x16xf32>
    tpu.vector_store %arg11[%swap3A_806, %swap3A_807], %swap3A_810 {strides = array<i32>} : memref<32x128xf32, #tpu.memory_space<vmem>>, vector<1x16xf32>,
    %swap3A_811 = arith.constant 10 : i32
    %swap3A_812 = arith.index_cast %swap3A_811 : i32 to index
    %swap3A_813 = arith.constant 64 : index
    %swap3A_814 = tpu.vector_load %arg11[%swap3A_812, %swap3A_813] {strides = array<i32>} : memref<32x128xf32, #tpu.memory_space<vmem>>, vector<1x16xf32>,
    %swap3A_815 = vector.shape_cast %swap3A_814 : vector<1x16xf32> to vector<16xf32>
    %swap3A_816 = vector.shape_cast %broadcast_in_dim3A_67 : vector<16xf32> to vector<1x16xf32>
    tpu.vector_store %arg11[%swap3A_812, %swap3A_813], %swap3A_816 {strides = array<i32>} : memref<32x128xf32, #tpu.memory_space<vmem>>, vector<1x16xf32>,
    %swap3A_817 = arith.constant 10 : i32
    %swap3A_818 = arith.index_cast %swap3A_817 : i32 to index
    %swap3A_819 = arith.constant 80 : index
    %swap3A_820 = tpu.vector_load %arg11[%swap3A_818, %swap3A_819] {strides = array<i32>} : memref<32x128xf32, #tpu.memory_space<vmem>>, vector<1x16xf32>,
    %swap3A_821 = vector.shape_cast %swap3A_820 : vector<1x16xf32> to vector<16xf32>
    %swap3A_822 = vector.shape_cast %broadcast_in_dim3A_67 : vector<16xf32> to vector<1x16xf32>
    tpu.vector_store %arg11[%swap3A_818, %swap3A_819], %swap3A_822 {strides = array<i32>} : memref<32x128xf32, #tpu.memory_space<vmem>>, vector<1x16xf32>,
    %swap3A_823 = arith.constant 10 : i32
    %swap3A_824 = arith.index_cast %swap3A_823 : i32 to index
    %swap3A_825 = arith.constant 96 : index
    %swap3A_826 = tpu.vector_load %arg11[%swap3A_824, %swap3A_825] {strides = array<i32>} : memref<32x128xf32, #tpu.memory_space<vmem>>, vector<1x16xf32>,
    %swap3A_827 = vector.shape_cast %swap3A_826 : vector<1x16xf32> to vector<16xf32>
    %swap3A_828 = vector.shape_cast %broadcast_in_dim3A_67 : vector<16xf32> to vector<1x16xf32>
    tpu.vector_store %arg11[%swap3A_824, %swap3A_825], %swap3A_828 {strides = array<i32>} : memref<32x128xf32, #tpu.memory_space<vmem>>, vector<1x16xf32>,
    %swap3A_829 = arith.constant 10 : i32
    %swap3A_830 = arith.index_cast %swap3A_829 : i32 to index
    %swap3A_831 = arith.constant 112 : index
    %swap3A_832 = tpu.vector_load %arg11[%swap3A_830, %swap3A_831] {strides = array<i32>} : memref<32x128xf32, #tpu.memory_space<vmem>>, vector<1x16xf32>,
    %swap3A_833 = vector.shape_cast %swap3A_832 : vector<1x16xf32> to vector<16xf32>
    %swap3A_834 = vector.shape_cast %broadcast_in_dim3A_67 : vector<16xf32> to vector<1x16xf32>
    tpu.vector_store %arg11[%swap3A_830, %swap3A_831], %swap3A_834 {strides = array<i32>} : memref<32x128xf32, #tpu.memory_space<vmem>>, vector<1x16xf32>,
    %swap3A_835 = arith.constant 11 : i32
    %swap3A_836 = arith.index_cast %swap3A_835 : i32 to index
    %swap3A_837 = arith.constant 0 : index
    %swap3A_838 = tpu.vector_load %arg11[%swap3A_836, %swap3A_837] {strides = array<i32>} : memref<32x128xf32, #tpu.memory_space<vmem>>, vector<1x16xf32>,
    %swap3A_839 = vector.shape_cast %swap3A_838 : vector<1x16xf32> to vector<16xf32>
    %swap3A_840 = vector.shape_cast %broadcast_in_dim3A_67 : vector<16xf32> to vector<1x16xf32>
    tpu.vector_store %arg11[%swap3A_836, %swap3A_837], %swap3A_840 {strides = array<i32>} : memref<32x128xf32, #tpu.memory_space<vmem>>, vector<1x16xf32>,
    %swap3A_841 = arith.constant 11 : i32
    %swap3A_842 = arith.index_cast %swap3A_841 : i32 to index
    %swap3A_843 = arith.constant 16 : index
    %swap3A_844 = tpu.vector_load %arg11[%swap3A_842, %swap3A_843] {strides = array<i32>} : memref<32x128xf32, #tpu.memory_space<vmem>>, vector<1x16xf32>,
    %swap3A_845 = vector.shape_cast %swap3A_844 : vector<1x16xf32> to vector<16xf32>
    %swap3A_846 = vector.shape_cast %broadcast_in_dim3A_67 : vector<16xf32> to vector<1x16xf32>
    tpu.vector_store %arg11[%swap3A_842, %swap3A_843], %swap3A_846 {strides = array<i32>} : memref<32x128xf32, #tpu.memory_space<vmem>>, vector<1x16xf32>,
    %swap3A_847 = arith.constant 11 : i32
    %swap3A_848 = arith.index_cast %swap3A_847 : i32 to index
    %swap3A_849 = arith.constant 32 : index
    %swap3A_850 = tpu.vector_load %arg11[%swap3A_848, %swap3A_849] {strides = array<i32>} : memref<32x128xf32, #tpu.memory_space<vmem>>, vector<1x16xf32>,
    %swap3A_851 = vector.shape_cast %swap3A_850 : vector<1x16xf32> to vector<16xf32>
    %swap3A_852 = vector.shape_cast %broadcast_in_dim3A_67 : vector<16xf32> to vector<1x16xf32>
    tpu.vector_store %arg11[%swap3A_848, %swap3A_849], %swap3A_852 {strides = array<i32>} : memref<32x128xf32, #tpu.memory_space<vmem>>, vector<1x16xf32>,
    %swap3A_853 = arith.constant 11 : i32
    %swap3A_854 = arith.index_cast %swap3A_853 : i32 to index
    %swap3A_855 = arith.constant 48 : index
    %swap3A_856 = tpu.vector_load %arg11[%swap3A_854, %swap3A_855] {strides = array<i32>} : memref<32x128xf32, #tpu.memory_space<vmem>>, vector<1x16xf32>,
    %swap3A_857 = vector.shape_cast %swap3A_856 : vector<1x16xf32> to vector<16xf32>
    %swap3A_858 = vector.shape_cast %broadcast_in_dim3A_67 : vector<16xf32> to vector<1x16xf32>
    tpu.vector_store %arg11[%swap3A_854, %swap3A_855], %swap3A_858 {strides = array<i32>} : memref<32x128xf32, #tpu.memory_space<vmem>>, vector<1x16xf32>,
    %swap3A_859 = arith.constant 11 : i32
    %swap3A_860 = arith.index_cast %swap3A_859 : i32 to index
    %swap3A_861 = arith.constant 64 : index
    %swap3A_862 = tpu.vector_load %arg11[%swap3A_860, %swap3A_861] {strides = array<i32>} : memref<32x128xf32, #tpu.memory_space<vmem>>, vector<1x16xf32>,
    %swap3A_863 = vector.shape_cast %swap3A_862 : vector<1x16xf32> to vector<16xf32>
    %swap3A_864 = vector.shape_cast %broadcast_in_dim3A_67 : vector<16xf32> to vector<1x16xf32>
    tpu.vector_store %arg11[%swap3A_860, %swap3A_861], %swap3A_864 {strides = array<i32>} : memref<32x128xf32, #tpu.memory_space<vmem>>, vector<1x16xf32>,
    %swap3A_865 = arith.constant 11 : i32
    %swap3A_866 = arith.index_cast %swap3A_865 : i32 to index
    %swap3A_867 = arith.constant 80 : index
    %swap3A_868 = tpu.vector_load %arg11[%swap3A_866, %swap3A_867] {strides = array<i32>} : memref<32x128xf32, #tpu.memory_space<vmem>>, vector<1x16xf32>,
    %swap3A_869 = vector.shape_cast %swap3A_868 : vector<1x16xf32> to vector<16xf32>
    %swap3A_870 = vector.shape_cast %broadcast_in_dim3A_67 : vector<16xf32> to vector<1x16xf32>
    tpu.vector_store %arg11[%swap3A_866, %swap3A_867], %swap3A_870 {strides = array<i32>} : memref<32x128xf32, #tpu.memory_space<vmem>>, vector<1x16xf32>,
    %swap3A_871 = arith.constant 11 : i32
    %swap3A_872 = arith.index_cast %swap3A_871 : i32 to index
    %swap3A_873 = arith.constant 96 : index
    %swap3A_874 = tpu.vector_load %arg11[%swap3A_872, %swap3A_873] {strides = array<i32>} : memref<32x128xf32, #tpu.memory_space<vmem>>, vector<1x16xf32>,
    %swap3A_875 = vector.shape_cast %swap3A_874 : vector<1x16xf32> to vector<16xf32>
    %swap3A_876 = vector.shape_cast %broadcast_in_dim3A_67 : vector<16xf32> to vector<1x16xf32>
    tpu.vector_store %arg11[%swap3A_872, %swap3A_873], %swap3A_876 {strides = array<i32>} : memref<32x128xf32, #tpu.memory_space<vmem>>, vector<1x16xf32>,
    %swap3A_877 = arith.constant 11 : i32
    %swap3A_878 = arith.index_cast %swap3A_877 : i32 to index
    %swap3A_879 = arith.constant 112 : index
    %swap3A_880 = tpu.vector_load %arg11[%swap3A_878, %swap3A_879] {strides = array<i32>} : memref<32x128xf32, #tpu.memory_space<vmem>>, vector<1x16xf32>,
    %swap3A_881 = vector.shape_cast %swap3A_880 : vector<1x16xf32> to vector<16xf32>
    %swap3A_882 = vector.shape_cast %broadcast_in_dim3A_67 : vector<16xf32> to vector<1x16xf32>
    tpu.vector_store %arg11[%swap3A_878, %swap3A_879], %swap3A_882 {strides = array<i32>} : memref<32x128xf32, #tpu.memory_space<vmem>>, vector<1x16xf32>,
    %swap3A_883 = arith.constant 12 : i32
    %swap3A_884 = arith.index_cast %swap3A_883 : i32 to index
    %swap3A_885 = arith.constant 0 : index
    %swap3A_886 = tpu.vector_load %arg11[%swap3A_884, %swap3A_885] {strides = array<i32>} : memref<32x128xf32, #tpu.memory_space<vmem>>, vector<1x16xf32>,
    %swap3A_887 = vector.shape_cast %swap3A_886 : vector<1x16xf32> to vector<16xf32>
    %swap3A_888 = vector.shape_cast %broadcast_in_dim3A_67 : vector<16xf32> to vector<1x16xf32>
    tpu.vector_store %arg11[%swap3A_884, %swap3A_885], %swap3A_888 {strides = array<i32>} : memref<32x128xf32, #tpu.memory_space<vmem>>, vector<1x16xf32>,
    %swap3A_889 = arith.constant 12 : i32
    %swap3A_890 = arith.index_cast %swap3A_889 : i32 to index
    %swap3A_891 = arith.constant 16 : index
    %swap3A_892 = tpu.vector_load %arg11[%swap3A_890, %swap3A_891] {strides = array<i32>} : memref<32x128xf32, #tpu.memory_space<vmem>>, vector<1x16xf32>,
    %swap3A_893 = vector.shape_cast %swap3A_892 : vector<1x16xf32> to vector<16xf32>
    %swap3A_894 = vector.shape_cast %broadcast_in_dim3A_67 : vector<16xf32> to vector<1x16xf32>
    tpu.vector_store %arg11[%swap3A_890, %swap3A_891], %swap3A_894 {strides = array<i32>} : memref<32x128xf32, #tpu.memory_space<vmem>>, vector<1x16xf32>,
    %swap3A_895 = arith.constant 12 : i32
    %swap3A_896 = arith.index_cast %swap3A_895 : i32 to index
    %swap3A_897 = arith.constant 32 : index
    %swap3A_898 = tpu.vector_load %arg11[%swap3A_896, %swap3A_897] {strides = array<i32>} : memref<32x128xf32, #tpu.memory_space<vmem>>, vector<1x16xf32>,
    %swap3A_899 = vector.shape_cast %swap3A_898 : vector<1x16xf32> to vector<16xf32>
    %swap3A_900 = vector.shape_cast %broadcast_in_dim3A_67 : vector<16xf32> to vector<1x16xf32>
    tpu.vector_store %arg11[%swap3A_896, %swap3A_897], %swap3A_900 {strides = array<i32>} : memref<32x128xf32, #tpu.memory_space<vmem>>, vector<1x16xf32>,
    %swap3A_901 = arith.constant 12 : i32
    %swap3A_902 = arith.index_cast %swap3A_901 : i32 to index
    %swap3A_903 = arith.constant 48 : index
    %swap3A_904 = tpu.vector_load %arg11[%swap3A_902, %swap3A_903] {strides = array<i32>} : memref<32x128xf32, #tpu.memory_space<vmem>>, vector<1x16xf32>,
    %swap3A_905 = vector.shape_cast %swap3A_904 : vector<1x16xf32> to vector<16xf32>
    %swap3A_906 = vector.shape_cast %broadcast_in_dim3A_67 : vector<16xf32> to vector<1x16xf32>
    tpu.vector_store %arg11[%swap3A_902, %swap3A_903], %swap3A_906 {strides = array<i32>} : memref<32x128xf32, #tpu.memory_space<vmem>>, vector<1x16xf32>,
    %swap3A_907 = arith.constant 12 : i32
    %swap3A_908 = arith.index_cast %swap3A_907 : i32 to index
    %swap3A_909 = arith.constant 64 : index
    %swap3A_910 = tpu.vector_load %arg11[%swap3A_908, %swap3A_909] {strides = array<i32>} : memref<32x128xf32, #tpu.memory_space<vmem>>, vector<1x16xf32>,
    %swap3A_911 = vector.shape_cast %swap3A_910 : vector<1x16xf32> to vector<16xf32>
    %swap3A_912 = vector.shape_cast %broadcast_in_dim3A_67 : vector<16xf32> to vector<1x16xf32>
    tpu.vector_store %arg11[%swap3A_908, %swap3A_909], %swap3A_912 {strides = array<i32>} : memref<32x128xf32, #tpu.memory_space<vmem>>, vector<1x16xf32>,
    %swap3A_913 = arith.constant 12 : i32
    %swap3A_914 = arith.index_cast %swap3A_913 : i32 to index
    %swap3A_915 = arith.constant 80 : index
    %swap3A_916 = tpu.vector_load %arg11[%swap3A_914, %swap3A_915] {strides = array<i32>} : memref<32x128xf32, #tpu.memory_space<vmem>>, vector<1x16xf32>,
    %swap3A_917 = vector.shape_cast %swap3A_916 : vector<1x16xf32> to vector<16xf32>
    %swap3A_918 = vector.shape_cast %broadcast_in_dim3A_67 : vector<16xf32> to vector<1x16xf32>
    tpu.vector_store %arg11[%swap3A_914, %swap3A_915], %swap3A_918 {strides = array<i32>} : memref<32x128xf32, #tpu.memory_space<vmem>>, vector<1x16xf32>,
    %swap3A_919 = arith.constant 12 : i32
    %swap3A_920 = arith.index_cast %swap3A_919 : i32 to index
    %swap3A_921 = arith.constant 96 : index
    %swap3A_922 = tpu.vector_load %arg11[%swap3A_920, %swap3A_921] {strides = array<i32>} : memref<32x128xf32, #tpu.memory_space<vmem>>, vector<1x16xf32>,
    %swap3A_923 = vector.shape_cast %swap3A_922 : vector<1x16xf32> to vector<16xf32>
    %swap3A_924 = vector.shape_cast %broadcast_in_dim3A_67 : vector<16xf32> to vector<1x16xf32>
    tpu.vector_store %arg11[%swap3A_920, %swap3A_921], %swap3A_924 {strides = array<i32>} : memref<32x128xf32, #tpu.memory_space<vmem>>, vector<1x16xf32>,
    %swap3A_925 = arith.constant 12 : i32
    %swap3A_926 = arith.index_cast %swap3A_925 : i32 to index
    %swap3A_927 = arith.constant 112 : index
    %swap3A_928 = tpu.vector_load %arg11[%swap3A_926, %swap3A_927] {strides = array<i32>} : memref<32x128xf32, #tpu.memory_space<vmem>>, vector<1x16xf32>,
    %swap3A_929 = vector.shape_cast %swap3A_928 : vector<1x16xf32> to vector<16xf32>
    %swap3A_930 = vector.shape_cast %broadcast_in_dim3A_67 : vector<16xf32> to vector<1x16xf32>
    tpu.vector_store %arg11[%swap3A_926, %swap3A_927], %swap3A_930 {strides = array<i32>} : memref<32x128xf32, #tpu.memory_space<vmem>>, vector<1x16xf32>,
    %swap3A_931 = arith.constant 13 : i32
    %swap3A_932 = arith.index_cast %swap3A_931 : i32 to index
    %swap3A_933 = arith.constant 0 : index
    %swap3A_934 = tpu.vector_load %arg11[%swap3A_932, %swap3A_933] {strides = array<i32>} : memref<32x128xf32, #tpu.memory_space<vmem>>, vector<1x16xf32>,
    %swap3A_935 = vector.shape_cast %swap3A_934 : vector<1x16xf32> to vector<16xf32>
    %swap3A_936 = vector.shape_cast %broadcast_in_dim3A_67 : vector<16xf32> to vector<1x16xf32>
    tpu.vector_store %arg11[%swap3A_932, %swap3A_933], %swap3A_936 {strides = array<i32>} : memref<32x128xf32, #tpu.memory_space<vmem>>, vector<1x16xf32>,
    %swap3A_937 = arith.constant 13 : i32
    %swap3A_938 = arith.index_cast %swap3A_937 : i32 to index
    %swap3A_939 = arith.constant 16 : index
    %swap3A_940 = tpu.vector_load %arg11[%swap3A_938, %swap3A_939] {strides = array<i32>} : memref<32x128xf32, #tpu.memory_space<vmem>>, vector<1x16xf32>,
    %swap3A_941 = vector.shape_cast %swap3A_940 : vector<1x16xf32> to vector<16xf32>
    %swap3A_942 = vector.shape_cast %broadcast_in_dim3A_67 : vector<16xf32> to vector<1x16xf32>
    tpu.vector_store %arg11[%swap3A_938, %swap3A_939], %swap3A_942 {strides = array<i32>} : memref<32x128xf32, #tpu.memory_space<vmem>>, vector<1x16xf32>,
    %swap3A_943 = arith.constant 13 : i32
    %swap3A_944 = arith.index_cast %swap3A_943 : i32 to index
    %swap3A_945 = arith.constant 32 : index
    %swap3A_946 = tpu.vector_load %arg11[%swap3A_944, %swap3A_945] {strides = array<i32>} : memref<32x128xf32, #tpu.memory_space<vmem>>, vector<1x16xf32>,
    %swap3A_947 = vector.shape_cast %swap3A_946 : vector<1x16xf32> to vector<16xf32>
    %swap3A_948 = vector.shape_cast %broadcast_in_dim3A_67 : vector<16xf32> to vector<1x16xf32>
    tpu.vector_store %arg11[%swap3A_944, %swap3A_945], %swap3A_948 {strides = array<i32>} : memref<32x128xf32, #tpu.memory_space<vmem>>, vector<1x16xf32>,
    %swap3A_949 = arith.constant 13 : i32
    %swap3A_950 = arith.index_cast %swap3A_949 : i32 to index
    %swap3A_951 = arith.constant 48 : index
    %swap3A_952 = tpu.vector_load %arg11[%swap3A_950, %swap3A_951] {strides = array<i32>} : memref<32x128xf32, #tpu.memory_space<vmem>>, vector<1x16xf32>,
    %swap3A_953 = vector.shape_cast %swap3A_952 : vector<1x16xf32> to vector<16xf32>
    %swap3A_954 = vector.shape_cast %broadcast_in_dim3A_67 : vector<16xf32> to vector<1x16xf32>
    tpu.vector_store %arg11[%swap3A_950, %swap3A_951], %swap3A_954 {strides = array<i32>} : memref<32x128xf32, #tpu.memory_space<vmem>>, vector<1x16xf32>,
    %swap3A_955 = arith.constant 13 : i32
    %swap3A_956 = arith.index_cast %swap3A_955 : i32 to index
    %swap3A_957 = arith.constant 64 : index
    %swap3A_958 = tpu.vector_load %arg11[%swap3A_956, %swap3A_957] {strides = array<i32>} : memref<32x128xf32, #tpu.memory_space<vmem>>, vector<1x16xf32>,
    %swap3A_959 = vector.shape_cast %swap3A_958 : vector<1x16xf32> to vector<16xf32>
    %swap3A_960 = vector.shape_cast %broadcast_in_dim3A_67 : vector<16xf32> to vector<1x16xf32>
    tpu.vector_store %arg11[%swap3A_956, %swap3A_957], %swap3A_960 {strides = array<i32>} : memref<32x128xf32, #tpu.memory_space<vmem>>, vector<1x16xf32>,
    %swap3A_961 = arith.constant 13 : i32
    %swap3A_962 = arith.index_cast %swap3A_961 : i32 to index
    %swap3A_963 = arith.constant 80 : index
    %swap3A_964 = tpu.vector_load %arg11[%swap3A_962, %swap3A_963] {strides = array<i32>} : memref<32x128xf32, #tpu.memory_space<vmem>>, vector<1x16xf32>,
    %swap3A_965 = vector.shape_cast %swap3A_964 : vector<1x16xf32> to vector<16xf32>
    %swap3A_966 = vector.shape_cast %broadcast_in_dim3A_67 : vector<16xf32> to vector<1x16xf32>
    tpu.vector_store %arg11[%swap3A_962, %swap3A_963], %swap3A_966 {strides = array<i32>} : memref<32x128xf32, #tpu.memory_space<vmem>>, vector<1x16xf32>,
    %swap3A_967 = arith.constant 13 : i32
    %swap3A_968 = arith.index_cast %swap3A_967 : i32 to index
    %swap3A_969 = arith.constant 96 : index
    %swap3A_970 = tpu.vector_load %arg11[%swap3A_968, %swap3A_969] {strides = array<i32>} : memref<32x128xf32, #tpu.memory_space<vmem>>, vector<1x16xf32>,
    %swap3A_971 = vector.shape_cast %swap3A_970 : vector<1x16xf32> to vector<16xf32>
    %swap3A_972 = vector.shape_cast %broadcast_in_dim3A_67 : vector<16xf32> to vector<1x16xf32>
    tpu.vector_store %arg11[%swap3A_968, %swap3A_969], %swap3A_972 {strides = array<i32>} : memref<32x128xf32, #tpu.memory_space<vmem>>, vector<1x16xf32>,
    %swap3A_973 = arith.constant 13 : i32
    %swap3A_974 = arith.index_cast %swap3A_973 : i32 to index
    %swap3A_975 = arith.constant 112 : index
    %swap3A_976 = tpu.vector_load %arg11[%swap3A_974, %swap3A_975] {strides = array<i32>} : memref<32x128xf32, #tpu.memory_space<vmem>>, vector<1x16xf32>,
    %swap3A_977 = vector.shape_cast %swap3A_976 : vector<1x16xf32> to vector<16xf32>
    %swap3A_978 = vector.shape_cast %broadcast_in_dim3A_67 : vector<16xf32> to vector<1x16xf32>
    tpu.vector_store %arg11[%swap3A_974, %swap3A_975], %swap3A_978 {strides = array<i32>} : memref<32x128xf32, #tpu.memory_space<vmem>>, vector<1x16xf32>,
    %swap3A_979 = arith.constant 14 : i32
    %swap3A_980 = arith.index_cast %swap3A_979 : i32 to index
    %swap3A_981 = arith.constant 0 : index
    %swap3A_982 = tpu.vector_load %arg11[%swap3A_980, %swap3A_981] {strides = array<i32>} : memref<32x128xf32, #tpu.memory_space<vmem>>, vector<1x16xf32>,
    %swap3A_983 = vector.shape_cast %swap3A_982 : vector<1x16xf32> to vector<16xf32>
    %swap3A_984 = vector.shape_cast %broadcast_in_dim3A_67 : vector<16xf32> to vector<1x16xf32>
    tpu.vector_store %arg11[%swap3A_980, %swap3A_981], %swap3A_984 {strides = array<i32>} : memref<32x128xf32, #tpu.memory_space<vmem>>, vector<1x16xf32>,
    %swap3A_985 = arith.constant 14 : i32
    %swap3A_986 = arith.index_cast %swap3A_985 : i32 to index
    %swap3A_987 = arith.constant 16 : index
    %swap3A_988 = tpu.vector_load %arg11[%swap3A_986, %swap3A_987] {strides = array<i32>} : memref<32x128xf32, #tpu.memory_space<vmem>>, vector<1x16xf32>,
    %swap3A_989 = vector.shape_cast %swap3A_988 : vector<1x16xf32> to vector<16xf32>
    %swap3A_990 = vector.shape_cast %broadcast_in_dim3A_67 : vector<16xf32> to vector<1x16xf32>
    tpu.vector_store %arg11[%swap3A_986, %swap3A_987], %swap3A_990 {strides = array<i32>} : memref<32x128xf32, #tpu.memory_space<vmem>>, vector<1x16xf32>,
    %swap3A_991 = arith.constant 14 : i32
    %swap3A_992 = arith.index_cast %swap3A_991 : i32 to index
    %swap3A_993 = arith.constant 32 : index
    %swap3A_994 = tpu.vector_load %arg11[%swap3A_992, %swap3A_993] {strides = array<i32>} : memref<32x128xf32, #tpu.memory_space<vmem>>, vector<1x16xf32>,
    %swap3A_995 = vector.shape_cast %swap3A_994 : vector<1x16xf32> to vector<16xf32>
    %swap3A_996 = vector.shape_cast %broadcast_in_dim3A_67 : vector<16xf32> to vector<1x16xf32>
    tpu.vector_store %arg11[%swap3A_992, %swap3A_993], %swap3A_996 {strides = array<i32>} : memref<32x128xf32, #tpu.memory_space<vmem>>, vector<1x16xf32>,
    %swap3A_997 = arith.constant 14 : i32
    %swap3A_998 = arith.index_cast %swap3A_997 : i32 to index
    %swap3A_999 = arith.constant 48 : index
    %swap3A_1000 = tpu.vector_load %arg11[%swap3A_998, %swap3A_999] {strides = array<i32>} : memref<32x128xf32, #tpu.memory_space<vmem>>, vector<1x16xf32>,
    %swap3A_1001 = vector.shape_cast %swap3A_1000 : vector<1x16xf32> to vector<16xf32>
    %swap3A_1002 = vector.shape_cast %broadcast_in_dim3A_67 : vector<16xf32> to vector<1x16xf32>
    tpu.vector_store %arg11[%swap3A_998, %swap3A_999], %swap3A_1002 {strides = array<i32>} : memref<32x128xf32, #tpu.memory_space<vmem>>, vector<1x16xf32>,
    %swap3A_1003 = arith.constant 14 : i32
    %swap3A_1004 = arith.index_cast %swap3A_1003 : i32 to index
    %swap3A_1005 = arith.constant 64 : index
    %swap3A_1006 = tpu.vector_load %arg11[%swap3A_1004, %swap3A_1005] {strides = array<i32>} : memref<32x128xf32, #tpu.memory_space<vmem>>, vector<1x16xf32>,
    %swap3A_1007 = vector.shape_cast %swap3A_1006 : vector<1x16xf32> to vector<16xf32>
    %swap3A_1008 = vector.shape_cast %broadcast_in_dim3A_67 : vector<16xf32> to vector<1x16xf32>
    tpu.vector_store %arg11[%swap3A_1004, %swap3A_1005], %swap3A_1008 {strides = array<i32>} : memref<32x128xf32, #tpu.memory_space<vmem>>, vector<1x16xf32>,
    %swap3A_1009 = arith.constant 14 : i32
    %swap3A_1010 = arith.index_cast %swap3A_1009 : i32 to index
    %swap3A_1011 = arith.constant 80 : index
    %swap3A_1012 = tpu.vector_load %arg11[%swap3A_1010, %swap3A_1011] {strides = array<i32>} : memref<32x128xf32, #tpu.memory_space<vmem>>, vector<1x16xf32>,
    %swap3A_1013 = vector.shape_cast %swap3A_1012 : vector<1x16xf32> to vector<16xf32>
    %swap3A_1014 = vector.shape_cast %broadcast_in_dim3A_67 : vector<16xf32> to vector<1x16xf32>
    tpu.vector_store %arg11[%swap3A_1010, %swap3A_1011], %swap3A_1014 {strides = array<i32>} : memref<32x128xf32, #tpu.memory_space<vmem>>, vector<1x16xf32>,
    %swap3A_1015 = arith.constant 14 : i32
    %swap3A_1016 = arith.index_cast %swap3A_1015 : i32 to index
    %swap3A_1017 = arith.constant 96 : index
    %swap3A_1018 = tpu.vector_load %arg11[%swap3A_1016, %swap3A_1017] {strides = array<i32>} : memref<32x128xf32, #tpu.memory_space<vmem>>, vector<1x16xf32>,
    %swap3A_1019 = vector.shape_cast %swap3A_1018 : vector<1x16xf32> to vector<16xf32>
    %swap3A_1020 = vector.shape_cast %broadcast_in_dim3A_67 : vector<16xf32> to vector<1x16xf32>
    tpu.vector_store %arg11[%swap3A_1016, %swap3A_1017], %swap3A_1020 {strides = array<i32>} : memref<32x128xf32, #tpu.memory_space<vmem>>, vector<1x16xf32>,
    %swap3A_1021 = arith.constant 14 : i32
    %swap3A_1022 = arith.index_cast %swap3A_1021 : i32 to index
    %swap3A_1023 = arith.constant 112 : index
    %swap3A_1024 = tpu.vector_load %arg11[%swap3A_1022, %swap3A_1023] {strides = array<i32>} : memref<32x128xf32, #tpu.memory_space<vmem>>, vector<1x16xf32>,
    %swap3A_1025 = vector.shape_cast %swap3A_1024 : vector<1x16xf32> to vector<16xf32>
    %swap3A_1026 = vector.shape_cast %broadcast_in_dim3A_67 : vector<16xf32> to vector<1x16xf32>
    tpu.vector_store %arg11[%swap3A_1022, %swap3A_1023], %swap3A_1026 {strides = array<i32>} : memref<32x128xf32, #tpu.memory_space<vmem>>, vector<1x16xf32>,
    %swap3A_1027 = arith.constant 15 : i32
    %swap3A_1028 = arith.index_cast %swap3A_1027 : i32 to index
    %swap3A_1029 = arith.constant 0 : index
    %swap3A_1030 = tpu.vector_load %arg11[%swap3A_1028, %swap3A_1029] {strides = array<i32>} : memref<32x128xf32, #tpu.memory_space<vmem>>, vector<1x16xf32>,
    %swap3A_1031 = vector.shape_cast %swap3A_1030 : vector<1x16xf32> to vector<16xf32>
    %swap3A_1032 = vector.shape_cast %broadcast_in_dim3A_67 : vector<16xf32> to vector<1x16xf32>
    tpu.vector_store %arg11[%swap3A_1028, %swap3A_1029], %swap3A_1032 {strides = array<i32>} : memref<32x128xf32, #tpu.memory_space<vmem>>, vector<1x16xf32>,
    %swap3A_1033 = arith.constant 15 : i32
    %swap3A_1034 = arith.index_cast %swap3A_1033 : i32 to index
    %swap3A_1035 = arith.constant 16 : index
    %swap3A_1036 = tpu.vector_load %arg11[%swap3A_1034, %swap3A_1035] {strides = array<i32>} : memref<32x128xf32, #tpu.memory_space<vmem>>, vector<1x16xf32>,
    %swap3A_1037 = vector.shape_cast %swap3A_1036 : vector<1x16xf32> to vector<16xf32>
    %swap3A_1038 = vector.shape_cast %broadcast_in_dim3A_67 : vector<16xf32> to vector<1x16xf32>
    tpu.vector_store %arg11[%swap3A_1034, %swap3A_1035], %swap3A_1038 {strides = array<i32>} : memref<32x128xf32, #tpu.memory_space<vmem>>, vector<1x16xf32>,
    %swap3A_1039 = arith.constant 15 : i32
    %swap3A_1040 = arith.index_cast %swap3A_1039 : i32 to index
    %swap3A_1041 = arith.constant 32 : index
    %swap3A_1042 = tpu.vector_load %arg11[%swap3A_1040, %swap3A_1041] {strides = array<i32>} : memref<32x128xf32, #tpu.memory_space<vmem>>, vector<1x16xf32>,
    %swap3A_1043 = vector.shape_cast %swap3A_1042 : vector<1x16xf32> to vector<16xf32>
    %swap3A_1044 = vector.shape_cast %broadcast_in_dim3A_67 : vector<16xf32> to vector<1x16xf32>
    tpu.vector_store %arg11[%swap3A_1040, %swap3A_1041], %swap3A_1044 {strides = array<i32>} : memref<32x128xf32, #tpu.memory_space<vmem>>, vector<1x16xf32>,
    %swap3A_1045 = arith.constant 15 : i32
    %swap3A_1046 = arith.index_cast %swap3A_1045 : i32 to index
    %swap3A_1047 = arith.constant 48 : index
    %swap3A_1048 = tpu.vector_load %arg11[%swap3A_1046, %swap3A_1047] {strides = array<i32>} : memref<32x128xf32, #tpu.memory_space<vmem>>, vector<1x16xf32>,
    %swap3A_1049 = vector.shape_cast %swap3A_1048 : vector<1x16xf32> to vector<16xf32>
    %swap3A_1050 = vector.shape_cast %broadcast_in_dim3A_67 : vector<16xf32> to vector<1x16xf32>
    tpu.vector_store %arg11[%swap3A_1046, %swap3A_1047], %swap3A_1050 {strides = array<i32>} : memref<32x128xf32, #tpu.memory_space<vmem>>, vector<1x16xf32>,
    %swap3A_1051 = arith.constant 15 : i32
    %swap3A_1052 = arith.index_cast %swap3A_1051 : i32 to index
    %swap3A_1053 = arith.constant 64 : index
    %swap3A_1054 = tpu.vector_load %arg11[%swap3A_1052, %swap3A_1053] {strides = array<i32>} : memref<32x128xf32, #tpu.memory_space<vmem>>, vector<1x16xf32>,
    %swap3A_1055 = vector.shape_cast %swap3A_1054 : vector<1x16xf32> to vector<16xf32>
    %swap3A_1056 = vector.shape_cast %broadcast_in_dim3A_67 : vector<16xf32> to vector<1x16xf32>
    tpu.vector_store %arg11[%swap3A_1052, %swap3A_1053], %swap3A_1056 {strides = array<i32>} : memref<32x128xf32, #tpu.memory_space<vmem>>, vector<1x16xf32>,
    %swap3A_1057 = arith.constant 15 : i32
    %swap3A_1058 = arith.index_cast %swap3A_1057 : i32 to index
    %swap3A_1059 = arith.constant 80 : index
    %swap3A_1060 = tpu.vector_load %arg11[%swap3A_1058, %swap3A_1059] {strides = array<i32>} : memref<32x128xf32, #tpu.memory_space<vmem>>, vector<1x16xf32>,
    %swap3A_1061 = vector.shape_cast %swap3A_1060 : vector<1x16xf32> to vector<16xf32>
    %swap3A_1062 = vector.shape_cast %broadcast_in_dim3A_67 : vector<16xf32> to vector<1x16xf32>
    tpu.vector_store %arg11[%swap3A_1058, %swap3A_1059], %swap3A_1062 {strides = array<i32>} : memref<32x128xf32, #tpu.memory_space<vmem>>, vector<1x16xf32>,
    %swap3A_1063 = arith.constant 15 : i32
    %swap3A_1064 = arith.index_cast %swap3A_1063 : i32 to index
    %swap3A_1065 = arith.constant 96 : index
    %swap3A_1066 = tpu.vector_load %arg11[%swap3A_1064, %swap3A_1065] {strides = array<i32>} : memref<32x128xf32, #tpu.memory_space<vmem>>, vector<1x16xf32>,
    %swap3A_1067 = vector.shape_cast %swap3A_1066 : vector<1x16xf32> to vector<16xf32>
    %swap3A_1068 = vector.shape_cast %broadcast_in_dim3A_67 : vector<16xf32> to vector<1x16xf32>
    tpu.vector_store %arg11[%swap3A_1064, %swap3A_1065], %swap3A_1068 {strides = array<i32>} : memref<32x128xf32, #tpu.memory_space<vmem>>, vector<1x16xf32>,
    %swap3A_1069 = arith.constant 15 : i32
    %swap3A_1070 = arith.index_cast %swap3A_1069 : i32 to index
    %swap3A_1071 = arith.constant 112 : index
    %swap3A_1072 = tpu.vector_load %arg11[%swap3A_1070, %swap3A_1071] {strides = array<i32>} : memref<32x128xf32, #tpu.memory_space<vmem>>, vector<1x16xf32>,
    %swap3A_1073 = vector.shape_cast %swap3A_1072 : vector<1x16xf32> to vector<16xf32>
    %swap3A_1074 = vector.shape_cast %broadcast_in_dim3A_67 : vector<16xf32> to vector<1x16xf32>
    tpu.vector_store %arg11[%swap3A_1070, %swap3A_1071], %swap3A_1074 {strides = array<i32>} : memref<32x128xf32, #tpu.memory_space<vmem>>, vector<1x16xf32>,
    %swap3A_1075 = arith.constant 16 : i32
    %swap3A_1076 = arith.index_cast %swap3A_1075 : i32 to index
    %swap3A_1077 = arith.constant 0 : index
    %swap3A_1078 = tpu.vector_load %arg11[%swap3A_1076, %swap3A_1077] {strides = array<i32>} : memref<32x128xf32, #tpu.memory_space<vmem>>, vector<1x16xf32>,
    %swap3A_1079 = vector.shape_cast %swap3A_1078 : vector<1x16xf32> to vector<16xf32>
    %swap3A_1080 = vector.shape_cast %broadcast_in_dim3A_67 : vector<16xf32> to vector<1x16xf32>
    tpu.vector_store %arg11[%swap3A_1076, %swap3A_1077], %swap3A_1080 {strides = array<i32>} : memref<32x128xf32, #tpu.memory_space<vmem>>, vector<1x16xf32>,
    %swap3A_1081 = arith.constant 16 : i32
    %swap3A_1082 = arith.index_cast %swap3A_1081 : i32 to index
    %swap3A_1083 = arith.constant 16 : index
    %swap3A_1084 = tpu.vector_load %arg11[%swap3A_1082, %swap3A_1083] {strides = array<i32>} : memref<32x128xf32, #tpu.memory_space<vmem>>, vector<1x16xf32>,
    %swap3A_1085 = vector.shape_cast %swap3A_1084 : vector<1x16xf32> to vector<16xf32>
    %swap3A_1086 = vector.shape_cast %broadcast_in_dim3A_67 : vector<16xf32> to vector<1x16xf32>
    tpu.vector_store %arg11[%swap3A_1082, %swap3A_1083], %swap3A_1086 {strides = array<i32>} : memref<32x128xf32, #tpu.memory_space<vmem>>, vector<1x16xf32>,
    %swap3A_1087 = arith.constant 16 : i32
    %swap3A_1088 = arith.index_cast %swap3A_1087 : i32 to index
    %swap3A_1089 = arith.constant 32 : index
    %swap3A_1090 = tpu.vector_load %arg11[%swap3A_1088, %swap3A_1089] {strides = array<i32>} : memref<32x128xf32, #tpu.memory_space<vmem>>, vector<1x16xf32>,
    %swap3A_1091 = vector.shape_cast %swap3A_1090 : vector<1x16xf32> to vector<16xf32>
    %swap3A_1092 = vector.shape_cast %broadcast_in_dim3A_67 : vector<16xf32> to vector<1x16xf32>
    tpu.vector_store %arg11[%swap3A_1088, %swap3A_1089], %swap3A_1092 {strides = array<i32>} : memref<32x128xf32, #tpu.memory_space<vmem>>, vector<1x16xf32>,
    %swap3A_1093 = arith.constant 16 : i32
    %swap3A_1094 = arith.index_cast %swap3A_1093 : i32 to index
    %swap3A_1095 = arith.constant 48 : index
    %swap3A_1096 = tpu.vector_load %arg11[%swap3A_1094, %swap3A_1095] {strides = array<i32>} : memref<32x128xf32, #tpu.memory_space<vmem>>, vector<1x16xf32>,
    %swap3A_1097 = vector.shape_cast %swap3A_1096 : vector<1x16xf32> to vector<16xf32>
    %swap3A_1098 = vector.shape_cast %broadcast_in_dim3A_67 : vector<16xf32> to vector<1x16xf32>
    tpu.vector_store %arg11[%swap3A_1094, %swap3A_1095], %swap3A_1098 {strides = array<i32>} : memref<32x128xf32, #tpu.memory_space<vmem>>, vector<1x16xf32>,
    %swap3A_1099 = arith.constant 16 : i32
    %swap3A_1100 = arith.index_cast %swap3A_1099 : i32 to index
    %swap3A_1101 = arith.constant 64 : index
    %swap3A_1102 = tpu.vector_load %arg11[%swap3A_1100, %swap3A_1101] {strides = array<i32>} : memref<32x128xf32, #tpu.memory_space<vmem>>, vector<1x16xf32>,
    %swap3A_1103 = vector.shape_cast %swap3A_1102 : vector<1x16xf32> to vector<16xf32>
    %swap3A_1104 = vector.shape_cast %broadcast_in_dim3A_67 : vector<16xf32> to vector<1x16xf32>
    tpu.vector_store %arg11[%swap3A_1100, %swap3A_1101], %swap3A_1104 {strides = array<i32>} : memref<32x128xf32, #tpu.memory_space<vmem>>, vector<1x16xf32>,
    %swap3A_1105 = arith.constant 16 : i32
    %swap3A_1106 = arith.index_cast %swap3A_1105 : i32 to index
    %swap3A_1107 = arith.constant 80 : index
    %swap3A_1108 = tpu.vector_load %arg11[%swap3A_1106, %swap3A_1107] {strides = array<i32>} : memref<32x128xf32, #tpu.memory_space<vmem>>, vector<1x16xf32>,
    %swap3A_1109 = vector.shape_cast %swap3A_1108 : vector<1x16xf32> to vector<16xf32>
    %swap3A_1110 = vector.shape_cast %broadcast_in_dim3A_67 : vector<16xf32> to vector<1x16xf32>
    tpu.vector_store %arg11[%swap3A_1106, %swap3A_1107], %swap3A_1110 {strides = array<i32>} : memref<32x128xf32, #tpu.memory_space<vmem>>, vector<1x16xf32>,
    %swap3A_1111 = arith.constant 16 : i32
    %swap3A_1112 = arith.index_cast %swap3A_1111 : i32 to index
    %swap3A_1113 = arith.constant 96 : index
    %swap3A_1114 = tpu.vector_load %arg11[%swap3A_1112, %swap3A_1113] {strides = array<i32>} : memref<32x128xf32, #tpu.memory_space<vmem>>, vector<1x16xf32>,
    %swap3A_1115 = vector.shape_cast %swap3A_1114 : vector<1x16xf32> to vector<16xf32>
    %swap3A_1116 = vector.shape_cast %broadcast_in_dim3A_67 : vector<16xf32> to vector<1x16xf32>
    tpu.vector_store %arg11[%swap3A_1112, %swap3A_1113], %swap3A_1116 {strides = array<i32>} : memref<32x128xf32, #tpu.memory_space<vmem>>, vector<1x16xf32>,
    %swap3A_1117 = arith.constant 16 : i32
    %swap3A_1118 = arith.index_cast %swap3A_1117 : i32 to index
    %swap3A_1119 = arith.constant 112 : index
    %swap3A_1120 = tpu.vector_load %arg11[%swap3A_1118, %swap3A_1119] {strides = array<i32>} : memref<32x128xf32, #tpu.memory_space<vmem>>, vector<1x16xf32>,
    %swap3A_1121 = vector.shape_cast %swap3A_1120 : vector<1x16xf32> to vector<16xf32>
    %swap3A_1122 = vector.shape_cast %broadcast_in_dim3A_67 : vector<16xf32> to vector<1x16xf32>
    tpu.vector_store %arg11[%swap3A_1118, %swap3A_1119], %swap3A_1122 {strides = array<i32>} : memref<32x128xf32, #tpu.memory_space<vmem>>, vector<1x16xf32>,
    %swap3A_1123 = arith.constant 17 : i32
    %swap3A_1124 = arith.index_cast %swap3A_1123 : i32 to index
    %swap3A_1125 = arith.constant 0 : index
    %swap3A_1126 = tpu.vector_load %arg11[%swap3A_1124, %swap3A_1125] {strides = array<i32>} : memref<32x128xf32, #tpu.memory_space<vmem>>, vector<1x16xf32>,
    %swap3A_1127 = vector.shape_cast %swap3A_1126 : vector<1x16xf32> to vector<16xf32>
    %swap3A_1128 = vector.shape_cast %broadcast_in_dim3A_67 : vector<16xf32> to vector<1x16xf32>
    tpu.vector_store %arg11[%swap3A_1124, %swap3A_1125], %swap3A_1128 {strides = array<i32>} : memref<32x128xf32, #tpu.memory_space<vmem>>, vector<1x16xf32>,
    %swap3A_1129 = arith.constant 17 : i32
    %swap3A_1130 = arith.index_cast %swap3A_1129 : i32 to index
    %swap3A_1131 = arith.constant 16 : index
    %swap3A_1132 = tpu.vector_load %arg11[%swap3A_1130, %swap3A_1131] {strides = array<i32>} : memref<32x128xf32, #tpu.memory_space<vmem>>, vector<1x16xf32>,
    %swap3A_1133 = vector.shape_cast %swap3A_1132 : vector<1x16xf32> to vector<16xf32>
    %swap3A_1134 = vector.shape_cast %broadcast_in_dim3A_67 : vector<16xf32> to vector<1x16xf32>
    tpu.vector_store %arg11[%swap3A_1130, %swap3A_1131], %swap3A_1134 {strides = array<i32>} : memref<32x128xf32, #tpu.memory_space<vmem>>, vector<1x16xf32>,
    %swap3A_1135 = arith.constant 17 : i32
    %swap3A_1136 = arith.index_cast %swap3A_1135 : i32 to index
    %swap3A_1137 = arith.constant 32 : index
    %swap3A_1138 = tpu.vector_load %arg11[%swap3A_1136, %swap3A_1137] {strides = array<i32>} : memref<32x128xf32, #tpu.memory_space<vmem>>, vector<1x16xf32>,
    %swap3A_1139 = vector.shape_cast %swap3A_1138 : vector<1x16xf32> to vector<16xf32>
    %swap3A_1140 = vector.shape_cast %broadcast_in_dim3A_67 : vector<16xf32> to vector<1x16xf32>
    tpu.vector_store %arg11[%swap3A_1136, %swap3A_1137], %swap3A_1140 {strides = array<i32>} : memref<32x128xf32, #tpu.memory_space<vmem>>, vector<1x16xf32>,
    %swap3A_1141 = arith.constant 17 : i32
    %swap3A_1142 = arith.index_cast %swap3A_1141 : i32 to index
    %swap3A_1143 = arith.constant 48 : index
    %swap3A_1144 = tpu.vector_load %arg11[%swap3A_1142, %swap3A_1143] {strides = array<i32>} : memref<32x128xf32, #tpu.memory_space<vmem>>, vector<1x16xf32>,
    %swap3A_1145 = vector.shape_cast %swap3A_1144 : vector<1x16xf32> to vector<16xf32>
    %swap3A_1146 = vector.shape_cast %broadcast_in_dim3A_67 : vector<16xf32> to vector<1x16xf32>
    tpu.vector_store %arg11[%swap3A_1142, %swap3A_1143], %swap3A_1146 {strides = array<i32>} : memref<32x128xf32, #tpu.memory_space<vmem>>, vector<1x16xf32>,
    %swap3A_1147 = arith.constant 17 : i32
    %swap3A_1148 = arith.index_cast %swap3A_1147 : i32 to index
    %swap3A_1149 = arith.constant 64 : index
    %swap3A_1150 = tpu.vector_load %arg11[%swap3A_1148, %swap3A_1149] {strides = array<i32>} : memref<32x128xf32, #tpu.memory_space<vmem>>, vector<1x16xf32>,
    %swap3A_1151 = vector.shape_cast %swap3A_1150 : vector<1x16xf32> to vector<16xf32>
    %swap3A_1152 = vector.shape_cast %broadcast_in_dim3A_67 : vector<16xf32> to vector<1x16xf32>
    tpu.vector_store %arg11[%swap3A_1148, %swap3A_1149], %swap3A_1152 {strides = array<i32>} : memref<32x128xf32, #tpu.memory_space<vmem>>, vector<1x16xf32>,
    %swap3A_1153 = arith.constant 17 : i32
    %swap3A_1154 = arith.index_cast %swap3A_1153 : i32 to index
    %swap3A_1155 = arith.constant 80 : index
    %swap3A_1156 = tpu.vector_load %arg11[%swap3A_1154, %swap3A_1155] {strides = array<i32>} : memref<32x128xf32, #tpu.memory_space<vmem>>, vector<1x16xf32>,
    %swap3A_1157 = vector.shape_cast %swap3A_1156 : vector<1x16xf32> to vector<16xf32>
    %swap3A_1158 = vector.shape_cast %broadcast_in_dim3A_67 : vector<16xf32> to vector<1x16xf32>
    tpu.vector_store %arg11[%swap3A_1154, %swap3A_1155], %swap3A_1158 {strides = array<i32>} : memref<32x128xf32, #tpu.memory_space<vmem>>, vector<1x16xf32>,
    %swap3A_1159 = arith.constant 17 : i32
    %swap3A_1160 = arith.index_cast %swap3A_1159 : i32 to index
    %swap3A_1161 = arith.constant 96 : index
    %swap3A_1162 = tpu.vector_load %arg11[%swap3A_1160, %swap3A_1161] {strides = array<i32>} : memref<32x128xf32, #tpu.memory_space<vmem>>, vector<1x16xf32>,
    %swap3A_1163 = vector.shape_cast %swap3A_1162 : vector<1x16xf32> to vector<16xf32>
    %swap3A_1164 = vector.shape_cast %broadcast_in_dim3A_67 : vector<16xf32> to vector<1x16xf32>
    tpu.vector_store %arg11[%swap3A_1160, %swap3A_1161], %swap3A_1164 {strides = array<i32>} : memref<32x128xf32, #tpu.memory_space<vmem>>, vector<1x16xf32>,
    %swap3A_1165 = arith.constant 17 : i32
    %swap3A_1166 = arith.index_cast %swap3A_1165 : i32 to index
    %swap3A_1167 = arith.constant 112 : index
    %swap3A_1168 = tpu.vector_load %arg11[%swap3A_1166, %swap3A_1167] {strides = array<i32>} : memref<32x128xf32, #tpu.memory_space<vmem>>, vector<1x16xf32>,
    %swap3A_1169 = vector.shape_cast %swap3A_1168 : vector<1x16xf32> to vector<16xf32>
    %swap3A_1170 = vector.shape_cast %broadcast_in_dim3A_67 : vector<16xf32> to vector<1x16xf32>
    tpu.vector_store %arg11[%swap3A_1166, %swap3A_1167], %swap3A_1170 {strides = array<i32>} : memref<32x128xf32, #tpu.memory_space<vmem>>, vector<1x16xf32>,
    %swap3A_1171 = arith.constant 18 : i32
    %swap3A_1172 = arith.index_cast %swap3A_1171 : i32 to index
    %swap3A_1173 = arith.constant 0 : index
    %swap3A_1174 = tpu.vector_load %arg11[%swap3A_1172, %swap3A_1173] {strides = array<i32>} : memref<32x128xf32, #tpu.memory_space<vmem>>, vector<1x16xf32>,
    %swap3A_1175 = vector.shape_cast %swap3A_1174 : vector<1x16xf32> to vector<16xf32>
    %swap3A_1176 = vector.shape_cast %broadcast_in_dim3A_67 : vector<16xf32> to vector<1x16xf32>
    tpu.vector_store %arg11[%swap3A_1172, %swap3A_1173], %swap3A_1176 {strides = array<i32>} : memref<32x128xf32, #tpu.memory_space<vmem>>, vector<1x16xf32>,
    %swap3A_1177 = arith.constant 18 : i32
    %swap3A_1178 = arith.index_cast %swap3A_1177 : i32 to index
    %swap3A_1179 = arith.constant 16 : index
    %swap3A_1180 = tpu.vector_load %arg11[%swap3A_1178, %swap3A_1179] {strides = array<i32>} : memref<32x128xf32, #tpu.memory_space<vmem>>, vector<1x16xf32>,
    %swap3A_1181 = vector.shape_cast %swap3A_1180 : vector<1x16xf32> to vector<16xf32>
    %swap3A_1182 = vector.shape_cast %broadcast_in_dim3A_67 : vector<16xf32> to vector<1x16xf32>
    tpu.vector_store %arg11[%swap3A_1178, %swap3A_1179], %swap3A_1182 {strides = array<i32>} : memref<32x128xf32, #tpu.memory_space<vmem>>, vector<1x16xf32>,
    %swap3A_1183 = arith.constant 18 : i32
    %swap3A_1184 = arith.index_cast %swap3A_1183 : i32 to index
    %swap3A_1185 = arith.constant 32 : index
    %swap3A_1186 = tpu.vector_load %arg11[%swap3A_1184, %swap3A_1185] {strides = array<i32>} : memref<32x128xf32, #tpu.memory_space<vmem>>, vector<1x16xf32>,
    %swap3A_1187 = vector.shape_cast %swap3A_1186 : vector<1x16xf32> to vector<16xf32>
    %swap3A_1188 = vector.shape_cast %broadcast_in_dim3A_67 : vector<16xf32> to vector<1x16xf32>
    tpu.vector_store %arg11[%swap3A_1184, %swap3A_1185], %swap3A_1188 {strides = array<i32>} : memref<32x128xf32, #tpu.memory_space<vmem>>, vector<1x16xf32>,
    %swap3A_1189 = arith.constant 18 : i32
    %swap3A_1190 = arith.index_cast %swap3A_1189 : i32 to index
    %swap3A_1191 = arith.constant 48 : index
    %swap3A_1192 = tpu.vector_load %arg11[%swap3A_1190, %swap3A_1191] {strides = array<i32>} : memref<32x128xf32, #tpu.memory_space<vmem>>, vector<1x16xf32>,
    %swap3A_1193 = vector.shape_cast %swap3A_1192 : vector<1x16xf32> to vector<16xf32>
    %swap3A_1194 = vector.shape_cast %broadcast_in_dim3A_67 : vector<16xf32> to vector<1x16xf32>
    tpu.vector_store %arg11[%swap3A_1190, %swap3A_1191], %swap3A_1194 {strides = array<i32>} : memref<32x128xf32, #tpu.memory_space<vmem>>, vector<1x16xf32>,
    %swap3A_1195 = arith.constant 18 : i32
    %swap3A_1196 = arith.index_cast %swap3A_1195 : i32 to index
    %swap3A_1197 = arith.constant 64 : index
    %swap3A_1198 = tpu.vector_load %arg11[%swap3A_1196, %swap3A_1197] {strides = array<i32>} : memref<32x128xf32, #tpu.memory_space<vmem>>, vector<1x16xf32>,
    %swap3A_1199 = vector.shape_cast %swap3A_1198 : vector<1x16xf32> to vector<16xf32>
    %swap3A_1200 = vector.shape_cast %broadcast_in_dim3A_67 : vector<16xf32> to vector<1x16xf32>
    tpu.vector_store %arg11[%swap3A_1196, %swap3A_1197], %swap3A_1200 {strides = array<i32>} : memref<32x128xf32, #tpu.memory_space<vmem>>, vector<1x16xf32>,
    %swap3A_1201 = arith.constant 18 : i32
    %swap3A_1202 = arith.index_cast %swap3A_1201 : i32 to index
    %swap3A_1203 = arith.constant 80 : index
    %swap3A_1204 = tpu.vector_load %arg11[%swap3A_1202, %swap3A_1203] {strides = array<i32>} : memref<32x128xf32, #tpu.memory_space<vmem>>, vector<1x16xf32>,
    %swap3A_1205 = vector.shape_cast %swap3A_1204 : vector<1x16xf32> to vector<16xf32>
    %swap3A_1206 = vector.shape_cast %broadcast_in_dim3A_67 : vector<16xf32> to vector<1x16xf32>
    tpu.vector_store %arg11[%swap3A_1202, %swap3A_1203], %swap3A_1206 {strides = array<i32>} : memref<32x128xf32, #tpu.memory_space<vmem>>, vector<1x16xf32>,
    %swap3A_1207 = arith.constant 18 : i32
    %swap3A_1208 = arith.index_cast %swap3A_1207 : i32 to index
    %swap3A_1209 = arith.constant 96 : index
    %swap3A_1210 = tpu.vector_load %arg11[%swap3A_1208, %swap3A_1209] {strides = array<i32>} : memref<32x128xf32, #tpu.memory_space<vmem>>, vector<1x16xf32>,
    %swap3A_1211 = vector.shape_cast %swap3A_1210 : vector<1x16xf32> to vector<16xf32>
    %swap3A_1212 = vector.shape_cast %broadcast_in_dim3A_67 : vector<16xf32> to vector<1x16xf32>
    tpu.vector_store %arg11[%swap3A_1208, %swap3A_1209], %swap3A_1212 {strides = array<i32>} : memref<32x128xf32, #tpu.memory_space<vmem>>, vector<1x16xf32>,
    %swap3A_1213 = arith.constant 18 : i32
    %swap3A_1214 = arith.index_cast %swap3A_1213 : i32 to index
    %swap3A_1215 = arith.constant 112 : index
    %swap3A_1216 = tpu.vector_load %arg11[%swap3A_1214, %swap3A_1215] {strides = array<i32>} : memref<32x128xf32, #tpu.memory_space<vmem>>, vector<1x16xf32>,
    %swap3A_1217 = vector.shape_cast %swap3A_1216 : vector<1x16xf32> to vector<16xf32>
    %swap3A_1218 = vector.shape_cast %broadcast_in_dim3A_67 : vector<16xf32> to vector<1x16xf32>
    tpu.vector_store %arg11[%swap3A_1214, %swap3A_1215], %swap3A_1218 {strides = array<i32>} : memref<32x128xf32, #tpu.memory_space<vmem>>, vector<1x16xf32>,
    %swap3A_1219 = arith.constant 19 : i32
    %swap3A_1220 = arith.index_cast %swap3A_1219 : i32 to index
    %swap3A_1221 = arith.constant 0 : index
    %swap3A_1222 = tpu.vector_load %arg11[%swap3A_1220, %swap3A_1221] {strides = array<i32>} : memref<32x128xf32, #tpu.memory_space<vmem>>, vector<1x16xf32>,
    %swap3A_1223 = vector.shape_cast %swap3A_1222 : vector<1x16xf32> to vector<16xf32>
    %swap3A_1224 = vector.shape_cast %broadcast_in_dim3A_67 : vector<16xf32> to vector<1x16xf32>
    tpu.vector_store %arg11[%swap3A_1220, %swap3A_1221], %swap3A_1224 {strides = array<i32>} : memref<32x128xf32, #tpu.memory_space<vmem>>, vector<1x16xf32>,
    %swap3A_1225 = arith.constant 19 : i32
    %swap3A_1226 = arith.index_cast %swap3A_1225 : i32 to index
    %swap3A_1227 = arith.constant 16 : index
    %swap3A_1228 = tpu.vector_load %arg11[%swap3A_1226, %swap3A_1227] {strides = array<i32>} : memref<32x128xf32, #tpu.memory_space<vmem>>, vector<1x16xf32>,
    %swap3A_1229 = vector.shape_cast %swap3A_1228 : vector<1x16xf32> to vector<16xf32>
    %swap3A_1230 = vector.shape_cast %broadcast_in_dim3A_67 : vector<16xf32> to vector<1x16xf32>
    tpu.vector_store %arg11[%swap3A_1226, %swap3A_1227], %swap3A_1230 {strides = array<i32>} : memref<32x128xf32, #tpu.memory_space<vmem>>, vector<1x16xf32>,
    %swap3A_1231 = arith.constant 19 : i32
    %swap3A_1232 = arith.index_cast %swap3A_1231 : i32 to index
    %swap3A_1233 = arith.constant 32 : index
    %swap3A_1234 = tpu.vector_load %arg11[%swap3A_1232, %swap3A_1233] {strides = array<i32>} : memref<32x128xf32, #tpu.memory_space<vmem>>, vector<1x16xf32>,
    %swap3A_1235 = vector.shape_cast %swap3A_1234 : vector<1x16xf32> to vector<16xf32>
    %swap3A_1236 = vector.shape_cast %broadcast_in_dim3A_67 : vector<16xf32> to vector<1x16xf32>
    tpu.vector_store %arg11[%swap3A_1232, %swap3A_1233], %swap3A_1236 {strides = array<i32>} : memref<32x128xf32, #tpu.memory_space<vmem>>, vector<1x16xf32>,
    %swap3A_1237 = arith.constant 19 : i32
    %swap3A_1238 = arith.index_cast %swap3A_1237 : i32 to index
    %swap3A_1239 = arith.constant 48 : index
    %swap3A_1240 = tpu.vector_load %arg11[%swap3A_1238, %swap3A_1239] {strides = array<i32>} : memref<32x128xf32, #tpu.memory_space<vmem>>, vector<1x16xf32>,
    %swap3A_1241 = vector.shape_cast %swap3A_1240 : vector<1x16xf32> to vector<16xf32>
    %swap3A_1242 = vector.shape_cast %broadcast_in_dim3A_67 : vector<16xf32> to vector<1x16xf32>
    tpu.vector_store %arg11[%swap3A_1238, %swap3A_1239], %swap3A_1242 {strides = array<i32>} : memref<32x128xf32, #tpu.memory_space<vmem>>, vector<1x16xf32>,
    %swap3A_1243 = arith.constant 19 : i32
    %swap3A_1244 = arith.index_cast %swap3A_1243 : i32 to index
    %swap3A_1245 = arith.constant 64 : index
    %swap3A_1246 = tpu.vector_load %arg11[%swap3A_1244, %swap3A_1245] {strides = array<i32>} : memref<32x128xf32, #tpu.memory_space<vmem>>, vector<1x16xf32>,
    %swap3A_1247 = vector.shape_cast %swap3A_1246 : vector<1x16xf32> to vector<16xf32>
    %swap3A_1248 = vector.shape_cast %broadcast_in_dim3A_67 : vector<16xf32> to vector<1x16xf32>
    tpu.vector_store %arg11[%swap3A_1244, %swap3A_1245], %swap3A_1248 {strides = array<i32>} : memref<32x128xf32, #tpu.memory_space<vmem>>, vector<1x16xf32>,
    %swap3A_1249 = arith.constant 19 : i32
    %swap3A_1250 = arith.index_cast %swap3A_1249 : i32 to index
    %swap3A_1251 = arith.constant 80 : index
    %swap3A_1252 = tpu.vector_load %arg11[%swap3A_1250, %swap3A_1251] {strides = array<i32>} : memref<32x128xf32, #tpu.memory_space<vmem>>, vector<1x16xf32>,
    %swap3A_1253 = vector.shape_cast %swap3A_1252 : vector<1x16xf32> to vector<16xf32>
    %swap3A_1254 = vector.shape_cast %broadcast_in_dim3A_67 : vector<16xf32> to vector<1x16xf32>
    tpu.vector_store %arg11[%swap3A_1250, %swap3A_1251], %swap3A_1254 {strides = array<i32>} : memref<32x128xf32, #tpu.memory_space<vmem>>, vector<1x16xf32>,
    %swap3A_1255 = arith.constant 19 : i32
    %swap3A_1256 = arith.index_cast %swap3A_1255 : i32 to index
    %swap3A_1257 = arith.constant 96 : index
    %swap3A_1258 = tpu.vector_load %arg11[%swap3A_1256, %swap3A_1257] {strides = array<i32>} : memref<32x128xf32, #tpu.memory_space<vmem>>, vector<1x16xf32>,
    %swap3A_1259 = vector.shape_cast %swap3A_1258 : vector<1x16xf32> to vector<16xf32>
    %swap3A_1260 = vector.shape_cast %broadcast_in_dim3A_67 : vector<16xf32> to vector<1x16xf32>
    tpu.vector_store %arg11[%swap3A_1256, %swap3A_1257], %swap3A_1260 {strides = array<i32>} : memref<32x128xf32, #tpu.memory_space<vmem>>, vector<1x16xf32>,
    %swap3A_1261 = arith.constant 19 : i32
    %swap3A_1262 = arith.index_cast %swap3A_1261 : i32 to index
    %swap3A_1263 = arith.constant 112 : index
    %swap3A_1264 = tpu.vector_load %arg11[%swap3A_1262, %swap3A_1263] {strides = array<i32>} : memref<32x128xf32, #tpu.memory_space<vmem>>, vector<1x16xf32>,
    %swap3A_1265 = vector.shape_cast %swap3A_1264 : vector<1x16xf32> to vector<16xf32>
    %swap3A_1266 = vector.shape_cast %broadcast_in_dim3A_67 : vector<16xf32> to vector<1x16xf32>
    tpu.vector_store %arg11[%swap3A_1262, %swap3A_1263], %swap3A_1266 {strides = array<i32>} : memref<32x128xf32, #tpu.memory_space<vmem>>, vector<1x16xf32>,
    %swap3A_1267 = arith.constant 20 : i32
    %swap3A_1268 = arith.index_cast %swap3A_1267 : i32 to index
    %swap3A_1269 = arith.constant 0 : index
    %swap3A_1270 = tpu.vector_load %arg11[%swap3A_1268, %swap3A_1269] {strides = array<i32>} : memref<32x128xf32, #tpu.memory_space<vmem>>, vector<1x16xf32>,
    %swap3A_1271 = vector.shape_cast %swap3A_1270 : vector<1x16xf32> to vector<16xf32>
    %swap3A_1272 = vector.shape_cast %broadcast_in_dim3A_67 : vector<16xf32> to vector<1x16xf32>
    tpu.vector_store %arg11[%swap3A_1268, %swap3A_1269], %swap3A_1272 {strides = array<i32>} : memref<32x128xf32, #tpu.memory_space<vmem>>, vector<1x16xf32>,
    %swap3A_1273 = arith.constant 20 : i32
    %swap3A_1274 = arith.index_cast %swap3A_1273 : i32 to index
    %swap3A_1275 = arith.constant 16 : index
    %swap3A_1276 = tpu.vector_load %arg11[%swap3A_1274, %swap3A_1275] {strides = array<i32>} : memref<32x128xf32, #tpu.memory_space<vmem>>, vector<1x16xf32>,
    %swap3A_1277 = vector.shape_cast %swap3A_1276 : vector<1x16xf32> to vector<16xf32>
    %swap3A_1278 = vector.shape_cast %broadcast_in_dim3A_67 : vector<16xf32> to vector<1x16xf32>
    tpu.vector_store %arg11[%swap3A_1274, %swap3A_1275], %swap3A_1278 {strides = array<i32>} : memref<32x128xf32, #tpu.memory_space<vmem>>, vector<1x16xf32>,
    %swap3A_1279 = arith.constant 20 : i32
    %swap3A_1280 = arith.index_cast %swap3A_1279 : i32 to index
    %swap3A_1281 = arith.constant 32 : index
    %swap3A_1282 = tpu.vector_load %arg11[%swap3A_1280, %swap3A_1281] {strides = array<i32>} : memref<32x128xf32, #tpu.memory_space<vmem>>, vector<1x16xf32>,
    %swap3A_1283 = vector.shape_cast %swap3A_1282 : vector<1x16xf32> to vector<16xf32>
    %swap3A_1284 = vector.shape_cast %broadcast_in_dim3A_67 : vector<16xf32> to vector<1x16xf32>
    tpu.vector_store %arg11[%swap3A_1280, %swap3A_1281], %swap3A_1284 {strides = array<i32>} : memref<32x128xf32, #tpu.memory_space<vmem>>, vector<1x16xf32>,
    %swap3A_1285 = arith.constant 20 : i32
    %swap3A_1286 = arith.index_cast %swap3A_1285 : i32 to index
    %swap3A_1287 = arith.constant 48 : index
    %swap3A_1288 = tpu.vector_load %arg11[%swap3A_1286, %swap3A_1287] {strides = array<i32>} : memref<32x128xf32, #tpu.memory_space<vmem>>, vector<1x16xf32>,
    %swap3A_1289 = vector.shape_cast %swap3A_1288 : vector<1x16xf32> to vector<16xf32>
    %swap3A_1290 = vector.shape_cast %broadcast_in_dim3A_67 : vector<16xf32> to vector<1x16xf32>
    tpu.vector_store %arg11[%swap3A_1286, %swap3A_1287], %swap3A_1290 {strides = array<i32>} : memref<32x128xf32, #tpu.memory_space<vmem>>, vector<1x16xf32>,
    %swap3A_1291 = arith.constant 20 : i32
    %swap3A_1292 = arith.index_cast %swap3A_1291 : i32 to index
    %swap3A_1293 = arith.constant 64 : index
    %swap3A_1294 = tpu.vector_load %arg11[%swap3A_1292, %swap3A_1293] {strides = array<i32>} : memref<32x128xf32, #tpu.memory_space<vmem>>, vector<1x16xf32>,
    %swap3A_1295 = vector.shape_cast %swap3A_1294 : vector<1x16xf32> to vector<16xf32>
    %swap3A_1296 = vector.shape_cast %broadcast_in_dim3A_67 : vector<16xf32> to vector<1x16xf32>
    tpu.vector_store %arg11[%swap3A_1292, %swap3A_1293], %swap3A_1296 {strides = array<i32>} : memref<32x128xf32, #tpu.memory_space<vmem>>, vector<1x16xf32>,
    %swap3A_1297 = arith.constant 20 : i32
    %swap3A_1298 = arith.index_cast %swap3A_1297 : i32 to index
    %swap3A_1299 = arith.constant 80 : index
    %swap3A_1300 = tpu.vector_load %arg11[%swap3A_1298, %swap3A_1299] {strides = array<i32>} : memref<32x128xf32, #tpu.memory_space<vmem>>, vector<1x16xf32>,
    %swap3A_1301 = vector.shape_cast %swap3A_1300 : vector<1x16xf32> to vector<16xf32>
    %swap3A_1302 = vector.shape_cast %broadcast_in_dim3A_67 : vector<16xf32> to vector<1x16xf32>
    tpu.vector_store %arg11[%swap3A_1298, %swap3A_1299], %swap3A_1302 {strides = array<i32>} : memref<32x128xf32, #tpu.memory_space<vmem>>, vector<1x16xf32>,
    %swap3A_1303 = arith.constant 20 : i32
    %swap3A_1304 = arith.index_cast %swap3A_1303 : i32 to index
    %swap3A_1305 = arith.constant 96 : index
    %swap3A_1306 = tpu.vector_load %arg11[%swap3A_1304, %swap3A_1305] {strides = array<i32>} : memref<32x128xf32, #tpu.memory_space<vmem>>, vector<1x16xf32>,
    %swap3A_1307 = vector.shape_cast %swap3A_1306 : vector<1x16xf32> to vector<16xf32>
    %swap3A_1308 = vector.shape_cast %broadcast_in_dim3A_67 : vector<16xf32> to vector<1x16xf32>
    tpu.vector_store %arg11[%swap3A_1304, %swap3A_1305], %swap3A_1308 {strides = array<i32>} : memref<32x128xf32, #tpu.memory_space<vmem>>, vector<1x16xf32>,
    %swap3A_1309 = arith.constant 20 : i32
    %swap3A_1310 = arith.index_cast %swap3A_1309 : i32 to index
    %swap3A_1311 = arith.constant 112 : index
    %swap3A_1312 = tpu.vector_load %arg11[%swap3A_1310, %swap3A_1311] {strides = array<i32>} : memref<32x128xf32, #tpu.memory_space<vmem>>, vector<1x16xf32>,
    %swap3A_1313 = vector.shape_cast %swap3A_1312 : vector<1x16xf32> to vector<16xf32>
    %swap3A_1314 = vector.shape_cast %broadcast_in_dim3A_67 : vector<16xf32> to vector<1x16xf32>
    tpu.vector_store %arg11[%swap3A_1310, %swap3A_1311], %swap3A_1314 {strides = array<i32>} : memref<32x128xf32, #tpu.memory_space<vmem>>, vector<1x16xf32>,
    %swap3A_1315 = arith.constant 21 : i32
    %swap3A_1316 = arith.index_cast %swap3A_1315 : i32 to index
    %swap3A_1317 = arith.constant 0 : index
    %swap3A_1318 = tpu.vector_load %arg11[%swap3A_1316, %swap3A_1317] {strides = array<i32>} : memref<32x128xf32, #tpu.memory_space<vmem>>, vector<1x16xf32>,
    %swap3A_1319 = vector.shape_cast %swap3A_1318 : vector<1x16xf32> to vector<16xf32>
    %swap3A_1320 = vector.shape_cast %broadcast_in_dim3A_67 : vector<16xf32> to vector<1x16xf32>
    tpu.vector_store %arg11[%swap3A_1316, %swap3A_1317], %swap3A_1320 {strides = array<i32>} : memref<32x128xf32, #tpu.memory_space<vmem>>, vector<1x16xf32>,
    %swap3A_1321 = arith.constant 21 : i32
    %swap3A_1322 = arith.index_cast %swap3A_1321 : i32 to index
    %swap3A_1323 = arith.constant 16 : index
    %swap3A_1324 = tpu.vector_load %arg11[%swap3A_1322, %swap3A_1323] {strides = array<i32>} : memref<32x128xf32, #tpu.memory_space<vmem>>, vector<1x16xf32>,
    %swap3A_1325 = vector.shape_cast %swap3A_1324 : vector<1x16xf32> to vector<16xf32>
    %swap3A_1326 = vector.shape_cast %broadcast_in_dim3A_67 : vector<16xf32> to vector<1x16xf32>
    tpu.vector_store %arg11[%swap3A_1322, %swap3A_1323], %swap3A_1326 {strides = array<i32>} : memref<32x128xf32, #tpu.memory_space<vmem>>, vector<1x16xf32>,
    %swap3A_1327 = arith.constant 21 : i32
    %swap3A_1328 = arith.index_cast %swap3A_1327 : i32 to index
    %swap3A_1329 = arith.constant 32 : index
    %swap3A_1330 = tpu.vector_load %arg11[%swap3A_1328, %swap3A_1329] {strides = array<i32>} : memref<32x128xf32, #tpu.memory_space<vmem>>, vector<1x16xf32>,
    %swap3A_1331 = vector.shape_cast %swap3A_1330 : vector<1x16xf32> to vector<16xf32>
    %swap3A_1332 = vector.shape_cast %broadcast_in_dim3A_67 : vector<16xf32> to vector<1x16xf32>
    tpu.vector_store %arg11[%swap3A_1328, %swap3A_1329], %swap3A_1332 {strides = array<i32>} : memref<32x128xf32, #tpu.memory_space<vmem>>, vector<1x16xf32>,
    %swap3A_1333 = arith.constant 21 : i32
    %swap3A_1334 = arith.index_cast %swap3A_1333 : i32 to index
    %swap3A_1335 = arith.constant 48 : index
    %swap3A_1336 = tpu.vector_load %arg11[%swap3A_1334, %swap3A_1335] {strides = array<i32>} : memref<32x128xf32, #tpu.memory_space<vmem>>, vector<1x16xf32>,
    %swap3A_1337 = vector.shape_cast %swap3A_1336 : vector<1x16xf32> to vector<16xf32>
    %swap3A_1338 = vector.shape_cast %broadcast_in_dim3A_67 : vector<16xf32> to vector<1x16xf32>
    tpu.vector_store %arg11[%swap3A_1334, %swap3A_1335], %swap3A_1338 {strides = array<i32>} : memref<32x128xf32, #tpu.memory_space<vmem>>, vector<1x16xf32>,
    %swap3A_1339 = arith.constant 21 : i32
    %swap3A_1340 = arith.index_cast %swap3A_1339 : i32 to index
    %swap3A_1341 = arith.constant 64 : index
    %swap3A_1342 = tpu.vector_load %arg11[%swap3A_1340, %swap3A_1341] {strides = array<i32>} : memref<32x128xf32, #tpu.memory_space<vmem>>, vector<1x16xf32>,
    %swap3A_1343 = vector.shape_cast %swap3A_1342 : vector<1x16xf32> to vector<16xf32>
    %swap3A_1344 = vector.shape_cast %broadcast_in_dim3A_67 : vector<16xf32> to vector<1x16xf32>
    tpu.vector_store %arg11[%swap3A_1340, %swap3A_1341], %swap3A_1344 {strides = array<i32>} : memref<32x128xf32, #tpu.memory_space<vmem>>, vector<1x16xf32>,
    %swap3A_1345 = arith.constant 21 : i32
    %swap3A_1346 = arith.index_cast %swap3A_1345 : i32 to index
    %swap3A_1347 = arith.constant 80 : index
    %swap3A_1348 = tpu.vector_load %arg11[%swap3A_1346, %swap3A_1347] {strides = array<i32>} : memref<32x128xf32, #tpu.memory_space<vmem>>, vector<1x16xf32>,
    %swap3A_1349 = vector.shape_cast %swap3A_1348 : vector<1x16xf32> to vector<16xf32>
    %swap3A_1350 = vector.shape_cast %broadcast_in_dim3A_67 : vector<16xf32> to vector<1x16xf32>
    tpu.vector_store %arg11[%swap3A_1346, %swap3A_1347], %swap3A_1350 {strides = array<i32>} : memref<32x128xf32, #tpu.memory_space<vmem>>, vector<1x16xf32>,
    %swap3A_1351 = arith.constant 21 : i32
    %swap3A_1352 = arith.index_cast %swap3A_1351 : i32 to index
    %swap3A_1353 = arith.constant 96 : index
    %swap3A_1354 = tpu.vector_load %arg11[%swap3A_1352, %swap3A_1353] {strides = array<i32>} : memref<32x128xf32, #tpu.memory_space<vmem>>, vector<1x16xf32>,
    %swap3A_1355 = vector.shape_cast %swap3A_1354 : vector<1x16xf32> to vector<16xf32>
    %swap3A_1356 = vector.shape_cast %broadcast_in_dim3A_67 : vector<16xf32> to vector<1x16xf32>
    tpu.vector_store %arg11[%swap3A_1352, %swap3A_1353], %swap3A_1356 {strides = array<i32>} : memref<32x128xf32, #tpu.memory_space<vmem>>, vector<1x16xf32>,
    %swap3A_1357 = arith.constant 21 : i32
    %swap3A_1358 = arith.index_cast %swap3A_1357 : i32 to index
    %swap3A_1359 = arith.constant 112 : index
    %swap3A_1360 = tpu.vector_load %arg11[%swap3A_1358, %swap3A_1359] {strides = array<i32>} : memref<32x128xf32, #tpu.memory_space<vmem>>, vector<1x16xf32>,
    %swap3A_1361 = vector.shape_cast %swap3A_1360 : vector<1x16xf32> to vector<16xf32>
    %swap3A_1362 = vector.shape_cast %broadcast_in_dim3A_67 : vector<16xf32> to vector<1x16xf32>
    tpu.vector_store %arg11[%swap3A_1358, %swap3A_1359], %swap3A_1362 {strides = array<i32>} : memref<32x128xf32, #tpu.memory_space<vmem>>, vector<1x16xf32>,
    %swap3A_1363 = arith.constant 22 : i32
    %swap3A_1364 = arith.index_cast %swap3A_1363 : i32 to index
    %swap3A_1365 = arith.constant 0 : index
    %swap3A_1366 = tpu.vector_load %arg11[%swap3A_1364, %swap3A_1365] {strides = array<i32>} : memref<32x128xf32, #tpu.memory_space<vmem>>, vector<1x16xf32>,
    %swap3A_1367 = vector.shape_cast %swap3A_1366 : vector<1x16xf32> to vector<16xf32>
    %swap3A_1368 = vector.shape_cast %broadcast_in_dim3A_67 : vector<16xf32> to vector<1x16xf32>
    tpu.vector_store %arg11[%swap3A_1364, %swap3A_1365], %swap3A_1368 {strides = array<i32>} : memref<32x128xf32, #tpu.memory_space<vmem>>, vector<1x16xf32>,
    %swap3A_1369 = arith.constant 22 : i32
    %swap3A_1370 = arith.index_cast %swap3A_1369 : i32 to index
    %swap3A_1371 = arith.constant 16 : index
    %swap3A_1372 = tpu.vector_load %arg11[%swap3A_1370, %swap3A_1371] {strides = array<i32>} : memref<32x128xf32, #tpu.memory_space<vmem>>, vector<1x16xf32>,
    %swap3A_1373 = vector.shape_cast %swap3A_1372 : vector<1x16xf32> to vector<16xf32>
    %swap3A_1374 = vector.shape_cast %broadcast_in_dim3A_67 : vector<16xf32> to vector<1x16xf32>
    tpu.vector_store %arg11[%swap3A_1370, %swap3A_1371], %swap3A_1374 {strides = array<i32>} : memref<32x128xf32, #tpu.memory_space<vmem>>, vector<1x16xf32>,
    %swap3A_1375 = arith.constant 22 : i32
    %swap3A_1376 = arith.index_cast %swap3A_1375 : i32 to index
    %swap3A_1377 = arith.constant 32 : index
    %swap3A_1378 = tpu.vector_load %arg11[%swap3A_1376, %swap3A_1377] {strides = array<i32>} : memref<32x128xf32, #tpu.memory_space<vmem>>, vector<1x16xf32>,
    %swap3A_1379 = vector.shape_cast %swap3A_1378 : vector<1x16xf32> to vector<16xf32>
    %swap3A_1380 = vector.shape_cast %broadcast_in_dim3A_67 : vector<16xf32> to vector<1x16xf32>
    tpu.vector_store %arg11[%swap3A_1376, %swap3A_1377], %swap3A_1380 {strides = array<i32>} : memref<32x128xf32, #tpu.memory_space<vmem>>, vector<1x16xf32>,
    %swap3A_1381 = arith.constant 22 : i32
    %swap3A_1382 = arith.index_cast %swap3A_1381 : i32 to index
    %swap3A_1383 = arith.constant 48 : index
    %swap3A_1384 = tpu.vector_load %arg11[%swap3A_1382, %swap3A_1383] {strides = array<i32>} : memref<32x128xf32, #tpu.memory_space<vmem>>, vector<1x16xf32>,
    %swap3A_1385 = vector.shape_cast %swap3A_1384 : vector<1x16xf32> to vector<16xf32>
    %swap3A_1386 = vector.shape_cast %broadcast_in_dim3A_67 : vector<16xf32> to vector<1x16xf32>
    tpu.vector_store %arg11[%swap3A_1382, %swap3A_1383], %swap3A_1386 {strides = array<i32>} : memref<32x128xf32, #tpu.memory_space<vmem>>, vector<1x16xf32>,
    %swap3A_1387 = arith.constant 22 : i32
    %swap3A_1388 = arith.index_cast %swap3A_1387 : i32 to index
    %swap3A_1389 = arith.constant 64 : index
    %swap3A_1390 = tpu.vector_load %arg11[%swap3A_1388, %swap3A_1389] {strides = array<i32>} : memref<32x128xf32, #tpu.memory_space<vmem>>, vector<1x16xf32>,
    %swap3A_1391 = vector.shape_cast %swap3A_1390 : vector<1x16xf32> to vector<16xf32>
    %swap3A_1392 = vector.shape_cast %broadcast_in_dim3A_67 : vector<16xf32> to vector<1x16xf32>
    tpu.vector_store %arg11[%swap3A_1388, %swap3A_1389], %swap3A_1392 {strides = array<i32>} : memref<32x128xf32, #tpu.memory_space<vmem>>, vector<1x16xf32>,
    %swap3A_1393 = arith.constant 22 : i32
    %swap3A_1394 = arith.index_cast %swap3A_1393 : i32 to index
    %swap3A_1395 = arith.constant 80 : index
    %swap3A_1396 = tpu.vector_load %arg11[%swap3A_1394, %swap3A_1395] {strides = array<i32>} : memref<32x128xf32, #tpu.memory_space<vmem>>, vector<1x16xf32>,
    %swap3A_1397 = vector.shape_cast %swap3A_1396 : vector<1x16xf32> to vector<16xf32>
    %swap3A_1398 = vector.shape_cast %broadcast_in_dim3A_67 : vector<16xf32> to vector<1x16xf32>
    tpu.vector_store %arg11[%swap3A_1394, %swap3A_1395], %swap3A_1398 {strides = array<i32>} : memref<32x128xf32, #tpu.memory_space<vmem>>, vector<1x16xf32>,
    %swap3A_1399 = arith.constant 22 : i32
    %swap3A_1400 = arith.index_cast %swap3A_1399 : i32 to index
    %swap3A_1401 = arith.constant 96 : index
    %swap3A_1402 = tpu.vector_load %arg11[%swap3A_1400, %swap3A_1401] {strides = array<i32>} : memref<32x128xf32, #tpu.memory_space<vmem>>, vector<1x16xf32>,
    %swap3A_1403 = vector.shape_cast %swap3A_1402 : vector<1x16xf32> to vector<16xf32>
    %swap3A_1404 = vector.shape_cast %broadcast_in_dim3A_67 : vector<16xf32> to vector<1x16xf32>
    tpu.vector_store %arg11[%swap3A_1400, %swap3A_1401], %swap3A_1404 {strides = array<i32>} : memref<32x128xf32, #tpu.memory_space<vmem>>, vector<1x16xf32>,
    %swap3A_1405 = arith.constant 22 : i32
    %swap3A_1406 = arith.index_cast %swap3A_1405 : i32 to index
    %swap3A_1407 = arith.constant 112 : index
    %swap3A_1408 = tpu.vector_load %arg11[%swap3A_1406, %swap3A_1407] {strides = array<i32>} : memref<32x128xf32, #tpu.memory_space<vmem>>, vector<1x16xf32>,
    %swap3A_1409 = vector.shape_cast %swap3A_1408 : vector<1x16xf32> to vector<16xf32>
    %swap3A_1410 = vector.shape_cast %broadcast_in_dim3A_67 : vector<16xf32> to vector<1x16xf32>
    tpu.vector_store %arg11[%swap3A_1406, %swap3A_1407], %swap3A_1410 {strides = array<i32>} : memref<32x128xf32, #tpu.memory_space<vmem>>, vector<1x16xf32>,
    %swap3A_1411 = arith.constant 23 : i32
    %swap3A_1412 = arith.index_cast %swap3A_1411 : i32 to index
    %swap3A_1413 = arith.constant 0 : index
    %swap3A_1414 = tpu.vector_load %arg11[%swap3A_1412, %swap3A_1413] {strides = array<i32>} : memref<32x128xf32, #tpu.memory_space<vmem>>, vector<1x16xf32>,
    %swap3A_1415 = vector.shape_cast %swap3A_1414 : vector<1x16xf32> to vector<16xf32>
    %swap3A_1416 = vector.shape_cast %broadcast_in_dim3A_67 : vector<16xf32> to vector<1x16xf32>
    tpu.vector_store %arg11[%swap3A_1412, %swap3A_1413], %swap3A_1416 {strides = array<i32>} : memref<32x128xf32, #tpu.memory_space<vmem>>, vector<1x16xf32>,
    %swap3A_1417 = arith.constant 23 : i32
    %swap3A_1418 = arith.index_cast %swap3A_1417 : i32 to index
    %swap3A_1419 = arith.constant 16 : index
    %swap3A_1420 = tpu.vector_load %arg11[%swap3A_1418, %swap3A_1419] {strides = array<i32>} : memref<32x128xf32, #tpu.memory_space<vmem>>, vector<1x16xf32>,
    %swap3A_1421 = vector.shape_cast %swap3A_1420 : vector<1x16xf32> to vector<16xf32>
    %swap3A_1422 = vector.shape_cast %broadcast_in_dim3A_67 : vector<16xf32> to vector<1x16xf32>
    tpu.vector_store %arg11[%swap3A_1418, %swap3A_1419], %swap3A_1422 {strides = array<i32>} : memref<32x128xf32, #tpu.memory_space<vmem>>, vector<1x16xf32>,
    %swap3A_1423 = arith.constant 23 : i32
    %swap3A_1424 = arith.index_cast %swap3A_1423 : i32 to index
    %swap3A_1425 = arith.constant 32 : index
    %swap3A_1426 = tpu.vector_load %arg11[%swap3A_1424, %swap3A_1425] {strides = array<i32>} : memref<32x128xf32, #tpu.memory_space<vmem>>, vector<1x16xf32>,
    %swap3A_1427 = vector.shape_cast %swap3A_1426 : vector<1x16xf32> to vector<16xf32>
    %swap3A_1428 = vector.shape_cast %broadcast_in_dim3A_67 : vector<16xf32> to vector<1x16xf32>
    tpu.vector_store %arg11[%swap3A_1424, %swap3A_1425], %swap3A_1428 {strides = array<i32>} : memref<32x128xf32, #tpu.memory_space<vmem>>, vector<1x16xf32>,
    %swap3A_1429 = arith.constant 23 : i32
    %swap3A_1430 = arith.index_cast %swap3A_1429 : i32 to index
    %swap3A_1431 = arith.constant 48 : index
    %swap3A_1432 = tpu.vector_load %arg11[%swap3A_1430, %swap3A_1431] {strides = array<i32>} : memref<32x128xf32, #tpu.memory_space<vmem>>, vector<1x16xf32>,
    %swap3A_1433 = vector.shape_cast %swap3A_1432 : vector<1x16xf32> to vector<16xf32>
    %swap3A_1434 = vector.shape_cast %broadcast_in_dim3A_67 : vector<16xf32> to vector<1x16xf32>
    tpu.vector_store %arg11[%swap3A_1430, %swap3A_1431], %swap3A_1434 {strides = array<i32>} : memref<32x128xf32, #tpu.memory_space<vmem>>, vector<1x16xf32>,
    %swap3A_1435 = arith.constant 23 : i32
    %swap3A_1436 = arith.index_cast %swap3A_1435 : i32 to index
    %swap3A_1437 = arith.constant 64 : index
    %swap3A_1438 = tpu.vector_load %arg11[%swap3A_1436, %swap3A_1437] {strides = array<i32>} : memref<32x128xf32, #tpu.memory_space<vmem>>, vector<1x16xf32>,
    %swap3A_1439 = vector.shape_cast %swap3A_1438 : vector<1x16xf32> to vector<16xf32>
    %swap3A_1440 = vector.shape_cast %broadcast_in_dim3A_67 : vector<16xf32> to vector<1x16xf32>
    tpu.vector_store %arg11[%swap3A_1436, %swap3A_1437], %swap3A_1440 {strides = array<i32>} : memref<32x128xf32, #tpu.memory_space<vmem>>, vector<1x16xf32>,
    %swap3A_1441 = arith.constant 23 : i32
    %swap3A_1442 = arith.index_cast %swap3A_1441 : i32 to index
    %swap3A_1443 = arith.constant 80 : index
    %swap3A_1444 = tpu.vector_load %arg11[%swap3A_1442, %swap3A_1443] {strides = array<i32>} : memref<32x128xf32, #tpu.memory_space<vmem>>, vector<1x16xf32>,
    %swap3A_1445 = vector.shape_cast %swap3A_1444 : vector<1x16xf32> to vector<16xf32>
    %swap3A_1446 = vector.shape_cast %broadcast_in_dim3A_67 : vector<16xf32> to vector<1x16xf32>
    tpu.vector_store %arg11[%swap3A_1442, %swap3A_1443], %swap3A_1446 {strides = array<i32>} : memref<32x128xf32, #tpu.memory_space<vmem>>, vector<1x16xf32>,
    %swap3A_1447 = arith.constant 23 : i32
    %swap3A_1448 = arith.index_cast %swap3A_1447 : i32 to index
    %swap3A_1449 = arith.constant 96 : index
    %swap3A_1450 = tpu.vector_load %arg11[%swap3A_1448, %swap3A_1449] {strides = array<i32>} : memref<32x128xf32, #tpu.memory_space<vmem>>, vector<1x16xf32>,
    %swap3A_1451 = vector.shape_cast %swap3A_1450 : vector<1x16xf32> to vector<16xf32>
    %swap3A_1452 = vector.shape_cast %broadcast_in_dim3A_67 : vector<16xf32> to vector<1x16xf32>
    tpu.vector_store %arg11[%swap3A_1448, %swap3A_1449], %swap3A_1452 {strides = array<i32>} : memref<32x128xf32, #tpu.memory_space<vmem>>, vector<1x16xf32>,
    %swap3A_1453 = arith.constant 23 : i32
    %swap3A_1454 = arith.index_cast %swap3A_1453 : i32 to index
    %swap3A_1455 = arith.constant 112 : index
    %swap3A_1456 = tpu.vector_load %arg11[%swap3A_1454, %swap3A_1455] {strides = array<i32>} : memref<32x128xf32, #tpu.memory_space<vmem>>, vector<1x16xf32>,
    %swap3A_1457 = vector.shape_cast %swap3A_1456 : vector<1x16xf32> to vector<16xf32>
    %swap3A_1458 = vector.shape_cast %broadcast_in_dim3A_67 : vector<16xf32> to vector<1x16xf32>
    tpu.vector_store %arg11[%swap3A_1454, %swap3A_1455], %swap3A_1458 {strides = array<i32>} : memref<32x128xf32, #tpu.memory_space<vmem>>, vector<1x16xf32>,
    %swap3A_1459 = arith.constant 24 : i32
    %swap3A_1460 = arith.index_cast %swap3A_1459 : i32 to index
    %swap3A_1461 = arith.constant 0 : index
    %swap3A_1462 = tpu.vector_load %arg11[%swap3A_1460, %swap3A_1461] {strides = array<i32>} : memref<32x128xf32, #tpu.memory_space<vmem>>, vector<1x16xf32>,
    %swap3A_1463 = vector.shape_cast %swap3A_1462 : vector<1x16xf32> to vector<16xf32>
    %swap3A_1464 = vector.shape_cast %broadcast_in_dim3A_67 : vector<16xf32> to vector<1x16xf32>
    tpu.vector_store %arg11[%swap3A_1460, %swap3A_1461], %swap3A_1464 {strides = array<i32>} : memref<32x128xf32, #tpu.memory_space<vmem>>, vector<1x16xf32>,
    %swap3A_1465 = arith.constant 24 : i32
    %swap3A_1466 = arith.index_cast %swap3A_1465 : i32 to index
    %swap3A_1467 = arith.constant 16 : index
    %swap3A_1468 = tpu.vector_load %arg11[%swap3A_1466, %swap3A_1467] {strides = array<i32>} : memref<32x128xf32, #tpu.memory_space<vmem>>, vector<1x16xf32>,
    %swap3A_1469 = vector.shape_cast %swap3A_1468 : vector<1x16xf32> to vector<16xf32>
    %swap3A_1470 = vector.shape_cast %broadcast_in_dim3A_67 : vector<16xf32> to vector<1x16xf32>
    tpu.vector_store %arg11[%swap3A_1466, %swap3A_1467], %swap3A_1470 {strides = array<i32>} : memref<32x128xf32, #tpu.memory_space<vmem>>, vector<1x16xf32>,
    %swap3A_1471 = arith.constant 24 : i32
    %swap3A_1472 = arith.index_cast %swap3A_1471 : i32 to index
    %swap3A_1473 = arith.constant 32 : index
    %swap3A_1474 = tpu.vector_load %arg11[%swap3A_1472, %swap3A_1473] {strides = array<i32>} : memref<32x128xf32, #tpu.memory_space<vmem>>, vector<1x16xf32>,
    %swap3A_1475 = vector.shape_cast %swap3A_1474 : vector<1x16xf32> to vector<16xf32>
    %swap3A_1476 = vector.shape_cast %broadcast_in_dim3A_67 : vector<16xf32> to vector<1x16xf32>
    tpu.vector_store %arg11[%swap3A_1472, %swap3A_1473], %swap3A_1476 {strides = array<i32>} : memref<32x128xf32, #tpu.memory_space<vmem>>, vector<1x16xf32>,
    %swap3A_1477 = arith.constant 24 : i32
    %swap3A_1478 = arith.index_cast %swap3A_1477 : i32 to index
    %swap3A_1479 = arith.constant 48 : index
    %swap3A_1480 = tpu.vector_load %arg11[%swap3A_1478, %swap3A_1479] {strides = array<i32>} : memref<32x128xf32, #tpu.memory_space<vmem>>, vector<1x16xf32>,
    %swap3A_1481 = vector.shape_cast %swap3A_1480 : vector<1x16xf32> to vector<16xf32>
    %swap3A_1482 = vector.shape_cast %broadcast_in_dim3A_67 : vector<16xf32> to vector<1x16xf32>
    tpu.vector_store %arg11[%swap3A_1478, %swap3A_1479], %swap3A_1482 {strides = array<i32>} : memref<32x128xf32, #tpu.memory_space<vmem>>, vector<1x16xf32>,
    %swap3A_1483 = arith.constant 24 : i32
    %swap3A_1484 = arith.index_cast %swap3A_1483 : i32 to index
    %swap3A_1485 = arith.constant 64 : index
    %swap3A_1486 = tpu.vector_load %arg11[%swap3A_1484, %swap3A_1485] {strides = array<i32>} : memref<32x128xf32, #tpu.memory_space<vmem>>, vector<1x16xf32>,
    %swap3A_1487 = vector.shape_cast %swap3A_1486 : vector<1x16xf32> to vector<16xf32>
    %swap3A_1488 = vector.shape_cast %broadcast_in_dim3A_67 : vector<16xf32> to vector<1x16xf32>
    tpu.vector_store %arg11[%swap3A_1484, %swap3A_1485], %swap3A_1488 {strides = array<i32>} : memref<32x128xf32, #tpu.memory_space<vmem>>, vector<1x16xf32>,
    %swap3A_1489 = arith.constant 24 : i32
    %swap3A_1490 = arith.index_cast %swap3A_1489 : i32 to index
    %swap3A_1491 = arith.constant 80 : index
    %swap3A_1492 = tpu.vector_load %arg11[%swap3A_1490, %swap3A_1491] {strides = array<i32>} : memref<32x128xf32, #tpu.memory_space<vmem>>, vector<1x16xf32>,
    %swap3A_1493 = vector.shape_cast %swap3A_1492 : vector<1x16xf32> to vector<16xf32>
    %swap3A_1494 = vector.shape_cast %broadcast_in_dim3A_67 : vector<16xf32> to vector<1x16xf32>
    tpu.vector_store %arg11[%swap3A_1490, %swap3A_1491], %swap3A_1494 {strides = array<i32>} : memref<32x128xf32, #tpu.memory_space<vmem>>, vector<1x16xf32>,
    %swap3A_1495 = arith.constant 24 : i32
    %swap3A_1496 = arith.index_cast %swap3A_1495 : i32 to index
    %swap3A_1497 = arith.constant 96 : index
    %swap3A_1498 = tpu.vector_load %arg11[%swap3A_1496, %swap3A_1497] {strides = array<i32>} : memref<32x128xf32, #tpu.memory_space<vmem>>, vector<1x16xf32>,
    %swap3A_1499 = vector.shape_cast %swap3A_1498 : vector<1x16xf32> to vector<16xf32>
    %swap3A_1500 = vector.shape_cast %broadcast_in_dim3A_67 : vector<16xf32> to vector<1x16xf32>
    tpu.vector_store %arg11[%swap3A_1496, %swap3A_1497], %swap3A_1500 {strides = array<i32>} : memref<32x128xf32, #tpu.memory_space<vmem>>, vector<1x16xf32>,
    %swap3A_1501 = arith.constant 24 : i32
    %swap3A_1502 = arith.index_cast %swap3A_1501 : i32 to index
    %swap3A_1503 = arith.constant 112 : index
    %swap3A_1504 = tpu.vector_load %arg11[%swap3A_1502, %swap3A_1503] {strides = array<i32>} : memref<32x128xf32, #tpu.memory_space<vmem>>, vector<1x16xf32>,
    %swap3A_1505 = vector.shape_cast %swap3A_1504 : vector<1x16xf32> to vector<16xf32>
    %swap3A_1506 = vector.shape_cast %broadcast_in_dim3A_67 : vector<16xf32> to vector<1x16xf32>
    tpu.vector_store %arg11[%swap3A_1502, %swap3A_1503], %swap3A_1506 {strides = array<i32>} : memref<32x128xf32, #tpu.memory_space<vmem>>, vector<1x16xf32>,
    %swap3A_1507 = arith.constant 25 : i32
    %swap3A_1508 = arith.index_cast %swap3A_1507 : i32 to index
    %swap3A_1509 = arith.constant 0 : index
    %swap3A_1510 = tpu.vector_load %arg11[%swap3A_1508, %swap3A_1509] {strides = array<i32>} : memref<32x128xf32, #tpu.memory_space<vmem>>, vector<1x16xf32>,
    %swap3A_1511 = vector.shape_cast %swap3A_1510 : vector<1x16xf32> to vector<16xf32>
    %swap3A_1512 = vector.shape_cast %broadcast_in_dim3A_67 : vector<16xf32> to vector<1x16xf32>
    tpu.vector_store %arg11[%swap3A_1508, %swap3A_1509], %swap3A_1512 {strides = array<i32>} : memref<32x128xf32, #tpu.memory_space<vmem>>, vector<1x16xf32>,
    %swap3A_1513 = arith.constant 25 : i32
    %swap3A_1514 = arith.index_cast %swap3A_1513 : i32 to index
    %swap3A_1515 = arith.constant 16 : index
    %swap3A_1516 = tpu.vector_load %arg11[%swap3A_1514, %swap3A_1515] {strides = array<i32>} : memref<32x128xf32, #tpu.memory_space<vmem>>, vector<1x16xf32>,
    %swap3A_1517 = vector.shape_cast %swap3A_1516 : vector<1x16xf32> to vector<16xf32>
    %swap3A_1518 = vector.shape_cast %broadcast_in_dim3A_67 : vector<16xf32> to vector<1x16xf32>
    tpu.vector_store %arg11[%swap3A_1514, %swap3A_1515], %swap3A_1518 {strides = array<i32>} : memref<32x128xf32, #tpu.memory_space<vmem>>, vector<1x16xf32>,
    %swap3A_1519 = arith.constant 25 : i32
    %swap3A_1520 = arith.index_cast %swap3A_1519 : i32 to index
    %swap3A_1521 = arith.constant 32 : index
    %swap3A_1522 = tpu.vector_load %arg11[%swap3A_1520, %swap3A_1521] {strides = array<i32>} : memref<32x128xf32, #tpu.memory_space<vmem>>, vector<1x16xf32>,
    %swap3A_1523 = vector.shape_cast %swap3A_1522 : vector<1x16xf32> to vector<16xf32>
    %swap3A_1524 = vector.shape_cast %broadcast_in_dim3A_67 : vector<16xf32> to vector<1x16xf32>
    tpu.vector_store %arg11[%swap3A_1520, %swap3A_1521], %swap3A_1524 {strides = array<i32>} : memref<32x128xf32, #tpu.memory_space<vmem>>, vector<1x16xf32>,
    %swap3A_1525 = arith.constant 25 : i32
    %swap3A_1526 = arith.index_cast %swap3A_1525 : i32 to index
    %swap3A_1527 = arith.constant 48 : index
    %swap3A_1528 = tpu.vector_load %arg11[%swap3A_1526, %swap3A_1527] {strides = array<i32>} : memref<32x128xf32, #tpu.memory_space<vmem>>, vector<1x16xf32>,
    %swap3A_1529 = vector.shape_cast %swap3A_1528 : vector<1x16xf32> to vector<16xf32>
    %swap3A_1530 = vector.shape_cast %broadcast_in_dim3A_67 : vector<16xf32> to vector<1x16xf32>
    tpu.vector_store %arg11[%swap3A_1526, %swap3A_1527], %swap3A_1530 {strides = array<i32>} : memref<32x128xf32, #tpu.memory_space<vmem>>, vector<1x16xf32>,
    %swap3A_1531 = arith.constant 25 : i32
    %swap3A_1532 = arith.index_cast %swap3A_1531 : i32 to index
    %swap3A_1533 = arith.constant 64 : index
    %swap3A_1534 = tpu.vector_load %arg11[%swap3A_1532, %swap3A_1533] {strides = array<i32>} : memref<32x128xf32, #tpu.memory_space<vmem>>, vector<1x16xf32>,
    %swap3A_1535 = vector.shape_cast %swap3A_1534 : vector<1x16xf32> to vector<16xf32>
    %swap3A_1536 = vector.shape_cast %broadcast_in_dim3A_67 : vector<16xf32> to vector<1x16xf32>
    tpu.vector_store %arg11[%swap3A_1532, %swap3A_1533], %swap3A_1536 {strides = array<i32>} : memref<32x128xf32, #tpu.memory_space<vmem>>, vector<1x16xf32>,
    %swap3A_1537 = arith.constant 25 : i32
    %swap3A_1538 = arith.index_cast %swap3A_1537 : i32 to index
    %swap3A_1539 = arith.constant 80 : index
    %swap3A_1540 = tpu.vector_load %arg11[%swap3A_1538, %swap3A_1539] {strides = array<i32>} : memref<32x128xf32, #tpu.memory_space<vmem>>, vector<1x16xf32>,
    %swap3A_1541 = vector.shape_cast %swap3A_1540 : vector<1x16xf32> to vector<16xf32>
    %swap3A_1542 = vector.shape_cast %broadcast_in_dim3A_67 : vector<16xf32> to vector<1x16xf32>
    tpu.vector_store %arg11[%swap3A_1538, %swap3A_1539], %swap3A_1542 {strides = array<i32>} : memref<32x128xf32, #tpu.memory_space<vmem>>, vector<1x16xf32>,
    %swap3A_1543 = arith.constant 25 : i32
    %swap3A_1544 = arith.index_cast %swap3A_1543 : i32 to index
    %swap3A_1545 = arith.constant 96 : index
    %swap3A_1546 = tpu.vector_load %arg11[%swap3A_1544, %swap3A_1545] {strides = array<i32>} : memref<32x128xf32, #tpu.memory_space<vmem>>, vector<1x16xf32>,
    %swap3A_1547 = vector.shape_cast %swap3A_1546 : vector<1x16xf32> to vector<16xf32>
    %swap3A_1548 = vector.shape_cast %broadcast_in_dim3A_67 : vector<16xf32> to vector<1x16xf32>
    tpu.vector_store %arg11[%swap3A_1544, %swap3A_1545], %swap3A_1548 {strides = array<i32>} : memref<32x128xf32, #tpu.memory_space<vmem>>, vector<1x16xf32>,
    %swap3A_1549 = arith.constant 25 : i32
    %swap3A_1550 = arith.index_cast %swap3A_1549 : i32 to index
    %swap3A_1551 = arith.constant 112 : index
    %swap3A_1552 = tpu.vector_load %arg11[%swap3A_1550, %swap3A_1551] {strides = array<i32>} : memref<32x128xf32, #tpu.memory_space<vmem>>, vector<1x16xf32>,
    %swap3A_1553 = vector.shape_cast %swap3A_1552 : vector<1x16xf32> to vector<16xf32>
    %swap3A_1554 = vector.shape_cast %broadcast_in_dim3A_67 : vector<16xf32> to vector<1x16xf32>
    tpu.vector_store %arg11[%swap3A_1550, %swap3A_1551], %swap3A_1554 {strides = array<i32>} : memref<32x128xf32, #tpu.memory_space<vmem>>, vector<1x16xf32>,
    %swap3A_1555 = arith.constant 26 : i32
    %swap3A_1556 = arith.index_cast %swap3A_1555 : i32 to index
    %swap3A_1557 = arith.constant 0 : index
    %swap3A_1558 = tpu.vector_load %arg11[%swap3A_1556, %swap3A_1557] {strides = array<i32>} : memref<32x128xf32, #tpu.memory_space<vmem>>, vector<1x16xf32>,
    %swap3A_1559 = vector.shape_cast %swap3A_1558 : vector<1x16xf32> to vector<16xf32>
    %swap3A_1560 = vector.shape_cast %broadcast_in_dim3A_67 : vector<16xf32> to vector<1x16xf32>
    tpu.vector_store %arg11[%swap3A_1556, %swap3A_1557], %swap3A_1560 {strides = array<i32>} : memref<32x128xf32, #tpu.memory_space<vmem>>, vector<1x16xf32>,
    %swap3A_1561 = arith.constant 26 : i32
    %swap3A_1562 = arith.index_cast %swap3A_1561 : i32 to index
    %swap3A_1563 = arith.constant 16 : index
    %swap3A_1564 = tpu.vector_load %arg11[%swap3A_1562, %swap3A_1563] {strides = array<i32>} : memref<32x128xf32, #tpu.memory_space<vmem>>, vector<1x16xf32>,
    %swap3A_1565 = vector.shape_cast %swap3A_1564 : vector<1x16xf32> to vector<16xf32>
    %swap3A_1566 = vector.shape_cast %broadcast_in_dim3A_67 : vector<16xf32> to vector<1x16xf32>
    tpu.vector_store %arg11[%swap3A_1562, %swap3A_1563], %swap3A_1566 {strides = array<i32>} : memref<32x128xf32, #tpu.memory_space<vmem>>, vector<1x16xf32>,
    %swap3A_1567 = arith.constant 26 : i32
    %swap3A_1568 = arith.index_cast %swap3A_1567 : i32 to index
    %swap3A_1569 = arith.constant 32 : index
    %swap3A_1570 = tpu.vector_load %arg11[%swap3A_1568, %swap3A_1569] {strides = array<i32>} : memref<32x128xf32, #tpu.memory_space<vmem>>, vector<1x16xf32>,
    %swap3A_1571 = vector.shape_cast %swap3A_1570 : vector<1x16xf32> to vector<16xf32>
    %swap3A_1572 = vector.shape_cast %broadcast_in_dim3A_67 : vector<16xf32> to vector<1x16xf32>
    tpu.vector_store %arg11[%swap3A_1568, %swap3A_1569], %swap3A_1572 {strides = array<i32>} : memref<32x128xf32, #tpu.memory_space<vmem>>, vector<1x16xf32>,
    %swap3A_1573 = arith.constant 26 : i32
    %swap3A_1574 = arith.index_cast %swap3A_1573 : i32 to index
    %swap3A_1575 = arith.constant 48 : index
    %swap3A_1576 = tpu.vector_load %arg11[%swap3A_1574, %swap3A_1575] {strides = array<i32>} : memref<32x128xf32, #tpu.memory_space<vmem>>, vector<1x16xf32>,
    %swap3A_1577 = vector.shape_cast %swap3A_1576 : vector<1x16xf32> to vector<16xf32>
    %swap3A_1578 = vector.shape_cast %broadcast_in_dim3A_67 : vector<16xf32> to vector<1x16xf32>
    tpu.vector_store %arg11[%swap3A_1574, %swap3A_1575], %swap3A_1578 {strides = array<i32>} : memref<32x128xf32, #tpu.memory_space<vmem>>, vector<1x16xf32>,
    %swap3A_1579 = arith.constant 26 : i32
    %swap3A_1580 = arith.index_cast %swap3A_1579 : i32 to index
    %swap3A_1581 = arith.constant 64 : index
    %swap3A_1582 = tpu.vector_load %arg11[%swap3A_1580, %swap3A_1581] {strides = array<i32>} : memref<32x128xf32, #tpu.memory_space<vmem>>, vector<1x16xf32>,
    %swap3A_1583 = vector.shape_cast %swap3A_1582 : vector<1x16xf32> to vector<16xf32>
    %swap3A_1584 = vector.shape_cast %broadcast_in_dim3A_67 : vector<16xf32> to vector<1x16xf32>
    tpu.vector_store %arg11[%swap3A_1580, %swap3A_1581], %swap3A_1584 {strides = array<i32>} : memref<32x128xf32, #tpu.memory_space<vmem>>, vector<1x16xf32>,
    %swap3A_1585 = arith.constant 26 : i32
    %swap3A_1586 = arith.index_cast %swap3A_1585 : i32 to index
    %swap3A_1587 = arith.constant 80 : index
    %swap3A_1588 = tpu.vector_load %arg11[%swap3A_1586, %swap3A_1587] {strides = array<i32>} : memref<32x128xf32, #tpu.memory_space<vmem>>, vector<1x16xf32>,
    %swap3A_1589 = vector.shape_cast %swap3A_1588 : vector<1x16xf32> to vector<16xf32>
    %swap3A_1590 = vector.shape_cast %broadcast_in_dim3A_67 : vector<16xf32> to vector<1x16xf32>
    tpu.vector_store %arg11[%swap3A_1586, %swap3A_1587], %swap3A_1590 {strides = array<i32>} : memref<32x128xf32, #tpu.memory_space<vmem>>, vector<1x16xf32>,
    %swap3A_1591 = arith.constant 26 : i32
    %swap3A_1592 = arith.index_cast %swap3A_1591 : i32 to index
    %swap3A_1593 = arith.constant 96 : index
    %swap3A_1594 = tpu.vector_load %arg11[%swap3A_1592, %swap3A_1593] {strides = array<i32>} : memref<32x128xf32, #tpu.memory_space<vmem>>, vector<1x16xf32>,
    %swap3A_1595 = vector.shape_cast %swap3A_1594 : vector<1x16xf32> to vector<16xf32>
    %swap3A_1596 = vector.shape_cast %broadcast_in_dim3A_67 : vector<16xf32> to vector<1x16xf32>
    tpu.vector_store %arg11[%swap3A_1592, %swap3A_1593], %swap3A_1596 {strides = array<i32>} : memref<32x128xf32, #tpu.memory_space<vmem>>, vector<1x16xf32>,
    %swap3A_1597 = arith.constant 26 : i32
    %swap3A_1598 = arith.index_cast %swap3A_1597 : i32 to index
    %swap3A_1599 = arith.constant 112 : index
    %swap3A_1600 = tpu.vector_load %arg11[%swap3A_1598, %swap3A_1599] {strides = array<i32>} : memref<32x128xf32, #tpu.memory_space<vmem>>, vector<1x16xf32>,
    %swap3A_1601 = vector.shape_cast %swap3A_1600 : vector<1x16xf32> to vector<16xf32>
    %swap3A_1602 = vector.shape_cast %broadcast_in_dim3A_67 : vector<16xf32> to vector<1x16xf32>
    tpu.vector_store %arg11[%swap3A_1598, %swap3A_1599], %swap3A_1602 {strides = array<i32>} : memref<32x128xf32, #tpu.memory_space<vmem>>, vector<1x16xf32>,
    %swap3A_1603 = arith.constant 27 : i32
    %swap3A_1604 = arith.index_cast %swap3A_1603 : i32 to index
    %swap3A_1605 = arith.constant 0 : index
    %swap3A_1606 = tpu.vector_load %arg11[%swap3A_1604, %swap3A_1605] {strides = array<i32>} : memref<32x128xf32, #tpu.memory_space<vmem>>, vector<1x16xf32>,
    %swap3A_1607 = vector.shape_cast %swap3A_1606 : vector<1x16xf32> to vector<16xf32>
    %swap3A_1608 = vector.shape_cast %broadcast_in_dim3A_67 : vector<16xf32> to vector<1x16xf32>
    tpu.vector_store %arg11[%swap3A_1604, %swap3A_1605], %swap3A_1608 {strides = array<i32>} : memref<32x128xf32, #tpu.memory_space<vmem>>, vector<1x16xf32>,
    %swap3A_1609 = arith.constant 27 : i32
    %swap3A_1610 = arith.index_cast %swap3A_1609 : i32 to index
    %swap3A_1611 = arith.constant 16 : index
    %swap3A_1612 = tpu.vector_load %arg11[%swap3A_1610, %swap3A_1611] {strides = array<i32>} : memref<32x128xf32, #tpu.memory_space<vmem>>, vector<1x16xf32>,
    %swap3A_1613 = vector.shape_cast %swap3A_1612 : vector<1x16xf32> to vector<16xf32>
    %swap3A_1614 = vector.shape_cast %broadcast_in_dim3A_67 : vector<16xf32> to vector<1x16xf32>
    tpu.vector_store %arg11[%swap3A_1610, %swap3A_1611], %swap3A_1614 {strides = array<i32>} : memref<32x128xf32, #tpu.memory_space<vmem>>, vector<1x16xf32>,
    %swap3A_1615 = arith.constant 27 : i32
    %swap3A_1616 = arith.index_cast %swap3A_1615 : i32 to index
    %swap3A_1617 = arith.constant 32 : index
    %swap3A_1618 = tpu.vector_load %arg11[%swap3A_1616, %swap3A_1617] {strides = array<i32>} : memref<32x128xf32, #tpu.memory_space<vmem>>, vector<1x16xf32>,
    %swap3A_1619 = vector.shape_cast %swap3A_1618 : vector<1x16xf32> to vector<16xf32>
    %swap3A_1620 = vector.shape_cast %broadcast_in_dim3A_67 : vector<16xf32> to vector<1x16xf32>
    tpu.vector_store %arg11[%swap3A_1616, %swap3A_1617], %swap3A_1620 {strides = array<i32>} : memref<32x128xf32, #tpu.memory_space<vmem>>, vector<1x16xf32>,
    %swap3A_1621 = arith.constant 27 : i32
    %swap3A_1622 = arith.index_cast %swap3A_1621 : i32 to index
    %swap3A_1623 = arith.constant 48 : index
    %swap3A_1624 = tpu.vector_load %arg11[%swap3A_1622, %swap3A_1623] {strides = array<i32>} : memref<32x128xf32, #tpu.memory_space<vmem>>, vector<1x16xf32>,
    %swap3A_1625 = vector.shape_cast %swap3A_1624 : vector<1x16xf32> to vector<16xf32>
    %swap3A_1626 = vector.shape_cast %broadcast_in_dim3A_67 : vector<16xf32> to vector<1x16xf32>
    tpu.vector_store %arg11[%swap3A_1622, %swap3A_1623], %swap3A_1626 {strides = array<i32>} : memref<32x128xf32, #tpu.memory_space<vmem>>, vector<1x16xf32>,
    %swap3A_1627 = arith.constant 27 : i32
    %swap3A_1628 = arith.index_cast %swap3A_1627 : i32 to index
    %swap3A_1629 = arith.constant 64 : index
    %swap3A_1630 = tpu.vector_load %arg11[%swap3A_1628, %swap3A_1629] {strides = array<i32>} : memref<32x128xf32, #tpu.memory_space<vmem>>, vector<1x16xf32>,
    %swap3A_1631 = vector.shape_cast %swap3A_1630 : vector<1x16xf32> to vector<16xf32>
    %swap3A_1632 = vector.shape_cast %broadcast_in_dim3A_67 : vector<16xf32> to vector<1x16xf32>
    tpu.vector_store %arg11[%swap3A_1628, %swap3A_1629], %swap3A_1632 {strides = array<i32>} : memref<32x128xf32, #tpu.memory_space<vmem>>, vector<1x16xf32>,
    %swap3A_1633 = arith.constant 27 : i32
    %swap3A_1634 = arith.index_cast %swap3A_1633 : i32 to index
    %swap3A_1635 = arith.constant 80 : index
    %swap3A_1636 = tpu.vector_load %arg11[%swap3A_1634, %swap3A_1635] {strides = array<i32>} : memref<32x128xf32, #tpu.memory_space<vmem>>, vector<1x16xf32>,
    %swap3A_1637 = vector.shape_cast %swap3A_1636 : vector<1x16xf32> to vector<16xf32>
    %swap3A_1638 = vector.shape_cast %broadcast_in_dim3A_67 : vector<16xf32> to vector<1x16xf32>
    tpu.vector_store %arg11[%swap3A_1634, %swap3A_1635], %swap3A_1638 {strides = array<i32>} : memref<32x128xf32, #tpu.memory_space<vmem>>, vector<1x16xf32>,
    %swap3A_1639 = arith.constant 27 : i32
    %swap3A_1640 = arith.index_cast %swap3A_1639 : i32 to index
    %swap3A_1641 = arith.constant 96 : index
    %swap3A_1642 = tpu.vector_load %arg11[%swap3A_1640, %swap3A_1641] {strides = array<i32>} : memref<32x128xf32, #tpu.memory_space<vmem>>, vector<1x16xf32>,
    %swap3A_1643 = vector.shape_cast %swap3A_1642 : vector<1x16xf32> to vector<16xf32>
    %swap3A_1644 = vector.shape_cast %broadcast_in_dim3A_67 : vector<16xf32> to vector<1x16xf32>
    tpu.vector_store %arg11[%swap3A_1640, %swap3A_1641], %swap3A_1644 {strides = array<i32>} : memref<32x128xf32, #tpu.memory_space<vmem>>, vector<1x16xf32>,
    %swap3A_1645 = arith.constant 27 : i32
    %swap3A_1646 = arith.index_cast %swap3A_1645 : i32 to index
    %swap3A_1647 = arith.constant 112 : index
    %swap3A_1648 = tpu.vector_load %arg11[%swap3A_1646, %swap3A_1647] {strides = array<i32>} : memref<32x128xf32, #tpu.memory_space<vmem>>, vector<1x16xf32>,
    %swap3A_1649 = vector.shape_cast %swap3A_1648 : vector<1x16xf32> to vector<16xf32>
    %swap3A_1650 = vector.shape_cast %broadcast_in_dim3A_67 : vector<16xf32> to vector<1x16xf32>
    tpu.vector_store %arg11[%swap3A_1646, %swap3A_1647], %swap3A_1650 {strides = array<i32>} : memref<32x128xf32, #tpu.memory_space<vmem>>, vector<1x16xf32>,
    %swap3A_1651 = arith.constant 28 : i32
    %swap3A_1652 = arith.index_cast %swap3A_1651 : i32 to index
    %swap3A_1653 = arith.constant 0 : index
    %swap3A_1654 = tpu.vector_load %arg11[%swap3A_1652, %swap3A_1653] {strides = array<i32>} : memref<32x128xf32, #tpu.memory_space<vmem>>, vector<1x16xf32>,
    %swap3A_1655 = vector.shape_cast %swap3A_1654 : vector<1x16xf32> to vector<16xf32>
    %swap3A_1656 = vector.shape_cast %broadcast_in_dim3A_67 : vector<16xf32> to vector<1x16xf32>
    tpu.vector_store %arg11[%swap3A_1652, %swap3A_1653], %swap3A_1656 {strides = array<i32>} : memref<32x128xf32, #tpu.memory_space<vmem>>, vector<1x16xf32>,
    %swap3A_1657 = arith.constant 28 : i32
    %swap3A_1658 = arith.index_cast %swap3A_1657 : i32 to index
    %swap3A_1659 = arith.constant 16 : index
    %swap3A_1660 = tpu.vector_load %arg11[%swap3A_1658, %swap3A_1659] {strides = array<i32>} : memref<32x128xf32, #tpu.memory_space<vmem>>, vector<1x16xf32>,
    %swap3A_1661 = vector.shape_cast %swap3A_1660 : vector<1x16xf32> to vector<16xf32>
    %swap3A_1662 = vector.shape_cast %broadcast_in_dim3A_67 : vector<16xf32> to vector<1x16xf32>
    tpu.vector_store %arg11[%swap3A_1658, %swap3A_1659], %swap3A_1662 {strides = array<i32>} : memref<32x128xf32, #tpu.memory_space<vmem>>, vector<1x16xf32>,
    %swap3A_1663 = arith.constant 28 : i32
    %swap3A_1664 = arith.index_cast %swap3A_1663 : i32 to index
    %swap3A_1665 = arith.constant 32 : index
    %swap3A_1666 = tpu.vector_load %arg11[%swap3A_1664, %swap3A_1665] {strides = array<i32>} : memref<32x128xf32, #tpu.memory_space<vmem>>, vector<1x16xf32>,
    %swap3A_1667 = vector.shape_cast %swap3A_1666 : vector<1x16xf32> to vector<16xf32>
    %swap3A_1668 = vector.shape_cast %broadcast_in_dim3A_67 : vector<16xf32> to vector<1x16xf32>
    tpu.vector_store %arg11[%swap3A_1664, %swap3A_1665], %swap3A_1668 {strides = array<i32>} : memref<32x128xf32, #tpu.memory_space<vmem>>, vector<1x16xf32>,
    %swap3A_1669 = arith.constant 28 : i32
    %swap3A_1670 = arith.index_cast %swap3A_1669 : i32 to index
    %swap3A_1671 = arith.constant 48 : index
    %swap3A_1672 = tpu.vector_load %arg11[%swap3A_1670, %swap3A_1671] {strides = array<i32>} : memref<32x128xf32, #tpu.memory_space<vmem>>, vector<1x16xf32>,
    %swap3A_1673 = vector.shape_cast %swap3A_1672 : vector<1x16xf32> to vector<16xf32>
    %swap3A_1674 = vector.shape_cast %broadcast_in_dim3A_67 : vector<16xf32> to vector<1x16xf32>
    tpu.vector_store %arg11[%swap3A_1670, %swap3A_1671], %swap3A_1674 {strides = array<i32>} : memref<32x128xf32, #tpu.memory_space<vmem>>, vector<1x16xf32>,
    %swap3A_1675 = arith.constant 28 : i32
    %swap3A_1676 = arith.index_cast %swap3A_1675 : i32 to index
    %swap3A_1677 = arith.constant 64 : index
    %swap3A_1678 = tpu.vector_load %arg11[%swap3A_1676, %swap3A_1677] {strides = array<i32>} : memref<32x128xf32, #tpu.memory_space<vmem>>, vector<1x16xf32>,
    %swap3A_1679 = vector.shape_cast %swap3A_1678 : vector<1x16xf32> to vector<16xf32>
    %swap3A_1680 = vector.shape_cast %broadcast_in_dim3A_67 : vector<16xf32> to vector<1x16xf32>
    tpu.vector_store %arg11[%swap3A_1676, %swap3A_1677], %swap3A_1680 {strides = array<i32>} : memref<32x128xf32, #tpu.memory_space<vmem>>, vector<1x16xf32>,
    %swap3A_1681 = arith.constant 28 : i32
    %swap3A_1682 = arith.index_cast %swap3A_1681 : i32 to index
    %swap3A_1683 = arith.constant 80 : index
    %swap3A_1684 = tpu.vector_load %arg11[%swap3A_1682, %swap3A_1683] {strides = array<i32>} : memref<32x128xf32, #tpu.memory_space<vmem>>, vector<1x16xf32>,
    %swap3A_1685 = vector.shape_cast %swap3A_1684 : vector<1x16xf32> to vector<16xf32>
    %swap3A_1686 = vector.shape_cast %broadcast_in_dim3A_67 : vector<16xf32> to vector<1x16xf32>
    tpu.vector_store %arg11[%swap3A_1682, %swap3A_1683], %swap3A_1686 {strides = array<i32>} : memref<32x128xf32, #tpu.memory_space<vmem>>, vector<1x16xf32>,
    %swap3A_1687 = arith.constant 28 : i32
    %swap3A_1688 = arith.index_cast %swap3A_1687 : i32 to index
    %swap3A_1689 = arith.constant 96 : index
    %swap3A_1690 = tpu.vector_load %arg11[%swap3A_1688, %swap3A_1689] {strides = array<i32>} : memref<32x128xf32, #tpu.memory_space<vmem>>, vector<1x16xf32>,
    %swap3A_1691 = vector.shape_cast %swap3A_1690 : vector<1x16xf32> to vector<16xf32>
    %swap3A_1692 = vector.shape_cast %broadcast_in_dim3A_67 : vector<16xf32> to vector<1x16xf32>
    tpu.vector_store %arg11[%swap3A_1688, %swap3A_1689], %swap3A_1692 {strides = array<i32>} : memref<32x128xf32, #tpu.memory_space<vmem>>, vector<1x16xf32>,
    %swap3A_1693 = arith.constant 28 : i32
    %swap3A_1694 = arith.index_cast %swap3A_1693 : i32 to index
    %swap3A_1695 = arith.constant 112 : index
    %swap3A_1696 = tpu.vector_load %arg11[%swap3A_1694, %swap3A_1695] {strides = array<i32>} : memref<32x128xf32, #tpu.memory_space<vmem>>, vector<1x16xf32>,
    %swap3A_1697 = vector.shape_cast %swap3A_1696 : vector<1x16xf32> to vector<16xf32>
    %swap3A_1698 = vector.shape_cast %broadcast_in_dim3A_67 : vector<16xf32> to vector<1x16xf32>
    tpu.vector_store %arg11[%swap3A_1694, %swap3A_1695], %swap3A_1698 {strides = array<i32>} : memref<32x128xf32, #tpu.memory_space<vmem>>, vector<1x16xf32>,
    %swap3A_1699 = arith.constant 29 : i32
    %swap3A_1700 = arith.index_cast %swap3A_1699 : i32 to index
    %swap3A_1701 = arith.constant 0 : index
    %swap3A_1702 = tpu.vector_load %arg11[%swap3A_1700, %swap3A_1701] {strides = array<i32>} : memref<32x128xf32, #tpu.memory_space<vmem>>, vector<1x16xf32>,
    %swap3A_1703 = vector.shape_cast %swap3A_1702 : vector<1x16xf32> to vector<16xf32>
    %swap3A_1704 = vector.shape_cast %broadcast_in_dim3A_67 : vector<16xf32> to vector<1x16xf32>
    tpu.vector_store %arg11[%swap3A_1700, %swap3A_1701], %swap3A_1704 {strides = array<i32>} : memref<32x128xf32, #tpu.memory_space<vmem>>, vector<1x16xf32>,
    %swap3A_1705 = arith.constant 29 : i32
    %swap3A_1706 = arith.index_cast %swap3A_1705 : i32 to index
    %swap3A_1707 = arith.constant 16 : index
    %swap3A_1708 = tpu.vector_load %arg11[%swap3A_1706, %swap3A_1707] {strides = array<i32>} : memref<32x128xf32, #tpu.memory_space<vmem>>, vector<1x16xf32>,
    %swap3A_1709 = vector.shape_cast %swap3A_1708 : vector<1x16xf32> to vector<16xf32>
    %swap3A_1710 = vector.shape_cast %broadcast_in_dim3A_67 : vector<16xf32> to vector<1x16xf32>
    tpu.vector_store %arg11[%swap3A_1706, %swap3A_1707], %swap3A_1710 {strides = array<i32>} : memref<32x128xf32, #tpu.memory_space<vmem>>, vector<1x16xf32>,
    %swap3A_1711 = arith.constant 29 : i32
    %swap3A_1712 = arith.index_cast %swap3A_1711 : i32 to index
    %swap3A_1713 = arith.constant 32 : index
    %swap3A_1714 = tpu.vector_load %arg11[%swap3A_1712, %swap3A_1713] {strides = array<i32>} : memref<32x128xf32, #tpu.memory_space<vmem>>, vector<1x16xf32>,
    %swap3A_1715 = vector.shape_cast %swap3A_1714 : vector<1x16xf32> to vector<16xf32>
    %swap3A_1716 = vector.shape_cast %broadcast_in_dim3A_67 : vector<16xf32> to vector<1x16xf32>
    tpu.vector_store %arg11[%swap3A_1712, %swap3A_1713], %swap3A_1716 {strides = array<i32>} : memref<32x128xf32, #tpu.memory_space<vmem>>, vector<1x16xf32>,
    %swap3A_1717 = arith.constant 29 : i32
    %swap3A_1718 = arith.index_cast %swap3A_1717 : i32 to index
    %swap3A_1719 = arith.constant 48 : index
    %swap3A_1720 = tpu.vector_load %arg11[%swap3A_1718, %swap3A_1719] {strides = array<i32>} : memref<32x128xf32, #tpu.memory_space<vmem>>, vector<1x16xf32>,
    %swap3A_1721 = vector.shape_cast %swap3A_1720 : vector<1x16xf32> to vector<16xf32>
    %swap3A_1722 = vector.shape_cast %broadcast_in_dim3A_67 : vector<16xf32> to vector<1x16xf32>
    tpu.vector_store %arg11[%swap3A_1718, %swap3A_1719], %swap3A_1722 {strides = array<i32>} : memref<32x128xf32, #tpu.memory_space<vmem>>, vector<1x16xf32>,
    %swap3A_1723 = arith.constant 29 : i32
    %swap3A_1724 = arith.index_cast %swap3A_1723 : i32 to index
    %swap3A_1725 = arith.constant 64 : index
    %swap3A_1726 = tpu.vector_load %arg11[%swap3A_1724, %swap3A_1725] {strides = array<i32>} : memref<32x128xf32, #tpu.memory_space<vmem>>, vector<1x16xf32>,
    %swap3A_1727 = vector.shape_cast %swap3A_1726 : vector<1x16xf32> to vector<16xf32>
    %swap3A_1728 = vector.shape_cast %broadcast_in_dim3A_67 : vector<16xf32> to vector<1x16xf32>
    tpu.vector_store %arg11[%swap3A_1724, %swap3A_1725], %swap3A_1728 {strides = array<i32>} : memref<32x128xf32, #tpu.memory_space<vmem>>, vector<1x16xf32>,
    %swap3A_1729 = arith.constant 29 : i32
    %swap3A_1730 = arith.index_cast %swap3A_1729 : i32 to index
    %swap3A_1731 = arith.constant 80 : index
    %swap3A_1732 = tpu.vector_load %arg11[%swap3A_1730, %swap3A_1731] {strides = array<i32>} : memref<32x128xf32, #tpu.memory_space<vmem>>, vector<1x16xf32>,
    %swap3A_1733 = vector.shape_cast %swap3A_1732 : vector<1x16xf32> to vector<16xf32>
    %swap3A_1734 = vector.shape_cast %broadcast_in_dim3A_67 : vector<16xf32> to vector<1x16xf32>
    tpu.vector_store %arg11[%swap3A_1730, %swap3A_1731], %swap3A_1734 {strides = array<i32>} : memref<32x128xf32, #tpu.memory_space<vmem>>, vector<1x16xf32>,
    %swap3A_1735 = arith.constant 29 : i32
    %swap3A_1736 = arith.index_cast %swap3A_1735 : i32 to index
    %swap3A_1737 = arith.constant 96 : index
    %swap3A_1738 = tpu.vector_load %arg11[%swap3A_1736, %swap3A_1737] {strides = array<i32>} : memref<32x128xf32, #tpu.memory_space<vmem>>, vector<1x16xf32>,
    %swap3A_1739 = vector.shape_cast %swap3A_1738 : vector<1x16xf32> to vector<16xf32>
    %swap3A_1740 = vector.shape_cast %broadcast_in_dim3A_67 : vector<16xf32> to vector<1x16xf32>
    tpu.vector_store %arg11[%swap3A_1736, %swap3A_1737], %swap3A_1740 {strides = array<i32>} : memref<32x128xf32, #tpu.memory_space<vmem>>, vector<1x16xf32>,
    %swap3A_1741 = arith.constant 29 : i32
    %swap3A_1742 = arith.index_cast %swap3A_1741 : i32 to index
    %swap3A_1743 = arith.constant 112 : index
    %swap3A_1744 = tpu.vector_load %arg11[%swap3A_1742, %swap3A_1743] {strides = array<i32>} : memref<32x128xf32, #tpu.memory_space<vmem>>, vector<1x16xf32>,
    %swap3A_1745 = vector.shape_cast %swap3A_1744 : vector<1x16xf32> to vector<16xf32>
    %swap3A_1746 = vector.shape_cast %broadcast_in_dim3A_67 : vector<16xf32> to vector<1x16xf32>
    tpu.vector_store %arg11[%swap3A_1742, %swap3A_1743], %swap3A_1746 {strides = array<i32>} : memref<32x128xf32, #tpu.memory_space<vmem>>, vector<1x16xf32>,
    %swap3A_1747 = arith.constant 30 : i32
    %swap3A_1748 = arith.index_cast %swap3A_1747 : i32 to index
    %swap3A_1749 = arith.constant 0 : index
    %swap3A_1750 = tpu.vector_load %arg11[%swap3A_1748, %swap3A_1749] {strides = array<i32>} : memref<32x128xf32, #tpu.memory_space<vmem>>, vector<1x16xf32>,
    %swap3A_1751 = vector.shape_cast %swap3A_1750 : vector<1x16xf32> to vector<16xf32>
    %swap3A_1752 = vector.shape_cast %broadcast_in_dim3A_67 : vector<16xf32> to vector<1x16xf32>
    tpu.vector_store %arg11[%swap3A_1748, %swap3A_1749], %swap3A_1752 {strides = array<i32>} : memref<32x128xf32, #tpu.memory_space<vmem>>, vector<1x16xf32>,
    %swap3A_1753 = arith.constant 30 : i32
    %swap3A_1754 = arith.index_cast %swap3A_1753 : i32 to index
    %swap3A_1755 = arith.constant 16 : index
    %swap3A_1756 = tpu.vector_load %arg11[%swap3A_1754, %swap3A_1755] {strides = array<i32>} : memref<32x128xf32, #tpu.memory_space<vmem>>, vector<1x16xf32>,
    %swap3A_1757 = vector.shape_cast %swap3A_1756 : vector<1x16xf32> to vector<16xf32>
    %swap3A_1758 = vector.shape_cast %broadcast_in_dim3A_67 : vector<16xf32> to vector<1x16xf32>
    tpu.vector_store %arg11[%swap3A_1754, %swap3A_1755], %swap3A_1758 {strides = array<i32>} : memref<32x128xf32, #tpu.memory_space<vmem>>, vector<1x16xf32>,
    %swap3A_1759 = arith.constant 30 : i32
    %swap3A_1760 = arith.index_cast %swap3A_1759 : i32 to index
    %swap3A_1761 = arith.constant 32 : index
    %swap3A_1762 = tpu.vector_load %arg11[%swap3A_1760, %swap3A_1761] {strides = array<i32>} : memref<32x128xf32, #tpu.memory_space<vmem>>, vector<1x16xf32>,
    %swap3A_1763 = vector.shape_cast %swap3A_1762 : vector<1x16xf32> to vector<16xf32>
    %swap3A_1764 = vector.shape_cast %broadcast_in_dim3A_67 : vector<16xf32> to vector<1x16xf32>
    tpu.vector_store %arg11[%swap3A_1760, %swap3A_1761], %swap3A_1764 {strides = array<i32>} : memref<32x128xf32, #tpu.memory_space<vmem>>, vector<1x16xf32>,
    %swap3A_1765 = arith.constant 30 : i32
    %swap3A_1766 = arith.index_cast %swap3A_1765 : i32 to index
    %swap3A_1767 = arith.constant 48 : index
    %swap3A_1768 = tpu.vector_load %arg11[%swap3A_1766, %swap3A_1767] {strides = array<i32>} : memref<32x128xf32, #tpu.memory_space<vmem>>, vector<1x16xf32>,
    %swap3A_1769 = vector.shape_cast %swap3A_1768 : vector<1x16xf32> to vector<16xf32>
    %swap3A_1770 = vector.shape_cast %broadcast_in_dim3A_67 : vector<16xf32> to vector<1x16xf32>
    tpu.vector_store %arg11[%swap3A_1766, %swap3A_1767], %swap3A_1770 {strides = array<i32>} : memref<32x128xf32, #tpu.memory_space<vmem>>, vector<1x16xf32>,
    %swap3A_1771 = arith.constant 30 : i32
    %swap3A_1772 = arith.index_cast %swap3A_1771 : i32 to index
    %swap3A_1773 = arith.constant 64 : index
    %swap3A_1774 = tpu.vector_load %arg11[%swap3A_1772, %swap3A_1773] {strides = array<i32>} : memref<32x128xf32, #tpu.memory_space<vmem>>, vector<1x16xf32>,
    %swap3A_1775 = vector.shape_cast %swap3A_1774 : vector<1x16xf32> to vector<16xf32>
    %swap3A_1776 = vector.shape_cast %broadcast_in_dim3A_67 : vector<16xf32> to vector<1x16xf32>
    tpu.vector_store %arg11[%swap3A_1772, %swap3A_1773], %swap3A_1776 {strides = array<i32>} : memref<32x128xf32, #tpu.memory_space<vmem>>, vector<1x16xf32>,
    %swap3A_1777 = arith.constant 30 : i32
    %swap3A_1778 = arith.index_cast %swap3A_1777 : i32 to index
    %swap3A_1779 = arith.constant 80 : index
    %swap3A_1780 = tpu.vector_load %arg11[%swap3A_1778, %swap3A_1779] {strides = array<i32>} : memref<32x128xf32, #tpu.memory_space<vmem>>, vector<1x16xf32>,
    %swap3A_1781 = vector.shape_cast %swap3A_1780 : vector<1x16xf32> to vector<16xf32>
    %swap3A_1782 = vector.shape_cast %broadcast_in_dim3A_67 : vector<16xf32> to vector<1x16xf32>
    tpu.vector_store %arg11[%swap3A_1778, %swap3A_1779], %swap3A_1782 {strides = array<i32>} : memref<32x128xf32, #tpu.memory_space<vmem>>, vector<1x16xf32>,
    %swap3A_1783 = arith.constant 30 : i32
    %swap3A_1784 = arith.index_cast %swap3A_1783 : i32 to index
    %swap3A_1785 = arith.constant 96 : index
    %swap3A_1786 = tpu.vector_load %arg11[%swap3A_1784, %swap3A_1785] {strides = array<i32>} : memref<32x128xf32, #tpu.memory_space<vmem>>, vector<1x16xf32>,
    %swap3A_1787 = vector.shape_cast %swap3A_1786 : vector<1x16xf32> to vector<16xf32>
    %swap3A_1788 = vector.shape_cast %broadcast_in_dim3A_67 : vector<16xf32> to vector<1x16xf32>
    tpu.vector_store %arg11[%swap3A_1784, %swap3A_1785], %swap3A_1788 {strides = array<i32>} : memref<32x128xf32, #tpu.memory_space<vmem>>, vector<1x16xf32>,
    %swap3A_1789 = arith.constant 30 : i32
    %swap3A_1790 = arith.index_cast %swap3A_1789 : i32 to index
    %swap3A_1791 = arith.constant 112 : index
    %swap3A_1792 = tpu.vector_load %arg11[%swap3A_1790, %swap3A_1791] {strides = array<i32>} : memref<32x128xf32, #tpu.memory_space<vmem>>, vector<1x16xf32>,
    %swap3A_1793 = vector.shape_cast %swap3A_1792 : vector<1x16xf32> to vector<16xf32>
    %swap3A_1794 = vector.shape_cast %broadcast_in_dim3A_67 : vector<16xf32> to vector<1x16xf32>
    tpu.vector_store %arg11[%swap3A_1790, %swap3A_1791], %swap3A_1794 {strides = array<i32>} : memref<32x128xf32, #tpu.memory_space<vmem>>, vector<1x16xf32>,
    %swap3A_1795 = arith.constant 31 : i32
    %swap3A_1796 = arith.index_cast %swap3A_1795 : i32 to index
    %swap3A_1797 = arith.constant 0 : index
    %swap3A_1798 = tpu.vector_load %arg11[%swap3A_1796, %swap3A_1797] {strides = array<i32>} : memref<32x128xf32, #tpu.memory_space<vmem>>, vector<1x16xf32>,
    %swap3A_1799 = vector.shape_cast %swap3A_1798 : vector<1x16xf32> to vector<16xf32>
    %swap3A_1800 = vector.shape_cast %broadcast_in_dim3A_67 : vector<16xf32> to vector<1x16xf32>
    tpu.vector_store %arg11[%swap3A_1796, %swap3A_1797], %swap3A_1800 {strides = array<i32>} : memref<32x128xf32, #tpu.memory_space<vmem>>, vector<1x16xf32>,
    %swap3A_1801 = arith.constant 31 : i32
    %swap3A_1802 = arith.index_cast %swap3A_1801 : i32 to index
    %swap3A_1803 = arith.constant 16 : index
    %swap3A_1804 = tpu.vector_load %arg11[%swap3A_1802, %swap3A_1803] {strides = array<i32>} : memref<32x128xf32, #tpu.memory_space<vmem>>, vector<1x16xf32>,
    %swap3A_1805 = vector.shape_cast %swap3A_1804 : vector<1x16xf32> to vector<16xf32>
    %swap3A_1806 = vector.shape_cast %broadcast_in_dim3A_67 : vector<16xf32> to vector<1x16xf32>
    tpu.vector_store %arg11[%swap3A_1802, %swap3A_1803], %swap3A_1806 {strides = array<i32>} : memref<32x128xf32, #tpu.memory_space<vmem>>, vector<1x16xf32>,
    %swap3A_1807 = arith.constant 31 : i32
    %swap3A_1808 = arith.index_cast %swap3A_1807 : i32 to index
    %swap3A_1809 = arith.constant 32 : index
    %swap3A_1810 = tpu.vector_load %arg11[%swap3A_1808, %swap3A_1809] {strides = array<i32>} : memref<32x128xf32, #tpu.memory_space<vmem>>, vector<1x16xf32>,
    %swap3A_1811 = vector.shape_cast %swap3A_1810 : vector<1x16xf32> to vector<16xf32>
    %swap3A_1812 = vector.shape_cast %broadcast_in_dim3A_67 : vector<16xf32> to vector<1x16xf32>
    tpu.vector_store %arg11[%swap3A_1808, %swap3A_1809], %swap3A_1812 {strides = array<i32>} : memref<32x128xf32, #tpu.memory_space<vmem>>, vector<1x16xf32>,
    %swap3A_1813 = arith.constant 31 : i32
    %swap3A_1814 = arith.index_cast %swap3A_1813 : i32 to index
    %swap3A_1815 = arith.constant 48 : index
    %swap3A_1816 = tpu.vector_load %arg11[%swap3A_1814, %swap3A_1815] {strides = array<i32>} : memref<32x128xf32, #tpu.memory_space<vmem>>, vector<1x16xf32>,
    %swap3A_1817 = vector.shape_cast %swap3A_1816 : vector<1x16xf32> to vector<16xf32>
    %swap3A_1818 = vector.shape_cast %broadcast_in_dim3A_67 : vector<16xf32> to vector<1x16xf32>
    tpu.vector_store %arg11[%swap3A_1814, %swap3A_1815], %swap3A_1818 {strides = array<i32>} : memref<32x128xf32, #tpu.memory_space<vmem>>, vector<1x16xf32>,
    %swap3A_1819 = arith.constant 31 : i32
    %swap3A_1820 = arith.index_cast %swap3A_1819 : i32 to index
    %swap3A_1821 = arith.constant 64 : index
    %swap3A_1822 = tpu.vector_load %arg11[%swap3A_1820, %swap3A_1821] {strides = array<i32>} : memref<32x128xf32, #tpu.memory_space<vmem>>, vector<1x16xf32>,
    %swap3A_1823 = vector.shape_cast %swap3A_1822 : vector<1x16xf32> to vector<16xf32>
    %swap3A_1824 = vector.shape_cast %broadcast_in_dim3A_67 : vector<16xf32> to vector<1x16xf32>
    tpu.vector_store %arg11[%swap3A_1820, %swap3A_1821], %swap3A_1824 {strides = array<i32>} : memref<32x128xf32, #tpu.memory_space<vmem>>, vector<1x16xf32>,
    %swap3A_1825 = arith.constant 31 : i32
    %swap3A_1826 = arith.index_cast %swap3A_1825 : i32 to index
    %swap3A_1827 = arith.constant 80 : index
    %swap3A_1828 = tpu.vector_load %arg11[%swap3A_1826, %swap3A_1827] {strides = array<i32>} : memref<32x128xf32, #tpu.memory_space<vmem>>, vector<1x16xf32>,
    %swap3A_1829 = vector.shape_cast %swap3A_1828 : vector<1x16xf32> to vector<16xf32>
    %swap3A_1830 = vector.shape_cast %broadcast_in_dim3A_67 : vector<16xf32> to vector<1x16xf32>
    tpu.vector_store %arg11[%swap3A_1826, %swap3A_1827], %swap3A_1830 {strides = array<i32>} : memref<32x128xf32, #tpu.memory_space<vmem>>, vector<1x16xf32>,
    %swap3A_1831 = arith.constant 31 : i32
    %swap3A_1832 = arith.index_cast %swap3A_1831 : i32 to index
    %swap3A_1833 = arith.constant 96 : index
    %swap3A_1834 = tpu.vector_load %arg11[%swap3A_1832, %swap3A_1833] {strides = array<i32>} : memref<32x128xf32, #tpu.memory_space<vmem>>, vector<1x16xf32>,
    %swap3A_1835 = vector.shape_cast %swap3A_1834 : vector<1x16xf32> to vector<16xf32>
    %swap3A_1836 = vector.shape_cast %broadcast_in_dim3A_67 : vector<16xf32> to vector<1x16xf32>
    tpu.vector_store %arg11[%swap3A_1832, %swap3A_1833], %swap3A_1836 {strides = array<i32>} : memref<32x128xf32, #tpu.memory_space<vmem>>, vector<1x16xf32>,
    %swap3A_1837 = arith.constant 31 : i32
    %swap3A_1838 = arith.index_cast %swap3A_1837 : i32 to index
    %swap3A_1839 = arith.constant 112 : index
    %swap3A_1840 = tpu.vector_load %arg11[%swap3A_1838, %swap3A_1839] {strides = array<i32>} : memref<32x128xf32, #tpu.memory_space<vmem>>, vector<1x16xf32>,
    %swap3A_1841 = vector.shape_cast %swap3A_1840 : vector<1x16xf32> to vector<16xf32>
    %swap3A_1842 = vector.shape_cast %broadcast_in_dim3A_67 : vector<16xf32> to vector<1x16xf32>
    tpu.vector_store %arg11[%swap3A_1838, %swap3A_1839], %swap3A_1842 {strides = array<i32>} : memref<32x128xf32, #tpu.memory_space<vmem>>, vector<1x16xf32>,
    %mul3A_1843 = arith.constant 625 : i32
    %mul3A_1844 = arith.muli %arg1, %mul3A_1843 : i32
    %add3A_1845 = arith.constant 0 : i32
    %add3A_1846 = arith.addi %mul3A_1844, %add3A_1845 : i32
    "tpu.region"() ({
      %run_scoped3A_1969 = tpu.sem_alloc : memref<!tpu.dma_semaphore, #tpu.memory_space<semaphore_mem>>
      %dma_start3A_1970 = arith.constant 0 : i32
      %dma_start3A_1971 = tpu.memref_slice %arg7[%add3A_1846, %dma_start3A_1970] : memref<10000x128xf32, #tpu.memory_space<vmem_shared>> -> memref<32x128xf32, #tpu.memory_space<vmem_shared>>
      %dma_start3A_1972 = arith.constant 0 : i32
      %dma_start3A_1973 = tpu.memref_slice %arg7[%add3A_1846, %dma_start3A_1972] : memref<10000x128xf32, #tpu.memory_space<vmem_shared>> -> memref<32x128xf32, #tpu.memory_space<vmem_shared>>
      tpu.enqueue_dma source(%arg11 : memref<32x128xf32, #tpu.memory_space<vmem>>) target(%dma_start3A_1973 : memref<32x128xf32, #tpu.memory_space<vmem_shared>>) target_semaphore(%run_scoped3A_1969 : memref<!tpu.dma_semaphore, #tpu.memory_space<semaphore_mem>>)
      %dma_wait3A = arith.constant 0 : i32
      %dma_wait3A_1974 = tpu.memref_slice %arg7[%add3A_1846, %dma_wait3A] : memref<10000x128xf32, #tpu.memory_space<vmem_shared>> -> memref<32x128xf32, #tpu.memory_space<vmem_shared>>
      %dma_wait3A_1975 = arith.constant 0 : i32
      %dma_wait3A_1976 = tpu.memref_slice %arg7[%add3A_1846, %dma_wait3A_1975] : memref<10000x128xf32, #tpu.memory_space<vmem_shared>> -> memref<32x128xf32, #tpu.memory_space<vmem_shared>>
      tpu.wait_dma2 semaphore(%run_scoped3A_1969 : memref<!tpu.dma_semaphore, #tpu.memory_space<semaphore_mem>>) src(%arg11 : memref<32x128xf32, #tpu.memory_space<vmem>>) dst(%dma_wait3A_1976 : memref<32x128xf32, #tpu.memory_space<vmem_shared>>)
      tpu.yield
    }) : () -> ()
    %mul3A_1847 = arith.constant 625 : i32
    %mul3A_1848 = arith.muli %arg1, %mul3A_1847 : i32
    %add3A_1849 = arith.constant 32 : i32
    %add3A_1850 = arith.addi %mul3A_1848, %add3A_1849 : i32
    "tpu.region"() ({
      %run_scoped3A_1969 = tpu.sem_alloc : memref<!tpu.dma_semaphore, #tpu.memory_space<semaphore_mem>>
      %dma_start3A_1970 = arith.constant 0 : i32
      %dma_start3A_1971 = tpu.memref_slice %arg7[%add3A_1850, %dma_start3A_1970] : memref<10000x128xf32, #tpu.memory_space<vmem_shared>> -> memref<32x128xf32, #tpu.memory_space<vmem_shared>>
      %dma_start3A_1972 = arith.constant 0 : i32
      %dma_start3A_1973 = tpu.memref_slice %arg7[%add3A_1850, %dma_start3A_1972] : memref<10000x128xf32, #tpu.memory_space<vmem_shared>> -> memref<32x128xf32, #tpu.memory_space<vmem_shared>>
      tpu.enqueue_dma source(%arg11 : memref<32x128xf32, #tpu.memory_space<vmem>>) target(%dma_start3A_1973 : memref<32x128xf32, #tpu.memory_space<vmem_shared>>) target_semaphore(%run_scoped3A_1969 : memref<!tpu.dma_semaphore, #tpu.memory_space<semaphore_mem>>)
      %dma_wait3A = arith.constant 0 : i32
      %dma_wait3A_1974 = tpu.memref_slice %arg7[%add3A_1850, %dma_wait3A] : memref<10000x128xf32, #tpu.memory_space<vmem_shared>> -> memref<32x128xf32, #tpu.memory_space<vmem_shared>>
      %dma_wait3A_1975 = arith.constant 0 : i32
      %dma_wait3A_1976 = tpu.memref_slice %arg7[%add3A_1850, %dma_wait3A_1975] : memref<10000x128xf32, #tpu.memory_space<vmem_shared>> -> memref<32x128xf32, #tpu.memory_space<vmem_shared>>
      tpu.wait_dma2 semaphore(%run_scoped3A_1969 : memref<!tpu.dma_semaphore, #tpu.memory_space<semaphore_mem>>) src(%arg11 : memref<32x128xf32, #tpu.memory_space<vmem>>) dst(%dma_wait3A_1976 : memref<32x128xf32, #tpu.memory_space<vmem_shared>>)
      tpu.yield
    }) : () -> ()
    %mul3A_1851 = arith.constant 625 : i32
    %mul3A_1852 = arith.muli %arg1, %mul3A_1851 : i32
    %add3A_1853 = arith.constant 64 : i32
    %add3A_1854 = arith.addi %mul3A_1852, %add3A_1853 : i32
    "tpu.region"() ({
      %run_scoped3A_1969 = tpu.sem_alloc : memref<!tpu.dma_semaphore, #tpu.memory_space<semaphore_mem>>
      %dma_start3A_1970 = arith.constant 0 : i32
      %dma_start3A_1971 = tpu.memref_slice %arg7[%add3A_1854, %dma_start3A_1970] : memref<10000x128xf32, #tpu.memory_space<vmem_shared>> -> memref<32x128xf32, #tpu.memory_space<vmem_shared>>
      %dma_start3A_1972 = arith.constant 0 : i32
      %dma_start3A_1973 = tpu.memref_slice %arg7[%add3A_1854, %dma_start3A_1972] : memref<10000x128xf32, #tpu.memory_space<vmem_shared>> -> memref<32x128xf32, #tpu.memory_space<vmem_shared>>
      tpu.enqueue_dma source(%arg11 : memref<32x128xf32, #tpu.memory_space<vmem>>) target(%dma_start3A_1973 : memref<32x128xf32, #tpu.memory_space<vmem_shared>>) target_semaphore(%run_scoped3A_1969 : memref<!tpu.dma_semaphore, #tpu.memory_space<semaphore_mem>>)
      %dma_wait3A = arith.constant 0 : i32
      %dma_wait3A_1974 = tpu.memref_slice %arg7[%add3A_1854, %dma_wait3A] : memref<10000x128xf32, #tpu.memory_space<vmem_shared>> -> memref<32x128xf32, #tpu.memory_space<vmem_shared>>
      %dma_wait3A_1975 = arith.constant 0 : i32
      %dma_wait3A_1976 = tpu.memref_slice %arg7[%add3A_1854, %dma_wait3A_1975] : memref<10000x128xf32, #tpu.memory_space<vmem_shared>> -> memref<32x128xf32, #tpu.memory_space<vmem_shared>>
      tpu.wait_dma2 semaphore(%run_scoped3A_1969 : memref<!tpu.dma_semaphore, #tpu.memory_space<semaphore_mem>>) src(%arg11 : memref<32x128xf32, #tpu.memory_space<vmem>>) dst(%dma_wait3A_1976 : memref<32x128xf32, #tpu.memory_space<vmem_shared>>)
      tpu.yield
    }) : () -> ()
    %mul3A_1855 = arith.constant 625 : i32
    %mul3A_1856 = arith.muli %arg1, %mul3A_1855 : i32
    %add3A_1857 = arith.constant 96 : i32
    %add3A_1858 = arith.addi %mul3A_1856, %add3A_1857 : i32
    "tpu.region"() ({
      %run_scoped3A_1969 = tpu.sem_alloc : memref<!tpu.dma_semaphore, #tpu.memory_space<semaphore_mem>>
      %dma_start3A_1970 = arith.constant 0 : i32
      %dma_start3A_1971 = tpu.memref_slice %arg7[%add3A_1858, %dma_start3A_1970] : memref<10000x128xf32, #tpu.memory_space<vmem_shared>> -> memref<32x128xf32, #tpu.memory_space<vmem_shared>>
      %dma_start3A_1972 = arith.constant 0 : i32
      %dma_start3A_1973 = tpu.memref_slice %arg7[%add3A_1858, %dma_start3A_1972] : memref<10000x128xf32, #tpu.memory_space<vmem_shared>> -> memref<32x128xf32, #tpu.memory_space<vmem_shared>>
      tpu.enqueue_dma source(%arg11 : memref<32x128xf32, #tpu.memory_space<vmem>>) target(%dma_start3A_1973 : memref<32x128xf32, #tpu.memory_space<vmem_shared>>) target_semaphore(%run_scoped3A_1969 : memref<!tpu.dma_semaphore, #tpu.memory_space<semaphore_mem>>)
      %dma_wait3A = arith.constant 0 : i32
      %dma_wait3A_1974 = tpu.memref_slice %arg7[%add3A_1858, %dma_wait3A] : memref<10000x128xf32, #tpu.memory_space<vmem_shared>> -> memref<32x128xf32, #tpu.memory_space<vmem_shared>>
      %dma_wait3A_1975 = arith.constant 0 : i32
      %dma_wait3A_1976 = tpu.memref_slice %arg7[%add3A_1858, %dma_wait3A_1975] : memref<10000x128xf32, #tpu.memory_space<vmem_shared>> -> memref<32x128xf32, #tpu.memory_space<vmem_shared>>
      tpu.wait_dma2 semaphore(%run_scoped3A_1969 : memref<!tpu.dma_semaphore, #tpu.memory_space<semaphore_mem>>) src(%arg11 : memref<32x128xf32, #tpu.memory_space<vmem>>) dst(%dma_wait3A_1976 : memref<32x128xf32, #tpu.memory_space<vmem_shared>>)
      tpu.yield
    }) : () -> ()
    %mul3A_1859 = arith.constant 625 : i32
    %mul3A_1860 = arith.muli %arg1, %mul3A_1859 : i32
    %add3A_1861 = arith.constant 128 : i32
    %add3A_1862 = arith.addi %mul3A_1860, %add3A_1861 : i32
    "tpu.region"() ({
      %run_scoped3A_1969 = tpu.sem_alloc : memref<!tpu.dma_semaphore, #tpu.memory_space<semaphore_mem>>
      %dma_start3A_1970 = arith.constant 0 : i32
      %dma_start3A_1971 = tpu.memref_slice %arg7[%add3A_1862, %dma_start3A_1970] : memref<10000x128xf32, #tpu.memory_space<vmem_shared>> -> memref<32x128xf32, #tpu.memory_space<vmem_shared>>
      %dma_start3A_1972 = arith.constant 0 : i32
      %dma_start3A_1973 = tpu.memref_slice %arg7[%add3A_1862, %dma_start3A_1972] : memref<10000x128xf32, #tpu.memory_space<vmem_shared>> -> memref<32x128xf32, #tpu.memory_space<vmem_shared>>
      tpu.enqueue_dma source(%arg11 : memref<32x128xf32, #tpu.memory_space<vmem>>) target(%dma_start3A_1973 : memref<32x128xf32, #tpu.memory_space<vmem_shared>>) target_semaphore(%run_scoped3A_1969 : memref<!tpu.dma_semaphore, #tpu.memory_space<semaphore_mem>>)
      %dma_wait3A = arith.constant 0 : i32
      %dma_wait3A_1974 = tpu.memref_slice %arg7[%add3A_1862, %dma_wait3A] : memref<10000x128xf32, #tpu.memory_space<vmem_shared>> -> memref<32x128xf32, #tpu.memory_space<vmem_shared>>
      %dma_wait3A_1975 = arith.constant 0 : i32
      %dma_wait3A_1976 = tpu.memref_slice %arg7[%add3A_1862, %dma_wait3A_1975] : memref<10000x128xf32, #tpu.memory_space<vmem_shared>> -> memref<32x128xf32, #tpu.memory_space<vmem_shared>>
      tpu.wait_dma2 semaphore(%run_scoped3A_1969 : memref<!tpu.dma_semaphore, #tpu.memory_space<semaphore_mem>>) src(%arg11 : memref<32x128xf32, #tpu.memory_space<vmem>>) dst(%dma_wait3A_1976 : memref<32x128xf32, #tpu.memory_space<vmem_shared>>)
      tpu.yield
    }) : () -> ()
    %mul3A_1863 = arith.constant 625 : i32
    %mul3A_1864 = arith.muli %arg1, %mul3A_1863 : i32
    %add3A_1865 = arith.constant 160 : i32
    %add3A_1866 = arith.addi %mul3A_1864, %add3A_1865 : i32
    "tpu.region"() ({
      %run_scoped3A_1969 = tpu.sem_alloc : memref<!tpu.dma_semaphore, #tpu.memory_space<semaphore_mem>>
      %dma_start3A_1970 = arith.constant 0 : i32
      %dma_start3A_1971 = tpu.memref_slice %arg7[%add3A_1866, %dma_start3A_1970] : memref<10000x128xf32, #tpu.memory_space<vmem_shared>> -> memref<32x128xf32, #tpu.memory_space<vmem_shared>>
      %dma_start3A_1972 = arith.constant 0 : i32
      %dma_start3A_1973 = tpu.memref_slice %arg7[%add3A_1866, %dma_start3A_1972] : memref<10000x128xf32, #tpu.memory_space<vmem_shared>> -> memref<32x128xf32, #tpu.memory_space<vmem_shared>>
      tpu.enqueue_dma source(%arg11 : memref<32x128xf32, #tpu.memory_space<vmem>>) target(%dma_start3A_1973 : memref<32x128xf32, #tpu.memory_space<vmem_shared>>) target_semaphore(%run_scoped3A_1969 : memref<!tpu.dma_semaphore, #tpu.memory_space<semaphore_mem>>)
      %dma_wait3A = arith.constant 0 : i32
      %dma_wait3A_1974 = tpu.memref_slice %arg7[%add3A_1866, %dma_wait3A] : memref<10000x128xf32, #tpu.memory_space<vmem_shared>> -> memref<32x128xf32, #tpu.memory_space<vmem_shared>>
      %dma_wait3A_1975 = arith.constant 0 : i32
      %dma_wait3A_1976 = tpu.memref_slice %arg7[%add3A_1866, %dma_wait3A_1975] : memref<10000x128xf32, #tpu.memory_space<vmem_shared>> -> memref<32x128xf32, #tpu.memory_space<vmem_shared>>
      tpu.wait_dma2 semaphore(%run_scoped3A_1969 : memref<!tpu.dma_semaphore, #tpu.memory_space<semaphore_mem>>) src(%arg11 : memref<32x128xf32, #tpu.memory_space<vmem>>) dst(%dma_wait3A_1976 : memref<32x128xf32, #tpu.memory_space<vmem_shared>>)
      tpu.yield
    }) : () -> ()
    %mul3A_1867 = arith.constant 625 : i32
    %mul3A_1868 = arith.muli %arg1, %mul3A_1867 : i32
    %add3A_1869 = arith.constant 192 : i32
    %add3A_1870 = arith.addi %mul3A_1868, %add3A_1869 : i32
    "tpu.region"() ({
      %run_scoped3A_1969 = tpu.sem_alloc : memref<!tpu.dma_semaphore, #tpu.memory_space<semaphore_mem>>
      %dma_start3A_1970 = arith.constant 0 : i32
      %dma_start3A_1971 = tpu.memref_slice %arg7[%add3A_1870, %dma_start3A_1970] : memref<10000x128xf32, #tpu.memory_space<vmem_shared>> -> memref<32x128xf32, #tpu.memory_space<vmem_shared>>
      %dma_start3A_1972 = arith.constant 0 : i32
      %dma_start3A_1973 = tpu.memref_slice %arg7[%add3A_1870, %dma_start3A_1972] : memref<10000x128xf32, #tpu.memory_space<vmem_shared>> -> memref<32x128xf32, #tpu.memory_space<vmem_shared>>
      tpu.enqueue_dma source(%arg11 : memref<32x128xf32, #tpu.memory_space<vmem>>) target(%dma_start3A_1973 : memref<32x128xf32, #tpu.memory_space<vmem_shared>>) target_semaphore(%run_scoped3A_1969 : memref<!tpu.dma_semaphore, #tpu.memory_space<semaphore_mem>>)
      %dma_wait3A = arith.constant 0 : i32
      %dma_wait3A_1974 = tpu.memref_slice %arg7[%add3A_1870, %dma_wait3A] : memref<10000x128xf32, #tpu.memory_space<vmem_shared>> -> memref<32x128xf32, #tpu.memory_space<vmem_shared>>
      %dma_wait3A_1975 = arith.constant 0 : i32
      %dma_wait3A_1976 = tpu.memref_slice %arg7[%add3A_1870, %dma_wait3A_1975] : memref<10000x128xf32, #tpu.memory_space<vmem_shared>> -> memref<32x128xf32, #tpu.memory_space<vmem_shared>>
      tpu.wait_dma2 semaphore(%run_scoped3A_1969 : memref<!tpu.dma_semaphore, #tpu.memory_space<semaphore_mem>>) src(%arg11 : memref<32x128xf32, #tpu.memory_space<vmem>>) dst(%dma_wait3A_1976 : memref<32x128xf32, #tpu.memory_space<vmem_shared>>)
      tpu.yield
    }) : () -> ()
    %mul3A_1871 = arith.constant 625 : i32
    %mul3A_1872 = arith.muli %arg1, %mul3A_1871 : i32
    %add3A_1873 = arith.constant 224 : i32
    %add3A_1874 = arith.addi %mul3A_1872, %add3A_1873 : i32
    "tpu.region"() ({
      %run_scoped3A_1969 = tpu.sem_alloc : memref<!tpu.dma_semaphore, #tpu.memory_space<semaphore_mem>>
      %dma_start3A_1970 = arith.constant 0 : i32
      %dma_start3A_1971 = tpu.memref_slice %arg7[%add3A_1874, %dma_start3A_1970] : memref<10000x128xf32, #tpu.memory_space<vmem_shared>> -> memref<32x128xf32, #tpu.memory_space<vmem_shared>>
      %dma_start3A_1972 = arith.constant 0 : i32
      %dma_start3A_1973 = tpu.memref_slice %arg7[%add3A_1874, %dma_start3A_1972] : memref<10000x128xf32, #tpu.memory_space<vmem_shared>> -> memref<32x128xf32, #tpu.memory_space<vmem_shared>>
      tpu.enqueue_dma source(%arg11 : memref<32x128xf32, #tpu.memory_space<vmem>>) target(%dma_start3A_1973 : memref<32x128xf32, #tpu.memory_space<vmem_shared>>) target_semaphore(%run_scoped3A_1969 : memref<!tpu.dma_semaphore, #tpu.memory_space<semaphore_mem>>)
      %dma_wait3A = arith.constant 0 : i32
      %dma_wait3A_1974 = tpu.memref_slice %arg7[%add3A_1874, %dma_wait3A] : memref<10000x128xf32, #tpu.memory_space<vmem_shared>> -> memref<32x128xf32, #tpu.memory_space<vmem_shared>>
      %dma_wait3A_1975 = arith.constant 0 : i32
      %dma_wait3A_1976 = tpu.memref_slice %arg7[%add3A_1874, %dma_wait3A_1975] : memref<10000x128xf32, #tpu.memory_space<vmem_shared>> -> memref<32x128xf32, #tpu.memory_space<vmem_shared>>
      tpu.wait_dma2 semaphore(%run_scoped3A_1969 : memref<!tpu.dma_semaphore, #tpu.memory_space<semaphore_mem>>) src(%arg11 : memref<32x128xf32, #tpu.memory_space<vmem>>) dst(%dma_wait3A_1976 : memref<32x128xf32, #tpu.memory_space<vmem_shared>>)
      tpu.yield
    }) : () -> ()
    %mul3A_1875 = arith.constant 625 : i32
    %mul3A_1876 = arith.muli %arg1, %mul3A_1875 : i32
    %add3A_1877 = arith.constant 256 : i32
    %add3A_1878 = arith.addi %mul3A_1876, %add3A_1877 : i32
    "tpu.region"() ({
      %run_scoped3A_1969 = tpu.sem_alloc : memref<!tpu.dma_semaphore, #tpu.memory_space<semaphore_mem>>
      %dma_start3A_1970 = arith.constant 0 : i32
      %dma_start3A_1971 = tpu.memref_slice %arg7[%add3A_1878, %dma_start3A_1970] : memref<10000x128xf32, #tpu.memory_space<vmem_shared>> -> memref<32x128xf32, #tpu.memory_space<vmem_shared>>
      %dma_start3A_1972 = arith.constant 0 : i32
      %dma_start3A_1973 = tpu.memref_slice %arg7[%add3A_1878, %dma_start3A_1972] : memref<10000x128xf32, #tpu.memory_space<vmem_shared>> -> memref<32x128xf32, #tpu.memory_space<vmem_shared>>
      tpu.enqueue_dma source(%arg11 : memref<32x128xf32, #tpu.memory_space<vmem>>) target(%dma_start3A_1973 : memref<32x128xf32, #tpu.memory_space<vmem_shared>>) target_semaphore(%run_scoped3A_1969 : memref<!tpu.dma_semaphore, #tpu.memory_space<semaphore_mem>>)
      %dma_wait3A = arith.constant 0 : i32
      %dma_wait3A_1974 = tpu.memref_slice %arg7[%add3A_1878, %dma_wait3A] : memref<10000x128xf32, #tpu.memory_space<vmem_shared>> -> memref<32x128xf32, #tpu.memory_space<vmem_shared>>
      %dma_wait3A_1975 = arith.constant 0 : i32
      %dma_wait3A_1976 = tpu.memref_slice %arg7[%add3A_1878, %dma_wait3A_1975] : memref<10000x128xf32, #tpu.memory_space<vmem_shared>> -> memref<32x128xf32, #tpu.memory_space<vmem_shared>>
      tpu.wait_dma2 semaphore(%run_scoped3A_1969 : memref<!tpu.dma_semaphore, #tpu.memory_space<semaphore_mem>>) src(%arg11 : memref<32x128xf32, #tpu.memory_space<vmem>>) dst(%dma_wait3A_1976 : memref<32x128xf32, #tpu.memory_space<vmem_shared>>)
      tpu.yield
    }) : () -> ()
    %mul3A_1879 = arith.constant 625 : i32
    %mul3A_1880 = arith.muli %arg1, %mul3A_1879 : i32
    %add3A_1881 = arith.constant 288 : i32
    %add3A_1882 = arith.addi %mul3A_1880, %add3A_1881 : i32
    "tpu.region"() ({
      %run_scoped3A_1969 = tpu.sem_alloc : memref<!tpu.dma_semaphore, #tpu.memory_space<semaphore_mem>>
      %dma_start3A_1970 = arith.constant 0 : i32
      %dma_start3A_1971 = tpu.memref_slice %arg7[%add3A_1882, %dma_start3A_1970] : memref<10000x128xf32, #tpu.memory_space<vmem_shared>> -> memref<32x128xf32, #tpu.memory_space<vmem_shared>>
      %dma_start3A_1972 = arith.constant 0 : i32
      %dma_start3A_1973 = tpu.memref_slice %arg7[%add3A_1882, %dma_start3A_1972] : memref<10000x128xf32, #tpu.memory_space<vmem_shared>> -> memref<32x128xf32, #tpu.memory_space<vmem_shared>>
      tpu.enqueue_dma source(%arg11 : memref<32x128xf32, #tpu.memory_space<vmem>>) target(%dma_start3A_1973 : memref<32x128xf32, #tpu.memory_space<vmem_shared>>) target_semaphore(%run_scoped3A_1969 : memref<!tpu.dma_semaphore, #tpu.memory_space<semaphore_mem>>)
      %dma_wait3A = arith.constant 0 : i32
      %dma_wait3A_1974 = tpu.memref_slice %arg7[%add3A_1882, %dma_wait3A] : memref<10000x128xf32, #tpu.memory_space<vmem_shared>> -> memref<32x128xf32, #tpu.memory_space<vmem_shared>>
      %dma_wait3A_1975 = arith.constant 0 : i32
      %dma_wait3A_1976 = tpu.memref_slice %arg7[%add3A_1882, %dma_wait3A_1975] : memref<10000x128xf32, #tpu.memory_space<vmem_shared>> -> memref<32x128xf32, #tpu.memory_space<vmem_shared>>
      tpu.wait_dma2 semaphore(%run_scoped3A_1969 : memref<!tpu.dma_semaphore, #tpu.memory_space<semaphore_mem>>) src(%arg11 : memref<32x128xf32, #tpu.memory_space<vmem>>) dst(%dma_wait3A_1976 : memref<32x128xf32, #tpu.memory_space<vmem_shared>>)
      tpu.yield
    }) : () -> ()
    %mul3A_1883 = arith.constant 625 : i32
    %mul3A_1884 = arith.muli %arg1, %mul3A_1883 : i32
    %add3A_1885 = arith.constant 320 : i32
    %add3A_1886 = arith.addi %mul3A_1884, %add3A_1885 : i32
    "tpu.region"() ({
      %run_scoped3A_1969 = tpu.sem_alloc : memref<!tpu.dma_semaphore, #tpu.memory_space<semaphore_mem>>
      %dma_start3A_1970 = arith.constant 0 : i32
      %dma_start3A_1971 = tpu.memref_slice %arg7[%add3A_1886, %dma_start3A_1970] : memref<10000x128xf32, #tpu.memory_space<vmem_shared>> -> memref<32x128xf32, #tpu.memory_space<vmem_shared>>
      %dma_start3A_1972 = arith.constant 0 : i32
      %dma_start3A_1973 = tpu.memref_slice %arg7[%add3A_1886, %dma_start3A_1972] : memref<10000x128xf32, #tpu.memory_space<vmem_shared>> -> memref<32x128xf32, #tpu.memory_space<vmem_shared>>
      tpu.enqueue_dma source(%arg11 : memref<32x128xf32, #tpu.memory_space<vmem>>) target(%dma_start3A_1973 : memref<32x128xf32, #tpu.memory_space<vmem_shared>>) target_semaphore(%run_scoped3A_1969 : memref<!tpu.dma_semaphore, #tpu.memory_space<semaphore_mem>>)
      %dma_wait3A = arith.constant 0 : i32
      %dma_wait3A_1974 = tpu.memref_slice %arg7[%add3A_1886, %dma_wait3A] : memref<10000x128xf32, #tpu.memory_space<vmem_shared>> -> memref<32x128xf32, #tpu.memory_space<vmem_shared>>
      %dma_wait3A_1975 = arith.constant 0 : i32
      %dma_wait3A_1976 = tpu.memref_slice %arg7[%add3A_1886, %dma_wait3A_1975] : memref<10000x128xf32, #tpu.memory_space<vmem_shared>> -> memref<32x128xf32, #tpu.memory_space<vmem_shared>>
      tpu.wait_dma2 semaphore(%run_scoped3A_1969 : memref<!tpu.dma_semaphore, #tpu.memory_space<semaphore_mem>>) src(%arg11 : memref<32x128xf32, #tpu.memory_space<vmem>>) dst(%dma_wait3A_1976 : memref<32x128xf32, #tpu.memory_space<vmem_shared>>)
      tpu.yield
    }) : () -> ()
    %mul3A_1887 = arith.constant 625 : i32
    %mul3A_1888 = arith.muli %arg1, %mul3A_1887 : i32
    %add3A_1889 = arith.constant 352 : i32
    %add3A_1890 = arith.addi %mul3A_1888, %add3A_1889 : i32
    "tpu.region"() ({
      %run_scoped3A_1969 = tpu.sem_alloc : memref<!tpu.dma_semaphore, #tpu.memory_space<semaphore_mem>>
      %dma_start3A_1970 = arith.constant 0 : i32
      %dma_start3A_1971 = tpu.memref_slice %arg7[%add3A_1890, %dma_start3A_1970] : memref<10000x128xf32, #tpu.memory_space<vmem_shared>> -> memref<32x128xf32, #tpu.memory_space<vmem_shared>>
      %dma_start3A_1972 = arith.constant 0 : i32
      %dma_start3A_1973 = tpu.memref_slice %arg7[%add3A_1890, %dma_start3A_1972] : memref<10000x128xf32, #tpu.memory_space<vmem_shared>> -> memref<32x128xf32, #tpu.memory_space<vmem_shared>>
      tpu.enqueue_dma source(%arg11 : memref<32x128xf32, #tpu.memory_space<vmem>>) target(%dma_start3A_1973 : memref<32x128xf32, #tpu.memory_space<vmem_shared>>) target_semaphore(%run_scoped3A_1969 : memref<!tpu.dma_semaphore, #tpu.memory_space<semaphore_mem>>)
      %dma_wait3A = arith.constant 0 : i32
      %dma_wait3A_1974 = tpu.memref_slice %arg7[%add3A_1890, %dma_wait3A] : memref<10000x128xf32, #tpu.memory_space<vmem_shared>> -> memref<32x128xf32, #tpu.memory_space<vmem_shared>>
      %dma_wait3A_1975 = arith.constant 0 : i32
      %dma_wait3A_1976 = tpu.memref_slice %arg7[%add3A_1890, %dma_wait3A_1975] : memref<10000x128xf32, #tpu.memory_space<vmem_shared>> -> memref<32x128xf32, #tpu.memory_space<vmem_shared>>
      tpu.wait_dma2 semaphore(%run_scoped3A_1969 : memref<!tpu.dma_semaphore, #tpu.memory_space<semaphore_mem>>) src(%arg11 : memref<32x128xf32, #tpu.memory_space<vmem>>) dst(%dma_wait3A_1976 : memref<32x128xf32, #tpu.memory_space<vmem_shared>>)
      tpu.yield
    }) : () -> ()
    %mul3A_1891 = arith.constant 625 : i32
    %mul3A_1892 = arith.muli %arg1, %mul3A_1891 : i32
    %add3A_1893 = arith.constant 384 : i32
    %add3A_1894 = arith.addi %mul3A_1892, %add3A_1893 : i32
    "tpu.region"() ({
      %run_scoped3A_1969 = tpu.sem_alloc : memref<!tpu.dma_semaphore, #tpu.memory_space<semaphore_mem>>
      %dma_start3A_1970 = arith.constant 0 : i32
      %dma_start3A_1971 = tpu.memref_slice %arg7[%add3A_1894, %dma_start3A_1970] : memref<10000x128xf32, #tpu.memory_space<vmem_shared>> -> memref<32x128xf32, #tpu.memory_space<vmem_shared>>
      %dma_start3A_1972 = arith.constant 0 : i32
      %dma_start3A_1973 = tpu.memref_slice %arg7[%add3A_1894, %dma_start3A_1972] : memref<10000x128xf32, #tpu.memory_space<vmem_shared>> -> memref<32x128xf32, #tpu.memory_space<vmem_shared>>
      tpu.enqueue_dma source(%arg11 : memref<32x128xf32, #tpu.memory_space<vmem>>) target(%dma_start3A_1973 : memref<32x128xf32, #tpu.memory_space<vmem_shared>>) target_semaphore(%run_scoped3A_1969 : memref<!tpu.dma_semaphore, #tpu.memory_space<semaphore_mem>>)
      %dma_wait3A = arith.constant 0 : i32
      %dma_wait3A_1974 = tpu.memref_slice %arg7[%add3A_1894, %dma_wait3A] : memref<10000x128xf32, #tpu.memory_space<vmem_shared>> -> memref<32x128xf32, #tpu.memory_space<vmem_shared>>
      %dma_wait3A_1975 = arith.constant 0 : i32
      %dma_wait3A_1976 = tpu.memref_slice %arg7[%add3A_1894, %dma_wait3A_1975] : memref<10000x128xf32, #tpu.memory_space<vmem_shared>> -> memref<32x128xf32, #tpu.memory_space<vmem_shared>>
      tpu.wait_dma2 semaphore(%run_scoped3A_1969 : memref<!tpu.dma_semaphore, #tpu.memory_space<semaphore_mem>>) src(%arg11 : memref<32x128xf32, #tpu.memory_space<vmem>>) dst(%dma_wait3A_1976 : memref<32x128xf32, #tpu.memory_space<vmem_shared>>)
      tpu.yield
    }) : () -> ()
    %mul3A_1895 = arith.constant 625 : i32
    %mul3A_1896 = arith.muli %arg1, %mul3A_1895 : i32
    %add3A_1897 = arith.constant 416 : i32
    %add3A_1898 = arith.addi %mul3A_1896, %add3A_1897 : i32
    "tpu.region"() ({
      %run_scoped3A_1969 = tpu.sem_alloc : memref<!tpu.dma_semaphore, #tpu.memory_space<semaphore_mem>>
      %dma_start3A_1970 = arith.constant 0 : i32
      %dma_start3A_1971 = tpu.memref_slice %arg7[%add3A_1898, %dma_start3A_1970] : memref<10000x128xf32, #tpu.memory_space<vmem_shared>> -> memref<32x128xf32, #tpu.memory_space<vmem_shared>>
      %dma_start3A_1972 = arith.constant 0 : i32
      %dma_start3A_1973 = tpu.memref_slice %arg7[%add3A_1898, %dma_start3A_1972] : memref<10000x128xf32, #tpu.memory_space<vmem_shared>> -> memref<32x128xf32, #tpu.memory_space<vmem_shared>>
      tpu.enqueue_dma source(%arg11 : memref<32x128xf32, #tpu.memory_space<vmem>>) target(%dma_start3A_1973 : memref<32x128xf32, #tpu.memory_space<vmem_shared>>) target_semaphore(%run_scoped3A_1969 : memref<!tpu.dma_semaphore, #tpu.memory_space<semaphore_mem>>)
      %dma_wait3A = arith.constant 0 : i32
      %dma_wait3A_1974 = tpu.memref_slice %arg7[%add3A_1898, %dma_wait3A] : memref<10000x128xf32, #tpu.memory_space<vmem_shared>> -> memref<32x128xf32, #tpu.memory_space<vmem_shared>>
      %dma_wait3A_1975 = arith.constant 0 : i32
      %dma_wait3A_1976 = tpu.memref_slice %arg7[%add3A_1898, %dma_wait3A_1975] : memref<10000x128xf32, #tpu.memory_space<vmem_shared>> -> memref<32x128xf32, #tpu.memory_space<vmem_shared>>
      tpu.wait_dma2 semaphore(%run_scoped3A_1969 : memref<!tpu.dma_semaphore, #tpu.memory_space<semaphore_mem>>) src(%arg11 : memref<32x128xf32, #tpu.memory_space<vmem>>) dst(%dma_wait3A_1976 : memref<32x128xf32, #tpu.memory_space<vmem_shared>>)
      tpu.yield
    }) : () -> ()
    %mul3A_1899 = arith.constant 625 : i32
    %mul3A_1900 = arith.muli %arg1, %mul3A_1899 : i32
    %add3A_1901 = arith.constant 448 : i32
    %add3A_1902 = arith.addi %mul3A_1900, %add3A_1901 : i32
    "tpu.region"() ({
      %run_scoped3A_1969 = tpu.sem_alloc : memref<!tpu.dma_semaphore, #tpu.memory_space<semaphore_mem>>
      %dma_start3A_1970 = arith.constant 0 : i32
      %dma_start3A_1971 = tpu.memref_slice %arg7[%add3A_1902, %dma_start3A_1970] : memref<10000x128xf32, #tpu.memory_space<vmem_shared>> -> memref<32x128xf32, #tpu.memory_space<vmem_shared>>
      %dma_start3A_1972 = arith.constant 0 : i32
      %dma_start3A_1973 = tpu.memref_slice %arg7[%add3A_1902, %dma_start3A_1972] : memref<10000x128xf32, #tpu.memory_space<vmem_shared>> -> memref<32x128xf32, #tpu.memory_space<vmem_shared>>
      tpu.enqueue_dma source(%arg11 : memref<32x128xf32, #tpu.memory_space<vmem>>) target(%dma_start3A_1973 : memref<32x128xf32, #tpu.memory_space<vmem_shared>>) target_semaphore(%run_scoped3A_1969 : memref<!tpu.dma_semaphore, #tpu.memory_space<semaphore_mem>>)
      %dma_wait3A = arith.constant 0 : i32
      %dma_wait3A_1974 = tpu.memref_slice %arg7[%add3A_1902, %dma_wait3A] : memref<10000x128xf32, #tpu.memory_space<vmem_shared>> -> memref<32x128xf32, #tpu.memory_space<vmem_shared>>
      %dma_wait3A_1975 = arith.constant 0 : i32
      %dma_wait3A_1976 = tpu.memref_slice %arg7[%add3A_1902, %dma_wait3A_1975] : memref<10000x128xf32, #tpu.memory_space<vmem_shared>> -> memref<32x128xf32, #tpu.memory_space<vmem_shared>>
      tpu.wait_dma2 semaphore(%run_scoped3A_1969 : memref<!tpu.dma_semaphore, #tpu.memory_space<semaphore_mem>>) src(%arg11 : memref<32x128xf32, #tpu.memory_space<vmem>>) dst(%dma_wait3A_1976 : memref<32x128xf32, #tpu.memory_space<vmem_shared>>)
      tpu.yield
    }) : () -> ()
    %mul3A_1903 = arith.constant 625 : i32
    %mul3A_1904 = arith.muli %arg1, %mul3A_1903 : i32
    %add3A_1905 = arith.constant 480 : i32
    %add3A_1906 = arith.addi %mul3A_1904, %add3A_1905 : i32
    "tpu.region"() ({
      %run_scoped3A_1969 = tpu.sem_alloc : memref<!tpu.dma_semaphore, #tpu.memory_space<semaphore_mem>>
      %dma_start3A_1970 = arith.constant 0 : i32
      %dma_start3A_1971 = tpu.memref_slice %arg7[%add3A_1906, %dma_start3A_1970] : memref<10000x128xf32, #tpu.memory_space<vmem_shared>> -> memref<32x128xf32, #tpu.memory_space<vmem_shared>>
      %dma_start3A_1972 = arith.constant 0 : i32
      %dma_start3A_1973 = tpu.memref_slice %arg7[%add3A_1906, %dma_start3A_1972] : memref<10000x128xf32, #tpu.memory_space<vmem_shared>> -> memref<32x128xf32, #tpu.memory_space<vmem_shared>>
      tpu.enqueue_dma source(%arg11 : memref<32x128xf32, #tpu.memory_space<vmem>>) target(%dma_start3A_1973 : memref<32x128xf32, #tpu.memory_space<vmem_shared>>) target_semaphore(%run_scoped3A_1969 : memref<!tpu.dma_semaphore, #tpu.memory_space<semaphore_mem>>)
      %dma_wait3A = arith.constant 0 : i32
      %dma_wait3A_1974 = tpu.memref_slice %arg7[%add3A_1906, %dma_wait3A] : memref<10000x128xf32, #tpu.memory_space<vmem_shared>> -> memref<32x128xf32, #tpu.memory_space<vmem_shared>>
      %dma_wait3A_1975 = arith.constant 0 : i32
      %dma_wait3A_1976 = tpu.memref_slice %arg7[%add3A_1906, %dma_wait3A_1975] : memref<10000x128xf32, #tpu.memory_space<vmem_shared>> -> memref<32x128xf32, #tpu.memory_space<vmem_shared>>
      tpu.wait_dma2 semaphore(%run_scoped3A_1969 : memref<!tpu.dma_semaphore, #tpu.memory_space<semaphore_mem>>) src(%arg11 : memref<32x128xf32, #tpu.memory_space<vmem>>) dst(%dma_wait3A_1976 : memref<32x128xf32, #tpu.memory_space<vmem_shared>>)
      tpu.yield
    }) : () -> ()
    %mul3A_1907 = arith.constant 625 : i32
    %mul3A_1908 = arith.muli %arg1, %mul3A_1907 : i32
    %add3A_1909 = arith.constant 512 : i32
    %add3A_1910 = arith.addi %mul3A_1908, %add3A_1909 : i32
    "tpu.region"() ({
      %run_scoped3A_1969 = tpu.sem_alloc : memref<!tpu.dma_semaphore, #tpu.memory_space<semaphore_mem>>
      %dma_start3A_1970 = arith.constant 0 : i32
      %dma_start3A_1971 = tpu.memref_slice %arg7[%add3A_1910, %dma_start3A_1970] : memref<10000x128xf32, #tpu.memory_space<vmem_shared>> -> memref<32x128xf32, #tpu.memory_space<vmem_shared>>
      %dma_start3A_1972 = arith.constant 0 : i32
      %dma_start3A_1973 = tpu.memref_slice %arg7[%add3A_1910, %dma_start3A_1972] : memref<10000x128xf32, #tpu.memory_space<vmem_shared>> -> memref<32x128xf32, #tpu.memory_space<vmem_shared>>
      tpu.enqueue_dma source(%arg11 : memref<32x128xf32, #tpu.memory_space<vmem>>) target(%dma_start3A_1973 : memref<32x128xf32, #tpu.memory_space<vmem_shared>>) target_semaphore(%run_scoped3A_1969 : memref<!tpu.dma_semaphore, #tpu.memory_space<semaphore_mem>>)
      %dma_wait3A = arith.constant 0 : i32
      %dma_wait3A_1974 = tpu.memref_slice %arg7[%add3A_1910, %dma_wait3A] : memref<10000x128xf32, #tpu.memory_space<vmem_shared>> -> memref<32x128xf32, #tpu.memory_space<vmem_shared>>
      %dma_wait3A_1975 = arith.constant 0 : i32
      %dma_wait3A_1976 = tpu.memref_slice %arg7[%add3A_1910, %dma_wait3A_1975] : memref<10000x128xf32, #tpu.memory_space<vmem_shared>> -> memref<32x128xf32, #tpu.memory_space<vmem_shared>>
      tpu.wait_dma2 semaphore(%run_scoped3A_1969 : memref<!tpu.dma_semaphore, #tpu.memory_space<semaphore_mem>>) src(%arg11 : memref<32x128xf32, #tpu.memory_space<vmem>>) dst(%dma_wait3A_1976 : memref<32x128xf32, #tpu.memory_space<vmem_shared>>)
      tpu.yield
    }) : () -> ()
    %mul3A_1911 = arith.constant 625 : i32
    %mul3A_1912 = arith.muli %arg1, %mul3A_1911 : i32
    %add3A_1913 = arith.constant 544 : i32
    %add3A_1914 = arith.addi %mul3A_1912, %add3A_1913 : i32
    "tpu.region"() ({
      %run_scoped3A_1969 = tpu.sem_alloc : memref<!tpu.dma_semaphore, #tpu.memory_space<semaphore_mem>>
      %dma_start3A_1970 = arith.constant 0 : i32
      %dma_start3A_1971 = tpu.memref_slice %arg7[%add3A_1914, %dma_start3A_1970] : memref<10000x128xf32, #tpu.memory_space<vmem_shared>> -> memref<32x128xf32, #tpu.memory_space<vmem_shared>>
      %dma_start3A_1972 = arith.constant 0 : i32
      %dma_start3A_1973 = tpu.memref_slice %arg7[%add3A_1914, %dma_start3A_1972] : memref<10000x128xf32, #tpu.memory_space<vmem_shared>> -> memref<32x128xf32, #tpu.memory_space<vmem_shared>>
      tpu.enqueue_dma source(%arg11 : memref<32x128xf32, #tpu.memory_space<vmem>>) target(%dma_start3A_1973 : memref<32x128xf32, #tpu.memory_space<vmem_shared>>) target_semaphore(%run_scoped3A_1969 : memref<!tpu.dma_semaphore, #tpu.memory_space<semaphore_mem>>)
      %dma_wait3A = arith.constant 0 : i32
      %dma_wait3A_1974 = tpu.memref_slice %arg7[%add3A_1914, %dma_wait3A] : memref<10000x128xf32, #tpu.memory_space<vmem_shared>> -> memref<32x128xf32, #tpu.memory_space<vmem_shared>>
      %dma_wait3A_1975 = arith.constant 0 : i32
      %dma_wait3A_1976 = tpu.memref_slice %arg7[%add3A_1914, %dma_wait3A_1975] : memref<10000x128xf32, #tpu.memory_space<vmem_shared>> -> memref<32x128xf32, #tpu.memory_space<vmem_shared>>
      tpu.wait_dma2 semaphore(%run_scoped3A_1969 : memref<!tpu.dma_semaphore, #tpu.memory_space<semaphore_mem>>) src(%arg11 : memref<32x128xf32, #tpu.memory_space<vmem>>) dst(%dma_wait3A_1976 : memref<32x128xf32, #tpu.memory_space<vmem_shared>>)
      tpu.yield
    }) : () -> ()
    %mul3A_1915 = arith.constant 625 : i32
    %mul3A_1916 = arith.muli %arg1, %mul3A_1915 : i32
    %add3A_1917 = arith.constant 576 : i32
    %add3A_1918 = arith.addi %mul3A_1916, %add3A_1917 : i32
    "tpu.region"() ({
      %run_scoped3A_1969 = tpu.sem_alloc : memref<!tpu.dma_semaphore, #tpu.memory_space<semaphore_mem>>
      %dma_start3A_1970 = arith.constant 0 : i32
      %dma_start3A_1971 = tpu.memref_slice %arg7[%add3A_1918, %dma_start3A_1970] : memref<10000x128xf32, #tpu.memory_space<vmem_shared>> -> memref<32x128xf32, #tpu.memory_space<vmem_shared>>
      %dma_start3A_1972 = arith.constant 0 : i32
      %dma_start3A_1973 = tpu.memref_slice %arg7[%add3A_1918, %dma_start3A_1972] : memref<10000x128xf32, #tpu.memory_space<vmem_shared>> -> memref<32x128xf32, #tpu.memory_space<vmem_shared>>
      tpu.enqueue_dma source(%arg11 : memref<32x128xf32, #tpu.memory_space<vmem>>) target(%dma_start3A_1973 : memref<32x128xf32, #tpu.memory_space<vmem_shared>>) target_semaphore(%run_scoped3A_1969 : memref<!tpu.dma_semaphore, #tpu.memory_space<semaphore_mem>>)
      %dma_wait3A = arith.constant 0 : i32
      %dma_wait3A_1974 = tpu.memref_slice %arg7[%add3A_1918, %dma_wait3A] : memref<10000x128xf32, #tpu.memory_space<vmem_shared>> -> memref<32x128xf32, #tpu.memory_space<vmem_shared>>
      %dma_wait3A_1975 = arith.constant 0 : i32
      %dma_wait3A_1976 = tpu.memref_slice %arg7[%add3A_1918, %dma_wait3A_1975] : memref<10000x128xf32, #tpu.memory_space<vmem_shared>> -> memref<32x128xf32, #tpu.memory_space<vmem_shared>>
      tpu.wait_dma2 semaphore(%run_scoped3A_1969 : memref<!tpu.dma_semaphore, #tpu.memory_space<semaphore_mem>>) src(%arg11 : memref<32x128xf32, #tpu.memory_space<vmem>>) dst(%dma_wait3A_1976 : memref<32x128xf32, #tpu.memory_space<vmem_shared>>)
      tpu.yield
    }) : () -> ()
    %mul3A_1919 = arith.constant 625 : i32
    %mul3A_1920 = arith.muli %arg1, %mul3A_1919 : i32
    %add3A_1921 = arith.constant 608 : i32
    %add3A_1922 = arith.addi %mul3A_1920, %add3A_1921 : i32
    "tpu.region"() ({
      %run_scoped3A_1969 = tpu.sem_alloc : memref<!tpu.dma_semaphore, #tpu.memory_space<semaphore_mem>>
      %dma_start3A_1970 = arith.constant 0 : i32
      %dma_start3A_1971 = arith.constant 0 : i32
      %dma_start3A_1972 = tpu.memref_slice %arg11[%dma_start3A_1970, %dma_start3A_1971] : memref<32x128xf32, #tpu.memory_space<vmem>> -> memref<17x128xf32, #tpu.memory_space<vmem>>
      %dma_start3A_1973 = arith.constant 0 : i32
      %dma_start3A_1974 = tpu.memref_slice %arg7[%add3A_1922, %dma_start3A_1973] : memref<10000x128xf32, #tpu.memory_space<vmem_shared>> -> memref<17x128xf32, #tpu.memory_space<vmem_shared>>
      %dma_start3A_1975 = arith.constant 0 : i32
      %dma_start3A_1976 = tpu.memref_slice %arg7[%add3A_1922, %dma_start3A_1975] : memref<10000x128xf32, #tpu.memory_space<vmem_shared>> -> memref<17x128xf32, #tpu.memory_space<vmem_shared>>
      %dma_start3A_1977 = arith.constant 0 : i32
      %dma_start3A_1978 = arith.constant 0 : i32
      %dma_start3A_1979 = tpu.memref_slice %arg11[%dma_start3A_1977, %dma_start3A_1978] : memref<32x128xf32, #tpu.memory_space<vmem>> -> memref<17x128xf32, #tpu.memory_space<vmem>>
      tpu.enqueue_dma source(%dma_start3A_1979 : memref<17x128xf32, #tpu.memory_space<vmem>>) target(%dma_start3A_1976 : memref<17x128xf32, #tpu.memory_space<vmem_shared>>) target_semaphore(%run_scoped3A_1969 : memref<!tpu.dma_semaphore, #tpu.memory_space<semaphore_mem>>)
      %dma_wait3A = arith.constant 0 : i32
      %dma_wait3A_1980 = arith.constant 0 : i32
      %dma_wait3A_1981 = tpu.memref_slice %arg11[%dma_wait3A, %dma_wait3A_1980] : memref<32x128xf32, #tpu.memory_space<vmem>> -> memref<17x128xf32, #tpu.memory_space<vmem>>
      %dma_wait3A_1982 = arith.constant 0 : i32
      %dma_wait3A_1983 = tpu.memref_slice %arg7[%add3A_1922, %dma_wait3A_1982] : memref<10000x128xf32, #tpu.memory_space<vmem_shared>> -> memref<17x128xf32, #tpu.memory_space<vmem_shared>>
      %dma_wait3A_1984 = arith.constant 0 : i32
      %dma_wait3A_1985 = tpu.memref_slice %arg7[%add3A_1922, %dma_wait3A_1984] : memref<10000x128xf32, #tpu.memory_space<vmem_shared>> -> memref<17x128xf32, #tpu.memory_space<vmem_shared>>
      %dma_wait3A_1986 = arith.constant 0 : i32
      %dma_wait3A_1987 = arith.constant 0 : i32
      %dma_wait3A_1988 = tpu.memref_slice %arg11[%dma_wait3A_1986, %dma_wait3A_1987] : memref<32x128xf32, #tpu.memory_space<vmem>> -> memref<17x128xf32, #tpu.memory_space<vmem>>
      tpu.wait_dma2 semaphore(%run_scoped3A_1969 : memref<!tpu.dma_semaphore, #tpu.memory_space<semaphore_mem>>) src(%dma_wait3A_1988 : memref<17x128xf32, #tpu.memory_space<vmem>>) dst(%dma_wait3A_1985 : memref<17x128xf32, #tpu.memory_space<vmem_shared>>)
      tpu.yield
    }) : () -> ()
    %mul3A_1923 = arith.constant 625 : i32
    %mul3A_1924 = arith.muli %arg1, %mul3A_1923 : i32
    %add3A_1925 = arith.constant 0 : i32
    %add3A_1926 = arith.addi %mul3A_1924, %add3A_1925 : i32
    "tpu.region"() ({
      %run_scoped3A_1969 = tpu.sem_alloc : memref<!tpu.dma_semaphore, #tpu.memory_space<semaphore_mem>>
      %dma_start3A_1970 = arith.constant 0 : i32
      %dma_start3A_1971 = tpu.memref_slice %arg8[%add3A_1926, %dma_start3A_1970] : memref<10000x16xf32, #tpu.memory_space<vmem_shared>> -> memref<125x16xf32, #tpu.memory_space<vmem_shared>>
      tpu.enqueue_dma source(%arg4 : memref<125x16xf32, #tpu.memory_space<hbm>>) target(%dma_start3A_1971 : memref<125x16xf32, #tpu.memory_space<vmem_shared>>) target_semaphore(%run_scoped3A_1969 : memref<!tpu.dma_semaphore, #tpu.memory_space<semaphore_mem>>)
      %dma_wait3A = arith.constant 0 : i32
      %dma_wait3A_1972 = tpu.memref_slice %arg8[%add3A_1926, %dma_wait3A] : memref<10000x16xf32, #tpu.memory_space<vmem_shared>> -> memref<125x16xf32, #tpu.memory_space<vmem_shared>>
      tpu.wait_dma2 semaphore(%run_scoped3A_1969 : memref<!tpu.dma_semaphore, #tpu.memory_space<semaphore_mem>>) src(%arg4 : memref<125x16xf32, #tpu.memory_space<hbm>>) dst(%dma_wait3A_1972 : memref<125x16xf32, #tpu.memory_space<vmem_shared>>)
      tpu.yield
    }) : () -> ()
    %mul3A_1927 = arith.constant 625 : i32
    %mul3A_1928 = arith.muli %arg1, %mul3A_1927 : i32
    %add3A_1929 = arith.constant 125 : i32
    %add3A_1930 = arith.addi %mul3A_1928, %add3A_1929 : i32
    "tpu.region"() ({
      %run_scoped3A_1969 = tpu.sem_alloc : memref<!tpu.dma_semaphore, #tpu.memory_space<semaphore_mem>>
      %dma_start3A_1970 = arith.constant 0 : i32
      %dma_start3A_1971 = tpu.memref_slice %arg8[%add3A_1930, %dma_start3A_1970] : memref<10000x16xf32, #tpu.memory_space<vmem_shared>> -> memref<125x16xf32, #tpu.memory_space<vmem_shared>>
      tpu.enqueue_dma source(%arg4 : memref<125x16xf32, #tpu.memory_space<hbm>>) target(%dma_start3A_1971 : memref<125x16xf32, #tpu.memory_space<vmem_shared>>) target_semaphore(%run_scoped3A_1969 : memref<!tpu.dma_semaphore, #tpu.memory_space<semaphore_mem>>)
      %dma_wait3A = arith.constant 0 : i32
      %dma_wait3A_1972 = tpu.memref_slice %arg8[%add3A_1930, %dma_wait3A] : memref<10000x16xf32, #tpu.memory_space<vmem_shared>> -> memref<125x16xf32, #tpu.memory_space<vmem_shared>>
      tpu.wait_dma2 semaphore(%run_scoped3A_1969 : memref<!tpu.dma_semaphore, #tpu.memory_space<semaphore_mem>>) src(%arg4 : memref<125x16xf32, #tpu.memory_space<hbm>>) dst(%dma_wait3A_1972 : memref<125x16xf32, #tpu.memory_space<vmem_shared>>)
      tpu.yield
    }) : () -> ()
    %mul3A_1931 = arith.constant 625 : i32
    %mul3A_1932 = arith.muli %arg1, %mul3A_1931 : i32
    %add3A_1933 = arith.constant 250 : i32
    %add3A_1934 = arith.addi %mul3A_1932, %add3A_1933 : i32
    "tpu.region"() ({
      %run_scoped3A_1969 = tpu.sem_alloc : memref<!tpu.dma_semaphore, #tpu.memory_space<semaphore_mem>>
      %dma_start3A_1970 = arith.constant 0 : i32
      %dma_start3A_1971 = tpu.memref_slice %arg8[%add3A_1934, %dma_start3A_1970] : memref<10000x16xf32, #tpu.memory_space<vmem_shared>> -> memref<125x16xf32, #tpu.memory_space<vmem_shared>>
      tpu.enqueue_dma source(%arg4 : memref<125x16xf32, #tpu.memory_space<hbm>>) target(%dma_start3A_1971 : memref<125x16xf32, #tpu.memory_space<vmem_shared>>) target_semaphore(%run_scoped3A_1969 : memref<!tpu.dma_semaphore, #tpu.memory_space<semaphore_mem>>)
      %dma_wait3A = arith.constant 0 : i32
      %dma_wait3A_1972 = tpu.memref_slice %arg8[%add3A_1934, %dma_wait3A] : memref<10000x16xf32, #tpu.memory_space<vmem_shared>> -> memref<125x16xf32, #tpu.memory_space<vmem_shared>>
      tpu.wait_dma2 semaphore(%run_scoped3A_1969 : memref<!tpu.dma_semaphore, #tpu.memory_space<semaphore_mem>>) src(%arg4 : memref<125x16xf32, #tpu.memory_space<hbm>>) dst(%dma_wait3A_1972 : memref<125x16xf32, #tpu.memory_space<vmem_shared>>)
      tpu.yield
    }) : () -> ()
    %mul3A_1935 = arith.constant 625 : i32
    %mul3A_1936 = arith.muli %arg1, %mul3A_1935 : i32
    %add3A_1937 = arith.constant 375 : i32
    %add3A_1938 = arith.addi %mul3A_1936, %add3A_1937 : i32
    "tpu.region"() ({
      %run_scoped3A_1969 = tpu.sem_alloc : memref<!tpu.dma_semaphore, #tpu.memory_space<semaphore_mem>>
      %dma_start3A_1970 = arith.constant 0 : i32
      %dma_start3A_1971 = tpu.memref_slice %arg8[%add3A_1938, %dma_start3A_1970] : memref<10000x16xf32, #tpu.memory_space<vmem_shared>> -> memref<125x16xf32, #tpu.memory_space<vmem_shared>>
      tpu.enqueue_dma source(%arg4 : memref<125x16xf32, #tpu.memory_space<hbm>>) target(%dma_start3A_1971 : memref<125x16xf32, #tpu.memory_space<vmem_shared>>) target_semaphore(%run_scoped3A_1969 : memref<!tpu.dma_semaphore, #tpu.memory_space<semaphore_mem>>)
      %dma_wait3A = arith.constant 0 : i32
      %dma_wait3A_1972 = tpu.memref_slice %arg8[%add3A_1938, %dma_wait3A] : memref<10000x16xf32, #tpu.memory_space<vmem_shared>> -> memref<125x16xf32, #tpu.memory_space<vmem_shared>>
      tpu.wait_dma2 semaphore(%run_scoped3A_1969 : memref<!tpu.dma_semaphore, #tpu.memory_space<semaphore_mem>>) src(%arg4 : memref<125x16xf32, #tpu.memory_space<hbm>>) dst(%dma_wait3A_1972 : memref<125x16xf32, #tpu.memory_space<vmem_shared>>)
      tpu.yield
    }) : () -> ()
    %mul3A_1939 = arith.constant 625 : i32
    %mul3A_1940 = arith.muli %arg1, %mul3A_1939 : i32
    %add3A_1941 = arith.constant 500 : i32
    %add3A_1942 = arith.addi %mul3A_1940, %add3A_1941 : i32
    "tpu.region"() ({
      %run_scoped3A_1969 = tpu.sem_alloc : memref<!tpu.dma_semaphore, #tpu.memory_space<semaphore_mem>>
      %dma_start3A_1970 = arith.constant 0 : i32
      %dma_start3A_1971 = tpu.memref_slice %arg8[%add3A_1942, %dma_start3A_1970] : memref<10000x16xf32, #tpu.memory_space<vmem_shared>> -> memref<125x16xf32, #tpu.memory_space<vmem_shared>>
      tpu.enqueue_dma source(%arg4 : memref<125x16xf32, #tpu.memory_space<hbm>>) target(%dma_start3A_1971 : memref<125x16xf32, #tpu.memory_space<vmem_shared>>) target_semaphore(%run_scoped3A_1969 : memref<!tpu.dma_semaphore, #tpu.memory_space<semaphore_mem>>)
      %dma_wait3A = arith.constant 0 : i32
      %dma_wait3A_1972 = tpu.memref_slice %arg8[%add3A_1942, %dma_wait3A] : memref<10000x16xf32, #tpu.memory_space<vmem_shared>> -> memref<125x16xf32, #tpu.memory_space<vmem_shared>>
      tpu.wait_dma2 semaphore(%run_scoped3A_1969 : memref<!tpu.dma_semaphore, #tpu.memory_space<semaphore_mem>>) src(%arg4 : memref<125x16xf32, #tpu.memory_space<hbm>>) dst(%dma_wait3A_1972 : memref<125x16xf32, #tpu.memory_space<vmem_shared>>)
      tpu.yield
    }) : () -> ()
    %barrier3A = arith.constant 0 : index
    tpu.barrier barrier_id(%barrier3A)
    %scan3A = arith.constant 0 : i32
    %scan3A_1943 = arith.constant 0 : i32
    %scan3A_1944 = arith.constant 50 : i32
    %scan3A_1945 = arith.addi %scan3A_1943, %scan3A_1944 : i32
    %scan3A_1946 = arith.constant 1 : i32
    scf.for %scan3A_1969 = %scan3A_1943 to %scan3A_1945 step %scan3A_1946  : i32 {
      %dma_wait3A = arith.constant 0 : i32
      %dma_wait3A_1970 = arith.constant 0 : i32
      %dma_wait3A_1971 = tpu.memref_slice %arg3[%dma_wait3A, %dma_wait3A_1970] : memref<2x320000xi32, #tpu.memory_space<hbm>> -> memref<1x40xi32, #tpu.memory_space<hbm>>
      %dma_wait3A_1972 = tpu.memref_squeeze %dma_wait3A_1971 : memref<1x40xi32, #tpu.memory_space<hbm>> -> memref<40xi32, #tpu.memory_space<hbm>>
      %dma_wait3A_1973 = arith.constant 0 : i32
      %dma_wait3A_1974 = tpu.memref_slice %arg3[%dma_wait3A, %dma_wait3A_1973] : memref<2x320000xi32, #tpu.memory_space<hbm>> -> memref<1x40xi32, #tpu.memory_space<hbm>>
      %dma_wait3A_1975 = tpu.memref_squeeze %dma_wait3A_1974 : memref<1x40xi32, #tpu.memory_space<hbm>> -> memref<40xi32, #tpu.memory_space<hbm>>
      tpu.wait_dma2 semaphore(%arg27 : memref<!tpu.dma_semaphore, #tpu.memory_space<semaphore_mem>>) src(%dma_wait3A_1975 : memref<40xi32, #tpu.memory_space<hbm>>) dst(%arg17 : memref<40xi32, #tpu.memory_space<vmem>>)
      %dma_wait3A_1976 = arith.constant 0 : i32
      %dma_wait3A_1977 = arith.constant 0 : i32
      %dma_wait3A_1978 = tpu.memref_slice %arg2[%dma_wait3A_1976, %dma_wait3A_1977] : memref<10000x128xf32, #tpu.memory_space<hbm>> -> memref<40x128xf32, #tpu.memory_space<hbm>>
      %dma_wait3A_1979 = arith.constant 0 : i32
      %dma_wait3A_1980 = arith.constant 0 : i32
      %dma_wait3A_1981 = tpu.memref_slice %arg2[%dma_wait3A_1979, %dma_wait3A_1980] : memref<10000x128xf32, #tpu.memory_space<hbm>> -> memref<40x128xf32, #tpu.memory_space<hbm>>
      tpu.wait_dma2 semaphore(%arg22 : memref<!tpu.dma_semaphore, #tpu.memory_space<semaphore_mem>>) src(%dma_wait3A_1981 : memref<40x128xf32, #tpu.memory_space<hbm>>) dst(%arg12 : memref<40x128xf32, #tpu.memory_space<vmem>>)
      %dma_start3A_1982 = arith.constant 0 : i32
      %dma_start3A_1983 = arith.constant 0 : i32
      %dma_start3A_1984 = tpu.memref_slice %arg7[%dma_start3A_1982, %dma_start3A_1983] : memref<10000x128xf32, #tpu.memory_space<vmem_shared>> -> memref<10000x128xf32, #tpu.memory_space<vmem_shared>>
      tpu.enqueue_indirect_dma source(%arg12 : memref<40x128xf32, #tpu.memory_space<vmem>>) target(%dma_start3A_1984 : memref<10000x128xf32, #tpu.memory_space<vmem_shared>>) offsets(%arg17 : memref<40xi32, #tpu.memory_space<vmem>>) semaphore(%arg32 : memref<!tpu.dma_semaphore, #tpu.memory_space<semaphore_mem>>) {add = true}
      %dma_start3A_1985 = arith.constant 0 : i32
      %dma_start3A_1986 = arith.constant 0 : i32
      %dma_start3A_1987 = tpu.memref_slice %arg8[%dma_start3A_1985, %dma_start3A_1986] : memref<10000x16xf32, #tpu.memory_space<vmem_shared>> -> memref<10000x16xf32, #tpu.memory_space<vmem_shared>>
      tpu.enqueue_indirect_dma source(%arg10 : memref<40x16xf32, #tpu.memory_space<vmem>>) target(%dma_start3A_1987 : memref<10000x16xf32, #tpu.memory_space<vmem_shared>>) offsets(%arg17 : memref<40xi32, #tpu.memory_space<vmem>>) semaphore(%arg37 : memref<!tpu.dma_semaphore, #tpu.memory_space<semaphore_mem>>) {add = true}
      %dma_wait3A_1988 = arith.constant 0 : i32
      %dma_wait3A_1989 = arith.constant 0 : i32
      %dma_wait3A_1990 = tpu.memref_slice %arg3[%dma_wait3A_1988, %dma_wait3A_1989] : memref<2x320000xi32, #tpu.memory_space<hbm>> -> memref<1x40xi32, #tpu.memory_space<hbm>>
      %dma_wait3A_1991 = tpu.memref_squeeze %dma_wait3A_1990 : memref<1x40xi32, #tpu.memory_space<hbm>> -> memref<40xi32, #tpu.memory_space<hbm>>
      %dma_wait3A_1992 = arith.constant 0 : i32
      %dma_wait3A_1993 = tpu.memref_slice %arg3[%dma_wait3A_1988, %dma_wait3A_1992] : memref<2x320000xi32, #tpu.memory_space<hbm>> -> memref<1x40xi32, #tpu.memory_space<hbm>>
      %dma_wait3A_1994 = tpu.memref_squeeze %dma_wait3A_1993 : memref<1x40xi32, #tpu.memory_space<hbm>> -> memref<40xi32, #tpu.memory_space<hbm>>
      tpu.wait_dma2 semaphore(%arg28 : memref<!tpu.dma_semaphore, #tpu.memory_space<semaphore_mem>>) src(%dma_wait3A_1994 : memref<40xi32, #tpu.memory_space<hbm>>) dst(%arg18 : memref<40xi32, #tpu.memory_space<vmem>>)
      %dma_wait3A_1995 = arith.constant 0 : i32
      %dma_wait3A_1996 = arith.constant 0 : i32
      %dma_wait3A_1997 = tpu.memref_slice %arg2[%dma_wait3A_1995, %dma_wait3A_1996] : memref<10000x128xf32, #tpu.memory_space<hbm>> -> memref<40x128xf32, #tpu.memory_space<hbm>>
      %dma_wait3A_1998 = arith.constant 0 : i32
      %dma_wait3A_1999 = arith.constant 0 : i32
      %dma_wait3A_2000 = tpu.memref_slice %arg2[%dma_wait3A_1998, %dma_wait3A_1999] : memref<10000x128xf32, #tpu.memory_space<hbm>> -> memref<40x128xf32, #tpu.memory_space<hbm>>
      tpu.wait_dma2 semaphore(%arg23 : memref<!tpu.dma_semaphore, #tpu.memory_space<semaphore_mem>>) src(%dma_wait3A_2000 : memref<40x128xf32, #tpu.memory_space<hbm>>) dst(%arg13 : memref<40x128xf32, #tpu.memory_space<vmem>>)
      %dma_start3A_2001 = arith.constant 0 : i32
      %dma_start3A_2002 = arith.constant 0 : i32
      %dma_start3A_2003 = tpu.memref_slice %arg7[%dma_start3A_2001, %dma_start3A_2002] : memref<10000x128xf32, #tpu.memory_space<vmem_shared>> -> memref<10000x128xf32, #tpu.memory_space<vmem_shared>>
      tpu.enqueue_indirect_dma source(%arg13 : memref<40x128xf32, #tpu.memory_space<vmem>>) target(%dma_start3A_2003 : memref<10000x128xf32, #tpu.memory_space<vmem_shared>>) offsets(%arg18 : memref<40xi32, #tpu.memory_space<vmem>>) semaphore(%arg33 : memref<!tpu.dma_semaphore, #tpu.memory_space<semaphore_mem>>) {add = true}
      %dma_start3A_2004 = arith.constant 0 : i32
      %dma_start3A_2005 = arith.constant 0 : i32
      %dma_start3A_2006 = tpu.memref_slice %arg8[%dma_start3A_2004, %dma_start3A_2005] : memref<10000x16xf32, #tpu.memory_space<vmem_shared>> -> memref<10000x16xf32, #tpu.memory_space<vmem_shared>>
      tpu.enqueue_indirect_dma source(%arg10 : memref<40x16xf32, #tpu.memory_space<vmem>>) target(%dma_start3A_2006 : memref<10000x16xf32, #tpu.memory_space<vmem_shared>>) offsets(%arg18 : memref<40xi32, #tpu.memory_space<vmem>>) semaphore(%arg38 : memref<!tpu.dma_semaphore, #tpu.memory_space<semaphore_mem>>) {add = true}
      %dma_wait3A_2007 = arith.constant 0 : i32
      %dma_wait3A_2008 = arith.constant 0 : i32
      %dma_wait3A_2009 = tpu.memref_slice %arg3[%dma_wait3A_2007, %dma_wait3A_2008] : memref<2x320000xi32, #tpu.memory_space<hbm>> -> memref<1x40xi32, #tpu.memory_space<hbm>>
      %dma_wait3A_2010 = tpu.memref_squeeze %dma_wait3A_2009 : memref<1x40xi32, #tpu.memory_space<hbm>> -> memref<40xi32, #tpu.memory_space<hbm>>
      %dma_wait3A_2011 = arith.constant 0 : i32
      %dma_wait3A_2012 = tpu.memref_slice %arg3[%dma_wait3A_2007, %dma_wait3A_2011] : memref<2x320000xi32, #tpu.memory_space<hbm>> -> memref<1x40xi32, #tpu.memory_space<hbm>>
      %dma_wait3A_2013 = tpu.memref_squeeze %dma_wait3A_2012 : memref<1x40xi32, #tpu.memory_space<hbm>> -> memref<40xi32, #tpu.memory_space<hbm>>
      tpu.wait_dma2 semaphore(%arg29 : memref<!tpu.dma_semaphore, #tpu.memory_space<semaphore_mem>>) src(%dma_wait3A_2013 : memref<40xi32, #tpu.memory_space<hbm>>) dst(%arg19 : memref<40xi32, #tpu.memory_space<vmem>>)
      %dma_wait3A_2014 = arith.constant 0 : i32
      %dma_wait3A_2015 = arith.constant 0 : i32
      %dma_wait3A_2016 = tpu.memref_slice %arg2[%dma_wait3A_2014, %dma_wait3A_2015] : memref<10000x128xf32, #tpu.memory_space<hbm>> -> memref<40x128xf32, #tpu.memory_space<hbm>>
      %dma_wait3A_2017 = arith.constant 0 : i32
      %dma_wait3A_2018 = arith.constant 0 : i32
      %dma_wait3A_2019 = tpu.memref_slice %arg2[%dma_wait3A_2017, %dma_wait3A_2018] : memref<10000x128xf32, #tpu.memory_space<hbm>> -> memref<40x128xf32, #tpu.memory_space<hbm>>
      tpu.wait_dma2 semaphore(%arg24 : memref<!tpu.dma_semaphore, #tpu.memory_space<semaphore_mem>>) src(%dma_wait3A_2019 : memref<40x128xf32, #tpu.memory_space<hbm>>) dst(%arg14 : memref<40x128xf32, #tpu.memory_space<vmem>>)
      %dma_start3A_2020 = arith.constant 0 : i32
      %dma_start3A_2021 = arith.constant 0 : i32
      %dma_start3A_2022 = tpu.memref_slice %arg7[%dma_start3A_2020, %dma_start3A_2021] : memref<10000x128xf32, #tpu.memory_space<vmem_shared>> -> memref<10000x128xf32, #tpu.memory_space<vmem_shared>>
      tpu.enqueue_indirect_dma source(%arg14 : memref<40x128xf32, #tpu.memory_space<vmem>>) target(%dma_start3A_2022 : memref<10000x128xf32, #tpu.memory_space<vmem_shared>>) offsets(%arg19 : memref<40xi32, #tpu.memory_space<vmem>>) semaphore(%arg34 : memref<!tpu.dma_semaphore, #tpu.memory_space<semaphore_mem>>) {add = true}
      %dma_start3A_2023 = arith.constant 0 : i32
      %dma_start3A_2024 = arith.constant 0 : i32
      %dma_start3A_2025 = tpu.memref_slice %arg8[%dma_start3A_2023, %dma_start3A_2024] : memref<10000x16xf32, #tpu.memory_space<vmem_shared>> -> memref<10000x16xf32, #tpu.memory_space<vmem_shared>>
      tpu.enqueue_indirect_dma source(%arg10 : memref<40x16xf32, #tpu.memory_space<vmem>>) target(%dma_start3A_2025 : memref<10000x16xf32, #tpu.memory_space<vmem_shared>>) offsets(%arg19 : memref<40xi32, #tpu.memory_space<vmem>>) semaphore(%arg39 : memref<!tpu.dma_semaphore, #tpu.memory_space<semaphore_mem>>) {add = true}
      %dma_wait3A_2026 = arith.constant 0 : i32
      %dma_wait3A_2027 = arith.constant 0 : i32
      %dma_wait3A_2028 = tpu.memref_slice %arg3[%dma_wait3A_2026, %dma_wait3A_2027] : memref<2x320000xi32, #tpu.memory_space<hbm>> -> memref<1x40xi32, #tpu.memory_space<hbm>>
      %dma_wait3A_2029 = tpu.memref_squeeze %dma_wait3A_2028 : memref<1x40xi32, #tpu.memory_space<hbm>> -> memref<40xi32, #tpu.memory_space<hbm>>
      %dma_wait3A_2030 = arith.constant 0 : i32
      %dma_wait3A_2031 = tpu.memref_slice %arg3[%dma_wait3A_2026, %dma_wait3A_2030] : memref<2x320000xi32, #tpu.memory_space<hbm>> -> memref<1x40xi32, #tpu.memory_space<hbm>>
      %dma_wait3A_2032 = tpu.memref_squeeze %dma_wait3A_2031 : memref<1x40xi32, #tpu.memory_space<hbm>> -> memref<40xi32, #tpu.memory_space<hbm>>
      tpu.wait_dma2 semaphore(%arg30 : memref<!tpu.dma_semaphore, #tpu.memory_space<semaphore_mem>>) src(%dma_wait3A_2032 : memref<40xi32, #tpu.memory_space<hbm>>) dst(%arg20 : memref<40xi32, #tpu.memory_space<vmem>>)
      %dma_wait3A_2033 = arith.constant 0 : i32
      %dma_wait3A_2034 = arith.constant 0 : i32
      %dma_wait3A_2035 = tpu.memref_slice %arg2[%dma_wait3A_2033, %dma_wait3A_2034] : memref<10000x128xf32, #tpu.memory_space<hbm>> -> memref<40x128xf32, #tpu.memory_space<hbm>>
      %dma_wait3A_2036 = arith.constant 0 : i32
      %dma_wait3A_2037 = arith.constant 0 : i32
      %dma_wait3A_2038 = tpu.memref_slice %arg2[%dma_wait3A_2036, %dma_wait3A_2037] : memref<10000x128xf32, #tpu.memory_space<hbm>> -> memref<40x128xf32, #tpu.memory_space<hbm>>
      tpu.wait_dma2 semaphore(%arg25 : memref<!tpu.dma_semaphore, #tpu.memory_space<semaphore_mem>>) src(%dma_wait3A_2038 : memref<40x128xf32, #tpu.memory_space<hbm>>) dst(%arg15 : memref<40x128xf32, #tpu.memory_space<vmem>>)
      %dma_start3A_2039 = arith.constant 0 : i32
      %dma_start3A_2040 = arith.constant 0 : i32
      %dma_start3A_2041 = tpu.memref_slice %arg7[%dma_start3A_2039, %dma_start3A_2040] : memref<10000x128xf32, #tpu.memory_space<vmem_shared>> -> memref<10000x128xf32, #tpu.memory_space<vmem_shared>>
      tpu.enqueue_indirect_dma source(%arg15 : memref<40x128xf32, #tpu.memory_space<vmem>>) target(%dma_start3A_2041 : memref<10000x128xf32, #tpu.memory_space<vmem_shared>>) offsets(%arg20 : memref<40xi32, #tpu.memory_space<vmem>>) semaphore(%arg35 : memref<!tpu.dma_semaphore, #tpu.memory_space<semaphore_mem>>) {add = true}
      %dma_start3A_2042 = arith.constant 0 : i32
      %dma_start3A_2043 = arith.constant 0 : i32
      %dma_start3A_2044 = tpu.memref_slice %arg8[%dma_start3A_2042, %dma_start3A_2043] : memref<10000x16xf32, #tpu.memory_space<vmem_shared>> -> memref<10000x16xf32, #tpu.memory_space<vmem_shared>>
      tpu.enqueue_indirect_dma source(%arg10 : memref<40x16xf32, #tpu.memory_space<vmem>>) target(%dma_start3A_2044 : memref<10000x16xf32, #tpu.memory_space<vmem_shared>>) offsets(%arg20 : memref<40xi32, #tpu.memory_space<vmem>>) semaphore(%arg40 : memref<!tpu.dma_semaphore, #tpu.memory_space<semaphore_mem>>) {add = true}
      %dma_wait3A_2045 = arith.constant 0 : i32
      %dma_wait3A_2046 = arith.constant 0 : i32
      %dma_wait3A_2047 = tpu.memref_slice %arg3[%dma_wait3A_2045, %dma_wait3A_2046] : memref<2x320000xi32, #tpu.memory_space<hbm>> -> memref<1x40xi32, #tpu.memory_space<hbm>>
      %dma_wait3A_2048 = tpu.memref_squeeze %dma_wait3A_2047 : memref<1x40xi32, #tpu.memory_space<hbm>> -> memref<40xi32, #tpu.memory_space<hbm>>
      %dma_wait3A_2049 = arith.constant 0 : i32
      %dma_wait3A_2050 = tpu.memref_slice %arg3[%dma_wait3A_2045, %dma_wait3A_2049] : memref<2x320000xi32, #tpu.memory_space<hbm>> -> memref<1x40xi32, #tpu.memory_space<hbm>>
      %dma_wait3A_2051 = tpu.memref_squeeze %dma_wait3A_2050 : memref<1x40xi32, #tpu.memory_space<hbm>> -> memref<40xi32, #tpu.memory_space<hbm>>
      tpu.wait_dma2 semaphore(%arg31 : memref<!tpu.dma_semaphore, #tpu.memory_space<semaphore_mem>>) src(%dma_wait3A_2051 : memref<40xi32, #tpu.memory_space<hbm>>) dst(%arg21 : memref<40xi32, #tpu.memory_space<vmem>>)
      %dma_wait3A_2052 = arith.constant 0 : i32
      %dma_wait3A_2053 = arith.constant 0 : i32
      %dma_wait3A_2054 = tpu.memref_slice %arg2[%dma_wait3A_2052, %dma_wait3A_2053] : memref<10000x128xf32, #tpu.memory_space<hbm>> -> memref<40x128xf32, #tpu.memory_space<hbm>>
      %dma_wait3A_2055 = arith.constant 0 : i32
      %dma_wait3A_2056 = arith.constant 0 : i32
      %dma_wait3A_2057 = tpu.memref_slice %arg2[%dma_wait3A_2055, %dma_wait3A_2056] : memref<10000x128xf32, #tpu.memory_space<hbm>> -> memref<40x128xf32, #tpu.memory_space<hbm>>
      tpu.wait_dma2 semaphore(%arg26 : memref<!tpu.dma_semaphore, #tpu.memory_space<semaphore_mem>>) src(%dma_wait3A_2057 : memref<40x128xf32, #tpu.memory_space<hbm>>) dst(%arg16 : memref<40x128xf32, #tpu.memory_space<vmem>>)
      %dma_start3A_2058 = arith.constant 0 : i32
      %dma_start3A_2059 = arith.constant 0 : i32
      %dma_start3A_2060 = tpu.memref_slice %arg7[%dma_start3A_2058, %dma_start3A_2059] : memref<10000x128xf32, #tpu.memory_space<vmem_shared>> -> memref<10000x128xf32, #tpu.memory_space<vmem_shared>>
      tpu.enqueue_indirect_dma source(%arg16 : memref<40x128xf32, #tpu.memory_space<vmem>>) target(%dma_start3A_2060 : memref<10000x128xf32, #tpu.memory_space<vmem_shared>>) offsets(%arg21 : memref<40xi32, #tpu.memory_space<vmem>>) semaphore(%arg36 : memref<!tpu.dma_semaphore, #tpu.memory_space<semaphore_mem>>) {add = true}
      %dma_start3A_2061 = arith.constant 0 : i32
      %dma_start3A_2062 = arith.constant 0 : i32
      %dma_start3A_2063 = tpu.memref_slice %arg8[%dma_start3A_2061, %dma_start3A_2062] : memref<10000x16xf32, #tpu.memory_space<vmem_shared>> -> memref<10000x16xf32, #tpu.memory_space<vmem_shared>>
      tpu.enqueue_indirect_dma source(%arg10 : memref<40x16xf32, #tpu.memory_space<vmem>>) target(%dma_start3A_2063 : memref<10000x16xf32, #tpu.memory_space<vmem_shared>>) offsets(%arg21 : memref<40xi32, #tpu.memory_space<vmem>>) semaphore(%arg41 : memref<!tpu.dma_semaphore, #tpu.memory_space<semaphore_mem>>) {add = true}
      %add3A_2064 = arith.constant 1 : i32
      %add3A_2065 = arith.addi %scan3A_1969, %add3A_2064 : i32
      %mul3A_2066 = arith.constant 5 : i32
      %mul3A_2067 = arith.muli %add3A_2065, %mul3A_2066 : i32
      %add3A_2068 = arith.constant 0 : i32
      %add3A_2069 = arith.addi %mul3A_2067, %add3A_2068 : i32
      %dma_wait3A_2070 = arith.constant 0 : i32
      %dma_wait3A_2071 = arith.constant 0 : i32
      %dma_wait3A_2072 = tpu.memref_slice %arg7[%dma_wait3A_2070, %dma_wait3A_2071] : memref<10000x128xf32, #tpu.memory_space<vmem_shared>> -> memref<10000x128xf32, #tpu.memory_space<vmem_shared>>
      tpu.wait_indirect_dma semaphore(%arg32 : memref<!tpu.dma_semaphore, #tpu.memory_space<semaphore_mem>>) src(%arg12 : memref<40x128xf32, #tpu.memory_space<vmem>>) dst(%dma_wait3A_2072 : memref<10000x128xf32, #tpu.memory_space<vmem_shared>>)
      %dma_wait3A_2073 = arith.constant 0 : i32
      %dma_wait3A_2074 = arith.constant 0 : i32
      %dma_wait3A_2075 = tpu.memref_slice %arg8[%dma_wait3A_2073, %dma_wait3A_2074] : memref<10000x16xf32, #tpu.memory_space<vmem_shared>> -> memref<10000x16xf32, #tpu.memory_space<vmem_shared>>
      tpu.wait_indirect_dma semaphore(%arg37 : memref<!tpu.dma_semaphore, #tpu.memory_space<semaphore_mem>>) src(%arg10 : memref<40x16xf32, #tpu.memory_space<vmem>>) dst(%dma_wait3A_2075 : memref<10000x16xf32, #tpu.memory_space<vmem_shared>>)
      %lt3A = arith.constant 250 : i32
      %lt3A_2076 = arith.cmpi slt, %add3A_2069, %lt3A : i32
      %convert_element_type3A = arith.extui %lt3A_2076 : i1 to i32
      %cond3A = arith.constant 0 : i32
      %cond3A_2077 = arith.cmpi ne, %convert_element_type3A, %cond3A : i32
      scf.if %cond3A_2077 {
        %mul3A_2146 = arith.constant 40 : i32
        %mul3A_2147 = arith.muli %add3A_2069, %mul3A_2146 : i32
        %add3A_2148 = arith.addi %mul3A_2, %mul3A_2147 : i32
        %dma_start3A_2149 = arith.constant 0 : i32
        %dma_start3A_2150 = tpu.memref_slice %arg3[%dma_start3A_2149, %add3A_2148] : memref<2x320000xi32, #tpu.memory_space<hbm>> -> memref<1x40xi32, #tpu.memory_space<hbm>>
        %dma_start3A_2151 = tpu.memref_squeeze %dma_start3A_2150 : memref<1x40xi32, #tpu.memory_space<hbm>> -> memref<40xi32, #tpu.memory_space<hbm>>
        %dma_start3A_2152 = tpu.memref_slice %arg3[%dma_start3A_2149, %add3A_2148] : memref<2x320000xi32, #tpu.memory_space<hbm>> -> memref<1x40xi32, #tpu.memory_space<hbm>>
        %dma_start3A_2153 = tpu.memref_squeeze %dma_start3A_2152 : memref<1x40xi32, #tpu.memory_space<hbm>> -> memref<40xi32, #tpu.memory_space<hbm>>
        tpu.enqueue_dma source(%dma_start3A_2153 : memref<40xi32, #tpu.memory_space<hbm>>) target(%arg17 : memref<40xi32, #tpu.memory_space<vmem>>) target_semaphore(%arg27 : memref<!tpu.dma_semaphore, #tpu.memory_space<semaphore_mem>>)
        %mul3A_2154 = arith.constant 40 : i32
        %mul3A_2155 = arith.muli %add3A_2069, %mul3A_2154 : i32
        %dma_start3A_2156 = tpu.memref_slice %arg9[%mul3A_2155] : memref<10000xi32, #tpu.memory_space<vmem>> -> memref<40xi32, #tpu.memory_space<vmem>>
        %dma_start3A_2157 = arith.constant 0 : i32
        %dma_start3A_2158 = arith.constant 0 : i32
        %dma_start3A_2159 = tpu.memref_slice %arg2[%dma_start3A_2157, %dma_start3A_2158] : memref<10000x128xf32, #tpu.memory_space<hbm>> -> memref<10000x128xf32, #tpu.memory_space<hbm>>
        tpu.enqueue_indirect_dma source(%dma_start3A_2159 : memref<10000x128xf32, #tpu.memory_space<hbm>>) target(%arg12 : memref<40x128xf32, #tpu.memory_space<vmem>>) offsets(%dma_start3A_2156 : memref<40xi32, #tpu.memory_space<vmem>>) semaphore(%arg22 : memref<!tpu.dma_semaphore, #tpu.memory_space<semaphore_mem>>)
      } else {
      }
      %add3A_2078 = arith.constant 1 : i32
      %add3A_2079 = arith.addi %scan3A_1969, %add3A_2078 : i32
      %mul3A_2080 = arith.constant 5 : i32
      %mul3A_2081 = arith.muli %add3A_2079, %mul3A_2080 : i32
      %add3A_2082 = arith.constant 1 : i32
      %add3A_2083 = arith.addi %mul3A_2081, %add3A_2082 : i32
      %dma_wait3A_2084 = arith.constant 0 : i32
      %dma_wait3A_2085 = arith.constant 0 : i32
      %dma_wait3A_2086 = tpu.memref_slice %arg7[%dma_wait3A_2084, %dma_wait3A_2085] : memref<10000x128xf32, #tpu.memory_space<vmem_shared>> -> memref<10000x128xf32, #tpu.memory_space<vmem_shared>>
      tpu.wait_indirect_dma semaphore(%arg33 : memref<!tpu.dma_semaphore, #tpu.memory_space<semaphore_mem>>) src(%arg13 : memref<40x128xf32, #tpu.memory_space<vmem>>) dst(%dma_wait3A_2086 : memref<10000x128xf32, #tpu.memory_space<vmem_shared>>)
      %dma_wait3A_2087 = arith.constant 0 : i32
      %dma_wait3A_2088 = arith.constant 0 : i32
      %dma_wait3A_2089 = tpu.memref_slice %arg8[%dma_wait3A_2087, %dma_wait3A_2088] : memref<10000x16xf32, #tpu.memory_space<vmem_shared>> -> memref<10000x16xf32, #tpu.memory_space<vmem_shared>>
      tpu.wait_indirect_dma semaphore(%arg38 : memref<!tpu.dma_semaphore, #tpu.memory_space<semaphore_mem>>) src(%arg10 : memref<40x16xf32, #tpu.memory_space<vmem>>) dst(%dma_wait3A_2089 : memref<10000x16xf32, #tpu.memory_space<vmem_shared>>)
      %lt3A_2090 = arith.constant 250 : i32
      %lt3A_2091 = arith.cmpi slt, %add3A_2083, %lt3A_2090 : i32
      %convert_element_type3A_2092 = arith.extui %lt3A_2091 : i1 to i32
      %cond3A_2093 = arith.constant 0 : i32
      %cond3A_2094 = arith.cmpi ne, %convert_element_type3A_2092, %cond3A_2093 : i32
      scf.if %cond3A_2094 {
        %mul3A_2146 = arith.constant 40 : i32
        %mul3A_2147 = arith.muli %add3A_2083, %mul3A_2146 : i32
        %add3A_2148 = arith.addi %mul3A_2, %mul3A_2147 : i32
        %dma_start3A_2149 = arith.constant 0 : i32
        %dma_start3A_2150 = tpu.memref_slice %arg3[%dma_start3A_2149, %add3A_2148] : memref<2x320000xi32, #tpu.memory_space<hbm>> -> memref<1x40xi32, #tpu.memory_space<hbm>>
        %dma_start3A_2151 = tpu.memref_squeeze %dma_start3A_2150 : memref<1x40xi32, #tpu.memory_space<hbm>> -> memref<40xi32, #tpu.memory_space<hbm>>
        %dma_start3A_2152 = tpu.memref_slice %arg3[%dma_start3A_2149, %add3A_2148] : memref<2x320000xi32, #tpu.memory_space<hbm>> -> memref<1x40xi32, #tpu.memory_space<hbm>>
        %dma_start3A_2153 = tpu.memref_squeeze %dma_start3A_2152 : memref<1x40xi32, #tpu.memory_space<hbm>> -> memref<40xi32, #tpu.memory_space<hbm>>
        tpu.enqueue_dma source(%dma_start3A_2153 : memref<40xi32, #tpu.memory_space<hbm>>) target(%arg18 : memref<40xi32, #tpu.memory_space<vmem>>) target_semaphore(%arg28 : memref<!tpu.dma_semaphore, #tpu.memory_space<semaphore_mem>>)
        %mul3A_2154 = arith.constant 40 : i32
        %mul3A_2155 = arith.muli %add3A_2083, %mul3A_2154 : i32
        %dma_start3A_2156 = tpu.memref_slice %arg9[%mul3A_2155] : memref<10000xi32, #tpu.memory_space<vmem>> -> memref<40xi32, #tpu.memory_space<vmem>>
        %dma_start3A_2157 = arith.constant 0 : i32
        %dma_start3A_2158 = arith.constant 0 : i32
        %dma_start3A_2159 = tpu.memref_slice %arg2[%dma_start3A_2157, %dma_start3A_2158] : memref<10000x128xf32, #tpu.memory_space<hbm>> -> memref<10000x128xf32, #tpu.memory_space<hbm>>
        tpu.enqueue_indirect_dma source(%dma_start3A_2159 : memref<10000x128xf32, #tpu.memory_space<hbm>>) target(%arg13 : memref<40x128xf32, #tpu.memory_space<vmem>>) offsets(%dma_start3A_2156 : memref<40xi32, #tpu.memory_space<vmem>>) semaphore(%arg23 : memref<!tpu.dma_semaphore, #tpu.memory_space<semaphore_mem>>)
      } else {
      }
      %add3A_2095 = arith.constant 1 : i32
      %add3A_2096 = arith.addi %scan3A_1969, %add3A_2095 : i32
      %mul3A_2097 = arith.constant 5 : i32
      %mul3A_2098 = arith.muli %add3A_2096, %mul3A_2097 : i32
      %add3A_2099 = arith.constant 2 : i32
      %add3A_2100 = arith.addi %mul3A_2098, %add3A_2099 : i32
      %dma_wait3A_2101 = arith.constant 0 : i32
      %dma_wait3A_2102 = arith.constant 0 : i32
      %dma_wait3A_2103 = tpu.memref_slice %arg7[%dma_wait3A_2101, %dma_wait3A_2102] : memref<10000x128xf32, #tpu.memory_space<vmem_shared>> -> memref<10000x128xf32, #tpu.memory_space<vmem_shared>>
      tpu.wait_indirect_dma semaphore(%arg34 : memref<!tpu.dma_semaphore, #tpu.memory_space<semaphore_mem>>) src(%arg14 : memref<40x128xf32, #tpu.memory_space<vmem>>) dst(%dma_wait3A_2103 : memref<10000x128xf32, #tpu.memory_space<vmem_shared>>)
      %dma_wait3A_2104 = arith.constant 0 : i32
      %dma_wait3A_2105 = arith.constant 0 : i32
      %dma_wait3A_2106 = tpu.memref_slice %arg8[%dma_wait3A_2104, %dma_wait3A_2105] : memref<10000x16xf32, #tpu.memory_space<vmem_shared>> -> memref<10000x16xf32, #tpu.memory_space<vmem_shared>>
      tpu.wait_indirect_dma semaphore(%arg39 : memref<!tpu.dma_semaphore, #tpu.memory_space<semaphore_mem>>) src(%arg10 : memref<40x16xf32, #tpu.memory_space<vmem>>) dst(%dma_wait3A_2106 : memref<10000x16xf32, #tpu.memory_space<vmem_shared>>)
      %lt3A_2107 = arith.constant 250 : i32
      %lt3A_2108 = arith.cmpi slt, %add3A_2100, %lt3A_2107 : i32
      %convert_element_type3A_2109 = arith.extui %lt3A_2108 : i1 to i32
      %cond3A_2110 = arith.constant 0 : i32
      %cond3A_2111 = arith.cmpi ne, %convert_element_type3A_2109, %cond3A_2110 : i32
      scf.if %cond3A_2111 {
        %mul3A_2146 = arith.constant 40 : i32
        %mul3A_2147 = arith.muli %add3A_2100, %mul3A_2146 : i32
        %add3A_2148 = arith.addi %mul3A_2, %mul3A_2147 : i32
        %dma_start3A_2149 = arith.constant 0 : i32
        %dma_start3A_2150 = tpu.memref_slice %arg3[%dma_start3A_2149, %add3A_2148] : memref<2x320000xi32, #tpu.memory_space<hbm>> -> memref<1x40xi32, #tpu.memory_space<hbm>>
        %dma_start3A_2151 = tpu.memref_squeeze %dma_start3A_2150 : memref<1x40xi32, #tpu.memory_space<hbm>> -> memref<40xi32, #tpu.memory_space<hbm>>
        %dma_start3A_2152 = tpu.memref_slice %arg3[%dma_start3A_2149, %add3A_2148] : memref<2x320000xi32, #tpu.memory_space<hbm>> -> memref<1x40xi32, #tpu.memory_space<hbm>>
        %dma_start3A_2153 = tpu.memref_squeeze %dma_start3A_2152 : memref<1x40xi32, #tpu.memory_space<hbm>> -> memref<40xi32, #tpu.memory_space<hbm>>
        tpu.enqueue_dma source(%dma_start3A_2153 : memref<40xi32, #tpu.memory_space<hbm>>) target(%arg19 : memref<40xi32, #tpu.memory_space<vmem>>) target_semaphore(%arg29 : memref<!tpu.dma_semaphore, #tpu.memory_space<semaphore_mem>>)
        %mul3A_2154 = arith.constant 40 : i32
        %mul3A_2155 = arith.muli %add3A_2100, %mul3A_2154 : i32
        %dma_start3A_2156 = tpu.memref_slice %arg9[%mul3A_2155] : memref<10000xi32, #tpu.memory_space<vmem>> -> memref<40xi32, #tpu.memory_space<vmem>>
        %dma_start3A_2157 = arith.constant 0 : i32
        %dma_start3A_2158 = arith.constant 0 : i32
        %dma_start3A_2159 = tpu.memref_slice %arg2[%dma_start3A_2157, %dma_start3A_2158] : memref<10000x128xf32, #tpu.memory_space<hbm>> -> memref<10000x128xf32, #tpu.memory_space<hbm>>
        tpu.enqueue_indirect_dma source(%dma_start3A_2159 : memref<10000x128xf32, #tpu.memory_space<hbm>>) target(%arg14 : memref<40x128xf32, #tpu.memory_space<vmem>>) offsets(%dma_start3A_2156 : memref<40xi32, #tpu.memory_space<vmem>>) semaphore(%arg24 : memref<!tpu.dma_semaphore, #tpu.memory_space<semaphore_mem>>)
      } else {
      }
      %add3A_2112 = arith.constant 1 : i32
      %add3A_2113 = arith.addi %scan3A_1969, %add3A_2112 : i32
      %mul3A_2114 = arith.constant 5 : i32
      %mul3A_2115 = arith.muli %add3A_2113, %mul3A_2114 : i32
      %add3A_2116 = arith.constant 3 : i32
      %add3A_2117 = arith.addi %mul3A_2115, %add3A_2116 : i32
      %dma_wait3A_2118 = arith.constant 0 : i32
      %dma_wait3A_2119 = arith.constant 0 : i32
      %dma_wait3A_2120 = tpu.memref_slice %arg7[%dma_wait3A_2118, %dma_wait3A_2119] : memref<10000x128xf32, #tpu.memory_space<vmem_shared>> -> memref<10000x128xf32, #tpu.memory_space<vmem_shared>>
      tpu.wait_indirect_dma semaphore(%arg35 : memref<!tpu.dma_semaphore, #tpu.memory_space<semaphore_mem>>) src(%arg15 : memref<40x128xf32, #tpu.memory_space<vmem>>) dst(%dma_wait3A_2120 : memref<10000x128xf32, #tpu.memory_space<vmem_shared>>)
      %dma_wait3A_2121 = arith.constant 0 : i32
      %dma_wait3A_2122 = arith.constant 0 : i32
      %dma_wait3A_2123 = tpu.memref_slice %arg8[%dma_wait3A_2121, %dma_wait3A_2122] : memref<10000x16xf32, #tpu.memory_space<vmem_shared>> -> memref<10000x16xf32, #tpu.memory_space<vmem_shared>>
      tpu.wait_indirect_dma semaphore(%arg40 : memref<!tpu.dma_semaphore, #tpu.memory_space<semaphore_mem>>) src(%arg10 : memref<40x16xf32, #tpu.memory_space<vmem>>) dst(%dma_wait3A_2123 : memref<10000x16xf32, #tpu.memory_space<vmem_shared>>)
      %lt3A_2124 = arith.constant 250 : i32
      %lt3A_2125 = arith.cmpi slt, %add3A_2117, %lt3A_2124 : i32
      %convert_element_type3A_2126 = arith.extui %lt3A_2125 : i1 to i32
      %cond3A_2127 = arith.constant 0 : i32
      %cond3A_2128 = arith.cmpi ne, %convert_element_type3A_2126, %cond3A_2127 : i32
      scf.if %cond3A_2128 {
        %mul3A_2146 = arith.constant 40 : i32
        %mul3A_2147 = arith.muli %add3A_2117, %mul3A_2146 : i32
        %add3A_2148 = arith.addi %mul3A_2, %mul3A_2147 : i32
        %dma_start3A_2149 = arith.constant 0 : i32
        %dma_start3A_2150 = tpu.memref_slice %arg3[%dma_start3A_2149, %add3A_2148] : memref<2x320000xi32, #tpu.memory_space<hbm>> -> memref<1x40xi32, #tpu.memory_space<hbm>>
        %dma_start3A_2151 = tpu.memref_squeeze %dma_start3A_2150 : memref<1x40xi32, #tpu.memory_space<hbm>> -> memref<40xi32, #tpu.memory_space<hbm>>
        %dma_start3A_2152 = tpu.memref_slice %arg3[%dma_start3A_2149, %add3A_2148] : memref<2x320000xi32, #tpu.memory_space<hbm>> -> memref<1x40xi32, #tpu.memory_space<hbm>>
        %dma_start3A_2153 = tpu.memref_squeeze %dma_start3A_2152 : memref<1x40xi32, #tpu.memory_space<hbm>> -> memref<40xi32, #tpu.memory_space<hbm>>
        tpu.enqueue_dma source(%dma_start3A_2153 : memref<40xi32, #tpu.memory_space<hbm>>) target(%arg20 : memref<40xi32, #tpu.memory_space<vmem>>) target_semaphore(%arg30 : memref<!tpu.dma_semaphore, #tpu.memory_space<semaphore_mem>>)
        %mul3A_2154 = arith.constant 40 : i32
        %mul3A_2155 = arith.muli %add3A_2117, %mul3A_2154 : i32
        %dma_start3A_2156 = tpu.memref_slice %arg9[%mul3A_2155] : memref<10000xi32, #tpu.memory_space<vmem>> -> memref<40xi32, #tpu.memory_space<vmem>>
        %dma_start3A_2157 = arith.constant 0 : i32
        %dma_start3A_2158 = arith.constant 0 : i32
        %dma_start3A_2159 = tpu.memref_slice %arg2[%dma_start3A_2157, %dma_start3A_2158] : memref<10000x128xf32, #tpu.memory_space<hbm>> -> memref<10000x128xf32, #tpu.memory_space<hbm>>
        tpu.enqueue_indirect_dma source(%dma_start3A_2159 : memref<10000x128xf32, #tpu.memory_space<hbm>>) target(%arg15 : memref<40x128xf32, #tpu.memory_space<vmem>>) offsets(%dma_start3A_2156 : memref<40xi32, #tpu.memory_space<vmem>>) semaphore(%arg25 : memref<!tpu.dma_semaphore, #tpu.memory_space<semaphore_mem>>)
      } else {
      }
      %add3A_2129 = arith.constant 1 : i32
      %add3A_2130 = arith.addi %scan3A_1969, %add3A_2129 : i32
      %mul3A_2131 = arith.constant 5 : i32
      %mul3A_2132 = arith.muli %add3A_2130, %mul3A_2131 : i32
      %add3A_2133 = arith.constant 4 : i32
      %add3A_2134 = arith.addi %mul3A_2132, %add3A_2133 : i32
      %dma_wait3A_2135 = arith.constant 0 : i32
      %dma_wait3A_2136 = arith.constant 0 : i32
      %dma_wait3A_2137 = tpu.memref_slice %arg7[%dma_wait3A_2135, %dma_wait3A_2136] : memref<10000x128xf32, #tpu.memory_space<vmem_shared>> -> memref<10000x128xf32, #tpu.memory_space<vmem_shared>>
      tpu.wait_indirect_dma semaphore(%arg36 : memref<!tpu.dma_semaphore, #tpu.memory_space<semaphore_mem>>) src(%arg16 : memref<40x128xf32, #tpu.memory_space<vmem>>) dst(%dma_wait3A_2137 : memref<10000x128xf32, #tpu.memory_space<vmem_shared>>)
      %dma_wait3A_2138 = arith.constant 0 : i32
      %dma_wait3A_2139 = arith.constant 0 : i32
      %dma_wait3A_2140 = tpu.memref_slice %arg8[%dma_wait3A_2138, %dma_wait3A_2139] : memref<10000x16xf32, #tpu.memory_space<vmem_shared>> -> memref<10000x16xf32, #tpu.memory_space<vmem_shared>>
      tpu.wait_indirect_dma semaphore(%arg41 : memref<!tpu.dma_semaphore, #tpu.memory_space<semaphore_mem>>) src(%arg10 : memref<40x16xf32, #tpu.memory_space<vmem>>) dst(%dma_wait3A_2140 : memref<10000x16xf32, #tpu.memory_space<vmem_shared>>)
      %lt3A_2141 = arith.constant 250 : i32
      %lt3A_2142 = arith.cmpi slt, %add3A_2134, %lt3A_2141 : i32
      %convert_element_type3A_2143 = arith.extui %lt3A_2142 : i1 to i32
      %cond3A_2144 = arith.constant 0 : i32
      %cond3A_2145 = arith.cmpi ne, %convert_element_type3A_2143, %cond3A_2144 : i32
      scf.if %cond3A_2145 {
        %mul3A_2146 = arith.constant 40 : i32
        %mul3A_2147 = arith.muli %add3A_2134, %mul3A_2146 : i32
        %add3A_2148 = arith.addi %mul3A_2, %mul3A_2147 : i32
        %dma_start3A_2149 = arith.constant 0 : i32
        %dma_start3A_2150 = tpu.memref_slice %arg3[%dma_start3A_2149, %add3A_2148] : memref<2x320000xi32, #tpu.memory_space<hbm>> -> memref<1x40xi32, #tpu.memory_space<hbm>>
        %dma_start3A_2151 = tpu.memref_squeeze %dma_start3A_2150 : memref<1x40xi32, #tpu.memory_space<hbm>> -> memref<40xi32, #tpu.memory_space<hbm>>
        %dma_start3A_2152 = tpu.memref_slice %arg3[%dma_start3A_2149, %add3A_2148] : memref<2x320000xi32, #tpu.memory_space<hbm>> -> memref<1x40xi32, #tpu.memory_space<hbm>>
        %dma_start3A_2153 = tpu.memref_squeeze %dma_start3A_2152 : memref<1x40xi32, #tpu.memory_space<hbm>> -> memref<40xi32, #tpu.memory_space<hbm>>
        tpu.enqueue_dma source(%dma_start3A_2153 : memref<40xi32, #tpu.memory_space<hbm>>) target(%arg21 : memref<40xi32, #tpu.memory_space<vmem>>) target_semaphore(%arg31 : memref<!tpu.dma_semaphore, #tpu.memory_space<semaphore_mem>>)
        %mul3A_2154 = arith.constant 40 : i32
        %mul3A_2155 = arith.muli %add3A_2134, %mul3A_2154 : i32
        %dma_start3A_2156 = tpu.memref_slice %arg9[%mul3A_2155] : memref<10000xi32, #tpu.memory_space<vmem>> -> memref<40xi32, #tpu.memory_space<vmem>>
        %dma_start3A_2157 = arith.constant 0 : i32
        %dma_start3A_2158 = arith.constant 0 : i32
        %dma_start3A_2159 = tpu.memref_slice %arg2[%dma_start3A_2157, %dma_start3A_2158] : memref<10000x128xf32, #tpu.memory_space<hbm>> -> memref<10000x128xf32, #tpu.memory_space<hbm>>
        tpu.enqueue_indirect_dma source(%dma_start3A_2159 : memref<10000x128xf32, #tpu.memory_space<hbm>>) target(%arg16 : memref<40x128xf32, #tpu.memory_space<vmem>>) offsets(%dma_start3A_2156 : memref<40xi32, #tpu.memory_space<vmem>>) semaphore(%arg26 : memref<!tpu.dma_semaphore, #tpu.memory_space<semaphore_mem>>)
      } else {
      }
    }
    %scan3A_1947 = arith.constant 50 : i32
    %barrier3A_1948 = arith.constant 0 : index
    tpu.barrier barrier_id(%barrier3A_1948)
    %mul3A_1949 = arith.constant 625 : i32
    %mul3A_1950 = arith.muli %arg1, %mul3A_1949 : i32
    %add3A_1951 = arith.constant 0 : i32
    %add3A_1952 = arith.addi %mul3A_1950, %add3A_1951 : i32
    "tpu.region"() ({
      %run_scoped3A_1969 = tpu.sem_alloc : memref<!tpu.dma_semaphore, #tpu.memory_space<semaphore_mem>>
      %dma_start3A_1970 = arith.constant 0 : i32
      %dma_start3A_1971 = tpu.memref_slice %arg5[%arg0, %add3A_1952, %dma_start3A_1970] : memref<2x10000x128xf32, #tpu.memory_space<hbm>> -> memref<1x125x128xf32, #tpu.memory_space<hbm>>
      %dma_start3A_1972 = tpu.memref_squeeze %dma_start3A_1971 : memref<1x125x128xf32, #tpu.memory_space<hbm>> -> memref<125x128xf32, #tpu.memory_space<hbm>>
      %dma_start3A_1973 = arith.constant 0 : i32
      %dma_start3A_1974 = tpu.memref_slice %arg7[%add3A_1952, %dma_start3A_1973] : memref<10000x128xf32, #tpu.memory_space<vmem_shared>> -> memref<125x128xf32, #tpu.memory_space<vmem_shared>>
      tpu.enqueue_dma source(%dma_start3A_1974 : memref<125x128xf32, #tpu.memory_space<vmem_shared>>) target(%dma_start3A_1972 : memref<125x128xf32, #tpu.memory_space<hbm>>) target_semaphore(%run_scoped3A_1969 : memref<!tpu.dma_semaphore, #tpu.memory_space<semaphore_mem>>)
      %dma_wait3A = arith.constant 0 : i32
      %dma_wait3A_1975 = tpu.memref_slice %arg5[%arg0, %add3A_1952, %dma_wait3A] : memref<2x10000x128xf32, #tpu.memory_space<hbm>> -> memref<1x125x128xf32, #tpu.memory_space<hbm>>
      %dma_wait3A_1976 = tpu.memref_squeeze %dma_wait3A_1975 : memref<1x125x128xf32, #tpu.memory_space<hbm>> -> memref<125x128xf32, #tpu.memory_space<hbm>>
      %dma_wait3A_1977 = arith.constant 0 : i32
      %dma_wait3A_1978 = tpu.memref_slice %arg7[%add3A_1952, %dma_wait3A_1977] : memref<10000x128xf32, #tpu.memory_space<vmem_shared>> -> memref<125x128xf32, #tpu.memory_space<vmem_shared>>
      tpu.wait_dma2 semaphore(%run_scoped3A_1969 : memref<!tpu.dma_semaphore, #tpu.memory_space<semaphore_mem>>) src(%dma_wait3A_1978 : memref<125x128xf32, #tpu.memory_space<vmem_shared>>) dst(%dma_wait3A_1976 : memref<125x128xf32, #tpu.memory_space<hbm>>)
      tpu.yield
    }) : () -> ()
    "tpu.region"() ({
      %run_scoped3A_1969 = tpu.sem_alloc : memref<!tpu.dma_semaphore, #tpu.memory_space<semaphore_mem>>
      %dma_start3A_1970 = arith.constant 0 : i32
      %dma_start3A_1971 = tpu.memref_slice %arg6[%arg0, %add3A_1952, %dma_start3A_1970] : memref<2x10000x16xf32, #tpu.memory_space<hbm>> -> memref<1x125x16xf32, #tpu.memory_space<hbm>>
      %dma_start3A_1972 = tpu.memref_squeeze %dma_start3A_1971 : memref<1x125x16xf32, #tpu.memory_space<hbm>> -> memref<125x16xf32, #tpu.memory_space<hbm>>
      %dma_start3A_1973 = arith.constant 0 : i32
      %dma_start3A_1974 = tpu.memref_slice %arg8[%add3A_1952, %dma_start3A_1973] : memref<10000x16xf32, #tpu.memory_space<vmem_shared>> -> memref<125x16xf32, #tpu.memory_space<vmem_shared>>
      tpu.enqueue_dma source(%dma_start3A_1974 : memref<125x16xf32, #tpu.memory_space<vmem_shared>>) target(%dma_start3A_1972 : memref<125x16xf32, #tpu.memory_space<hbm>>) target_semaphore(%run_scoped3A_1969 : memref<!tpu.dma_semaphore, #tpu.memory_space<semaphore_mem>>)
      %dma_wait3A = arith.constant 0 : i32
      %dma_wait3A_1975 = tpu.memref_slice %arg6[%arg0, %add3A_1952, %dma_wait3A] : memref<2x10000x16xf32, #tpu.memory_space<hbm>> -> memref<1x125x16xf32, #tpu.memory_space<hbm>>
      %dma_wait3A_1976 = tpu.memref_squeeze %dma_wait3A_1975 : memref<1x125x16xf32, #tpu.memory_space<hbm>> -> memref<125x16xf32, #tpu.memory_space<hbm>>
      %dma_wait3A_1977 = arith.constant 0 : i32
      %dma_wait3A_1978 = tpu.memref_slice %arg8[%add3A_1952, %dma_wait3A_1977] : memref<10000x16xf32, #tpu.memory_space<vmem_shared>> -> memref<125x16xf32, #tpu.memory_space<vmem_shared>>
      tpu.wait_dma2 semaphore(%run_scoped3A_1969 : memref<!tpu.dma_semaphore, #tpu.memory_space<semaphore_mem>>) src(%dma_wait3A_1978 : memref<125x16xf32, #tpu.memory_space<vmem_shared>>) dst(%dma_wait3A_1976 : memref<125x16xf32, #tpu.memory_space<hbm>>)
      tpu.yield
    }) : () -> ()
    %mul3A_1953 = arith.constant 625 : i32
    %mul3A_1954 = arith.muli %arg1, %mul3A_1953 : i32
    %add3A_1955 = arith.constant 125 : i32
    %add3A_1956 = arith.addi %mul3A_1954, %add3A_1955 : i32
    "tpu.region"() ({
      %run_scoped3A_1969 = tpu.sem_alloc : memref<!tpu.dma_semaphore, #tpu.memory_space<semaphore_mem>>
      %dma_start3A_1970 = arith.constant 0 : i32
      %dma_start3A_1971 = tpu.memref_slice %arg5[%arg0, %add3A_1956, %dma_start3A_1970] : memref<2x10000x128xf32, #tpu.memory_space<hbm>> -> memref<1x125x128xf32, #tpu.memory_space<hbm>>
      %dma_start3A_1972 = tpu.memref_squeeze %dma_start3A_1971 : memref<1x125x128xf32, #tpu.memory_space<hbm>> -> memref<125x128xf32, #tpu.memory_space<hbm>>
      %dma_start3A_1973 = arith.constant 0 : i32
      %dma_start3A_1974 = tpu.memref_slice %arg7[%add3A_1956, %dma_start3A_1973] : memref<10000x128xf32, #tpu.memory_space<vmem_shared>> -> memref<125x128xf32, #tpu.memory_space<vmem_shared>>
      tpu.enqueue_dma source(%dma_start3A_1974 : memref<125x128xf32, #tpu.memory_space<vmem_shared>>) target(%dma_start3A_1972 : memref<125x128xf32, #tpu.memory_space<hbm>>) target_semaphore(%run_scoped3A_1969 : memref<!tpu.dma_semaphore, #tpu.memory_space<semaphore_mem>>)
      %dma_wait3A = arith.constant 0 : i32
      %dma_wait3A_1975 = tpu.memref_slice %arg5[%arg0, %add3A_1956, %dma_wait3A] : memref<2x10000x128xf32, #tpu.memory_space<hbm>> -> memref<1x125x128xf32, #tpu.memory_space<hbm>>
      %dma_wait3A_1976 = tpu.memref_squeeze %dma_wait3A_1975 : memref<1x125x128xf32, #tpu.memory_space<hbm>> -> memref<125x128xf32, #tpu.memory_space<hbm>>
      %dma_wait3A_1977 = arith.constant 0 : i32
      %dma_wait3A_1978 = tpu.memref_slice %arg7[%add3A_1956, %dma_wait3A_1977] : memref<10000x128xf32, #tpu.memory_space<vmem_shared>> -> memref<125x128xf32, #tpu.memory_space<vmem_shared>>
      tpu.wait_dma2 semaphore(%run_scoped3A_1969 : memref<!tpu.dma_semaphore, #tpu.memory_space<semaphore_mem>>) src(%dma_wait3A_1978 : memref<125x128xf32, #tpu.memory_space<vmem_shared>>) dst(%dma_wait3A_1976 : memref<125x128xf32, #tpu.memory_space<hbm>>)
      tpu.yield
    }) : () -> ()
    "tpu.region"() ({
      %run_scoped3A_1969 = tpu.sem_alloc : memref<!tpu.dma_semaphore, #tpu.memory_space<semaphore_mem>>
      %dma_start3A_1970 = arith.constant 0 : i32
      %dma_start3A_1971 = tpu.memref_slice %arg6[%arg0, %add3A_1956, %dma_start3A_1970] : memref<2x10000x16xf32, #tpu.memory_space<hbm>> -> memref<1x125x16xf32, #tpu.memory_space<hbm>>
      %dma_start3A_1972 = tpu.memref_squeeze %dma_start3A_1971 : memref<1x125x16xf32, #tpu.memory_space<hbm>> -> memref<125x16xf32, #tpu.memory_space<hbm>>
      %dma_start3A_1973 = arith.constant 0 : i32
      %dma_start3A_1974 = tpu.memref_slice %arg8[%add3A_1956, %dma_start3A_1973] : memref<10000x16xf32, #tpu.memory_space<vmem_shared>> -> memref<125x16xf32, #tpu.memory_space<vmem_shared>>
      tpu.enqueue_dma source(%dma_start3A_1974 : memref<125x16xf32, #tpu.memory_space<vmem_shared>>) target(%dma_start3A_1972 : memref<125x16xf32, #tpu.memory_space<hbm>>) target_semaphore(%run_scoped3A_1969 : memref<!tpu.dma_semaphore, #tpu.memory_space<semaphore_mem>>)
      %dma_wait3A = arith.constant 0 : i32
      %dma_wait3A_1975 = tpu.memref_slice %arg6[%arg0, %add3A_1956, %dma_wait3A] : memref<2x10000x16xf32, #tpu.memory_space<hbm>> -> memref<1x125x16xf32, #tpu.memory_space<hbm>>
      %dma_wait3A_1976 = tpu.memref_squeeze %dma_wait3A_1975 : memref<1x125x16xf32, #tpu.memory_space<hbm>> -> memref<125x16xf32, #tpu.memory_space<hbm>>
      %dma_wait3A_1977 = arith.constant 0 : i32
      %dma_wait3A_1978 = tpu.memref_slice %arg8[%add3A_1956, %dma_wait3A_1977] : memref<10000x16xf32, #tpu.memory_space<vmem_shared>> -> memref<125x16xf32, #tpu.memory_space<vmem_shared>>
      tpu.wait_dma2 semaphore(%run_scoped3A_1969 : memref<!tpu.dma_semaphore, #tpu.memory_space<semaphore_mem>>) src(%dma_wait3A_1978 : memref<125x16xf32, #tpu.memory_space<vmem_shared>>) dst(%dma_wait3A_1976 : memref<125x16xf32, #tpu.memory_space<hbm>>)
      tpu.yield
    }) : () -> ()
    %mul3A_1957 = arith.constant 625 : i32
    %mul3A_1958 = arith.muli %arg1, %mul3A_1957 : i32
    %add3A_1959 = arith.constant 250 : i32
    %add3A_1960 = arith.addi %mul3A_1958, %add3A_1959 : i32
    "tpu.region"() ({
      %run_scoped3A_1969 = tpu.sem_alloc : memref<!tpu.dma_semaphore, #tpu.memory_space<semaphore_mem>>
      %dma_start3A_1970 = arith.constant 0 : i32
      %dma_start3A_1971 = tpu.memref_slice %arg5[%arg0, %add3A_1960, %dma_start3A_1970] : memref<2x10000x128xf32, #tpu.memory_space<hbm>> -> memref<1x125x128xf32, #tpu.memory_space<hbm>>
      %dma_start3A_1972 = tpu.memref_squeeze %dma_start3A_1971 : memref<1x125x128xf32, #tpu.memory_space<hbm>> -> memref<125x128xf32, #tpu.memory_space<hbm>>
      %dma_start3A_1973 = arith.constant 0 : i32
      %dma_start3A_1974 = tpu.memref_slice %arg7[%add3A_1960, %dma_start3A_1973] : memref<10000x128xf32, #tpu.memory_space<vmem_shared>> -> memref<125x128xf32, #tpu.memory_space<vmem_shared>>
      tpu.enqueue_dma source(%dma_start3A_1974 : memref<125x128xf32, #tpu.memory_space<vmem_shared>>) target(%dma_start3A_1972 : memref<125x128xf32, #tpu.memory_space<hbm>>) target_semaphore(%run_scoped3A_1969 : memref<!tpu.dma_semaphore, #tpu.memory_space<semaphore_mem>>)
      %dma_wait3A = arith.constant 0 : i32
      %dma_wait3A_1975 = tpu.memref_slice %arg5[%arg0, %add3A_1960, %dma_wait3A] : memref<2x10000x128xf32, #tpu.memory_space<hbm>> -> memref<1x125x128xf32, #tpu.memory_space<hbm>>
      %dma_wait3A_1976 = tpu.memref_squeeze %dma_wait3A_1975 : memref<1x125x128xf32, #tpu.memory_space<hbm>> -> memref<125x128xf32, #tpu.memory_space<hbm>>
      %dma_wait3A_1977 = arith.constant 0 : i32
      %dma_wait3A_1978 = tpu.memref_slice %arg7[%add3A_1960, %dma_wait3A_1977] : memref<10000x128xf32, #tpu.memory_space<vmem_shared>> -> memref<125x128xf32, #tpu.memory_space<vmem_shared>>
      tpu.wait_dma2 semaphore(%run_scoped3A_1969 : memref<!tpu.dma_semaphore, #tpu.memory_space<semaphore_mem>>) src(%dma_wait3A_1978 : memref<125x128xf32, #tpu.memory_space<vmem_shared>>) dst(%dma_wait3A_1976 : memref<125x128xf32, #tpu.memory_space<hbm>>)
      tpu.yield
    }) : () -> ()
    "tpu.region"() ({
      %run_scoped3A_1969 = tpu.sem_alloc : memref<!tpu.dma_semaphore, #tpu.memory_space<semaphore_mem>>
      %dma_start3A_1970 = arith.constant 0 : i32
      %dma_start3A_1971 = tpu.memref_slice %arg6[%arg0, %add3A_1960, %dma_start3A_1970] : memref<2x10000x16xf32, #tpu.memory_space<hbm>> -> memref<1x125x16xf32, #tpu.memory_space<hbm>>
      %dma_start3A_1972 = tpu.memref_squeeze %dma_start3A_1971 : memref<1x125x16xf32, #tpu.memory_space<hbm>> -> memref<125x16xf32, #tpu.memory_space<hbm>>
      %dma_start3A_1973 = arith.constant 0 : i32
      %dma_start3A_1974 = tpu.memref_slice %arg8[%add3A_1960, %dma_start3A_1973] : memref<10000x16xf32, #tpu.memory_space<vmem_shared>> -> memref<125x16xf32, #tpu.memory_space<vmem_shared>>
      tpu.enqueue_dma source(%dma_start3A_1974 : memref<125x16xf32, #tpu.memory_space<vmem_shared>>) target(%dma_start3A_1972 : memref<125x16xf32, #tpu.memory_space<hbm>>) target_semaphore(%run_scoped3A_1969 : memref<!tpu.dma_semaphore, #tpu.memory_space<semaphore_mem>>)
      %dma_wait3A = arith.constant 0 : i32
      %dma_wait3A_1975 = tpu.memref_slice %arg6[%arg0, %add3A_1960, %dma_wait3A] : memref<2x10000x16xf32, #tpu.memory_space<hbm>> -> memref<1x125x16xf32, #tpu.memory_space<hbm>>
      %dma_wait3A_1976 = tpu.memref_squeeze %dma_wait3A_1975 : memref<1x125x16xf32, #tpu.memory_space<hbm>> -> memref<125x16xf32, #tpu.memory_space<hbm>>
      %dma_wait3A_1977 = arith.constant 0 : i32
      %dma_wait3A_1978 = tpu.memref_slice %arg8[%add3A_1960, %dma_wait3A_1977] : memref<10000x16xf32, #tpu.memory_space<vmem_shared>> -> memref<125x16xf32, #tpu.memory_space<vmem_shared>>
      tpu.wait_dma2 semaphore(%run_scoped3A_1969 : memref<!tpu.dma_semaphore, #tpu.memory_space<semaphore_mem>>) src(%dma_wait3A_1978 : memref<125x16xf32, #tpu.memory_space<vmem_shared>>) dst(%dma_wait3A_1976 : memref<125x16xf32, #tpu.memory_space<hbm>>)
      tpu.yield
    }) : () -> ()
    %mul3A_1961 = arith.constant 625 : i32
    %mul3A_1962 = arith.muli %arg1, %mul3A_1961 : i32
    %add3A_1963 = arith.constant 375 : i32
    %add3A_1964 = arith.addi %mul3A_1962, %add3A_1963 : i32
    "tpu.region"() ({
      %run_scoped3A_1969 = tpu.sem_alloc : memref<!tpu.dma_semaphore, #tpu.memory_space<semaphore_mem>>
      %dma_start3A_1970 = arith.constant 0 : i32
      %dma_start3A_1971 = tpu.memref_slice %arg5[%arg0, %add3A_1964, %dma_start3A_1970] : memref<2x10000x128xf32, #tpu.memory_space<hbm>> -> memref<1x125x128xf32, #tpu.memory_space<hbm>>
      %dma_start3A_1972 = tpu.memref_squeeze %dma_start3A_1971 : memref<1x125x128xf32, #tpu.memory_space<hbm>> -> memref<125x128xf32, #tpu.memory_space<hbm>>
      %dma_start3A_1973 = arith.constant 0 : i32
      %dma_start3A_1974 = tpu.memref_slice %arg7[%add3A_1964, %dma_start3A_1973] : memref<10000x128xf32, #tpu.memory_space<vmem_shared>> -> memref<125x128xf32, #tpu.memory_space<vmem_shared>>
      tpu.enqueue_dma source(%dma_start3A_1974 : memref<125x128xf32, #tpu.memory_space<vmem_shared>>) target(%dma_start3A_1972 : memref<125x128xf32, #tpu.memory_space<hbm>>) target_semaphore(%run_scoped3A_1969 : memref<!tpu.dma_semaphore, #tpu.memory_space<semaphore_mem>>)
      %dma_wait3A = arith.constant 0 : i32
      %dma_wait3A_1975 = tpu.memref_slice %arg5[%arg0, %add3A_1964, %dma_wait3A] : memref<2x10000x128xf32, #tpu.memory_space<hbm>> -> memref<1x125x128xf32, #tpu.memory_space<hbm>>
      %dma_wait3A_1976 = tpu.memref_squeeze %dma_wait3A_1975 : memref<1x125x128xf32, #tpu.memory_space<hbm>> -> memref<125x128xf32, #tpu.memory_space<hbm>>
      %dma_wait3A_1977 = arith.constant 0 : i32
      %dma_wait3A_1978 = tpu.memref_slice %arg7[%add3A_1964, %dma_wait3A_1977] : memref<10000x128xf32, #tpu.memory_space<vmem_shared>> -> memref<125x128xf32, #tpu.memory_space<vmem_shared>>
      tpu.wait_dma2 semaphore(%run_scoped3A_1969 : memref<!tpu.dma_semaphore, #tpu.memory_space<semaphore_mem>>) src(%dma_wait3A_1978 : memref<125x128xf32, #tpu.memory_space<vmem_shared>>) dst(%dma_wait3A_1976 : memref<125x128xf32, #tpu.memory_space<hbm>>)
      tpu.yield
    }) : () -> ()
    "tpu.region"() ({
      %run_scoped3A_1969 = tpu.sem_alloc : memref<!tpu.dma_semaphore, #tpu.memory_space<semaphore_mem>>
      %dma_start3A_1970 = arith.constant 0 : i32
      %dma_start3A_1971 = tpu.memref_slice %arg6[%arg0, %add3A_1964, %dma_start3A_1970] : memref<2x10000x16xf32, #tpu.memory_space<hbm>> -> memref<1x125x16xf32, #tpu.memory_space<hbm>>
      %dma_start3A_1972 = tpu.memref_squeeze %dma_start3A_1971 : memref<1x125x16xf32, #tpu.memory_space<hbm>> -> memref<125x16xf32, #tpu.memory_space<hbm>>
      %dma_start3A_1973 = arith.constant 0 : i32
      %dma_start3A_1974 = tpu.memref_slice %arg8[%add3A_1964, %dma_start3A_1973] : memref<10000x16xf32, #tpu.memory_space<vmem_shared>> -> memref<125x16xf32, #tpu.memory_space<vmem_shared>>
      tpu.enqueue_dma source(%dma_start3A_1974 : memref<125x16xf32, #tpu.memory_space<vmem_shared>>) target(%dma_start3A_1972 : memref<125x16xf32, #tpu.memory_space<hbm>>) target_semaphore(%run_scoped3A_1969 : memref<!tpu.dma_semaphore, #tpu.memory_space<semaphore_mem>>)
      %dma_wait3A = arith.constant 0 : i32
      %dma_wait3A_1975 = tpu.memref_slice %arg6[%arg0, %add3A_1964, %dma_wait3A] : memref<2x10000x16xf32, #tpu.memory_space<hbm>> -> memref<1x125x16xf32, #tpu.memory_space<hbm>>
      %dma_wait3A_1976 = tpu.memref_squeeze %dma_wait3A_1975 : memref<1x125x16xf32, #tpu.memory_space<hbm>> -> memref<125x16xf32, #tpu.memory_space<hbm>>
      %dma_wait3A_1977 = arith.constant 0 : i32
      %dma_wait3A_1978 = tpu.memref_slice %arg8[%add3A_1964, %dma_wait3A_1977] : memref<10000x16xf32, #tpu.memory_space<vmem_shared>> -> memref<125x16xf32, #tpu.memory_space<vmem_shared>>
      tpu.wait_dma2 semaphore(%run_scoped3A_1969 : memref<!tpu.dma_semaphore, #tpu.memory_space<semaphore_mem>>) src(%dma_wait3A_1978 : memref<125x16xf32, #tpu.memory_space<vmem_shared>>) dst(%dma_wait3A_1976 : memref<125x16xf32, #tpu.memory_space<hbm>>)
      tpu.yield
    }) : () -> ()
    %mul3A_1965 = arith.constant 625 : i32
    %mul3A_1966 = arith.muli %arg1, %mul3A_1965 : i32
    %add3A_1967 = arith.constant 500 : i32
    %add3A_1968 = arith.addi %mul3A_1966, %add3A_1967 : i32
    "tpu.region"() ({
      %run_scoped3A_1969 = tpu.sem_alloc : memref<!tpu.dma_semaphore, #tpu.memory_space<semaphore_mem>>
      %dma_start3A_1970 = arith.constant 0 : i32
      %dma_start3A_1971 = tpu.memref_slice %arg5[%arg0, %add3A_1968, %dma_start3A_1970] : memref<2x10000x128xf32, #tpu.memory_space<hbm>> -> memref<1x125x128xf32, #tpu.memory_space<hbm>>
      %dma_start3A_1972 = tpu.memref_squeeze %dma_start3A_1971 : memref<1x125x128xf32, #tpu.memory_space<hbm>> -> memref<125x128xf32, #tpu.memory_space<hbm>>
      %dma_start3A_1973 = arith.constant 0 : i32
      %dma_start3A_1974 = tpu.memref_slice %arg7[%add3A_1968, %dma_start3A_1973] : memref<10000x128xf32, #tpu.memory_space<vmem_shared>> -> memref<125x128xf32, #tpu.memory_space<vmem_shared>>
      tpu.enqueue_dma source(%dma_start3A_1974 : memref<125x128xf32, #tpu.memory_space<vmem_shared>>) target(%dma_start3A_1972 : memref<125x128xf32, #tpu.memory_space<hbm>>) target_semaphore(%run_scoped3A_1969 : memref<!tpu.dma_semaphore, #tpu.memory_space<semaphore_mem>>)
      %dma_wait3A = arith.constant 0 : i32
      %dma_wait3A_1975 = tpu.memref_slice %arg5[%arg0, %add3A_1968, %dma_wait3A] : memref<2x10000x128xf32, #tpu.memory_space<hbm>> -> memref<1x125x128xf32, #tpu.memory_space<hbm>>
      %dma_wait3A_1976 = tpu.memref_squeeze %dma_wait3A_1975 : memref<1x125x128xf32, #tpu.memory_space<hbm>> -> memref<125x128xf32, #tpu.memory_space<hbm>>
      %dma_wait3A_1977 = arith.constant 0 : i32
      %dma_wait3A_1978 = tpu.memref_slice %arg7[%add3A_1968, %dma_wait3A_1977] : memref<10000x128xf32, #tpu.memory_space<vmem_shared>> -> memref<125x128xf32, #tpu.memory_space<vmem_shared>>
      tpu.wait_dma2 semaphore(%run_scoped3A_1969 : memref<!tpu.dma_semaphore, #tpu.memory_space<semaphore_mem>>) src(%dma_wait3A_1978 : memref<125x128xf32, #tpu.memory_space<vmem_shared>>) dst(%dma_wait3A_1976 : memref<125x128xf32, #tpu.memory_space<hbm>>)
      tpu.yield
    }) : () -> ()
    "tpu.region"() ({
      %run_scoped3A_1969 = tpu.sem_alloc : memref<!tpu.dma_semaphore, #tpu.memory_space<semaphore_mem>>
      %dma_start3A_1970 = arith.constant 0 : i32
      %dma_start3A_1971 = tpu.memref_slice %arg6[%arg0, %add3A_1968, %dma_start3A_1970] : memref<2x10000x16xf32, #tpu.memory_space<hbm>> -> memref<1x125x16xf32, #tpu.memory_space<hbm>>
      %dma_start3A_1972 = tpu.memref_squeeze %dma_start3A_1971 : memref<1x125x16xf32, #tpu.memory_space<hbm>> -> memref<125x16xf32, #tpu.memory_space<hbm>>
      %dma_start3A_1973 = arith.constant 0 : i32
      %dma_start3A_1974 = tpu.memref_slice %arg8[%add3A_1968, %dma_start3A_1973] : memref<10000x16xf32, #tpu.memory_space<vmem_shared>> -> memref<125x16xf32, #tpu.memory_space<vmem_shared>>
      tpu.enqueue_dma source(%dma_start3A_1974 : memref<125x16xf32, #tpu.memory_space<vmem_shared>>) target(%dma_start3A_1972 : memref<125x16xf32, #tpu.memory_space<hbm>>) target_semaphore(%run_scoped3A_1969 : memref<!tpu.dma_semaphore, #tpu.memory_space<semaphore_mem>>)
      %dma_wait3A = arith.constant 0 : i32
      %dma_wait3A_1975 = tpu.memref_slice %arg6[%arg0, %add3A_1968, %dma_wait3A] : memref<2x10000x16xf32, #tpu.memory_space<hbm>> -> memref<1x125x16xf32, #tpu.memory_space<hbm>>
      %dma_wait3A_1976 = tpu.memref_squeeze %dma_wait3A_1975 : memref<1x125x16xf32, #tpu.memory_space<hbm>> -> memref<125x16xf32, #tpu.memory_space<hbm>>
      %dma_wait3A_1977 = arith.constant 0 : i32
      %dma_wait3A_1978 = tpu.memref_slice %arg8[%add3A_1968, %dma_wait3A_1977] : memref<10000x16xf32, #tpu.memory_space<vmem_shared>> -> memref<125x16xf32, #tpu.memory_space<vmem_shared>>
      tpu.wait_dma2 semaphore(%run_scoped3A_1969 : memref<!tpu.dma_semaphore, #tpu.memory_space<semaphore_mem>>) src(%dma_wait3A_1978 : memref<125x16xf32, #tpu.memory_space<vmem_shared>>) dst(%dma_wait3A_1976 : memref<125x16xf32, #tpu.memory_space<hbm>>)
      tpu.yield
    }) : () -> ()
    return
  }
}

module attributes {stable_mosaic.version = 14 : i64} {
  func.func @body(%arg0: i32, %arg1: memref<256000xf32, #tpu.memory_space<vmem>>, %arg2: memref<256000xf32, #tpu.memory_space<vmem>>, %arg3: memref<2000x128xf32, #tpu.memory_space<vmem>>, %arg4: memref<128x128xf32, #tpu.memory_space<vmem>>, %arg5: memref<1x128xf32, #tpu.memory_space<vmem>>, %arg6: memref<2000x128xf32, #tpu.memory_space<vmem>>) attributes {dimension_semantics = [#tpu.dimension_semantics<arbitrary>], iteration_bounds = array<i64: 5>, scalar_prefetch = 0 : i64, scratch_operands = 0 : i64, tpu.core_type = #tpu.core_type<tc>, window_params = [{transform_indices = @transform_0, window_bounds = array<i64: 256000>}, {transform_indices = @transform_1, window_bounds = array<i64: 256000>}, {transform_indices = @transform_2, window_bounds = array<i64: 2000, 128>}, {pipeline_mode = #tpu.pipeline_mode<synchronous>, transform_indices = @transform_3, window_bounds = array<i64: 128, 128>}, {pipeline_mode = #tpu.pipeline_mode<synchronous>, transform_indices = @transform_4, window_bounds = array<i64: 1, 128>}, {transform_indices = @transform_5, window_bounds = array<i64: 2000, 128>}]} {
    %get3A = arith.constant 0 : index
    %get3A_0 = vector.load %arg1[%get3A] : memref<256000xf32, #tpu.memory_space<vmem>>, vector<256000xf32>
    %get3A_1 = arith.constant 0 : index
    %get3A_2 = vector.load %arg2[%get3A_1] : memref<256000xf32, #tpu.memory_space<vmem>>, vector<256000xf32>
    %add3A = arith.addf %get3A_0, %get3A_2 : vector<256000xf32>
    %reshape3A = vector.shape_cast %add3A : vector<256000xf32> to vector<2000x128xf32>
    %get3A_3 = arith.constant 0 : index
    %get3A_4 = arith.constant 0 : index
    %get3A_5 = vector.load %arg3[%get3A_3, %get3A_4] : memref<2000x128xf32, #tpu.memory_space<vmem>>, vector<2000x128xf32>
    %gt3A = arith.constant 0.000000e+00 : f32
    %gt3A_6 = vector.broadcast %gt3A : f32 to vector<2000x128xf32>
    %gt3A_7 = arith.cmpf ogt, %get3A_5, %gt3A_6 : vector<2000x128xf32>
    %rsqrt3A = math.rsqrt %get3A_5 : vector<2000x128xf32>
    %jit3A = arith.constant 0.000000e+00 : f32
    %broadcast_in_dim3A = vector.broadcast %jit3A : f32 to vector<2000x128xf32>
    %select_n3A = arith.select %gt3A_7, %rsqrt3A, %broadcast_in_dim3A : vector<2000x128xi1>, vector<2000x128xf32>
    %mul3A = arith.mulf %reshape3A, %select_n3A : vector<2000x128xf32>
    %get3A_8 = arith.constant 0 : index
    %get3A_9 = arith.constant 0 : index
    %get3A_10 = vector.load %arg4[%get3A_8, %get3A_9] : memref<128x128xf32, #tpu.memory_space<vmem>>, vector<128x128xf32>
    %dot_general3A = arith.constant dense<0.000000e+00> : vector<2000x128xf32>
    %dot_general3A_11 = tpu.matmul %mul3A, %get3A_10, %dot_general3A {dimension_numbers = #tpu.dot_dimension_numbers<[1], [0], [0], [1], [0, 0, 1, 1], [], []>, transpose_lhs_hint = false} : vector<2000x128xf32>, vector<128x128xf32>, vector<2000x128xf32> -> vector<2000x128xf32>
    %get3A_12 = arith.constant 0 : index
    %get3A_13 = arith.constant 0 : index
    %get3A_14 = vector.load %arg5[%get3A_12, %get3A_13] : memref<1x128xf32, #tpu.memory_space<vmem>>, vector<1x128xf32>
    %add3A_15 = vector.broadcast %get3A_14 : vector<1x128xf32> to vector<2000x128xf32>
    %add3A_16 = arith.addf %dot_general3A_11, %add3A_15 : vector<2000x128xf32>
    %swap3A = arith.constant 0 : index
    %swap3A_17 = arith.constant 0 : index
    %swap3A_18 = vector.load %arg6[%swap3A, %swap3A_17] : memref<2000x128xf32, #tpu.memory_space<vmem>>, vector<2000x128xf32>
    tpu.vector_store %arg6[%swap3A, %swap3A_17], %add3A_16 {strides = array<i32>} : memref<2000x128xf32, #tpu.memory_space<vmem>>, vector<2000x128xf32>,
    return
  }
  func.func @transform_0(%arg0: i32) -> i32 {
    %c0_i32 = arith.constant 0 : i32
    return %arg0 : i32
  }
  func.func @transform_1(%arg0: i32) -> i32 {
    %add3A = arith.constant 5 : i32
    %add3A_0 = arith.addi %arg0, %add3A : i32
    %c0_i32 = arith.constant 0 : i32
    return %add3A_0 : i32
  }
  func.func @transform_2(%arg0: i32) -> (i32, i32) {
    %c0_i32 = arith.constant 0 : i32
    %c0_i32_0 = arith.constant 0 : i32
    return %arg0, %c0_i32 : i32, i32
  }
  func.func @transform_3(%arg0: i32) -> (i32, i32) {
    %c0_i32 = arith.constant 0 : i32
    %c0_i32_0 = arith.constant 0 : i32
    %c0_i32_1 = arith.constant 0 : i32
    return %c0_i32, %c0_i32_0 : i32, i32
  }
  func.func @transform_4(%arg0: i32) -> (i32, i32) {
    %c0_i32 = arith.constant 0 : i32
    %c0_i32_0 = arith.constant 0 : i32
    %c0_i32_1 = arith.constant 0 : i32
    return %c0_i32, %c0_i32_0 : i32, i32
  }
  func.func @transform_5(%arg0: i32) -> (i32, i32) {
    %c0_i32 = arith.constant 0 : i32
    %c0_i32_0 = arith.constant 0 : i32
    return %arg0, %c0_i32 : i32, i32
  }
}

</mosaic_0001>

<sc_bundles>
// kernel: kernel.4.cloned.1.call-start
scs
__scs_entry_jumppad:
0x0: {  	(pc) =	sbr.rel $0x88, $3  }
0x1: {  	(tag) =	ssettag $0x0;
	lr =	simm.s32 $0x1  }
0x2: {  	[smem:$0x3F9C] =	sst lr;
	_ =	strace $0xD0000000  }
0x3: {  	_ = 	snop  }
0x4: {  	_ = 	snop  }
0x5: {  	_ = 	snop  }
0x6: {  	_ = 	snop  }
0x7: {  	_ = 	snop  }
__scs_overlays_trampoline_lowered:
0x8: {  	[smem:$0x3FAB] =	sst s0  }
0x9: {  	[smem:$0x3FAC] =	sst s1  }
0xa: {  	[smem:$0x3FAD] =	sst s2  }
0xb: {  	[smem:$0x3FAE] =	sst s3  }
0xc: {  	[smem:$0x3FAF] =	sst s4  }
0xd: {  	[smem:$0x3FB0] =	sst s5  }
0xe: {  	[smem:$0x3FB1] =	sst s6  }
0xf: {  	[smem:$0x3FB2] =	sst s7  }
0x10: {  	[smem:$0x3FB3] =	sst s8  }
0x11: {  	[smem:$0x3FB4] =	sst s9;
	s0 =	simm.s32 @!p0 $0x0  }
0x12: {  	s1 =	sld [smem:$0x3F9A];
	s0 =	simm.s32 @p0 $0x1  }
0x13: {  	[smem:$0x3FB5] =	sst s0;
	s0 =	simm.s32 @!p1 $0x0  }
0x14: {  	s2 =	sld [smem:$0x3F99];
	s0 =	simm.s32 @p1 $0x1  }
0x15: {  	[smem:$0x3FB6] =	sst s0;
	s0 =	simm.s32 @!p2 $0x0  }
0x16: {  	s3 =	sld [smem:$0x3FDB];
	s0 =	simm.s32 @p2 $0x1  }
0x17: {  	s4 =	simm.s32 $0x1BF5;
	[smem:$0x3FB8] =	sst s0  }
0x18: {  	s0 =	sld [smem:$0x3F9B];
	_ =	swait.ge [sflag:s4], $0x0  }
0x19: {  	s7 =	sld [smem:$0x3F9C]  }
0x1a: {  	s8 =	sadd.s32 $0xFFFFE003, lr  }
0x1b: {  	s9 =	sadd.s32 $0xFFFFFEF7, lr;
	s5 =	simm.s32 $0xFFFFFFFF;
	p2 =	slt.u32 s8, $0xFFFFF086  }
0x1c: {  	p1 =	slt.u32 s9, $0xF7A;
	s5 =	simm.s32 @!p2 $0x0  }
0x1d: {  	s5 =	simm.s32 @p1 $0x1;
	p0 =	seq.s32 s7, s2  }
0x1e: {  	s7 =	smul.u32 @!p0 $0xF7A, s2;
	p2 =	seq.s32 @!p0 s5, $0x0  }
0x1f: {  	s9 =	smul.u32 $0xF7A, s1;
	s8 =	simm.s32 @!p0 $0x1BF5;
	p2 =	por !p2, p0  }
0x20: {  	[sflag:s8] =	ssyncset.s32 @!p0 $0xFFFFF086;
	s6 =	sadd.s32 @!p0 s3, s7;
	s7 =	simm.s32 @!p0 $0x108  }
0x21: {  	s3 =	sadd.s32 s3, s9;
	s6 =	sadd.s32 @!p0 $0x88, s6;
	s7 =	simm.s32 @p2 $0x1082  }
0x22: {  	[simem:s7], [sflag:s8] =	dma.local @!p0 [hbm:s6], $0xF7A  }
0x23: {  	s9 =	sor.u32 $0xD0000000, s2;
	s6 =	simm.s32 $0x108;
	_ =	swait.ge @!p0 [sflag:s8], $0x0  }
0x24: {  	s3 =	sadd.s32 $0x88, s3;
	s6 =	simm.s32 @!p1 $0x1082;
	[sflag:s4] =	ssyncset.s32 $0xFFFFF086  }
0x25: {  	[simem:s6], [sflag:s4] =	dma.local [hbm:s3], $0xF7A  }
0x26: {  	[smem:$0x3F9C] =	sst s1;
	(tag) =	ssettag s2;
	_ =	strace s9  }
0x27: {  	s1 =	sld [smem:$0x3FAC]  }
0x28: {  	s2 =	sld [smem:$0x3FAD]  }
0x29: {  	s4 =	sld [smem:$0x3FAF]  }
0x2a: {  	p0 =	seq.s32 s5, $0x0;
	s5 =	sld [smem:$0x3FB0]  }
0x2b: {  	s6 =	sld [smem:$0x3FB1]  }
0x2c: {  	s7 =	sld [smem:$0x3FB2]  }
0x2d: {  	s3 =	simm.s32 $0x108;
	s8 =	sld [smem:$0x3FB3]  }
0x2e: {  	s3 =	simm.s32 @!p0 $0x1082;
	s9 =	sld [smem:$0x3FB4]  }
0x2f: {  	lr =	sadd.s32 s0, s3;
	s0 =	sld [smem:$0x3FAB]  }
0x30: {  	s3 =	sld [smem:$0x3FAE]  }
0x31: {  	[smem:$0x3FB7] =	sst s10  }
0x32: {  	s10 =	sld [smem:$0x3FB5];
	_ =	sdelay $0x3  }
0x33: {  	p0 =	seq.s32 s10, $0x1;
	s10 =	sld [smem:$0x3FB7];
	_ =	sdelay $0x3  }
0x34: {  	[smem:$0x3FB7] =	sst s10  }
0x35: {  	s10 =	sld [smem:$0x3FB6];
	_ =	sdelay $0x3  }
0x36: {  	p1 =	seq.s32 s10, $0x1;
	s10 =	sld [smem:$0x3FB7];
	_ =	sdelay $0x3  }
0x37: {  	[smem:$0x3FB7] =	sst s10  }
0x38: {  	s10 =	sld [smem:$0x3FB8]  }
0x39: {  	_ = 	snop;
	(pc) =	sbr.ind lr, $3  }
0x3a: {  	_ = 	snop  }
0x3b: {  	_ = 	snop  }
0x3c: {  	p2 =	seq.s32 s10, $0x1;
	s10 =	sld [smem:$0x3FB7]  }
0x3d: {  	_ =	shalt  }
0x3e: {  	_ =	shalt  }
0x3f: {  	_ =	shalt  }
0x40: {  	_ =	shalt  }
0x41: {  	_ =	shalt  }
0x42: {  	_ =	shalt  }
0x43: {  	_ =	shalt  }
0x44: {  	_ =	shalt  }
0x45: {  	_ =	shalt  }
0x46: {  	_ =	shalt  }
0x47: {  	_ =	shalt  }
0x48: {  	_ =	shalt  }
0x49: {  	_ =	shalt  }
0x4a: {  	_ =	shalt  }
0x4b: {  	_ =	shalt  }
0x4c: {  	_ =	shalt  }
0x4d: {  	_ =	shalt  }
0x4e: {  	_ =	shalt  }
0x4f: {  	_ =	shalt  }
0x50: {  	_ =	shalt  }
0x51: {  	_ =	shalt  }
0x52: {  	_ =	shalt  }
0x53: {  	_ =	shalt  }
0x54: {  	_ =	shalt  }
0x55: {  	_ =	shalt  }
0x56: {  	_ =	shalt  }
0x57: {  	_ =	shalt  }
0x58: {  	_ =	shalt  }
0x59: {  	_ =	shalt  }
0x5a: {  	_ =	shalt  }
0x5b: {  	_ =	shalt  }
0x5c: {  	_ =	shalt  }
0x5d: {  	_ =	shalt  }
0x5e: {  	_ =	shalt  }
0x5f: {  	_ =	shalt  }
0x60: {  	_ =	shalt  }
0x61: {  	_ =	shalt  }
0x62: {  	_ =	shalt  }
0x63: {  	_ =	shalt  }
0x64: {  	_ =	shalt  }
0x65: {  	_ =	shalt  }
0x66: {  	_ =	shalt  }
0x67: {  	_ =	shalt  }
0x68: {  	_ =	shalt  }
0x69: {  	_ =	shalt  }
0x6a: {  	_ =	shalt  }
0x6b: {  	_ =	shalt  }
0x6c: {  	_ =	shalt  }
0x6d: {  	_ =	shalt  }
0x6e: {  	_ =	shalt  }
0x6f: {  	_ =	shalt  }
0x70: {  	_ =	shalt  }
0x71: {  	_ =	shalt  }
0x72: {  	_ =	shalt  }
0x73: {  	_ =	shalt  }
0x74: {  	_ =	shalt  }
0x75: {  	_ =	shalt  }
0x76: {  	_ =	shalt  }
0x77: {  	_ =	shalt  }
0x78: {  	_ =	shalt  }
0x79: {  	_ =	shalt  }
0x7a: {  	_ =	shalt  }
0x7b: {  	_ =	shalt  }
0x7c: {  	_ =	shalt  }
0x7d: {  	_ =	shalt  }
0x7e: {  	_ =	shalt  }
0x7f: {  	_ =	shalt  }
0x80: {  	_ =	shalt  }
0x81: {  	_ =	shalt  }
0x82: {  	_ =	shalt  }
0x83: {  	_ =	shalt  }
0x84: {  	_ =	shalt  }
0x85: {  	_ =	shalt  }
0x86: {  	_ =	shalt  }
0x87: {  	_ =	shalt  }
.Lfunc_end0:
.L_simem_size_0:
called_computation_lowered:
.L_overlay_start_0:
0x88: {  	s2 =	sld [smem:$0x3FD9]  }
0x89: {  	s3 =	sld [smem:$0x3FFE];
	_ =	sdelay $0x1  }
0x8a: {  	s1 =	srdreg.scid  }
0x8b: {  	s0 =	sand.u32 $0x1, s1  }
0x8c: {  	s17 =	sshll.u32 s0, $0xA;
	s2 =	sadd.s32 s3, s2  }
0x8d: {  	s2 =	sadd.s32 s2, s17  }
0x8e: {  	[smem:$0x3FC3] =	sst s2  }
0x8f: {  	_ = 	snop  }
0x90: {  	s2 =	sld [smem:$0x3FC9]  }
0x91: {  	s18 =	sld [smem:$0x3FD0];
	(tm) =	ssettm $0x1  }
0x92: {  	s4 =	sld [smem:$0x3FFB];
	_ =	sdelay $0x3  }
0x93: {  	_ =	strace s4  }
0x94: {  	s4 =	sld [smem:$0x3FFC];
	_ =	sdelay $0x3  }
0x95: {  	_ =	strace s4  }
0x96: {  	s4 =	sld [smem:$0x3FFD];
	_ =	sdelay $0x3  }
0x97: {  	_ =	strace s4  }
0x98: {  	_ =	strace $0x8FFFFFFF  }
0x99: {  	s19 =	sld [smem:$0x3FDB];
	_ =	sdelay $0x1  }
0x9a: {  	s5 =	simm.s32 $_scs_section_size  }
0x9b: {  	s6 =	simm.s32 $_size__tile_overlayer_lowered;
	s7 =	simm.s32 $_tile_overlayer_lowered  }
0x9c: {  	s22 =	simm.s32 $0x1BFF;
	s21 =	sshll.u32 s7, $0x1;
	s4 =	sadd.s32 s5, s19  }
0x9d: {  	s8 =	simm.s32 $0x0;
	s20 =	sshll.u32 s6, $0x1;
	s6 =	sadd.s32 s21, s4  }
0x9e: {  	[timem:s8], [sflag:s22] =	dma.local [hbm:s6], s20  }
0x9f: {  	_ =	swait.ge [sflag:s22], s20  }
0xa0: {  	s5 =	ssub.s32 $0x0, s20;
	[sflag:s22] =	ssyncset.done $0x0  }
0xa1: {  	[sflag:s22] =	ssyncadd.s32 s5;
	_ =	sdelay $0x1  }
0xa2: {  	s23 =	simm.s32 $0x1B8B  }
0xa3: {  	_ =	swait.ge [sflag:s23], $0x1  }
0xa4: {  	[sflag:s23] =	ssyncset.done $0x0  }
0xa5: {  	s25 =	simm.s32 $0x1B8E;
	s24 =	sld [smem:$0x3FFE];
	[sflag:s23] =	ssyncadd.s32 $0xFFFFFFFF  }
0xa6: {  	s26 =	simm.s32 $execute0_lowered;
	[smem:$0x3FD2] =	sst s25  }
0xa7: {  	s6 =	sshll.u32 s26, $0x1;
	_ =	strace $0x80000046;
	[dreg:$0x1] =	wrdreg $0xFFFFFFFF  }
0xa8: {  	s28 =	simm.s32 $_size_execute0_lowered;
	s4 =	sadd.s32 s4, s6;
	[dreg:$0x0] =	wrdreg $0x0  }
0xa9: {  	s6 =	sshll.u32 s28, $0x1;
	[dreg:$0x2] =	wrdreg s4  }
0xaa: {  	[dreg:$0x3] =	wrdreg s6  }
0xab: {  	[dreg:$0x4] =	wrdreg $0xC0  }
0xac: {  	_ =	task [dreg:s8], $0x5FFFF  }
0xad: {  	[dreg:$0x1] =	wrdreg $0xFFFFFFFF  }
0xae: {  	[dreg:$0x0] =	wrdreg $0x60  }
0xaf: {  	[dreg:$0x2] =	wrdreg s2  }
0xb0: {  	[dreg:$0x3] =	wrdreg s18  }
0xb1: {  	[dreg:$0x4] =	wrdreg s24  }
0xb2: {  	[dreg:$0x5] =	wrdreg $0x0  }
0xb3: {  	[dreg:$0x6] =	wrdreg $0x138800  }
0xb4: {  	[dreg:$0x7] =	wrdreg $0x9  }
0xb5: {  	_ =	task.clear_ibuf [dreg:s8], $0x8FFFF;
	_ =	strace $0x90000046  }
0xb6: {  	s29 =	simm.s32 $0x9;
	_ =	strace $0x80000048  }
0xb7: {  	_ =	swait.ge [sflag:s29], $0x1  }
0xb8: {  	[sflag:s29] =	ssyncadd.s32 $0xFFFFFFFF  }
0xb9: {  	_ =	strace $0x90000048  }
0xba: {  	_ =	sfence  }
0xbb: {  	s30 =	sld [smem:$0x0];
	_ =	sdelay $0x2  }
0xbc: {  	s31 =	sshll.u32 s1, $0xD;
	s1 =	sshrl.u32 s1, $0x2  }
0xbd: {  	s3 =	sand.u32 $0x4000, s31;
	s1 =	sadd.s32 s1, s30  }
0xbe: {  	s0 =	sor.u32 s3, s0;
	s1 =	sshll.u32 s1, $0x11  }
0xbf: {  	s0 =	sor.u32 s1, s0  }
0xc0: {  	s0 =	sadd.s32 $0x8F2B, s0  }
0xc1: {  	[sflag:s0] =	ssyncadd.remote.s32 $0x1  }
0xc2: {  	_ =	sfence.sel $0xFFFF  }
0xc3: {  	[dreg:$0x0] =	wrdreg $0xFFFFFFFF;
	(pc) =	sbr.abs _section_cstart, $3  }
0xc4: {  	[dreg:$0x1] =	wrdreg $0xFFFFFFFF  }
0xc5: {  	_ =	task.clear_ibuf [dreg:s8], $0x2FFFF;
	_ =	strace $0x9FFFFFFF  }
0xc6: {  	(tm) =	ssettm $0x7FFFFFFF  }
0xc7: {  	_ =	shalt  }
tec
execute0_lowered:
.L_overlay_start_1:
0x0: {  	(tag) =	ssettag $0x1  }
0x1: {  	s0 =	srdreg.scid;
	s21 =	stileid.u32  }
0x2: {  	s12 =	rddreg [dreg:$0x2];
	s2 =	simm.s32 $0x0;
	s4 =	smul.u32 $0x271, s21  }
0x3: {  	s1 =	sand.u32 $0x1, s0;
	[smem:$0x7FF] =	sst s2;
	s16 =	smul.u32 $0x13880, s21  }
0x4: {  	s8 =	sadd.s32 $0xAA00, s12;
	s17 =	sadd.s32 $0xC00, s12;
	s2 =	smul.u32 $0x2710, s21  }
0x5: {  	s0 =	sshll.u32 s1, $0x4;
	s19 =	ssub.s32 $0x2, s1;
	s13 =	smul.u32 $0x138800, s1  }
0x6: {  	s18 =	smul.u32 $0x27100, s1;
	s0 =	sor.u32 s21, s0;
	s20 =	sshrl.u32 s19, $0x1  }
0x7: {  	s7 =	sadd.s32 $0x7D, s4;
	s9 =	sadd.s32 $0xFA, s4;
	s10 =	sadd.s32 $0x177, s4  }
0x8: {  	s14 =	sadd.s32 $0x1F4, s4;
	s15 =	smul.u32 $0x2710, s0;
	s0 =	ssub.s32 s19, s20  }
0x9: {  	s3 =	sshll.u32 s7, $0x4;
	s4 =	sshll.u32 s9, $0x4;
	s5 =	sshll.u32 s10, $0x4  }
0xa: {  	s6 =	sshll.u32 s14, $0x4;
	s11 =	sadd.s32 s16, s13;
	s1 =	sadd.s32 s2, s18  }
0xb: {  	s7 =	sshll.u32 s7, $0x7;
	s9 =	sshll.u32 s9, $0x7;
	s11 =	sshrl.u32 s11, $0x3  }
0xc: {  	s19 =	sshrl.u32 s1, $0x3;
	s20 =	sadd.s32 s13, s7;
	s24 =	sadd.s32 s13, s9  }
0xd: {  	s11 =	sadd.s32 s8, s11;
	s22 =	sadd.s32 s17, s19;
	s23 =	sshrl.u32 s20, $0x3  }
0xe: {  	s19 =	sadd.s32 s18, s3;
	s25 =	sshrl.u32 s24, $0x3;
	[dreg:$0x6] =	wrdreg s11  }
0xf: {  	[dreg:$0x7] =	wrdreg s22;
	s11 =	sadd.s32 s8, s23;
	s23 =	sadd.s32 s18, s4  }
0x10: {  	s24 =	sshrl.u32 s19, $0x3;
	[dreg:$0x8] =	wrdreg s11;
	s11 =	sshll.u32 s10, $0x7  }
0x11: {  	s10 =	sshll.u32 s14, $0x7;
	s14 =	sadd.s32 s8, s25;
	s25 =	sshrl.u32 s23, $0x3  }
0x12: {  	s23 =	rddreg [dreg:$0x0];
	s26 =	sadd.s32 s13, s11;
	s13 =	sadd.s32 s13, s10  }
0x13: {  	[dreg:$0x9] =	wrdreg s14;
	s22 =	sshrl.u32 s26, $0x3;
	s26 =	sadd.s32 s17, s25  }
0x14: {  	s13 =	sshrl.u32 s13, $0x3;
	s14 =	sadd.s32 s8, s22;
	[dreg:$0xd] =	wrdreg s26  }
0x15: {  	s8 =	sadd.s32 s8, s13;
	s13 =	sadd.s32 s17, s24;
	s24 =	rddreg [dreg:$0x1]  }
0x16: {  	s12 =	sadd.s32 $0xA00, s12;
	s20 =	sshrl.u32 s15, $0x3;
	[dreg:$0xa] =	wrdreg s14  }
0x17: {  	s25 =	sadd.s32 $0x28, s15;
	s15 =	sadd.s32 $0x78, s15;
	[dreg:$0xb] =	wrdreg s8  }
0x18: {  	s22 =	smul.u32 $0x4E200, s21;
	[dreg:$0xc] =	wrdreg s13;
	s8 =	sadd.s32 s18, s5  }
0x19: {  	s18 =	sadd.s32 s18, s6;
	s13 =	rddreg [dreg:$0x3];
	s14 =	sshrl.u32 s8, $0x3  }
0x1a: {  	s18 =	sshrl.u32 s18, $0x3;
	s8 =	rddreg [dreg:$0x4];
	s19 =	sadd.s32 s17, s14  }
0x1b: {  	s26 =	sshrl.u32 s22, $0x2;
	s17 =	sadd.s32 s17, s18;
	[dreg:$0xe] =	wrdreg s19  }
0x1c: {  	s14 =	sshrl.u32 s15, $0x3;
	s15 =	sadd.s32 s26, s13;
	[dreg:$0xf] =	wrdreg s17  }
0x1d: {  	s17 =	sadd.s32 $0x1000, s15;
	_ =	strace $0x80000047;
	[dreg:$0x10] =	wrdreg s12  }
0x1e: {  	s18 =	sadd.s32 $0x2000, s15;
	[dreg:$0x15] =	wrdreg s17  }
0x1f: {  	s19 =	sadd.s32 s24, s20;
	s20 =	sadd.s32 $0x3000, s15;
	[dreg:$0x16] =	wrdreg s18  }
0x20: {  	s21 =	sadd.s32 $0x4000, s15;
	[dreg:$0x17] =	wrdreg s20  }
0x21: {  	s22 =	sadd.s32 $0x5000, s15;
	[dreg:$0x18] =	wrdreg s21  }
0x22: {  	s26 =	sadd.s32 $0x7000, s15;
	[dreg:$0x19] =	wrdreg s22  }
0x23: {  	s2 =	sadd.s32 s2, s8;
	[dreg:$0x1b] =	wrdreg s26  }
0x24: {  	s0 =	smax.u32 s0, $0x1;
	[smem:$0x7EC] =	sst s2  }
0x25: {  	[smem:$0x7F1] =	sst s0  }
0x26: {  	s16 =	sadd.s32 s16, s13;
	[dreg:$0x11] =	wrdreg s19  }
0x27: {  	s12 =	sshrl.u32 s25, $0x3;
	s25 =	sadd.s32 $0x6000, s15;
	[dreg:$0x14] =	wrdreg s16  }
0x28: {  	s17 =	sadd.s32 $0x9000, s15;
	[dreg:$0x1a] =	wrdreg s25  }
0x29: {  	s18 =	sadd.s32 $0xA000, s15;
	[dreg:$0x1d] =	wrdreg s17  }
0x2a: {  	s20 =	sadd.s32 $0xB000, s15;
	[dreg:$0x1e] =	wrdreg s18  }
0x2b: {  	s31 =	simm.s32 $0x1AD20;
	s21 =	sadd.s32 $0xC000, s15;
	[dreg:$0x1f] =	wrdreg s20  }
0x2c: {  	s30 =	simm.s32 $0x8;
	s22 =	sadd.s32 $0xD000, s15;
	[smem:$0x7E4] =	sst s21  }
0x2d: {  	s29 =	simm.s32 $0x186A0;
	s26 =	sadd.s32 $0xF000, s15;
	[smem:$0x7E5] =	sst s22  }
0x2e: {  	s28 =	simm.s32 $0x12;
	s12 =	sadd.s32 s24, s12;
	[smem:$0x7E7] =	sst s26  }
0x2f: {  	s2 =	simm.s32 $0x1C120;
	s25 =	sadd.s32 $0xE000, s15;
	[dreg:$0x12] =	wrdreg s12  }
0x30: {  	s17 =	sadd.s32 $0x11000, s15;
	s18 =	sadd.s32 $0x12000, s15;
	[smem:$0x7E6] =	sst s25  }
0x31: {  	s20 =	sadd.s32 $0x13000, s15;
	s21 =	sadd.s32 s3, s8;
	[smem:$0x7E9] =	sst s17  }
0x32: {  	s22 =	sadd.s32 s4, s8;
	s26 =	sadd.s32 s6, s8;
	[smem:$0x7EA] =	sst s18  }
0x33: {  	s3 =	sadd.s32 s7, s13;
	s4 =	sadd.s32 s9, s13;
	[smem:$0x7EB] =	sst s20  }
0x34: {  	s6 =	sadd.s32 s11, s13;
	s7 =	sadd.s32 $0x168, s1;
	[smem:$0x7ED] =	sst s21  }
0x35: {  	s11 =	sadd.s32 $0x118, s1;
	s12 =	sadd.s32 s24, s14;
	[smem:$0x7EE] =	sst s22  }
0x36: {  	s14 =	sadd.s32 $0x8000, s15;
	s25 =	sadd.s32 s5, s8;
	[smem:$0x7F0] =	sst s26  }
0x37: {  	s8 =	sadd.s32 s10, s13;
	s9 =	sshrl.u32 s7, $0x3;
	s10 =	sadd.s32 $0x140, s1  }
0x38: {  	s5 =	sshrl.u32 s11, $0x3;
	s17 =	sshrl.u32 s3, $0x3;
	[dreg:$0x13] =	wrdreg s12  }
0x39: {  	s18 =	sshrl.u32 s4, $0x3;
	s20 =	sshrl.u32 s6, $0x3;
	[dreg:$0x1c] =	wrdreg s14  }
0x3a: {  	s22 =	sadd.s32 $0x9C40, s19;
	s26 =	sadd.s32 $0x14, s19;
	[smem:$0x7EF] =	sst s25  }
0x3b: {  	s6 =	simm.s32 $0x28;
	s3 =	simm.s32 $0x1D520;
	[smem:$0x7F7] =	sst s17  }
0x3c: {  	s4 =	simm.s32 $0x1E920;
	s7 =	simm.s32 $0x0;
	[smem:$0x7F8] =	sst s18  }
0x3d: {  	s11 =	simm.s32 $0x3;
	s14 =	sadd.s32 $0x10000, s15;
	[smem:$0x7F9] =	sst s20  }
0x3e: {  	s0 =	sadd.s32 s9, s24;
	s12 =	sadd.s32 $0xF0, s1;
	[smem:$0x7FB] =	sst s22  }
0x3f: {  	s13 =	sadd.s32 s5, s24;
	s15 =	sadd.s32 $0xC8, s1;
	[smem:$0x7FD] =	sst s26  }
0x40: {  	s21 =	sshrl.u32 s8, $0x3;
	s25 =	sadd.s32 $0xA, s19;
	[smem:$0x7E8] =	sst s14  }
0x41: {  	s1 =	simm.s32 $0x15;
	s22 =	simm.s32 $0x1FD20;
	[smem:$0x7F2] =	sst s0  }
0x42: {  	s26 =	simm.s32 $0x1FD48;
	s19 =	simm.s32 $0x1FD98;
	[smem:$0x7F4] =	sst s13  }
0x43: {  	s20 =	simm.s32 $0x1FDC0;
	s17 =	simm.s32 $0x2;
	[smem:$0x7F6] =	sst s15  }
0x44: {  	s18 =	simm.s32 $0x28;
	s9 =	simm.s32 $0xF;
	[smem:$0x7FA] =	sst s21  }
0x45: {  	s0 =	sshrl.u32 s10, $0x3;
	s14 =	sshrl.u32 s12, $0x3;
	[smem:$0x7FC] =	sst s25  }
0x46: {  	s25 =	simm.s32 $0x19920;
	s10 =	simm.s32 $0x9;
	s0 =	sadd.s32 s0, s24  }
0x47: {  	vm0 =	vcmask $0x300;
	v0 =	vimm.f32 $0.0e+00;
	s13 =	simm.s32 $0x10;
	[smem:$0x7F3] =	sst s0;
	s0 =	sadd.s32 s14, s24  }
0x48: {  	v1 =	vsel vm0, $0x3F800000, v0;
	s21 =	simm.s32 $0x14;
	[smem:$0x7F5] =	sst s0;
	s0 =	simm.s32 $0x1FD70  }
.LBB2_1:
0x49: {  	s12 =	sld [smem:$0x7FB];
	_ =	sdelay $0x1  }
0x4a: {  	[smem:$0x7DD] =	sst s7;
	s5 =	simm.s32 $0x0;
	s15 =	simm.s32 $0x15F90  }
0x4b: {  	[tilespmem:s15], [sflag:$0x15] =	stream.linear.gather [hbm4b:s12+s5], $0x2710, $0x38;
	[tilespmem:$0x1FDE8] =	vst v63  }
0x4c: {  	_ =	swait.ge [sflag:s1], $0x2710  }
0x4d: {  	[sflag:s1] =	ssyncset.done $0x0  }
0x4e: {  	s14 =	rddreg [dreg:$0x11];
	[sflag:s1] =	ssyncadd.s32 $0xFFFFD8F0  }
0x4f: {  	[tilespmem:s22], [sflag:$0x6] =	stream.linear.gather [hbm4b:s14+s5], $0x28, $0x38;
	[tilespmem:$0x1FDE8] =	vst v63  }
0x50: {  	_ = 	snop  }
0x51: {  	[tilespmem:s25], [sflag:$0x1] =	stream.indirect.gather [hbm4b:s23+s6], $0x80, s15, s6, $0xb8;
	[tilespmem:$0x1FDE8] =	vst v63  }
0x52: {  	s8 =	rddreg [dreg:$0x12]  }
0x53: {  	[tilespmem:s26], [sflag:$0x7] =	stream.linear.gather [hbm4b:s8+s5], $0x28, $0x38;
	[tilespmem:$0x1FDE8] =	vst v63  }
0x54: {  	s12 =	simm.s32 $0x15FB8;
	s14 =	sld [smem:$0x7FC]  }
0x55: {  	[tilespmem:s31], [sflag:$0x2] =	stream.indirect.gather [hbm4b:s23+s6], $0x80, s12, s6, $0xb8;
	[tilespmem:$0x1FDE8] =	vst v63  }
0x56: {  	_ = 	snop  }
0x57: {  	[tilespmem:s0], [sflag:$0x8] =	stream.linear.gather [hbm4b:s14+s5], $0x28, $0x38;
	[tilespmem:$0x1FDE8] =	vst v63  }
0x58: {  	s15 =	simm.s32 $0x15FE0  }
0x59: {  	[tilespmem:s2], [sflag:$0x3] =	stream.indirect.gather [hbm4b:s23+s6], $0x80, s15, s6, $0xb8;
	[tilespmem:$0x1FDE8] =	vst v63  }
0x5a: {  	s0 =	rddreg [dreg:$0x13]  }
0x5b: {  	[tilespmem:s19], [sflag:$0x9] =	stream.linear.gather [hbm4b:s0+s5], $0x28, $0x38;
	[tilespmem:$0x1FDE8] =	vst v63  }
0x5c: {  	s2 =	simm.s32 $0x16008  }
0x5d: {  	[tilespmem:s3], [sflag:$0x4] =	stream.indirect.gather [hbm4b:s23+s6], $0x80, s2, s6, $0xb8;
	[tilespmem:$0x1FDE8] =	vst v63  }
0x5e: {  	s3 =	sld [smem:$0x7FD];
	_ =	sdelay $0x2  }
0x5f: {  	[tilespmem:s20], [sflag:$0xA] =	stream.linear.gather [hbm4b:s3+s5], $0x28, $0x38;
	[tilespmem:$0x1FDE8] =	vst v63  }
0x60: {  	s7 =	simm.s32 $0x16030  }
0x61: {  	[tilespmem:s4], [sflag:$0x5] =	stream.indirect.gather [hbm4b:s23+s6], $0x80, s7, s6, $0xb8;
	[tilespmem:$0x1FDE8] =	vst v63  }
0x62: {  	[tilespmem:$0x186A0] =	vst v1  }
0x63: {  	[tilespmem:$0x186B0] =	vst v1  }
0x64: {  	[tilespmem:$0x186C0] =	vst v1  }
0x65: {  	[tilespmem:$0x186D0] =	vst v1  }
0x66: {  	[tilespmem:$0x186E0] =	vst v1  }
0x67: {  	[tilespmem:$0x186F0] =	vst v1  }
0x68: {  	[tilespmem:$0x18700] =	vst v1  }
0x69: {  	[tilespmem:$0x18710] =	vst v1  }
0x6a: {  	[tilespmem:$0x18720] =	vst v1  }
0x6b: {  	[tilespmem:$0x18730] =	vst v1  }
0x6c: {  	[tilespmem:$0x18740] =	vst v1  }
0x6d: {  	[tilespmem:$0x18750] =	vst v1  }
0x6e: {  	[tilespmem:$0x18760] =	vst v1  }
0x6f: {  	[tilespmem:$0x18770] =	vst v1  }
0x70: {  	[tilespmem:$0x18780] =	vst v1  }
0x71: {  	[tilespmem:$0x18790] =	vst v1  }
0x72: {  	[tilespmem:$0x187A0] =	vst v1  }
0x73: {  	[tilespmem:$0x187B0] =	vst v1  }
0x74: {  	[tilespmem:$0x187C0] =	vst v1  }
0x75: {  	[tilespmem:$0x187D0] =	vst v1  }
0x76: {  	[tilespmem:$0x187E0] =	vst v1  }
0x77: {  	[tilespmem:$0x187F0] =	vst v1  }
0x78: {  	[tilespmem:$0x18800] =	vst v1  }
0x79: {  	[tilespmem:$0x18810] =	vst v1  }
0x7a: {  	[tilespmem:$0x18820] =	vst v1  }
0x7b: {  	[tilespmem:$0x18830] =	vst v1  }
0x7c: {  	[tilespmem:$0x18840] =	vst v1  }
0x7d: {  	[tilespmem:$0x18850] =	vst v1  }
0x7e: {  	[tilespmem:$0x18860] =	vst v1  }
0x7f: {  	[tilespmem:$0x18870] =	vst v1  }
0x80: {  	[tilespmem:$0x18880] =	vst v1  }
0x81: {  	[tilespmem:$0x18890] =	vst v1  }
0x82: {  	[tilespmem:$0x188A0] =	vst v1  }
0x83: {  	[tilespmem:$0x188B0] =	vst v1  }
0x84: {  	[tilespmem:$0x188C0] =	vst v1  }
0x85: {  	[tilespmem:$0x188D0] =	vst v1  }
0x86: {  	[tilespmem:$0x188E0] =	vst v1  }
0x87: {  	[tilespmem:$0x188F0] =	vst v1  }
0x88: {  	[tilespmem:$0x18900] =	vst v1  }
0x89: {  	[tilespmem:$0x18910] =	vst v1  }
0x8a: {  	[tilespmem:$0x18920] =	vst v0  }
0x8b: {  	[tilespmem:$0x18930] =	vst v0  }
0x8c: {  	[tilespmem:$0x18940] =	vst v0  }
0x8d: {  	[tilespmem:$0x18950] =	vst v0  }
0x8e: {  	[tilespmem:$0x18960] =	vst v0  }
0x8f: {  	[tilespmem:$0x18970] =	vst v0  }
0x90: {  	[tilespmem:$0x18980] =	vst v0  }
0x91: {  	[tilespmem:$0x18990] =	vst v0  }
0x92: {  	[tilespmem:$0x189A0] =	vst v0  }
0x93: {  	[tilespmem:$0x189B0] =	vst v0  }
0x94: {  	[tilespmem:$0x189C0] =	vst v0  }
0x95: {  	[tilespmem:$0x189D0] =	vst v0  }
0x96: {  	[tilespmem:$0x189E0] =	vst v0  }
0x97: {  	[tilespmem:$0x189F0] =	vst v0  }
0x98: {  	[tilespmem:$0x18A00] =	vst v0  }
0x99: {  	[tilespmem:$0x18A10] =	vst v0  }
0x9a: {  	[tilespmem:$0x18A20] =	vst v0  }
0x9b: {  	[tilespmem:$0x18A30] =	vst v0  }
0x9c: {  	[tilespmem:$0x18A40] =	vst v0  }
0x9d: {  	[tilespmem:$0x18A50] =	vst v0  }
0x9e: {  	[tilespmem:$0x18A60] =	vst v0  }
0x9f: {  	[tilespmem:$0x18A70] =	vst v0  }
0xa0: {  	[tilespmem:$0x18A80] =	vst v0  }
0xa1: {  	[tilespmem:$0x18A90] =	vst v0  }
0xa2: {  	[tilespmem:$0x18AA0] =	vst v0  }
0xa3: {  	[tilespmem:$0x18AB0] =	vst v0  }
0xa4: {  	[tilespmem:$0x18AC0] =	vst v0  }
0xa5: {  	[tilespmem:$0x18AD0] =	vst v0  }
0xa6: {  	[tilespmem:$0x18AE0] =	vst v0  }
0xa7: {  	[tilespmem:$0x18AF0] =	vst v0  }
0xa8: {  	[tilespmem:$0x18B00] =	vst v0  }
0xa9: {  	[tilespmem:$0x18B10] =	vst v0  }
0xaa: {  	[tilespmem:$0x18B20] =	vst v0  }
0xab: {  	[tilespmem:$0x18B30] =	vst v0  }
0xac: {  	[tilespmem:$0x18B40] =	vst v0  }
0xad: {  	[tilespmem:$0x18B50] =	vst v0  }
0xae: {  	[tilespmem:$0x18B60] =	vst v0  }
0xaf: {  	[tilespmem:$0x18B70] =	vst v0  }
0xb0: {  	[tilespmem:$0x18B80] =	vst v0  }
0xb1: {  	[tilespmem:$0x18B90] =	vst v0  }
0xb2: {  	[tilespmem:$0x18BA0] =	vst v0  }
0xb3: {  	[tilespmem:$0x18BB0] =	vst v0  }
0xb4: {  	[tilespmem:$0x18BC0] =	vst v0  }
0xb5: {  	[tilespmem:$0x18BD0] =	vst v0  }
0xb6: {  	[tilespmem:$0x18BE0] =	vst v0  }
0xb7: {  	[tilespmem:$0x18BF0] =	vst v0  }
0xb8: {  	[tilespmem:$0x18C00] =	vst v0  }
0xb9: {  	[tilespmem:$0x18C10] =	vst v0  }
0xba: {  	[tilespmem:$0x18C20] =	vst v0  }
0xbb: {  	[tilespmem:$0x18C30] =	vst v0  }
0xbc: {  	[tilespmem:$0x18C40] =	vst v0  }
0xbd: {  	[tilespmem:$0x18C50] =	vst v0  }
0xbe: {  	[tilespmem:$0x18C60] =	vst v0  }
0xbf: {  	[tilespmem:$0x18C70] =	vst v0  }
0xc0: {  	[tilespmem:$0x18C80] =	vst v0  }
0xc1: {  	[tilespmem:$0x18C90] =	vst v0  }
0xc2: {  	[tilespmem:$0x18CA0] =	vst v0  }
0xc3: {  	[tilespmem:$0x18CB0] =	vst v0  }
0xc4: {  	[tilespmem:$0x18CC0] =	vst v0  }
0xc5: {  	[tilespmem:$0x18CD0] =	vst v0  }
0xc6: {  	[tilespmem:$0x18CE0] =	vst v0  }
0xc7: {  	[tilespmem:$0x18CF0] =	vst v0  }
0xc8: {  	[tilespmem:$0x18D00] =	vst v0  }
0xc9: {  	[tilespmem:$0x18D10] =	vst v0  }
0xca: {  	[tilespmem:$0x18D20] =	vst v0  }
0xcb: {  	[tilespmem:$0x18D30] =	vst v0  }
0xcc: {  	[tilespmem:$0x18D40] =	vst v0  }
0xcd: {  	[tilespmem:$0x18D50] =	vst v0  }
0xce: {  	[tilespmem:$0x18D60] =	vst v0  }
0xcf: {  	[tilespmem:$0x18D70] =	vst v0  }
0xd0: {  	[tilespmem:$0x18D80] =	vst v0  }
0xd1: {  	[tilespmem:$0x18D90] =	vst v0  }
0xd2: {  	[tilespmem:$0x18DA0] =	vst v0  }
0xd3: {  	[tilespmem:$0x18DB0] =	vst v0  }
0xd4: {  	[tilespmem:$0x18DC0] =	vst v0  }
0xd5: {  	[tilespmem:$0x18DD0] =	vst v0  }
0xd6: {  	[tilespmem:$0x18DE0] =	vst v0  }
0xd7: {  	[tilespmem:$0x18DF0] =	vst v0  }
0xd8: {  	[tilespmem:$0x18E00] =	vst v0  }
0xd9: {  	[tilespmem:$0x18E10] =	vst v0  }
0xda: {  	[tilespmem:$0x18E20] =	vst v0  }
0xdb: {  	[tilespmem:$0x18E30] =	vst v0  }
0xdc: {  	[tilespmem:$0x18E40] =	vst v0  }
0xdd: {  	[tilespmem:$0x18E50] =	vst v0  }
0xde: {  	[tilespmem:$0x18E60] =	vst v0  }
0xdf: {  	[tilespmem:$0x18E70] =	vst v0  }
0xe0: {  	[tilespmem:$0x18E80] =	vst v0  }
0xe1: {  	[tilespmem:$0x18E90] =	vst v0  }
0xe2: {  	[tilespmem:$0x18EA0] =	vst v0  }
0xe3: {  	[tilespmem:$0x18EB0] =	vst v0  }
0xe4: {  	[tilespmem:$0x18EC0] =	vst v0  }
0xe5: {  	[tilespmem:$0x18ED0] =	vst v0  }
0xe6: {  	[tilespmem:$0x18EE0] =	vst v0  }
0xe7: {  	[tilespmem:$0x18EF0] =	vst v0  }
0xe8: {  	[tilespmem:$0x18F00] =	vst v0  }
0xe9: {  	[tilespmem:$0x18F10] =	vst v0  }
0xea: {  	[tilespmem:$0x18F20] =	vst v0  }
0xeb: {  	[tilespmem:$0x18F30] =	vst v0  }
0xec: {  	[tilespmem:$0x18F40] =	vst v0  }
0xed: {  	[tilespmem:$0x18F50] =	vst v0  }
0xee: {  	[tilespmem:$0x18F60] =	vst v0  }
0xef: {  	[tilespmem:$0x18F70] =	vst v0  }
0xf0: {  	[tilespmem:$0x18F80] =	vst v0  }
0xf1: {  	[tilespmem:$0x18F90] =	vst v0  }
0xf2: {  	[tilespmem:$0x18FA0] =	vst v0  }
0xf3: {  	[tilespmem:$0x18FB0] =	vst v0  }
0xf4: {  	[tilespmem:$0x18FC0] =	vst v0  }
0xf5: {  	[tilespmem:$0x18FD0] =	vst v0  }
0xf6: {  	[tilespmem:$0x18FE0] =	vst v0  }
0xf7: {  	[tilespmem:$0x18FF0] =	vst v0  }
0xf8: {  	[tilespmem:$0x19000] =	vst v0  }
0xf9: {  	[tilespmem:$0x19010] =	vst v0  }
0xfa: {  	[tilespmem:$0x19020] =	vst v0  }
0xfb: {  	[tilespmem:$0x19030] =	vst v0  }
0xfc: {  	[tilespmem:$0x19040] =	vst v0  }
0xfd: {  	[tilespmem:$0x19050] =	vst v0  }
0xfe: {  	[tilespmem:$0x19060] =	vst v0  }
0xff: {  	[tilespmem:$0x19070] =	vst v0  }
0x100: {  	[tilespmem:$0x19080] =	vst v0  }
0x101: {  	[tilespmem:$0x19090] =	vst v0  }
0x102: {  	[tilespmem:$0x190A0] =	vst v0  }
0x103: {  	[tilespmem:$0x190B0] =	vst v0  }
0x104: {  	[tilespmem:$0x190C0] =	vst v0  }
0x105: {  	[tilespmem:$0x190D0] =	vst v0  }
0x106: {  	[tilespmem:$0x190E0] =	vst v0  }
0x107: {  	[tilespmem:$0x190F0] =	vst v0  }
0x108: {  	[tilespmem:$0x19100] =	vst v0  }
0x109: {  	[tilespmem:$0x19110] =	vst v0  }
0x10a: {  	[tilespmem:$0x19120] =	vst v0  }
0x10b: {  	[tilespmem:$0x19130] =	vst v0  }
0x10c: {  	[tilespmem:$0x19140] =	vst v0  }
0x10d: {  	[tilespmem:$0x19150] =	vst v0  }
0x10e: {  	[tilespmem:$0x19160] =	vst v0  }
0x10f: {  	[tilespmem:$0x19170] =	vst v0  }
0x110: {  	[tilespmem:$0x19180] =	vst v0  }
0x111: {  	[tilespmem:$0x19190] =	vst v0  }
0x112: {  	[tilespmem:$0x191A0] =	vst v0  }
0x113: {  	[tilespmem:$0x191B0] =	vst v0  }
0x114: {  	[tilespmem:$0x191C0] =	vst v0  }
0x115: {  	[tilespmem:$0x191D0] =	vst v0  }
0x116: {  	[tilespmem:$0x191E0] =	vst v0  }
0x117: {  	[tilespmem:$0x191F0] =	vst v0  }
0x118: {  	[tilespmem:$0x19200] =	vst v0  }
0x119: {  	[tilespmem:$0x19210] =	vst v0  }
0x11a: {  	[tilespmem:$0x19220] =	vst v0  }
0x11b: {  	[tilespmem:$0x19230] =	vst v0  }
0x11c: {  	[tilespmem:$0x19240] =	vst v0  }
0x11d: {  	[tilespmem:$0x19250] =	vst v0  }
0x11e: {  	[tilespmem:$0x19260] =	vst v0  }
0x11f: {  	[tilespmem:$0x19270] =	vst v0  }
0x120: {  	[tilespmem:$0x19280] =	vst v0  }
0x121: {  	[tilespmem:$0x19290] =	vst v0  }
0x122: {  	[tilespmem:$0x192A0] =	vst v0  }
0x123: {  	[tilespmem:$0x192B0] =	vst v0  }
0x124: {  	[tilespmem:$0x192C0] =	vst v0  }
0x125: {  	[tilespmem:$0x192D0] =	vst v0  }
0x126: {  	[tilespmem:$0x192E0] =	vst v0  }
0x127: {  	[tilespmem:$0x192F0] =	vst v0  }
0x128: {  	[tilespmem:$0x19300] =	vst v0  }
0x129: {  	[tilespmem:$0x19310] =	vst v0  }
0x12a: {  	[tilespmem:$0x19320] =	vst v0  }
0x12b: {  	[tilespmem:$0x19330] =	vst v0  }
0x12c: {  	[tilespmem:$0x19340] =	vst v0  }
0x12d: {  	[tilespmem:$0x19350] =	vst v0  }
0x12e: {  	[tilespmem:$0x19360] =	vst v0  }
0x12f: {  	[tilespmem:$0x19370] =	vst v0  }
0x130: {  	[tilespmem:$0x19380] =	vst v0  }
0x131: {  	[tilespmem:$0x19390] =	vst v0  }
0x132: {  	[tilespmem:$0x193A0] =	vst v0  }
0x133: {  	[tilespmem:$0x193B0] =	vst v0  }
0x134: {  	[tilespmem:$0x193C0] =	vst v0  }
0x135: {  	[tilespmem:$0x193D0] =	vst v0  }
0x136: {  	[tilespmem:$0x193E0] =	vst v0  }
0x137: {  	[tilespmem:$0x193F0] =	vst v0  }
0x138: {  	[tilespmem:$0x19400] =	vst v0  }
0x139: {  	[tilespmem:$0x19410] =	vst v0  }
0x13a: {  	[tilespmem:$0x19420] =	vst v0  }
0x13b: {  	[tilespmem:$0x19430] =	vst v0  }
0x13c: {  	[tilespmem:$0x19440] =	vst v0  }
0x13d: {  	[tilespmem:$0x19450] =	vst v0  }
0x13e: {  	[tilespmem:$0x19460] =	vst v0  }
0x13f: {  	[tilespmem:$0x19470] =	vst v0  }
0x140: {  	[tilespmem:$0x19480] =	vst v0  }
0x141: {  	[tilespmem:$0x19490] =	vst v0  }
0x142: {  	[tilespmem:$0x194A0] =	vst v0  }
0x143: {  	[tilespmem:$0x194B0] =	vst v0  }
0x144: {  	[tilespmem:$0x194C0] =	vst v0  }
0x145: {  	[tilespmem:$0x194D0] =	vst v0  }
0x146: {  	[tilespmem:$0x194E0] =	vst v0  }
0x147: {  	[tilespmem:$0x194F0] =	vst v0  }
0x148: {  	[tilespmem:$0x19500] =	vst v0  }
0x149: {  	[tilespmem:$0x19510] =	vst v0  }
0x14a: {  	[tilespmem:$0x19520] =	vst v0  }
0x14b: {  	[tilespmem:$0x19530] =	vst v0  }
0x14c: {  	[tilespmem:$0x19540] =	vst v0  }
0x14d: {  	[tilespmem:$0x19550] =	vst v0  }
0x14e: {  	[tilespmem:$0x19560] =	vst v0  }
0x14f: {  	[tilespmem:$0x19570] =	vst v0  }
0x150: {  	[tilespmem:$0x19580] =	vst v0  }
0x151: {  	[tilespmem:$0x19590] =	vst v0  }
0x152: {  	[tilespmem:$0x195A0] =	vst v0  }
0x153: {  	[tilespmem:$0x195B0] =	vst v0  }
0x154: {  	[tilespmem:$0x195C0] =	vst v0  }
0x155: {  	[tilespmem:$0x195D0] =	vst v0  }
0x156: {  	[tilespmem:$0x195E0] =	vst v0  }
0x157: {  	[tilespmem:$0x195F0] =	vst v0  }
0x158: {  	[tilespmem:$0x19600] =	vst v0  }
0x159: {  	[tilespmem:$0x19610] =	vst v0  }
0x15a: {  	[tilespmem:$0x19620] =	vst v0  }
0x15b: {  	[tilespmem:$0x19630] =	vst v0  }
0x15c: {  	[tilespmem:$0x19640] =	vst v0  }
0x15d: {  	[tilespmem:$0x19650] =	vst v0  }
0x15e: {  	[tilespmem:$0x19660] =	vst v0  }
0x15f: {  	[tilespmem:$0x19670] =	vst v0  }
0x160: {  	[tilespmem:$0x19680] =	vst v0  }
0x161: {  	[tilespmem:$0x19690] =	vst v0  }
0x162: {  	[tilespmem:$0x196A0] =	vst v0  }
0x163: {  	[tilespmem:$0x196B0] =	vst v0  }
0x164: {  	[tilespmem:$0x196C0] =	vst v0  }
0x165: {  	[tilespmem:$0x196D0] =	vst v0  }
0x166: {  	[tilespmem:$0x196E0] =	vst v0  }
0x167: {  	[tilespmem:$0x196F0] =	vst v0  }
0x168: {  	[tilespmem:$0x19700] =	vst v0  }
0x169: {  	[tilespmem:$0x19710] =	vst v0  }
0x16a: {  	[tilespmem:$0x19720] =	vst v0  }
0x16b: {  	[tilespmem:$0x19730] =	vst v0  }
0x16c: {  	[tilespmem:$0x19740] =	vst v0  }
0x16d: {  	[tilespmem:$0x19750] =	vst v0  }
0x16e: {  	[tilespmem:$0x19760] =	vst v0  }
0x16f: {  	[tilespmem:$0x19770] =	vst v0  }
0x170: {  	[tilespmem:$0x19780] =	vst v0  }
0x171: {  	[tilespmem:$0x19790] =	vst v0  }
0x172: {  	[tilespmem:$0x197A0] =	vst v0  }
0x173: {  	[tilespmem:$0x197B0] =	vst v0  }
0x174: {  	[tilespmem:$0x197C0] =	vst v0  }
0x175: {  	[tilespmem:$0x197D0] =	vst v0  }
0x176: {  	[tilespmem:$0x197E0] =	vst v0  }
0x177: {  	[tilespmem:$0x197F0] =	vst v0  }
0x178: {  	[tilespmem:$0x19800] =	vst v0  }
0x179: {  	[tilespmem:$0x19810] =	vst v0  }
0x17a: {  	[tilespmem:$0x19820] =	vst v0  }
0x17b: {  	[tilespmem:$0x19830] =	vst v0  }
0x17c: {  	[tilespmem:$0x19840] =	vst v0  }
0x17d: {  	[tilespmem:$0x19850] =	vst v0  }
0x17e: {  	[tilespmem:$0x19860] =	vst v0  }
0x17f: {  	[tilespmem:$0x19870] =	vst v0  }
0x180: {  	[tilespmem:$0x19880] =	vst v0  }
0x181: {  	[tilespmem:$0x19890] =	vst v0  }
0x182: {  	[tilespmem:$0x198A0] =	vst v0  }
0x183: {  	[tilespmem:$0x198B0] =	vst v0  }
0x184: {  	[tilespmem:$0x198C0] =	vst v0  }
0x185: {  	[tilespmem:$0x198D0] =	vst v0  }
0x186: {  	[tilespmem:$0x198E0] =	vst v0  }
0x187: {  	[tilespmem:$0x198F0] =	vst v0  }
0x188: {  	[tilespmem:$0x19900] =	vst v0  }
0x189: {  	s0 =	simm.s32 $0x18920;
	[tilespmem:$0x19910] =	vst v0  }
0x18a: {  	[spmem:s16] =	stream.linear.scatter [tilespmem:s0], [sflag:$0x15], $0x1000, $0x38;
	[tilespmem:$0x1FDE8] =	vst v63  }
0x18b: {  	_ =	swait.ge [sflag:s1], $0x1000  }
0x18c: {  	[sflag:s1] =	ssyncset.done $0x0  }
0x18d: {  	s8 =	rddreg [dreg:$0x15];
	[sflag:s1] =	ssyncadd.s32 $0xFFFFF000  }
0x18e: {  	[spmem:s8] =	stream.linear.scatter [tilespmem:s0], [sflag:$0x15], $0x1000, $0x38;
	[tilespmem:$0x1FDE8] =	vst v63  }
0x18f: {  	_ =	swait.ge [sflag:s1], $0x1000  }
0x190: {  	[sflag:s1] =	ssyncset.done $0x0  }
0x191: {  	s12 =	rddreg [dreg:$0x16];
	[sflag:s1] =	ssyncadd.s32 $0xFFFFF000  }
0x192: {  	[spmem:s12] =	stream.linear.scatter [tilespmem:s0], [sflag:$0x15], $0x1000, $0x38;
	[tilespmem:$0x1FDE8] =	vst v63  }
0x193: {  	_ =	swait.ge [sflag:s1], $0x1000  }
0x194: {  	[sflag:s1] =	ssyncset.done $0x0  }
0x195: {  	s14 =	rddreg [dreg:$0x17];
	[sflag:s1] =	ssyncadd.s32 $0xFFFFF000  }
0x196: {  	[spmem:s14] =	stream.linear.scatter [tilespmem:s0], [sflag:$0x15], $0x1000, $0x38;
	[tilespmem:$0x1FDE8] =	vst v63  }
0x197: {  	_ =	swait.ge [sflag:s1], $0x1000  }
0x198: {  	[sflag:s1] =	ssyncset.done $0x0  }
0x199: {  	s15 =	rddreg [dreg:$0x18];
	[sflag:s1] =	ssyncadd.s32 $0xFFFFF000  }
0x19a: {  	[spmem:s15] =	stream.linear.scatter [tilespmem:s0], [sflag:$0x15], $0x1000, $0x38;
	[tilespmem:$0x1FDE8] =	vst v63  }
0x19b: {  	_ =	swait.ge [sflag:s1], $0x1000  }
0x19c: {  	[sflag:s1] =	ssyncset.done $0x0  }
0x19d: {  	s16 =	rddreg [dreg:$0x19];
	[sflag:s1] =	ssyncadd.s32 $0xFFFFF000  }
0x19e: {  	[spmem:s16] =	stream.linear.scatter [tilespmem:s0], [sflag:$0x15], $0x1000, $0x38;
	[tilespmem:$0x1FDE8] =	vst v63  }
0x19f: {  	_ =	swait.ge [sflag:s1], $0x1000  }
0x1a0: {  	[sflag:s1] =	ssyncset.done $0x0  }
0x1a1: {  	s19 =	rddreg [dreg:$0x1a];
	[sflag:s1] =	ssyncadd.s32 $0xFFFFF000  }
0x1a2: {  	[spmem:s19] =	stream.linear.scatter [tilespmem:s0], [sflag:$0x15], $0x1000, $0x38;
	[tilespmem:$0x1FDE8] =	vst v63  }
0x1a3: {  	_ =	swait.ge [sflag:s1], $0x1000  }
0x1a4: {  	[sflag:s1] =	ssyncset.done $0x0  }
0x1a5: {  	s20 =	rddreg [dreg:$0x1b];
	[sflag:s1] =	ssyncadd.s32 $0xFFFFF000  }
0x1a6: {  	[spmem:s20] =	stream.linear.scatter [tilespmem:s0], [sflag:$0x15], $0x1000, $0x38;
	[tilespmem:$0x1FDE8] =	vst v63  }
0x1a7: {  	_ =	swait.ge [sflag:s1], $0x1000  }
0x1a8: {  	[sflag:s1] =	ssyncset.done $0x0  }
0x1a9: {  	s2 =	rddreg [dreg:$0x1c];
	[sflag:s1] =	ssyncadd.s32 $0xFFFFF000  }
0x1aa: {  	[spmem:s2] =	stream.linear.scatter [tilespmem:s0], [sflag:$0x15], $0x1000, $0x38;
	[tilespmem:$0x1FDE8] =	vst v63  }
0x1ab: {  	_ =	swait.ge [sflag:s1], $0x1000  }
0x1ac: {  	[sflag:s1] =	ssyncset.done $0x0  }
0x1ad: {  	s3 =	rddreg [dreg:$0x1d];
	[sflag:s1] =	ssyncadd.s32 $0xFFFFF000  }
0x1ae: {  	[spmem:s3] =	stream.linear.scatter [tilespmem:s0], [sflag:$0x15], $0x1000, $0x38;
	[tilespmem:$0x1FDE8] =	vst v63  }
0x1af: {  	_ =	swait.ge [sflag:s1], $0x1000  }
0x1b0: {  	[sflag:s1] =	ssyncset.done $0x0  }
0x1b1: {  	s4 =	rddreg [dreg:$0x1e];
	[sflag:s1] =	ssyncadd.s32 $0xFFFFF000  }
0x1b2: {  	[spmem:s4] =	stream.linear.scatter [tilespmem:s0], [sflag:$0x15], $0x1000, $0x38;
	[tilespmem:$0x1FDE8] =	vst v63  }
0x1b3: {  	_ =	swait.ge [sflag:s1], $0x1000  }
0x1b4: {  	[sflag:s1] =	ssyncset.done $0x0  }
0x1b5: {  	s6 =	rddreg [dreg:$0x1f];
	[sflag:s1] =	ssyncadd.s32 $0xFFFFF000  }
0x1b6: {  	[spmem:s6] =	stream.linear.scatter [tilespmem:s0], [sflag:$0x15], $0x1000, $0x38;
	[tilespmem:$0x1FDE8] =	vst v63  }
0x1b7: {  	_ =	swait.ge [sflag:s1], $0x1000  }
0x1b8: {  	s7 =	sld [smem:$0x7E4]  }
0x1b9: {  	[sflag:s1] =	ssyncset.done $0x0  }
0x1ba: {  	[sflag:s1] =	ssyncadd.s32 $0xFFFFF000  }
0x1bb: {  	[spmem:s7] =	stream.linear.scatter [tilespmem:s0], [sflag:$0x15], $0x1000, $0x38;
	[tilespmem:$0x1FDE8] =	vst v63  }
0x1bc: {  	_ =	swait.ge [sflag:s1], $0x1000  }
0x1bd: {  	s8 =	sld [smem:$0x7E5]  }
0x1be: {  	[sflag:s1] =	ssyncset.done $0x0  }
0x1bf: {  	[sflag:s1] =	ssyncadd.s32 $0xFFFFF000  }
0x1c0: {  	[spmem:s8] =	stream.linear.scatter [tilespmem:s0], [sflag:$0x15], $0x1000, $0x38;
	[tilespmem:$0x1FDE8] =	vst v63  }
0x1c1: {  	_ =	swait.ge [sflag:s1], $0x1000  }
0x1c2: {  	s12 =	sld [smem:$0x7E6]  }
0x1c3: {  	[sflag:s1] =	ssyncset.done $0x0  }
0x1c4: {  	[sflag:s1] =	ssyncadd.s32 $0xFFFFF000  }
0x1c5: {  	[spmem:s12] =	stream.linear.scatter [tilespmem:s0], [sflag:$0x15], $0x1000, $0x38;
	[tilespmem:$0x1FDE8] =	vst v63  }
0x1c6: {  	_ =	swait.ge [sflag:s1], $0x1000  }
0x1c7: {  	s14 =	sld [smem:$0x7E7]  }
0x1c8: {  	[sflag:s1] =	ssyncset.done $0x0  }
0x1c9: {  	[sflag:s1] =	ssyncadd.s32 $0xFFFFF000  }
0x1ca: {  	[spmem:s14] =	stream.linear.scatter [tilespmem:s0], [sflag:$0x15], $0x1000, $0x38;
	[tilespmem:$0x1FDE8] =	vst v63  }
0x1cb: {  	_ =	swait.ge [sflag:s1], $0x1000  }
0x1cc: {  	s15 =	sld [smem:$0x7E8]  }
0x1cd: {  	[sflag:s1] =	ssyncset.done $0x0  }
0x1ce: {  	[sflag:s1] =	ssyncadd.s32 $0xFFFFF000  }
0x1cf: {  	[spmem:s15] =	stream.linear.scatter [tilespmem:s0], [sflag:$0x15], $0x1000, $0x38;
	[tilespmem:$0x1FDE8] =	vst v63  }
0x1d0: {  	_ =	swait.ge [sflag:s1], $0x1000  }
0x1d1: {  	s16 =	sld [smem:$0x7E9]  }
0x1d2: {  	[sflag:s1] =	ssyncset.done $0x0  }
0x1d3: {  	[sflag:s1] =	ssyncadd.s32 $0xFFFFF000  }
0x1d4: {  	[spmem:s16] =	stream.linear.scatter [tilespmem:s0], [sflag:$0x15], $0x1000, $0x38;
	[tilespmem:$0x1FDE8] =	vst v63  }
0x1d5: {  	_ =	swait.ge [sflag:s1], $0x1000  }
0x1d6: {  	s19 =	sld [smem:$0x7EA]  }
0x1d7: {  	[sflag:s1] =	ssyncset.done $0x0  }
0x1d8: {  	[sflag:s1] =	ssyncadd.s32 $0xFFFFF000  }
0x1d9: {  	[spmem:s19] =	stream.linear.scatter [tilespmem:s0], [sflag:$0x15], $0x1000, $0x38;
	[tilespmem:$0x1FDE8] =	vst v63  }
0x1da: {  	_ =	swait.ge [sflag:s1], $0x1000  }
0x1db: {  	s20 =	sld [smem:$0x7EB]  }
0x1dc: {  	[sflag:s1] =	ssyncset.done $0x0  }
0x1dd: {  	[sflag:s1] =	ssyncadd.s32 $0xFFFFF000  }
0x1de: {  	[spmem:s20] =	stream.linear.scatter [tilespmem:s0], [sflag:$0x15], $0x880, $0x38;
	[tilespmem:$0x1FDE8] =	vst v63  }
0x1df: {  	_ =	swait.ge [sflag:s1], $0x880  }
0x1e0: {  	s2 =	sld [smem:$0x7EC]  }
0x1e1: {  	s0 =	stileid.u32  }
0x1e2: {  	s5 =	sshll.u32 s0, $0x6  }
0x1e3: {  	[sflag:s1] =	ssyncset.done $0x0;
	s4 =	rddreg [dreg:$0x10];
	s3 =	sshrl.u32 s2, $0x3  }
0x1e4: {  	s0 =	sor.u32 $0x1C15, s5;
	[sflag:s1] =	ssyncadd.s32 $0xFFFFF780;
	[smem:$0x7DE] =	sst s3  }
0x1e5: {  	[spmem:s3], [sflag:s0] =	dma.local [hbm:s4], $0xFA  }
0x1e6: {  	_ =	swait.ge [sflag:s1], $0xFA  }
0x1e7: {  	s6 =	sld [smem:$0x7ED];
	_ =	sdelay $0x2  }
0x1e8: {  	[sflag:s1] =	ssyncset.done $0x0;
	s8 =	sshrl.u32 s6, $0x3  }
0x1e9: {  	[sflag:s1] =	ssyncadd.s32 $0xFFFFFF06;
	[smem:$0x7DF] =	sst s8  }
0x1ea: {  	[spmem:s8], [sflag:s0] =	dma.local [hbm:s4], $0xFA  }
0x1eb: {  	_ =	swait.ge [sflag:s1], $0xFA  }
0x1ec: {  	s12 =	sld [smem:$0x7EE];
	_ =	sdelay $0x2  }
0x1ed: {  	[sflag:s1] =	ssyncset.done $0x0;
	s14 =	sshrl.u32 s12, $0x3  }
0x1ee: {  	[sflag:s1] =	ssyncadd.s32 $0xFFFFFF06;
	[smem:$0x7E0] =	sst s14  }
0x1ef: {  	[spmem:s14], [sflag:s0] =	dma.local [hbm:s4], $0xFA  }
0x1f0: {  	_ =	swait.ge [sflag:s1], $0xFA  }
0x1f1: {  	s15 =	sld [smem:$0x7EF];
	_ =	sdelay $0x2  }
0x1f2: {  	[sflag:s1] =	ssyncset.done $0x0;
	s16 =	sshrl.u32 s15, $0x3  }
0x1f3: {  	[sflag:s1] =	ssyncadd.s32 $0xFFFFFF06;
	[smem:$0x7E1] =	sst s16  }
0x1f4: {  	[spmem:s16], [sflag:s0] =	dma.local [hbm:s4], $0xFA  }
0x1f5: {  	_ =	swait.ge [sflag:s1], $0xFA  }
0x1f6: {  	s19 =	sld [smem:$0x7F0];
	_ =	sdelay $0x2  }
0x1f7: {  	[sflag:s1] =	ssyncset.done $0x0;
	[smem:$0x7E2] =	sst s0;
	s20 =	sshrl.u32 s19, $0x3  }
0x1f8: {  	[sflag:s1] =	ssyncadd.s32 $0xFFFFFF06;
	[smem:$0x7E3] =	sst s20  }
0x1f9: {  	[spmem:s20], [sflag:s0] =	dma.local [hbm:s4], $0xFA  }
0x1fa: {  	_ =	swait.ge [sflag:s1], $0xFA  }
0x1fb: {  	[sflag:s1] =	ssyncset.done $0x0  }
0x1fc: {  	[sflag:s1] =	ssyncadd.s32 $0xFFFFFF06  }
0x1fd: {  	[bflag:$0x0] =	sbarrier.arrive $0xFFFF  }
0x1fe: {  	s20 =	sld [smem:$0x7F6]  }
0x1ff: {  	s12 =	smov.u32 s23;
	s23 =	sld [smem:$0x7F5]  }
0x200: {  	s5 =	sld [smem:$0x7F4]  }
0x201: {  	s2 =	simm.s32 $0xB;
	s7 =	sld [smem:$0x7F3]  }
0x202: {  	s3 =	simm.s32 $0xA;
	s6 =	simm.s32 $0x4;
	s15 =	sld [smem:$0x7F2]  }
0x203: {  	s19 =	simm.s32 $0x0;
	s4 =	simm.s32 $0x5;
	s14 =	rddreg [dreg:$0x3]  }
0x204: {  	s0 =	simm.s32 $0xD;
	s1 =	simm.s32 $0x7;
	s8 =	rddreg [dreg:$0x4]  }
.LBB2_2:
0x205: {  	s16 =	simm.s32 $0x6  }
0x206: {  	_ =	swait.ge [sflag:s16], $0x28  }
0x207: {  	[sflag:s16] =	ssyncset.done $0x0  }
0x208: {  	[sflag:s16] =	ssyncadd.s32 $0xFFFFFFD8;
	s16 =	simm.s32 $0x1  }
0x209: {  	_ =	swait.ge [sflag:s16], $0x1400  }
0x20a: {  	[sflag:s16] =	ssyncset.done $0x0  }
0x20b: {  	[sflag:s16] =	ssyncadd.s32 $0xFFFFEC00  }
0x20c: {  	[spmem:s14] =	stream.indirect.scatter.add.f32 [tilespmem:s25], [sflag:$0xB], $0x80, s22, s18, $0xb8;
	[tilespmem:$0x1FDE8] =	vst v63  }
0x20d: {  	_ = 	snop  }
0x20e: {  	[spmem:s8] =	stream.indirect.scatter.add.f32 [tilespmem:s29], [sflag:$0x10], $0x10, s22, s18, $0xb8;
	[tilespmem:$0x1FDE8] =	vst v63  }
0x20f: {  	_ =	swait.ge [sflag:s1], $0x28  }
0x210: {  	[sflag:s1] =	ssyncset.done $0x0  }
0x211: {  	[sflag:s1] =	ssyncadd.s32 $0xFFFFFFD8  }
0x212: {  	_ =	swait.ge [sflag:s17], $0x1400  }
0x213: {  	[sflag:s17] =	ssyncset.done $0x0  }
0x214: {  	[sflag:s17] =	ssyncadd.s32 $0xFFFFEC00  }
0x215: {  	[spmem:s14] =	stream.indirect.scatter.add.f32 [tilespmem:s31], [sflag:$0xC], $0x80, s26, s18, $0xb8;
	[tilespmem:$0x1FDE8] =	vst v63  }
0x216: {  	_ = 	snop  }
0x217: {  	[spmem:s8] =	stream.indirect.scatter.add.f32 [tilespmem:s29], [sflag:$0x11], $0x10, s26, s18, $0xb8;
	[tilespmem:$0x1FDE8] =	vst v63  }
0x218: {  	_ =	swait.ge [sflag:s30], $0x28  }
0x219: {  	[sflag:s30] =	ssyncset.done $0x0  }
0x21a: {  	[sflag:s30] =	ssyncadd.s32 $0xFFFFFFD8  }
0x21b: {  	_ =	swait.ge [sflag:s11], $0x1400  }
0x21c: {  	[sflag:s11] =	ssyncset.done $0x0  }
0x21d: {  	s25 =	simm.s32 $0x1FD70;
	s26 =	simm.s32 $0x1C120;
	[sflag:s11] =	ssyncadd.s32 $0xFFFFEC00  }
0x21e: {  	[spmem:s14] =	stream.indirect.scatter.add.f32 [tilespmem:s26], [sflag:$0xD], $0x80, s25, s18, $0xb8;
	[tilespmem:$0x1FDE8] =	vst v63  }
0x21f: {  	_ = 	snop  }
0x220: {  	[spmem:s8] =	stream.indirect.scatter.add.f32 [tilespmem:s29], [sflag:$0x12], $0x10, s25, s18, $0xb8;
	[tilespmem:$0x1FDE8] =	vst v63  }
0x221: {  	_ =	swait.ge [sflag:s10], $0x28  }
0x222: {  	[sflag:s10] =	ssyncset.done $0x0  }
0x223: {  	[sflag:s10] =	ssyncadd.s32 $0xFFFFFFD8  }
0x224: {  	_ =	swait.ge [sflag:s6], $0x1400  }
0x225: {  	[sflag:s6] =	ssyncset.done $0x0  }
0x226: {  	s26 =	simm.s32 $0x1FD98;
	s25 =	simm.s32 $0x1D520;
	[sflag:s6] =	ssyncadd.s32 $0xFFFFEC00  }
0x227: {  	[spmem:s14] =	stream.indirect.scatter.add.f32 [tilespmem:s25], [sflag:$0xE], $0x80, s26, s18, $0xb8;
	[tilespmem:$0x1FDE8] =	vst v63  }
0x228: {  	_ = 	snop  }
0x229: {  	[spmem:s8] =	stream.indirect.scatter.add.f32 [tilespmem:s29], [sflag:$0x13], $0x10, s26, s18, $0xb8;
	[tilespmem:$0x1FDE8] =	vst v63  }
0x22a: {  	_ =	swait.ge [sflag:s3], $0x28  }
0x22b: {  	[sflag:s3] =	ssyncset.done $0x0  }
0x22c: {  	[sflag:s3] =	ssyncadd.s32 $0xFFFFFFD8  }
0x22d: {  	_ =	swait.ge [sflag:s4], $0x1400  }
0x22e: {  	[sflag:s4] =	ssyncset.done $0x0  }
0x22f: {  	s25 =	simm.s32 $0x1FDC0;
	s26 =	simm.s32 $0x1E920;
	[sflag:s4] =	ssyncadd.s32 $0xFFFFEC00  }
0x230: {  	[spmem:s14] =	stream.indirect.scatter.add.f32 [tilespmem:s26], [sflag:$0xF], $0x80, s25, s18, $0xb8;
	[tilespmem:$0x1FDE8] =	vst v63  }
0x231: {  	_ = 	snop  }
0x232: {  	[spmem:s8] =	stream.indirect.scatter.add.f32 [tilespmem:s29], [sflag:$0x14], $0x10, s25, s18, $0xb8;
	[tilespmem:$0x1FDE8] =	vst v63  }
0x233: {  	_ =	swait.ge [sflag:s2], $0x1400  }
0x234: {  	[sflag:s2] =	ssyncset.done $0x0  }
0x235: {  	[sflag:s2] =	ssyncadd.s32 $0xFFFFEC00  }
0x236: {  	_ =	swait.ge [sflag:s13], $0x280  }
0x237: {  	p0 =	seq.s32 s19, $0x9920;
	[sflag:s13] =	ssyncset.done $0x0  }
0x238: {  	s22 =	simm.s32 @p0 $0xC;
	[sflag:s13] =	ssyncadd.s32 $0xFFFFFD80  }
0x239: {  	_ =	swait.ge @p0 [sflag:s22], $0x1400  }
0x23a: {  	[sflag:s22] =	ssyncset.done @p0 $0x0  }
0x23b: {  	[sflag:s22] =	ssyncadd.s32 @p0 $0xFFFFEC00;
	s22 =	simm.s32 @p0 $0x11  }
0x23c: {  	_ =	swait.ge @p0 [sflag:s22], $0x280  }
0x23d: {  	[sflag:s22] =	ssyncset.done @p0 $0x0  }
0x23e: {  	s16 =	simm.s32 @!p0 $0x1FD20;
	[sflag:s22] =	ssyncadd.s32 @p0 $0xFFFFFD80;
	s22 =	sshrl.u32 @!p0 s20, $0x3  }
0x23f: {  	s26 =	smov.u32 s24;
	s22 =	sadd.s32 @!p0 s24, s22;
	s24 =	simm.s32 @!p0 $0x0  }
0x240: {  	[tilespmem:s16], [sflag:$0x6] =	stream.linear.gather @!p0 [hbm4b:s22+s24], $0x28, $0x38;
	[tilespmem:$0x1FDE8] =	vst v63  }
0x241: {  	s16 =	sshra.s32 @!p0 s19, $0x2  }
0x242: {  	s31 =	simm.s32 @!p0 $0x28;
	s25 =	simm.s32 @!p0 $0x19920;
	s22 =	sadd.s32 @!p0 $0x16058, s16  }
0x243: {  	[tilespmem:s25], [sflag:$0x1] =	stream.indirect.gather @!p0 [hbm4b:s12+s31], $0x80, s22, s31, $0xb8;
	[tilespmem:$0x1FDE8] =	vst v63  }
0x244: {  	s22 =	simm.s32 @!p0 $0xC  }
0x245: {  	_ =	swait.ge @!p0 [sflag:s22], $0x1400  }
0x246: {  	[sflag:s22] =	ssyncset.done @!p0 $0x0  }
0x247: {  	[sflag:s22] =	ssyncadd.s32 @!p0 $0xFFFFEC00;
	s22 =	simm.s32 @!p0 $0x11  }
0x248: {  	_ =	swait.ge @!p0 [sflag:s22], $0x280  }
0x249: {  	[sflag:s22] =	ssyncset.done @!p0 $0x0  }
0x24a: {  	[sflag:s22] =	ssyncadd.s32 @!p0 $0xFFFFFD80;
	s22 =	simm.s32 @!p0 $0x1FD48  }
0x24b: {  	[tilespmem:s22], [sflag:$0x7] =	stream.linear.gather @!p0 [hbm4b:s23+s24], $0x28, $0x38;
	[tilespmem:$0x1FDE8] =	vst v63  }
0x24c: {  	s25 =	simm.s32 @!p0 $0x1AD20;
	s22 =	sadd.s32 @!p0 $0x16080, s16  }
0x24d: {  	[tilespmem:s25], [sflag:$0x2] =	stream.indirect.gather @!p0 [hbm4b:s12+s31], $0x80, s22, s31, $0xb8;
	[tilespmem:$0x1FDE8] =	vst v63  }
0x24e: {  	_ =	swait.ge [sflag:s0], $0x1400  }
0x24f: {  	[sflag:s0] =	ssyncset.done $0x0  }
0x250: {  	[sflag:s0] =	ssyncadd.s32 $0xFFFFEC00  }
0x251: {  	_ =	swait.ge [sflag:s28], $0x280  }
0x252: {  	[sflag:s28] =	ssyncset.done $0x0  }
0x253: {  	s22 =	simm.s32 @p0 $0xE;
	[sflag:s28] =	ssyncadd.s32 $0xFFFFFD80  }
0x254: {  	_ =	swait.ge @p0 [sflag:s22], $0x1400  }
0x255: {  	[sflag:s22] =	ssyncset.done @p0 $0x0  }
0x256: {  	[sflag:s22] =	ssyncadd.s32 @p0 $0xFFFFEC00;
	s22 =	simm.s32 @p0 $0x13  }
0x257: {  	_ =	swait.ge @p0 [sflag:s22], $0x280  }
0x258: {  	[sflag:s22] =	ssyncset.done @p0 $0x0  }
0x259: {  	[sflag:s22] =	ssyncadd.s32 @p0 $0xFFFFFD80;
	s22 =	simm.s32 @!p0 $0x1FD70  }
0x25a: {  	[tilespmem:s22], [sflag:$0x8] =	stream.linear.gather @!p0 [hbm4b:s5+s24], $0x28, $0x38;
	[tilespmem:$0x1FDE8] =	vst v63  }
0x25b: {  	s25 =	simm.s32 @!p0 $0x1C120;
	s22 =	sadd.s32 @!p0 $0x160A8, s16  }
0x25c: {  	[tilespmem:s25], [sflag:$0x3] =	stream.indirect.gather @!p0 [hbm4b:s12+s31], $0x80, s22, s31, $0xb8;
	[tilespmem:$0x1FDE8] =	vst v63  }
0x25d: {  	s22 =	simm.s32 @!p0 $0xE  }
0x25e: {  	_ =	swait.ge @!p0 [sflag:s22], $0x1400  }
0x25f: {  	[sflag:s22] =	ssyncset.done @!p0 $0x0  }
0x260: {  	[sflag:s22] =	ssyncadd.s32 @!p0 $0xFFFFEC00;
	s22 =	simm.s32 @!p0 $0x13  }
0x261: {  	_ =	swait.ge @!p0 [sflag:s22], $0x280  }
0x262: {  	[sflag:s22] =	ssyncset.done @!p0 $0x0  }
0x263: {  	[sflag:s22] =	ssyncadd.s32 @!p0 $0xFFFFFD80;
	s22 =	simm.s32 @!p0 $0x1FD98  }
0x264: {  	[tilespmem:s22], [sflag:$0x9] =	stream.linear.gather @!p0 [hbm4b:s7+s24], $0x28, $0x38;
	[tilespmem:$0x1FDE8] =	vst v63  }
0x265: {  	s25 =	simm.s32 @!p0 $0x1D520;
	s22 =	sadd.s32 @!p0 $0x160D0, s16  }
0x266: {  	[tilespmem:s25], [sflag:$0x4] =	stream.indirect.gather @!p0 [hbm4b:s12+s31], $0x80, s22, s31, $0xb8;
	[tilespmem:$0x1FDE8] =	vst v63  }
0x267: {  	s19 =	sadd.s32 @!p0 $0x320, s19;
	_ =	swait.ge [sflag:s9], $0x1400  }
0x268: {  	s20 =	sadd.s32 @!p0 $0xC8, s20;
	p1 =	sne.s32 @!p0 s19, $0x9C40;
	[sflag:s9] =	ssyncset.done $0x0  }
0x269: {  	p1 =	por p0, !p1;
	s23 =	sadd.s32 @!p0 $0x19, s23;
	[sflag:s9] =	ssyncadd.s32 $0xFFFFEC00  }
0x26a: {  	s5 =	sadd.s32 @!p0 $0x19, s5;
	s16 =	sadd.s32 @!p0 $0x160F8, s16;
	_ =	swait.ge [sflag:s21], $0x280  }
0x26b: {  	s7 =	sadd.s32 @!p0 $0x19, s7;
	s25 =	simm.s32 $0x19920;
	[sflag:s21] =	ssyncset.done $0x0  }
.Ltmp0:
0x26c: {  	s22 =	simm.s32 @!p0 $0x1FDC0;
	[sflag:s21] =	ssyncadd.s32 $0xFFFFFD80;
	(pc) =	sbr.rel @!p1 .LBB2_2-.Ltmp0, $4  }
0x26d: {  	[tilespmem:s22], [sflag:$0xA] =	stream.linear.gather @!p0 [hbm4b:s15+s24], $0x28, $0x38;
	[tilespmem:$0x1FDE8] =	vst v63  }
0x26e: {  	s24 =	smov.u32 s26;
	s26 =	simm.s32 $0x1FD48;
	s22 =	simm.s32 @!p0 $0x1E920  }
0x26f: {  	[tilespmem:s22], [sflag:$0x5] =	stream.indirect.gather @!p0 [hbm4b:s12+s31], $0x80, s16, s31, $0xb8;
	[tilespmem:$0x1FDE8] =	vst v63  }
0x270: {  	s15 =	sadd.s32 @!p0 $0x19, s15;
	s31 =	simm.s32 $0x1AD20;
	s22 =	simm.s32 $0x1FD20  }
0x271: {  	[bflag:$0x0] =	sbarrier.arrive $0xFFFF  }
0x272: {  	s0 =	sld [smem:$0x7E2]  }
0x273: {  	s16 =	rddreg [dreg:$0x14]  }
0x274: {  	s1 =	simm.s32 $0x15;
	s7 =	rddreg [dreg:$0x6];
	s5 =	sshrl.u32 s16, $0x3  }
0x275: {  	[hbm:s7], [sflag:s0] =	dma.local [spmem:s5], $0x7D0  }
0x276: {  	_ =	swait.ge [sflag:s1], $0x7D0  }
0x277: {  	s2 =	sld [smem:$0x7DE]  }
0x278: {  	[sflag:s1] =	ssyncset.done $0x0  }
0x279: {  	s3 =	rddreg [dreg:$0x7];
	[sflag:s1] =	ssyncadd.s32 $0xFFFFF830  }
0x27a: {  	[hbm:s3], [sflag:s0] =	dma.local [spmem:s2], $0xFA  }
0x27b: {  	_ =	swait.ge [sflag:s1], $0xFA  }
0x27c: {  	s6 =	sld [smem:$0x7F7]  }
0x27d: {  	[sflag:s1] =	ssyncset.done $0x0  }
0x27e: {  	s4 =	rddreg [dreg:$0x8];
	[sflag:s1] =	ssyncadd.s32 $0xFFFFFF06  }
0x27f: {  	[hbm:s4], [sflag:s0] =	dma.local [spmem:s6], $0x7D0  }
0x280: {  	_ =	swait.ge [sflag:s1], $0x7D0  }
0x281: {  	s14 =	sld [smem:$0x7DF]  }
0x282: {  	[sflag:s1] =	ssyncset.done $0x0  }
0x283: {  	s8 =	rddreg [dreg:$0xc];
	[sflag:s1] =	ssyncadd.s32 $0xFFFFF830  }
0x284: {  	[hbm:s8], [sflag:s0] =	dma.local [spmem:s14], $0xFA  }
0x285: {  	_ =	swait.ge [sflag:s1], $0xFA  }
0x286: {  	s19 =	sld [smem:$0x7F8]  }
0x287: {  	[sflag:s1] =	ssyncset.done $0x0  }
0x288: {  	s15 =	rddreg [dreg:$0x9];
	[sflag:s1] =	ssyncadd.s32 $0xFFFFFF06  }
0x289: {  	[hbm:s15], [sflag:s0] =	dma.local [spmem:s19], $0x7D0  }
0x28a: {  	_ =	swait.ge [sflag:s1], $0x7D0  }
0x28b: {  	s23 =	sld [smem:$0x7E0]  }
0x28c: {  	[sflag:s1] =	ssyncset.done $0x0  }
0x28d: {  	s20 =	rddreg [dreg:$0xd];
	[sflag:s1] =	ssyncadd.s32 $0xFFFFF830  }
0x28e: {  	[hbm:s20], [sflag:s0] =	dma.local [spmem:s23], $0xFA  }
0x28f: {  	_ =	swait.ge [sflag:s1], $0xFA  }
0x290: {  	s4 =	sld [smem:$0x7F9]  }
0x291: {  	[sflag:s1] =	ssyncset.done $0x0  }
0x292: {  	s3 =	rddreg [dreg:$0xa];
	[sflag:s1] =	ssyncadd.s32 $0xFFFFFF06  }
0x293: {  	[hbm:s3], [sflag:s0] =	dma.local [spmem:s4], $0x7D0  }
0x294: {  	_ =	swait.ge [sflag:s1], $0x7D0  }
0x295: {  	s7 =	sld [smem:$0x7E1]  }
0x296: {  	[sflag:s1] =	ssyncset.done $0x0  }
0x297: {  	s6 =	rddreg [dreg:$0xe];
	[sflag:s1] =	ssyncadd.s32 $0xFFFFF830  }
0x298: {  	[hbm:s6], [sflag:s0] =	dma.local [spmem:s7], $0xFA  }
0x299: {  	_ =	swait.ge [sflag:s1], $0xFA  }
0x29a: {  	s14 =	sld [smem:$0x7FA]  }
0x29b: {  	[sflag:s1] =	ssyncset.done $0x0  }
0x29c: {  	s8 =	rddreg [dreg:$0xb];
	[sflag:s1] =	ssyncadd.s32 $0xFFFFFF06  }
0x29d: {  	[hbm:s8], [sflag:s0] =	dma.local [spmem:s14], $0x7D0  }
0x29e: {  	_ =	swait.ge [sflag:s1], $0x7D0  }
0x29f: {  	s19 =	sld [smem:$0x7E3]  }
0x2a0: {  	[sflag:s1] =	ssyncset.done $0x0  }
0x2a1: {  	s15 =	rddreg [dreg:$0xf];
	[sflag:s1] =	ssyncadd.s32 $0xFFFFF830  }
0x2a2: {  	[hbm:s15], [sflag:s0] =	dma.local [spmem:s19], $0xFA  }
0x2a3: {  	_ =	swait.ge [sflag:s1], $0xFA  }
0x2a4: {  	s20 =	sld [smem:$0x7DD]  }
0x2a5: {  	s23 =	sld [smem:$0x7F1];
	_ =	sdelay $0x1  }
0x2a6: {  	s7 =	sadd.s32 $0x1, s20  }
0x2a7: {  	p0 =	sne.s32 s7, s23  }
.Ltmp1:
0x2a8: {  	_ = 	snop;
	(pc) =	sbr.rel @p0 .LBB2_1-.Ltmp1, $4  }
0x2a9: {  	s2 =	simm.s32 $0x1C120  }
0x2aa: {  	s3 =	simm.s32 $0x1D520;
	s4 =	simm.s32 $0x1E920;
	s6 =	simm.s32 $0x28  }
0x2ab: {  	s0 =	simm.s32 $0x1FD70;
	s19 =	simm.s32 $0x1FD98;
	[sflag:s1] =	ssyncset.done $0x0  }
0x2ac: {  	[sflag:s1] =	ssyncadd.s32 $0xFFFFFF06;
	s20 =	simm.s32 $0x1FDC0;
	s23 =	smov.u32 s12  }
0x2ad: {  	_ =	sfence.sel $0x180000  }
0x2ae: {  	[bflag:$0x0] =	sbarrier.arrive $0xFFFF  }
0x2af: {  	_ =	strace $0x90000047  }
0x2b0: {  	s0 =	stileid.u32;
	[bflag:$0x2] =	sbarrier.arrive $0xFFFF  }
0x2b1: {  	p0 =	sne.s32 s0, $0x0;
	s0 =	rddreg [dreg:$0x5]  }
0x2b2: {  	s0 =	sadd.s32 @!p0 $0x100000, s0  }
0x2b3: {  	[sflag:s0] =	ssyncadd.tile.s32 @!p0 $0x1;
	_ =	shalt  }
.Lfunc_end2:
_tile_overlayer_lowered:
.L_overlay_start_2:
0x2b4: {  	(tag) =	ssettag $0x2  }
0x2b5: {  	s0 =	rddreg [dreg:$0x0];
	s2 =	stileid.u32  }
0x2b6: {  	s1 =	rddreg [dreg:$0x1];
	p0 =	sne.s32 s2, $0x0  }
0x2b7: {  	s3 =	rddreg [dreg:$0x2];
	[bflag:$0x3] =	sbarrier.arrive $0xFFFF;
	s2 =	simm.s32 @!p0 $0x1C15  }
0x2b8: {  	[timem:s3], [sflag:s2] =	dma.local @!p0 [hbm:s0], s1  }
0x2b9: {  	s0 =	simm.s32 @!p0 $0x15  }
0x2ba: {  	_ =	swait.ge @!p0 [sflag:s0], s1  }
0x2bb: {  	s1 =	ssub.s32 @!p0 $0x0, s1;
	[sflag:s0] =	ssyncset.done @!p0 $0x0  }
0x2bc: {  	[sflag:s0] =	ssyncadd.s32 @!p0 s1  }
0x2bd: {  	[bflag:$0x3] =	sbarrier.arrive $0xFFFF  }
0x2be: {  	_ =	shalt  }

</sc_bundles>
